<compile_context>
chip_gen: v7x
topology: tpu7x:2x2x1
jax: 0.10.2.dev20260603
libtpu: 0.0.44.dev20260713+nightly
codegen_flags: <defaults>
</compile_context>

<pallas_src>
import functools

import jax
import jax.numpy as jnp
from jax import lax
from jax.experimental import pallas as pl
from jax.experimental.pallas import tpu as pltpu
from jax.experimental.pallas import tpu_sc as plsc

_B = 128
_DIM = 32768
_M = 256
_NC = 2
_NS = 16
_NW = _NC * _NS
_ROWS_PER_W = _B // _NW
_L = 16
_NVEC = _DIM // _L

_SAMPLE_VECS = 512
_INTERP_PASSES = 8
_TOTAL_PASSES = _INTERP_PASSES + 32
_CNT_UNROLL = 32
_MASK_UNROLL = 16

_SIGN = 0x80000000
_UHI_INIT = 0xFF800000
_UHI_INIT_I32 = _UHI_INIT - (1 << 32)

_C_CAND = 0
_C_ULO = 1
_C_UHI = 2
_C_LOCNT = 3
_C_HICNT = 4
_C_DONE = 5
_C_BOUND = 6


def _f32_to_u(f):
    b = lax.bitcast_convert_type(f, jnp.uint32)
    return jnp.where(b >= jnp.uint32(_SIGN), ~b, b | jnp.uint32(_SIGN))


def _u_to_f32(u):
    sign = jnp.uint32(_SIGN)
    bits = jnp.where(u >= sign, u ^ sign, ~u)
    return lax.bitcast_convert_type(bits, jnp.float32)


def _rcp(d):
    db = lax.bitcast_convert_type(d, jnp.int32)
    r = lax.bitcast_convert_type(jnp.int32(0x7EF311C3) - db, jnp.float32)
    r = r * (jnp.float32(2.0) - d * r)
    r = r * (jnp.float32(2.0) - d * r)
    return r


def _lane_sum_i(acc):
    s = acc[0]
    for t in range(1, _L):
        s = s + acc[t]
    return s


def _lane_sum_f(acc):
    s = acc[0]
    for t in range(1, _L):
        s = s + acc[t]
    return s


def _count_below(buf, cand_f):
    cvec = jnp.full((_L,), cand_f, dtype=jnp.float32)
    ione = jnp.ones((_L,), jnp.int32)
    izero = jnp.zeros((_L,), jnp.int32)

    def cbody(k, acc):
        base = k * (_L * _CNT_UNROLL)
        cs = [
            jnp.where(buf[pl.ds(base + t * _L, _L)] < cvec, ione, izero)
            for t in range(_CNT_UNROLL)
        ]
        while len(cs) > 1:
            cs = [cs[i] + cs[i + 1] for i in range(0, len(cs), 2)]
        return acc + cs[0]

    acc = lax.fori_loop(0, _NVEC // _CNT_UNROLL, cbody, izero)
    return _lane_sum_i(acc)


def _seed_candidate(buf):
    zf = jnp.zeros((_L,), jnp.float32)

    def sbody(k, c):
        s, a = c
        v = buf[pl.ds(k * _L, _L)]
        return (s + v, a + jnp.abs(v))

    sv, av = lax.fori_loop(0, _SAMPLE_VECS, sbody, (zf, zf), unroll=4)
    inv_n = jnp.float32(1.0 / (_SAMPLE_VECS * _L))
    mu = _lane_sum_f(sv) * inv_n
    mad = _lane_sum_f(av) * inv_n
    sd = mad * jnp.float32(1.2533141)
    rho_inv = sd * jnp.float32(0.001471)
    return mu + sd * jnp.float32(-2.4177), rho_inv


def _find_bound(buf, sm):
    c0f, rho_inv = _seed_candidate(buf)
    c0u = jnp.clip(_f32_to_u(c0f),
                   jnp.uint32(1), jnp.uint32(_UHI_INIT - 1))
    sm[_C_CAND] = c0u.astype(jnp.int32)
    sm[_C_ULO] = jnp.int32(0)
    sm[_C_UHI] = jnp.int32(_UHI_INIT_I32)
    sm[_C_LOCNT] = jnp.int32(0)
    sm[_C_HICNT] = jnp.int32(_DIM)
    sm[_C_DONE] = jnp.int32(0)
    sm[_C_BOUND] = jnp.int32(_UHI_INIT_I32)

    def pbody(p, carry):
        @pl.when(sm[_C_DONE] == 0)
        def _():
            cand = sm[_C_CAND].astype(jnp.uint32)
            cand_f = _u_to_f32(cand)
            cnt = _count_below(buf, cand_f)
            ulo = sm[_C_ULO].astype(jnp.uint32)
            uhi = sm[_C_UHI].astype(jnp.uint32)
            locnt = sm[_C_LOCNT]
            hicnt = sm[_C_HICNT]

            hit = cnt == _M
            low = cnt < _M
            ulo2 = jnp.where(low, cand, ulo)
            locnt2 = jnp.where(low, cnt, locnt)
            uhi2 = jnp.where(low, uhi, cand)
            hicnt2 = jnp.where(low, hicnt, cnt)
            width1 = (uhi2 - ulo2) <= jnp.uint32(1)
            done = hit | width1
            bound = jnp.where(hit, cand, uhi2)

            du = (uhi2 - ulo2).astype(jnp.float32)
            num = (jnp.int32(_M) - locnt2).astype(jnp.float32)
            den = (hicnt2 - locnt2).astype(jnp.float32)
            step = (du * (num * _rcp(den))).astype(jnp.uint32)
            cand_i = ulo2 + step
            cand_b = ulo2 + ((uhi2 - ulo2) >> 1)
            model_f = cand_f + (jnp.int32(_M) - cnt).astype(jnp.float32) * rho_inv
            cand_m = _f32_to_u(model_f)
            open_bracket = (ulo2 == jnp.uint32(0)) | (
                uhi2 == jnp.uint32(_UHI_INIT))
            interp = p + 1 < _INTERP_PASSES
            nxt = jnp.where(interp & open_bracket, cand_m,
                            jnp.where(interp, cand_i, cand_b))
            nxt = jnp.clip(nxt, ulo2 + jnp.uint32(1), uhi2 - jnp.uint32(1))

            sm[_C_CAND] = nxt.astype(jnp.int32)
            sm[_C_ULO] = ulo2.astype(jnp.int32)
            sm[_C_UHI] = uhi2.astype(jnp.int32)
            sm[_C_LOCNT] = locnt2
            sm[_C_HICNT] = hicnt2
            sm[_C_DONE] = jnp.where(done, jnp.int32(1), jnp.int32(0))
            sm[_C_BOUND] = bound.astype(jnp.int32)

        return carry

    lax.fori_loop(0, _TOTAL_PASSES, pbody, jnp.int32(0))
    return _u_to_f32(sm[_C_BOUND].astype(jnp.uint32))


def _mask_below(buf, bound_f):
    bvec = jnp.full((_L,), bound_f, dtype=jnp.float32)
    zf = jnp.zeros((_L,), jnp.float32)

    def mbody(k, carry):
        base = k * (_L * _MASK_UNROLL)
        for t in range(_MASK_UNROLL):
            v = buf[pl.ds(base + t * _L, _L)]
            buf[pl.ds(base + t * _L, _L)] = jnp.where(v < bvec, zf, v)
        return carry

    lax.fori_loop(0, _NVEC // _MASK_UNROLL, mbody, jnp.int32(0))


@functools.partial(
    pl.kernel,
    out_type=jax.ShapeDtypeStruct((_B, _DIM), jnp.float32),
    mesh=plsc.VectorSubcoreMesh(
        core_axis_name="c", subcore_axis_name="s",
        num_cores=_NC, num_subcores=_NS),
    scratch_types=[
        pltpu.VMEM((_DIM,), jnp.float32),
        pltpu.VMEM((_DIM,), jnp.float32),
        pltpu.VMEM((_DIM,), jnp.float32),
        pltpu.SMEM((8,), jnp.int32),
        pltpu.SemaphoreType.DMA,
        pltpu.SemaphoreType.DMA,
        pltpu.SemaphoreType.DMA,
    ],
)
def _sc_topk_mask(x_hbm, out_hbm, b0, b1, b2, sm, s0, s1, s2):
    wid = lax.axis_index("s") * _NC + lax.axis_index("c")
    rows = [wid * _ROWS_PER_W + j for j in range(_ROWS_PER_W)]
    bufs = [b0, b1, b2]
    sems = [s0, s1, s2]

    in_cp = [
        pltpu.async_copy(x_hbm.at[rows[j]], bufs[j], sems[j])
        for j in range(3)
    ]
    out_cp = [None] * _ROWS_PER_W
    for j in range(_ROWS_PER_W):
        s = j % 3
        in_cp[s].wait()
        bound_f = _find_bound(bufs[s], sm)
        _mask_below(bufs[s], bound_f)
        out_cp[j] = pltpu.async_copy(bufs[s], out_hbm.at[rows[j]], sems[s])
        if j == 1:
            out_cp[0].wait()
            in_cp[0] = pltpu.async_copy(
                x_hbm.at[rows[3]], bufs[0], sems[0])
    for j in range(1, _ROWS_PER_W):
        out_cp[j].wait()


def kernel(x):
    return _sc_topk_mask(x)

# --- scband reference (transcript-rebuilt; emitter-appended) ---
"""Pipeline reference for scband-top-k-37125697306644 (READ-ONLY COPY).

The authoritative reference and input builder live on the scoring server;
editing this copy changes nothing except your own understanding.
"""

import jax, jax.numpy as jnp
import numpy as np

B = 128
DIM = 32768
K = 32512  # keep top-K; zero out the DIM-K smallest entries


def setup_inputs(seed: int = 0) -> dict:
    key = jax.random.key(seed)
    x = jax.random.normal(key, (B, DIM), dtype=jnp.float32)
    return {"x": x}


def reference(x):
    # torch: val, ind = torch.topk(-x, k=dim-k, dim=-1); x.scatter_(index=ind, dim=-1, value=0)
    m = DIM - K
    _val, ind = jax.lax.top_k(-x, m)  # indices of the m smallest entries of x
    rows = jnp.arange(x.shape[0])[:, None]
    out = x.at[rows, ind].set(0.0)
    return out

if __name__ == "__main__":
    import jax
    _d = setup_inputs()
    print(jax.jit(kernel)(*tuple(_d.values())))

</pallas_src>

<mosaic_0001>
#map = affine_map<(d0, d1) -> (0, 0)>
module attributes {stable_mosaic.version = 14 : i64} {
  func.func @_sc_topk_mask(%arg0: i32, %arg1: i32, %arg2: memref<128x32768xf32, #tpu.memory_space<hbm>>, %arg3: memref<128x32768xf32, #tpu.memory_space<hbm>>, %arg4: memref<32768xf32, #tpu.memory_space<vmem>>, %arg5: memref<32768xf32, #tpu.memory_space<vmem>>, %arg6: memref<32768xf32, #tpu.memory_space<vmem>>, %arg7: memref<8xi32, #tpu.memory_space<smem>>, %arg8: memref<!tpu.dma_semaphore, #tpu.memory_space<semaphore_mem>>, %arg9: memref<!tpu.dma_semaphore, #tpu.memory_space<semaphore_mem>>, %arg10: memref<!tpu.dma_semaphore, #tpu.memory_space<semaphore_mem>>) attributes {dimension_semantics = [#tpu.dimension_semantics<core_parallel>, #tpu.dimension_semantics<subcore_parallel>], iteration_bounds = array<i64: 2, 16>, scalar_prefetch = 0 : i64, scratch_operands = 7 : i64, tpu.core_type = #tpu.core_type<sc_vector_subcore>, window_params = [{transform_indices = #map}, {transform_indices = #map}]} {
    %mul3A = arith.constant 2 : i32
    %mul3A_0 = arith.muli %arg1, %mul3A : i32
    %add3A = arith.addi %mul3A_0, %arg0 : i32
    %mul3A_1 = arith.constant 4 : i32
    %mul3A_2 = arith.muli %add3A, %mul3A_1 : i32
    %add3A_3 = arith.constant 0 : i32
    %add3A_4 = arith.addi %mul3A_2, %add3A_3 : i32
    %mul3A_5 = arith.constant 4 : i32
    %mul3A_6 = arith.muli %add3A, %mul3A_5 : i32
    %add3A_7 = arith.constant 1 : i32
    %add3A_8 = arith.addi %mul3A_6, %add3A_7 : i32
    %mul3A_9 = arith.constant 4 : i32
    %mul3A_10 = arith.muli %add3A, %mul3A_9 : i32
    %add3A_11 = arith.constant 2 : i32
    %add3A_12 = arith.addi %mul3A_10, %add3A_11 : i32
    %mul3A_13 = arith.constant 4 : i32
    %mul3A_14 = arith.muli %add3A, %mul3A_13 : i32
    %add3A_15 = arith.constant 3 : i32
    %add3A_16 = arith.addi %mul3A_14, %add3A_15 : i32
    %dma_start3A = arith.constant 0 : i32
    %dma_start3A_17 = tpu.memref_slice %arg2[%add3A_4, %dma_start3A] : memref<128x32768xf32, #tpu.memory_space<hbm>> -> memref<1x32768xf32, #tpu.memory_space<hbm>>
    %dma_start3A_18 = tpu.memref_squeeze %dma_start3A_17 : memref<1x32768xf32, #tpu.memory_space<hbm>> -> memref<32768xf32, #tpu.memory_space<hbm>>
    %dma_start3A_19 = arith.constant 0 : i32
    %dma_start3A_20 = tpu.memref_slice %arg2[%add3A_4, %dma_start3A_19] : memref<128x32768xf32, #tpu.memory_space<hbm>> -> memref<1x32768xf32, #tpu.memory_space<hbm>>
    %dma_start3A_21 = tpu.memref_squeeze %dma_start3A_20 : memref<1x32768xf32, #tpu.memory_space<hbm>> -> memref<32768xf32, #tpu.memory_space<hbm>>
    tpu.enqueue_dma source(%dma_start3A_21 : memref<32768xf32, #tpu.memory_space<hbm>>) target(%arg4 : memref<32768xf32, #tpu.memory_space<vmem>>) target_semaphore(%arg8 : memref<!tpu.dma_semaphore, #tpu.memory_space<semaphore_mem>>)
    %dma_start3A_22 = arith.constant 0 : i32
    %dma_start3A_23 = tpu.memref_slice %arg2[%add3A_8, %dma_start3A_22] : memref<128x32768xf32, #tpu.memory_space<hbm>> -> memref<1x32768xf32, #tpu.memory_space<hbm>>
    %dma_start3A_24 = tpu.memref_squeeze %dma_start3A_23 : memref<1x32768xf32, #tpu.memory_space<hbm>> -> memref<32768xf32, #tpu.memory_space<hbm>>
    %dma_start3A_25 = arith.constant 0 : i32
    %dma_start3A_26 = tpu.memref_slice %arg2[%add3A_8, %dma_start3A_25] : memref<128x32768xf32, #tpu.memory_space<hbm>> -> memref<1x32768xf32, #tpu.memory_space<hbm>>
    %dma_start3A_27 = tpu.memref_squeeze %dma_start3A_26 : memref<1x32768xf32, #tpu.memory_space<hbm>> -> memref<32768xf32, #tpu.memory_space<hbm>>
    tpu.enqueue_dma source(%dma_start3A_27 : memref<32768xf32, #tpu.memory_space<hbm>>) target(%arg5 : memref<32768xf32, #tpu.memory_space<vmem>>) target_semaphore(%arg9 : memref<!tpu.dma_semaphore, #tpu.memory_space<semaphore_mem>>)
    %dma_start3A_28 = arith.constant 0 : i32
    %dma_start3A_29 = tpu.memref_slice %arg2[%add3A_12, %dma_start3A_28] : memref<128x32768xf32, #tpu.memory_space<hbm>> -> memref<1x32768xf32, #tpu.memory_space<hbm>>
    %dma_start3A_30 = tpu.memref_squeeze %dma_start3A_29 : memref<1x32768xf32, #tpu.memory_space<hbm>> -> memref<32768xf32, #tpu.memory_space<hbm>>
    %dma_start3A_31 = arith.constant 0 : i32
    %dma_start3A_32 = tpu.memref_slice %arg2[%add3A_12, %dma_start3A_31] : memref<128x32768xf32, #tpu.memory_space<hbm>> -> memref<1x32768xf32, #tpu.memory_space<hbm>>
    %dma_start3A_33 = tpu.memref_squeeze %dma_start3A_32 : memref<1x32768xf32, #tpu.memory_space<hbm>> -> memref<32768xf32, #tpu.memory_space<hbm>>
    tpu.enqueue_dma source(%dma_start3A_33 : memref<32768xf32, #tpu.memory_space<hbm>>) target(%arg6 : memref<32768xf32, #tpu.memory_space<vmem>>) target_semaphore(%arg10 : memref<!tpu.dma_semaphore, #tpu.memory_space<semaphore_mem>>)
    %dma_wait3A = arith.constant 0 : i32
    %dma_wait3A_34 = tpu.memref_slice %arg2[%add3A_4, %dma_wait3A] : memref<128x32768xf32, #tpu.memory_space<hbm>> -> memref<1x32768xf32, #tpu.memory_space<hbm>>
    %dma_wait3A_35 = tpu.memref_squeeze %dma_wait3A_34 : memref<1x32768xf32, #tpu.memory_space<hbm>> -> memref<32768xf32, #tpu.memory_space<hbm>>
    %dma_wait3A_36 = arith.constant 0 : i32
    %dma_wait3A_37 = tpu.memref_slice %arg2[%add3A_4, %dma_wait3A_36] : memref<128x32768xf32, #tpu.memory_space<hbm>> -> memref<1x32768xf32, #tpu.memory_space<hbm>>
    %dma_wait3A_38 = tpu.memref_squeeze %dma_wait3A_37 : memref<1x32768xf32, #tpu.memory_space<hbm>> -> memref<32768xf32, #tpu.memory_space<hbm>>
    tpu.wait_dma2 semaphore(%arg8 : memref<!tpu.dma_semaphore, #tpu.memory_space<semaphore_mem>>) src(%dma_wait3A_38 : memref<32768xf32, #tpu.memory_space<hbm>>) dst(%arg4 : memref<32768xf32, #tpu.memory_space<vmem>>)
    %broadcast_in_dim3A = arith.constant 0.000000e+00 : f32
    %broadcast_in_dim3A_39 = vector.broadcast %broadcast_in_dim3A : f32 to vector<16xf32>
    %scan3A = arith.constant 0 : i32
    %scan3A_40 = arith.constant 512 : i32
    %scan3A_41 = arith.addi %scan3A, %scan3A_40 : i32
    %scan3A_42 = arith.constant 4 : i32
    %scan3A_43:2 = scf.for %scan3A_808 = %scan3A to %scan3A_41 step %scan3A_42 iter_args(%scan3A_809 = %broadcast_in_dim3A_39, %scan3A_810 = %broadcast_in_dim3A_39) -> (vector<16xf32>, vector<16xf32>)  : i32 {
      %mul3A_811 = arith.constant 16 : i32
      %mul3A_812 = arith.muli %scan3A_808, %mul3A_811 : i32
      %get3A_813 = arith.index_cast %mul3A_812 : i32 to index
      %get3A_814 = tpu.vector_load %arg4[%get3A_813] {strides = array<i32>} : memref<32768xf32, #tpu.memory_space<vmem>>, vector<16xf32>,
      %get3A_815 = vector.shape_cast %get3A_814 : vector<16xf32> to vector<16xf32>
      %add3A_816 = arith.addf %scan3A_809, %get3A_815 : vector<16xf32>
      %abs3A = math.absf %get3A_815 : vector<16xf32>
      %add3A_817 = arith.addf %scan3A_810, %abs3A : vector<16xf32>
      %scan3A_818 = arith.constant 1 : i32
      %scan3A_819 = arith.addi %scan3A_808, %scan3A_818 : i32
      %mul3A_820 = arith.constant 16 : i32
      %mul3A_821 = arith.muli %scan3A_819, %mul3A_820 : i32
      %get3A_822 = arith.index_cast %mul3A_821 : i32 to index
      %get3A_823 = tpu.vector_load %arg4[%get3A_822] {strides = array<i32>} : memref<32768xf32, #tpu.memory_space<vmem>>, vector<16xf32>,
      %get3A_824 = vector.shape_cast %get3A_823 : vector<16xf32> to vector<16xf32>
      %add3A_825 = arith.addf %add3A_816, %get3A_824 : vector<16xf32>
      %abs3A_826 = math.absf %get3A_824 : vector<16xf32>
      %add3A_827 = arith.addf %add3A_817, %abs3A_826 : vector<16xf32>
      %scan3A_828 = arith.constant 2 : i32
      %scan3A_829 = arith.addi %scan3A_808, %scan3A_828 : i32
      %mul3A_830 = arith.constant 16 : i32
      %mul3A_831 = arith.muli %scan3A_829, %mul3A_830 : i32
      %get3A_832 = arith.index_cast %mul3A_831 : i32 to index
      %get3A_833 = tpu.vector_load %arg4[%get3A_832] {strides = array<i32>} : memref<32768xf32, #tpu.memory_space<vmem>>, vector<16xf32>,
      %get3A_834 = vector.shape_cast %get3A_833 : vector<16xf32> to vector<16xf32>
      %add3A_835 = arith.addf %add3A_825, %get3A_834 : vector<16xf32>
      %abs3A_836 = math.absf %get3A_834 : vector<16xf32>
      %add3A_837 = arith.addf %add3A_827, %abs3A_836 : vector<16xf32>
      %scan3A_838 = arith.constant 3 : i32
      %scan3A_839 = arith.addi %scan3A_808, %scan3A_838 : i32
      %mul3A_840 = arith.constant 16 : i32
      %mul3A_841 = arith.muli %scan3A_839, %mul3A_840 : i32
      %get3A_842 = arith.index_cast %mul3A_841 : i32 to index
      %get3A_843 = tpu.vector_load %arg4[%get3A_842] {strides = array<i32>} : memref<32768xf32, #tpu.memory_space<vmem>>, vector<16xf32>,
      %get3A_844 = vector.shape_cast %get3A_843 : vector<16xf32> to vector<16xf32>
      %add3A_845 = arith.addf %add3A_835, %get3A_844 : vector<16xf32>
      %abs3A_846 = math.absf %get3A_844 : vector<16xf32>
      %add3A_847 = arith.addf %add3A_837, %abs3A_846 : vector<16xf32>
      scf.yield %add3A_845, %add3A_847 : vector<16xf32>, vector<16xf32>
    }
    %scan3A_44 = arith.constant 512 : i32
    %slice3A = vector.extract_strided_slice %scan3A_43#0 {offsets = [0], sizes = [1], strides = [1]} : vector<16xf32> to vector<1xf32>
    %squeeze3A = vector.extract %slice3A[0] : f32 from vector<1xf32>
    %slice3A_45 = vector.extract_strided_slice %scan3A_43#0 {offsets = [1], sizes = [1], strides = [1]} : vector<16xf32> to vector<1xf32>
    %squeeze3A_46 = vector.extract %slice3A_45[0] : f32 from vector<1xf32>
    %add3A_47 = arith.addf %squeeze3A, %squeeze3A_46 : f32
    %slice3A_48 = vector.extract_strided_slice %scan3A_43#0 {offsets = [2], sizes = [1], strides = [1]} : vector<16xf32> to vector<1xf32>
    %squeeze3A_49 = vector.extract %slice3A_48[0] : f32 from vector<1xf32>
    %add3A_50 = arith.addf %add3A_47, %squeeze3A_49 : f32
    %slice3A_51 = vector.extract_strided_slice %scan3A_43#0 {offsets = [3], sizes = [1], strides = [1]} : vector<16xf32> to vector<1xf32>
    %squeeze3A_52 = vector.extract %slice3A_51[0] : f32 from vector<1xf32>
    %add3A_53 = arith.addf %add3A_50, %squeeze3A_52 : f32
    %slice3A_54 = vector.extract_strided_slice %scan3A_43#0 {offsets = [4], sizes = [1], strides = [1]} : vector<16xf32> to vector<1xf32>
    %squeeze3A_55 = vector.extract %slice3A_54[0] : f32 from vector<1xf32>
    %add3A_56 = arith.addf %add3A_53, %squeeze3A_55 : f32
    %slice3A_57 = vector.extract_strided_slice %scan3A_43#0 {offsets = [5], sizes = [1], strides = [1]} : vector<16xf32> to vector<1xf32>
    %squeeze3A_58 = vector.extract %slice3A_57[0] : f32 from vector<1xf32>
    %add3A_59 = arith.addf %add3A_56, %squeeze3A_58 : f32
    %slice3A_60 = vector.extract_strided_slice %scan3A_43#0 {offsets = [6], sizes = [1], strides = [1]} : vector<16xf32> to vector<1xf32>
    %squeeze3A_61 = vector.extract %slice3A_60[0] : f32 from vector<1xf32>
    %add3A_62 = arith.addf %add3A_59, %squeeze3A_61 : f32
    %slice3A_63 = vector.extract_strided_slice %scan3A_43#0 {offsets = [7], sizes = [1], strides = [1]} : vector<16xf32> to vector<1xf32>
    %squeeze3A_64 = vector.extract %slice3A_63[0] : f32 from vector<1xf32>
    %add3A_65 = arith.addf %add3A_62, %squeeze3A_64 : f32
    %slice3A_66 = vector.extract_strided_slice %scan3A_43#0 {offsets = [8], sizes = [1], strides = [1]} : vector<16xf32> to vector<1xf32>
    %squeeze3A_67 = vector.extract %slice3A_66[0] : f32 from vector<1xf32>
    %add3A_68 = arith.addf %add3A_65, %squeeze3A_67 : f32
    %slice3A_69 = vector.extract_strided_slice %scan3A_43#0 {offsets = [9], sizes = [1], strides = [1]} : vector<16xf32> to vector<1xf32>
    %squeeze3A_70 = vector.extract %slice3A_69[0] : f32 from vector<1xf32>
    %add3A_71 = arith.addf %add3A_68, %squeeze3A_70 : f32
    %slice3A_72 = vector.extract_strided_slice %scan3A_43#0 {offsets = [10], sizes = [1], strides = [1]} : vector<16xf32> to vector<1xf32>
    %squeeze3A_73 = vector.extract %slice3A_72[0] : f32 from vector<1xf32>
    %add3A_74 = arith.addf %add3A_71, %squeeze3A_73 : f32
    %slice3A_75 = vector.extract_strided_slice %scan3A_43#0 {offsets = [11], sizes = [1], strides = [1]} : vector<16xf32> to vector<1xf32>
    %squeeze3A_76 = vector.extract %slice3A_75[0] : f32 from vector<1xf32>
    %add3A_77 = arith.addf %add3A_74, %squeeze3A_76 : f32
    %slice3A_78 = vector.extract_strided_slice %scan3A_43#0 {offsets = [12], sizes = [1], strides = [1]} : vector<16xf32> to vector<1xf32>
    %squeeze3A_79 = vector.extract %slice3A_78[0] : f32 from vector<1xf32>
    %add3A_80 = arith.addf %add3A_77, %squeeze3A_79 : f32
    %slice3A_81 = vector.extract_strided_slice %scan3A_43#0 {offsets = [13], sizes = [1], strides = [1]} : vector<16xf32> to vector<1xf32>
    %squeeze3A_82 = vector.extract %slice3A_81[0] : f32 from vector<1xf32>
    %add3A_83 = arith.addf %add3A_80, %squeeze3A_82 : f32
    %slice3A_84 = vector.extract_strided_slice %scan3A_43#0 {offsets = [14], sizes = [1], strides = [1]} : vector<16xf32> to vector<1xf32>
    %squeeze3A_85 = vector.extract %slice3A_84[0] : f32 from vector<1xf32>
    %add3A_86 = arith.addf %add3A_83, %squeeze3A_85 : f32
    %slice3A_87 = vector.extract_strided_slice %scan3A_43#0 {offsets = [15], sizes = [1], strides = [1]} : vector<16xf32> to vector<1xf32>
    %squeeze3A_88 = vector.extract %slice3A_87[0] : f32 from vector<1xf32>
    %add3A_89 = arith.addf %add3A_86, %squeeze3A_88 : f32
    %mul3A_90 = arith.constant 1.22070313E-4 : f32
    %mul3A_91 = arith.mulf %add3A_89, %mul3A_90 : f32
    %slice3A_92 = vector.extract_strided_slice %scan3A_43#1 {offsets = [0], sizes = [1], strides = [1]} : vector<16xf32> to vector<1xf32>
    %squeeze3A_93 = vector.extract %slice3A_92[0] : f32 from vector<1xf32>
    %slice3A_94 = vector.extract_strided_slice %scan3A_43#1 {offsets = [1], sizes = [1], strides = [1]} : vector<16xf32> to vector<1xf32>
    %squeeze3A_95 = vector.extract %slice3A_94[0] : f32 from vector<1xf32>
    %add3A_96 = arith.addf %squeeze3A_93, %squeeze3A_95 : f32
    %slice3A_97 = vector.extract_strided_slice %scan3A_43#1 {offsets = [2], sizes = [1], strides = [1]} : vector<16xf32> to vector<1xf32>
    %squeeze3A_98 = vector.extract %slice3A_97[0] : f32 from vector<1xf32>
    %add3A_99 = arith.addf %add3A_96, %squeeze3A_98 : f32
    %slice3A_100 = vector.extract_strided_slice %scan3A_43#1 {offsets = [3], sizes = [1], strides = [1]} : vector<16xf32> to vector<1xf32>
    %squeeze3A_101 = vector.extract %slice3A_100[0] : f32 from vector<1xf32>
    %add3A_102 = arith.addf %add3A_99, %squeeze3A_101 : f32
    %slice3A_103 = vector.extract_strided_slice %scan3A_43#1 {offsets = [4], sizes = [1], strides = [1]} : vector<16xf32> to vector<1xf32>
    %squeeze3A_104 = vector.extract %slice3A_103[0] : f32 from vector<1xf32>
    %add3A_105 = arith.addf %add3A_102, %squeeze3A_104 : f32
    %slice3A_106 = vector.extract_strided_slice %scan3A_43#1 {offsets = [5], sizes = [1], strides = [1]} : vector<16xf32> to vector<1xf32>
    %squeeze3A_107 = vector.extract %slice3A_106[0] : f32 from vector<1xf32>
    %add3A_108 = arith.addf %add3A_105, %squeeze3A_107 : f32
    %slice3A_109 = vector.extract_strided_slice %scan3A_43#1 {offsets = [6], sizes = [1], strides = [1]} : vector<16xf32> to vector<1xf32>
    %squeeze3A_110 = vector.extract %slice3A_109[0] : f32 from vector<1xf32>
    %add3A_111 = arith.addf %add3A_108, %squeeze3A_110 : f32
    %slice3A_112 = vector.extract_strided_slice %scan3A_43#1 {offsets = [7], sizes = [1], strides = [1]} : vector<16xf32> to vector<1xf32>
    %squeeze3A_113 = vector.extract %slice3A_112[0] : f32 from vector<1xf32>
    %add3A_114 = arith.addf %add3A_111, %squeeze3A_113 : f32
    %slice3A_115 = vector.extract_strided_slice %scan3A_43#1 {offsets = [8], sizes = [1], strides = [1]} : vector<16xf32> to vector<1xf32>
    %squeeze3A_116 = vector.extract %slice3A_115[0] : f32 from vector<1xf32>
    %add3A_117 = arith.addf %add3A_114, %squeeze3A_116 : f32
    %slice3A_118 = vector.extract_strided_slice %scan3A_43#1 {offsets = [9], sizes = [1], strides = [1]} : vector<16xf32> to vector<1xf32>
    %squeeze3A_119 = vector.extract %slice3A_118[0] : f32 from vector<1xf32>
    %add3A_120 = arith.addf %add3A_117, %squeeze3A_119 : f32
    %slice3A_121 = vector.extract_strided_slice %scan3A_43#1 {offsets = [10], sizes = [1], strides = [1]} : vector<16xf32> to vector<1xf32>
    %squeeze3A_122 = vector.extract %slice3A_121[0] : f32 from vector<1xf32>
    %add3A_123 = arith.addf %add3A_120, %squeeze3A_122 : f32
    %slice3A_124 = vector.extract_strided_slice %scan3A_43#1 {offsets = [11], sizes = [1], strides = [1]} : vector<16xf32> to vector<1xf32>
    %squeeze3A_125 = vector.extract %slice3A_124[0] : f32 from vector<1xf32>
    %add3A_126 = arith.addf %add3A_123, %squeeze3A_125 : f32
    %slice3A_127 = vector.extract_strided_slice %scan3A_43#1 {offsets = [12], sizes = [1], strides = [1]} : vector<16xf32> to vector<1xf32>
    %squeeze3A_128 = vector.extract %slice3A_127[0] : f32 from vector<1xf32>
    %add3A_129 = arith.addf %add3A_126, %squeeze3A_128 : f32
    %slice3A_130 = vector.extract_strided_slice %scan3A_43#1 {offsets = [13], sizes = [1], strides = [1]} : vector<16xf32> to vector<1xf32>
    %squeeze3A_131 = vector.extract %slice3A_130[0] : f32 from vector<1xf32>
    %add3A_132 = arith.addf %add3A_129, %squeeze3A_131 : f32
    %slice3A_133 = vector.extract_strided_slice %scan3A_43#1 {offsets = [14], sizes = [1], strides = [1]} : vector<16xf32> to vector<1xf32>
    %squeeze3A_134 = vector.extract %slice3A_133[0] : f32 from vector<1xf32>
    %add3A_135 = arith.addf %add3A_132, %squeeze3A_134 : f32
    %slice3A_136 = vector.extract_strided_slice %scan3A_43#1 {offsets = [15], sizes = [1], strides = [1]} : vector<16xf32> to vector<1xf32>
    %squeeze3A_137 = vector.extract %slice3A_136[0] : f32 from vector<1xf32>
    %add3A_138 = arith.addf %add3A_135, %squeeze3A_137 : f32
    %mul3A_139 = arith.constant 1.22070313E-4 : f32
    %mul3A_140 = arith.mulf %add3A_138, %mul3A_139 : f32
    %mul3A_141 = arith.constant 1.25331414 : f32
    %mul3A_142 = arith.mulf %mul3A_140, %mul3A_141 : f32
    %mul3A_143 = arith.constant 1.471000e-03 : f32
    %mul3A_144 = arith.mulf %mul3A_142, %mul3A_143 : f32
    %mul3A_145 = arith.constant -2.417700e+00 : f32
    %mul3A_146 = arith.mulf %mul3A_142, %mul3A_145 : f32
    %add3A_147 = arith.addf %mul3A_91, %mul3A_146 : f32
    %bitcast_convert_type3A = arith.bitcast %add3A_147 : f32 to i32
    %ge3A = arith.constant -2147483648 : i32
    %ge3A_148 = arith.cmpi uge, %bitcast_convert_type3A, %ge3A : i32
    %not3A = arith.constant -1 : i32
    %not3A_149 = arith.xori %bitcast_convert_type3A, %not3A : i32
    %or3A = arith.constant -2147483648 : i32
    %or3A_150 = arith.ori %bitcast_convert_type3A, %or3A : i32
    %select_n3A = arith.select %ge3A_148, %not3A_149, %or3A_150 : i32
    %jit3A = arith.constant 1 : i32
    %jit3A_151 = arith.constant -8388609 : i32
    %max3A = arith.maxui %jit3A, %select_n3A : i32
    %min3A = arith.minui %jit3A_151, %max3A : i32
    %swap3A = arith.constant 0 : i32
    %swap3A_152 = arith.index_cast %swap3A : i32 to index
    %swap3A_153 = memref.load %arg7[%swap3A_152] : memref<8xi32, #tpu.memory_space<smem>>
    memref.store %min3A, %arg7[%swap3A_152] : memref<8xi32, #tpu.memory_space<smem>>
    %swap3A_154 = arith.constant 0 : i32
    %swap3A_155 = arith.constant 1 : i32
    %swap3A_156 = arith.index_cast %swap3A_155 : i32 to index
    %swap3A_157 = memref.load %arg7[%swap3A_156] : memref<8xi32, #tpu.memory_space<smem>>
    memref.store %swap3A_154, %arg7[%swap3A_156] : memref<8xi32, #tpu.memory_space<smem>>
    %swap3A_158 = arith.constant -8388608 : i32
    %swap3A_159 = arith.constant 2 : i32
    %swap3A_160 = arith.index_cast %swap3A_159 : i32 to index
    %swap3A_161 = memref.load %arg7[%swap3A_160] : memref<8xi32, #tpu.memory_space<smem>>
    memref.store %swap3A_158, %arg7[%swap3A_160] : memref<8xi32, #tpu.memory_space<smem>>
    %swap3A_162 = arith.constant 0 : i32
    %swap3A_163 = arith.constant 3 : i32
    %swap3A_164 = arith.index_cast %swap3A_163 : i32 to index
    %swap3A_165 = memref.load %arg7[%swap3A_164] : memref<8xi32, #tpu.memory_space<smem>>
    memref.store %swap3A_162, %arg7[%swap3A_164] : memref<8xi32, #tpu.memory_space<smem>>
    %swap3A_166 = arith.constant 32768 : i32
    %swap3A_167 = arith.constant 4 : i32
    %swap3A_168 = arith.index_cast %swap3A_167 : i32 to index
    %swap3A_169 = memref.load %arg7[%swap3A_168] : memref<8xi32, #tpu.memory_space<smem>>
    memref.store %swap3A_166, %arg7[%swap3A_168] : memref<8xi32, #tpu.memory_space<smem>>
    %swap3A_170 = arith.constant 0 : i32
    %swap3A_171 = arith.constant 5 : i32
    %swap3A_172 = arith.index_cast %swap3A_171 : i32 to index
    %swap3A_173 = memref.load %arg7[%swap3A_172] : memref<8xi32, #tpu.memory_space<smem>>
    memref.store %swap3A_170, %arg7[%swap3A_172] : memref<8xi32, #tpu.memory_space<smem>>
    %swap3A_174 = arith.constant -8388608 : i32
    %swap3A_175 = arith.constant 6 : i32
    %swap3A_176 = arith.index_cast %swap3A_175 : i32 to index
    %swap3A_177 = memref.load %arg7[%swap3A_176] : memref<8xi32, #tpu.memory_space<smem>>
    memref.store %swap3A_174, %arg7[%swap3A_176] : memref<8xi32, #tpu.memory_space<smem>>
    %scan3A_178 = arith.constant 0 : i32
    %scan3A_179 = arith.constant 0 : i32
    %scan3A_180 = arith.constant 40 : i32
    %scan3A_181 = arith.addi %scan3A_179, %scan3A_180 : i32
    %scan3A_182 = arith.constant 1 : i32
    scf.for %scan3A_808 = %scan3A_179 to %scan3A_181 step %scan3A_182  : i32 {
      %get3A_809 = arith.constant 5 : i32
      %get3A_810 = arith.index_cast %get3A_809 : i32 to index
      %get3A_811 = memref.load %arg7[%get3A_810] : memref<8xi32, #tpu.memory_space<smem>>
      %eq3A = arith.constant 0 : i32
      %eq3A_812 = arith.cmpi eq, %get3A_811, %eq3A : i32
      %convert_element_type3A = arith.extui %eq3A_812 : i1 to i32
      %cond3A = arith.constant 0 : i32
      %cond3A_813 = arith.cmpi ne, %convert_element_type3A, %cond3A : i32
      scf.if %cond3A_813 {
        %get3A_814 = arith.constant 0 : i32
        %get3A_815 = arith.index_cast %get3A_814 : i32 to index
        %get3A_816 = memref.load %arg7[%get3A_815] : memref<8xi32, #tpu.memory_space<smem>>
        %ge3A_817 = arith.constant -2147483648 : i32
        %ge3A_818 = arith.cmpi uge, %get3A_816, %ge3A_817 : i32
        %xor3A_819 = arith.constant -2147483648 : i32
        %xor3A_820 = arith.xori %get3A_816, %xor3A_819 : i32
        %not3A_821 = arith.constant -1 : i32
        %not3A_822 = arith.xori %get3A_816, %not3A_821 : i32
        %select_n3A_823 = arith.select %ge3A_818, %xor3A_820, %not3A_822 : i32
        %bitcast_convert_type3A_824 = arith.bitcast %select_n3A_823 : i32 to f32
        %broadcast_in_dim3A_825 = vector.broadcast %bitcast_convert_type3A_824 : f32 to vector<16xf32>
        %broadcast_in_dim3A_826 = arith.constant 1 : i32
        %broadcast_in_dim3A_827 = vector.broadcast %broadcast_in_dim3A_826 : i32 to vector<16xi32>
        %broadcast_in_dim3A_828 = arith.constant 0 : i32
        %broadcast_in_dim3A_829 = vector.broadcast %broadcast_in_dim3A_828 : i32 to vector<16xi32>
        %scan3A_830 = arith.constant 0 : i32
        %scan3A_831 = arith.constant 64 : i32
        %scan3A_832 = arith.addi %scan3A_830, %scan3A_831 : i32
        %scan3A_833 = arith.constant 1 : i32
        %scan3A_834 = scf.for %scan3A_985 = %scan3A_830 to %scan3A_832 step %scan3A_833 iter_args(%scan3A_986 = %broadcast_in_dim3A_829) -> (vector<16xi32>)  : i32 {
          %mul3A_987 = arith.constant 512 : i32
          %mul3A_988 = arith.muli %scan3A_985, %mul3A_987 : i32
          %add3A_989 = arith.constant 0 : i32
          %add3A_990 = arith.addi %mul3A_988, %add3A_989 : i32
          %get3A_991 = arith.index_cast %add3A_990 : i32 to index
          %get3A_992 = tpu.vector_load %arg4[%get3A_991] {strides = array<i32>} : memref<32768xf32, #tpu.memory_space<vmem>>, vector<16xf32>,
          %get3A_993 = vector.shape_cast %get3A_992 : vector<16xf32> to vector<16xf32>
          %lt3A_994 = arith.cmpf olt, %get3A_993, %broadcast_in_dim3A_825 : vector<16xf32>
          %select_n3A_995 = arith.select %lt3A_994, %broadcast_in_dim3A_827, %broadcast_in_dim3A_829 : vector<16xi1>, vector<16xi32>
          %add3A_996 = arith.constant 16 : i32
          %add3A_997 = arith.addi %mul3A_988, %add3A_996 : i32
          %get3A_998 = arith.index_cast %add3A_997 : i32 to index
          %get3A_999 = tpu.vector_load %arg4[%get3A_998] {strides = array<i32>} : memref<32768xf32, #tpu.memory_space<vmem>>, vector<16xf32>,
          %get3A_1000 = vector.shape_cast %get3A_999 : vector<16xf32> to vector<16xf32>
          %lt3A_1001 = arith.cmpf olt, %get3A_1000, %broadcast_in_dim3A_825 : vector<16xf32>
          %select_n3A_1002 = arith.select %lt3A_1001, %broadcast_in_dim3A_827, %broadcast_in_dim3A_829 : vector<16xi1>, vector<16xi32>
          %add3A_1003 = arith.constant 32 : i32
          %add3A_1004 = arith.addi %mul3A_988, %add3A_1003 : i32
          %get3A_1005 = arith.index_cast %add3A_1004 : i32 to index
          %get3A_1006 = tpu.vector_load %arg4[%get3A_1005] {strides = array<i32>} : memref<32768xf32, #tpu.memory_space<vmem>>, vector<16xf32>,
          %get3A_1007 = vector.shape_cast %get3A_1006 : vector<16xf32> to vector<16xf32>
          %lt3A_1008 = arith.cmpf olt, %get3A_1007, %broadcast_in_dim3A_825 : vector<16xf32>
          %select_n3A_1009 = arith.select %lt3A_1008, %broadcast_in_dim3A_827, %broadcast_in_dim3A_829 : vector<16xi1>, vector<16xi32>
          %add3A_1010 = arith.constant 48 : i32
          %add3A_1011 = arith.addi %mul3A_988, %add3A_1010 : i32
          %get3A_1012 = arith.index_cast %add3A_1011 : i32 to index
          %get3A_1013 = tpu.vector_load %arg4[%get3A_1012] {strides = array<i32>} : memref<32768xf32, #tpu.memory_space<vmem>>, vector<16xf32>,
          %get3A_1014 = vector.shape_cast %get3A_1013 : vector<16xf32> to vector<16xf32>
          %lt3A_1015 = arith.cmpf olt, %get3A_1014, %broadcast_in_dim3A_825 : vector<16xf32>
          %select_n3A_1016 = arith.select %lt3A_1015, %broadcast_in_dim3A_827, %broadcast_in_dim3A_829 : vector<16xi1>, vector<16xi32>
          %add3A_1017 = arith.constant 64 : i32
          %add3A_1018 = arith.addi %mul3A_988, %add3A_1017 : i32
          %get3A_1019 = arith.index_cast %add3A_1018 : i32 to index
          %get3A_1020 = tpu.vector_load %arg4[%get3A_1019] {strides = array<i32>} : memref<32768xf32, #tpu.memory_space<vmem>>, vector<16xf32>,
          %get3A_1021 = vector.shape_cast %get3A_1020 : vector<16xf32> to vector<16xf32>
          %lt3A_1022 = arith.cmpf olt, %get3A_1021, %broadcast_in_dim3A_825 : vector<16xf32>
          %select_n3A_1023 = arith.select %lt3A_1022, %broadcast_in_dim3A_827, %broadcast_in_dim3A_829 : vector<16xi1>, vector<16xi32>
          %add3A_1024 = arith.constant 80 : i32
          %add3A_1025 = arith.addi %mul3A_988, %add3A_1024 : i32
          %get3A_1026 = arith.index_cast %add3A_1025 : i32 to index
          %get3A_1027 = tpu.vector_load %arg4[%get3A_1026] {strides = array<i32>} : memref<32768xf32, #tpu.memory_space<vmem>>, vector<16xf32>,
          %get3A_1028 = vector.shape_cast %get3A_1027 : vector<16xf32> to vector<16xf32>
          %lt3A_1029 = arith.cmpf olt, %get3A_1028, %broadcast_in_dim3A_825 : vector<16xf32>
          %select_n3A_1030 = arith.select %lt3A_1029, %broadcast_in_dim3A_827, %broadcast_in_dim3A_829 : vector<16xi1>, vector<16xi32>
          %add3A_1031 = arith.constant 96 : i32
          %add3A_1032 = arith.addi %mul3A_988, %add3A_1031 : i32
          %get3A_1033 = arith.index_cast %add3A_1032 : i32 to index
          %get3A_1034 = tpu.vector_load %arg4[%get3A_1033] {strides = array<i32>} : memref<32768xf32, #tpu.memory_space<vmem>>, vector<16xf32>,
          %get3A_1035 = vector.shape_cast %get3A_1034 : vector<16xf32> to vector<16xf32>
          %lt3A_1036 = arith.cmpf olt, %get3A_1035, %broadcast_in_dim3A_825 : vector<16xf32>
          %select_n3A_1037 = arith.select %lt3A_1036, %broadcast_in_dim3A_827, %broadcast_in_dim3A_829 : vector<16xi1>, vector<16xi32>
          %add3A_1038 = arith.constant 112 : i32
          %add3A_1039 = arith.addi %mul3A_988, %add3A_1038 : i32
          %get3A_1040 = arith.index_cast %add3A_1039 : i32 to index
          %get3A_1041 = tpu.vector_load %arg4[%get3A_1040] {strides = array<i32>} : memref<32768xf32, #tpu.memory_space<vmem>>, vector<16xf32>,
          %get3A_1042 = vector.shape_cast %get3A_1041 : vector<16xf32> to vector<16xf32>
          %lt3A_1043 = arith.cmpf olt, %get3A_1042, %broadcast_in_dim3A_825 : vector<16xf32>
          %select_n3A_1044 = arith.select %lt3A_1043, %broadcast_in_dim3A_827, %broadcast_in_dim3A_829 : vector<16xi1>, vector<16xi32>
          %add3A_1045 = arith.constant 128 : i32
          %add3A_1046 = arith.addi %mul3A_988, %add3A_1045 : i32
          %get3A_1047 = arith.index_cast %add3A_1046 : i32 to index
          %get3A_1048 = tpu.vector_load %arg4[%get3A_1047] {strides = array<i32>} : memref<32768xf32, #tpu.memory_space<vmem>>, vector<16xf32>,
          %get3A_1049 = vector.shape_cast %get3A_1048 : vector<16xf32> to vector<16xf32>
          %lt3A_1050 = arith.cmpf olt, %get3A_1049, %broadcast_in_dim3A_825 : vector<16xf32>
          %select_n3A_1051 = arith.select %lt3A_1050, %broadcast_in_dim3A_827, %broadcast_in_dim3A_829 : vector<16xi1>, vector<16xi32>
          %add3A_1052 = arith.constant 144 : i32
          %add3A_1053 = arith.addi %mul3A_988, %add3A_1052 : i32
          %get3A_1054 = arith.index_cast %add3A_1053 : i32 to index
          %get3A_1055 = tpu.vector_load %arg4[%get3A_1054] {strides = array<i32>} : memref<32768xf32, #tpu.memory_space<vmem>>, vector<16xf32>,
          %get3A_1056 = vector.shape_cast %get3A_1055 : vector<16xf32> to vector<16xf32>
          %lt3A_1057 = arith.cmpf olt, %get3A_1056, %broadcast_in_dim3A_825 : vector<16xf32>
          %select_n3A_1058 = arith.select %lt3A_1057, %broadcast_in_dim3A_827, %broadcast_in_dim3A_829 : vector<16xi1>, vector<16xi32>
          %add3A_1059 = arith.constant 160 : i32
          %add3A_1060 = arith.addi %mul3A_988, %add3A_1059 : i32
          %get3A_1061 = arith.index_cast %add3A_1060 : i32 to index
          %get3A_1062 = tpu.vector_load %arg4[%get3A_1061] {strides = array<i32>} : memref<32768xf32, #tpu.memory_space<vmem>>, vector<16xf32>,
          %get3A_1063 = vector.shape_cast %get3A_1062 : vector<16xf32> to vector<16xf32>
          %lt3A_1064 = arith.cmpf olt, %get3A_1063, %broadcast_in_dim3A_825 : vector<16xf32>
          %select_n3A_1065 = arith.select %lt3A_1064, %broadcast_in_dim3A_827, %broadcast_in_dim3A_829 : vector<16xi1>, vector<16xi32>
          %add3A_1066 = arith.constant 176 : i32
          %add3A_1067 = arith.addi %mul3A_988, %add3A_1066 : i32
          %get3A_1068 = arith.index_cast %add3A_1067 : i32 to index
          %get3A_1069 = tpu.vector_load %arg4[%get3A_1068] {strides = array<i32>} : memref<32768xf32, #tpu.memory_space<vmem>>, vector<16xf32>,
          %get3A_1070 = vector.shape_cast %get3A_1069 : vector<16xf32> to vector<16xf32>
          %lt3A_1071 = arith.cmpf olt, %get3A_1070, %broadcast_in_dim3A_825 : vector<16xf32>
          %select_n3A_1072 = arith.select %lt3A_1071, %broadcast_in_dim3A_827, %broadcast_in_dim3A_829 : vector<16xi1>, vector<16xi32>
          %add3A_1073 = arith.constant 192 : i32
          %add3A_1074 = arith.addi %mul3A_988, %add3A_1073 : i32
          %get3A_1075 = arith.index_cast %add3A_1074 : i32 to index
          %get3A_1076 = tpu.vector_load %arg4[%get3A_1075] {strides = array<i32>} : memref<32768xf32, #tpu.memory_space<vmem>>, vector<16xf32>,
          %get3A_1077 = vector.shape_cast %get3A_1076 : vector<16xf32> to vector<16xf32>
          %lt3A_1078 = arith.cmpf olt, %get3A_1077, %broadcast_in_dim3A_825 : vector<16xf32>
          %select_n3A_1079 = arith.select %lt3A_1078, %broadcast_in_dim3A_827, %broadcast_in_dim3A_829 : vector<16xi1>, vector<16xi32>
          %add3A_1080 = arith.constant 208 : i32
          %add3A_1081 = arith.addi %mul3A_988, %add3A_1080 : i32
          %get3A_1082 = arith.index_cast %add3A_1081 : i32 to index
          %get3A_1083 = tpu.vector_load %arg4[%get3A_1082] {strides = array<i32>} : memref<32768xf32, #tpu.memory_space<vmem>>, vector<16xf32>,
          %get3A_1084 = vector.shape_cast %get3A_1083 : vector<16xf32> to vector<16xf32>
          %lt3A_1085 = arith.cmpf olt, %get3A_1084, %broadcast_in_dim3A_825 : vector<16xf32>
          %select_n3A_1086 = arith.select %lt3A_1085, %broadcast_in_dim3A_827, %broadcast_in_dim3A_829 : vector<16xi1>, vector<16xi32>
          %add3A_1087 = arith.constant 224 : i32
          %add3A_1088 = arith.addi %mul3A_988, %add3A_1087 : i32
          %get3A_1089 = arith.index_cast %add3A_1088 : i32 to index
          %get3A_1090 = tpu.vector_load %arg4[%get3A_1089] {strides = array<i32>} : memref<32768xf32, #tpu.memory_space<vmem>>, vector<16xf32>,
          %get3A_1091 = vector.shape_cast %get3A_1090 : vector<16xf32> to vector<16xf32>
          %lt3A_1092 = arith.cmpf olt, %get3A_1091, %broadcast_in_dim3A_825 : vector<16xf32>
          %select_n3A_1093 = arith.select %lt3A_1092, %broadcast_in_dim3A_827, %broadcast_in_dim3A_829 : vector<16xi1>, vector<16xi32>
          %add3A_1094 = arith.constant 240 : i32
          %add3A_1095 = arith.addi %mul3A_988, %add3A_1094 : i32
          %get3A_1096 = arith.index_cast %add3A_1095 : i32 to index
          %get3A_1097 = tpu.vector_load %arg4[%get3A_1096] {strides = array<i32>} : memref<32768xf32, #tpu.memory_space<vmem>>, vector<16xf32>,
          %get3A_1098 = vector.shape_cast %get3A_1097 : vector<16xf32> to vector<16xf32>
          %lt3A_1099 = arith.cmpf olt, %get3A_1098, %broadcast_in_dim3A_825 : vector<16xf32>
          %select_n3A_1100 = arith.select %lt3A_1099, %broadcast_in_dim3A_827, %broadcast_in_dim3A_829 : vector<16xi1>, vector<16xi32>
          %add3A_1101 = arith.constant 256 : i32
          %add3A_1102 = arith.addi %mul3A_988, %add3A_1101 : i32
          %get3A_1103 = arith.index_cast %add3A_1102 : i32 to index
          %get3A_1104 = tpu.vector_load %arg4[%get3A_1103] {strides = array<i32>} : memref<32768xf32, #tpu.memory_space<vmem>>, vector<16xf32>,
          %get3A_1105 = vector.shape_cast %get3A_1104 : vector<16xf32> to vector<16xf32>
          %lt3A_1106 = arith.cmpf olt, %get3A_1105, %broadcast_in_dim3A_825 : vector<16xf32>
          %select_n3A_1107 = arith.select %lt3A_1106, %broadcast_in_dim3A_827, %broadcast_in_dim3A_829 : vector<16xi1>, vector<16xi32>
          %add3A_1108 = arith.constant 272 : i32
          %add3A_1109 = arith.addi %mul3A_988, %add3A_1108 : i32
          %get3A_1110 = arith.index_cast %add3A_1109 : i32 to index
          %get3A_1111 = tpu.vector_load %arg4[%get3A_1110] {strides = array<i32>} : memref<32768xf32, #tpu.memory_space<vmem>>, vector<16xf32>,
          %get3A_1112 = vector.shape_cast %get3A_1111 : vector<16xf32> to vector<16xf32>
          %lt3A_1113 = arith.cmpf olt, %get3A_1112, %broadcast_in_dim3A_825 : vector<16xf32>
          %select_n3A_1114 = arith.select %lt3A_1113, %broadcast_in_dim3A_827, %broadcast_in_dim3A_829 : vector<16xi1>, vector<16xi32>
          %add3A_1115 = arith.constant 288 : i32
          %add3A_1116 = arith.addi %mul3A_988, %add3A_1115 : i32
          %get3A_1117 = arith.index_cast %add3A_1116 : i32 to index
          %get3A_1118 = tpu.vector_load %arg4[%get3A_1117] {strides = array<i32>} : memref<32768xf32, #tpu.memory_space<vmem>>, vector<16xf32>,
          %get3A_1119 = vector.shape_cast %get3A_1118 : vector<16xf32> to vector<16xf32>
          %lt3A_1120 = arith.cmpf olt, %get3A_1119, %broadcast_in_dim3A_825 : vector<16xf32>
          %select_n3A_1121 = arith.select %lt3A_1120, %broadcast_in_dim3A_827, %broadcast_in_dim3A_829 : vector<16xi1>, vector<16xi32>
          %add3A_1122 = arith.constant 304 : i32
          %add3A_1123 = arith.addi %mul3A_988, %add3A_1122 : i32
          %get3A_1124 = arith.index_cast %add3A_1123 : i32 to index
          %get3A_1125 = tpu.vector_load %arg4[%get3A_1124] {strides = array<i32>} : memref<32768xf32, #tpu.memory_space<vmem>>, vector<16xf32>,
          %get3A_1126 = vector.shape_cast %get3A_1125 : vector<16xf32> to vector<16xf32>
          %lt3A_1127 = arith.cmpf olt, %get3A_1126, %broadcast_in_dim3A_825 : vector<16xf32>
          %select_n3A_1128 = arith.select %lt3A_1127, %broadcast_in_dim3A_827, %broadcast_in_dim3A_829 : vector<16xi1>, vector<16xi32>
          %add3A_1129 = arith.constant 320 : i32
          %add3A_1130 = arith.addi %mul3A_988, %add3A_1129 : i32
          %get3A_1131 = arith.index_cast %add3A_1130 : i32 to index
          %get3A_1132 = tpu.vector_load %arg4[%get3A_1131] {strides = array<i32>} : memref<32768xf32, #tpu.memory_space<vmem>>, vector<16xf32>,
          %get3A_1133 = vector.shape_cast %get3A_1132 : vector<16xf32> to vector<16xf32>
          %lt3A_1134 = arith.cmpf olt, %get3A_1133, %broadcast_in_dim3A_825 : vector<16xf32>
          %select_n3A_1135 = arith.select %lt3A_1134, %broadcast_in_dim3A_827, %broadcast_in_dim3A_829 : vector<16xi1>, vector<16xi32>
          %add3A_1136 = arith.constant 336 : i32
          %add3A_1137 = arith.addi %mul3A_988, %add3A_1136 : i32
          %get3A_1138 = arith.index_cast %add3A_1137 : i32 to index
          %get3A_1139 = tpu.vector_load %arg4[%get3A_1138] {strides = array<i32>} : memref<32768xf32, #tpu.memory_space<vmem>>, vector<16xf32>,
          %get3A_1140 = vector.shape_cast %get3A_1139 : vector<16xf32> to vector<16xf32>
          %lt3A_1141 = arith.cmpf olt, %get3A_1140, %broadcast_in_dim3A_825 : vector<16xf32>
          %select_n3A_1142 = arith.select %lt3A_1141, %broadcast_in_dim3A_827, %broadcast_in_dim3A_829 : vector<16xi1>, vector<16xi32>
          %add3A_1143 = arith.constant 352 : i32
          %add3A_1144 = arith.addi %mul3A_988, %add3A_1143 : i32
          %get3A_1145 = arith.index_cast %add3A_1144 : i32 to index
          %get3A_1146 = tpu.vector_load %arg4[%get3A_1145] {strides = array<i32>} : memref<32768xf32, #tpu.memory_space<vmem>>, vector<16xf32>,
          %get3A_1147 = vector.shape_cast %get3A_1146 : vector<16xf32> to vector<16xf32>
          %lt3A_1148 = arith.cmpf olt, %get3A_1147, %broadcast_in_dim3A_825 : vector<16xf32>
          %select_n3A_1149 = arith.select %lt3A_1148, %broadcast_in_dim3A_827, %broadcast_in_dim3A_829 : vector<16xi1>, vector<16xi32>
          %add3A_1150 = arith.constant 368 : i32
          %add3A_1151 = arith.addi %mul3A_988, %add3A_1150 : i32
          %get3A_1152 = arith.index_cast %add3A_1151 : i32 to index
          %get3A_1153 = tpu.vector_load %arg4[%get3A_1152] {strides = array<i32>} : memref<32768xf32, #tpu.memory_space<vmem>>, vector<16xf32>,
          %get3A_1154 = vector.shape_cast %get3A_1153 : vector<16xf32> to vector<16xf32>
          %lt3A_1155 = arith.cmpf olt, %get3A_1154, %broadcast_in_dim3A_825 : vector<16xf32>
          %select_n3A_1156 = arith.select %lt3A_1155, %broadcast_in_dim3A_827, %broadcast_in_dim3A_829 : vector<16xi1>, vector<16xi32>
          %add3A_1157 = arith.constant 384 : i32
          %add3A_1158 = arith.addi %mul3A_988, %add3A_1157 : i32
          %get3A_1159 = arith.index_cast %add3A_1158 : i32 to index
          %get3A_1160 = tpu.vector_load %arg4[%get3A_1159] {strides = array<i32>} : memref<32768xf32, #tpu.memory_space<vmem>>, vector<16xf32>,
          %get3A_1161 = vector.shape_cast %get3A_1160 : vector<16xf32> to vector<16xf32>
          %lt3A_1162 = arith.cmpf olt, %get3A_1161, %broadcast_in_dim3A_825 : vector<16xf32>
          %select_n3A_1163 = arith.select %lt3A_1162, %broadcast_in_dim3A_827, %broadcast_in_dim3A_829 : vector<16xi1>, vector<16xi32>
          %add3A_1164 = arith.constant 400 : i32
          %add3A_1165 = arith.addi %mul3A_988, %add3A_1164 : i32
          %get3A_1166 = arith.index_cast %add3A_1165 : i32 to index
          %get3A_1167 = tpu.vector_load %arg4[%get3A_1166] {strides = array<i32>} : memref<32768xf32, #tpu.memory_space<vmem>>, vector<16xf32>,
          %get3A_1168 = vector.shape_cast %get3A_1167 : vector<16xf32> to vector<16xf32>
          %lt3A_1169 = arith.cmpf olt, %get3A_1168, %broadcast_in_dim3A_825 : vector<16xf32>
          %select_n3A_1170 = arith.select %lt3A_1169, %broadcast_in_dim3A_827, %broadcast_in_dim3A_829 : vector<16xi1>, vector<16xi32>
          %add3A_1171 = arith.constant 416 : i32
          %add3A_1172 = arith.addi %mul3A_988, %add3A_1171 : i32
          %get3A_1173 = arith.index_cast %add3A_1172 : i32 to index
          %get3A_1174 = tpu.vector_load %arg4[%get3A_1173] {strides = array<i32>} : memref<32768xf32, #tpu.memory_space<vmem>>, vector<16xf32>,
          %get3A_1175 = vector.shape_cast %get3A_1174 : vector<16xf32> to vector<16xf32>
          %lt3A_1176 = arith.cmpf olt, %get3A_1175, %broadcast_in_dim3A_825 : vector<16xf32>
          %select_n3A_1177 = arith.select %lt3A_1176, %broadcast_in_dim3A_827, %broadcast_in_dim3A_829 : vector<16xi1>, vector<16xi32>
          %add3A_1178 = arith.constant 432 : i32
          %add3A_1179 = arith.addi %mul3A_988, %add3A_1178 : i32
          %get3A_1180 = arith.index_cast %add3A_1179 : i32 to index
          %get3A_1181 = tpu.vector_load %arg4[%get3A_1180] {strides = array<i32>} : memref<32768xf32, #tpu.memory_space<vmem>>, vector<16xf32>,
          %get3A_1182 = vector.shape_cast %get3A_1181 : vector<16xf32> to vector<16xf32>
          %lt3A_1183 = arith.cmpf olt, %get3A_1182, %broadcast_in_dim3A_825 : vector<16xf32>
          %select_n3A_1184 = arith.select %lt3A_1183, %broadcast_in_dim3A_827, %broadcast_in_dim3A_829 : vector<16xi1>, vector<16xi32>
          %add3A_1185 = arith.constant 448 : i32
          %add3A_1186 = arith.addi %mul3A_988, %add3A_1185 : i32
          %get3A_1187 = arith.index_cast %add3A_1186 : i32 to index
          %get3A_1188 = tpu.vector_load %arg4[%get3A_1187] {strides = array<i32>} : memref<32768xf32, #tpu.memory_space<vmem>>, vector<16xf32>,
          %get3A_1189 = vector.shape_cast %get3A_1188 : vector<16xf32> to vector<16xf32>
          %lt3A_1190 = arith.cmpf olt, %get3A_1189, %broadcast_in_dim3A_825 : vector<16xf32>
          %select_n3A_1191 = arith.select %lt3A_1190, %broadcast_in_dim3A_827, %broadcast_in_dim3A_829 : vector<16xi1>, vector<16xi32>
          %add3A_1192 = arith.constant 464 : i32
          %add3A_1193 = arith.addi %mul3A_988, %add3A_1192 : i32
          %get3A_1194 = arith.index_cast %add3A_1193 : i32 to index
          %get3A_1195 = tpu.vector_load %arg4[%get3A_1194] {strides = array<i32>} : memref<32768xf32, #tpu.memory_space<vmem>>, vector<16xf32>,
          %get3A_1196 = vector.shape_cast %get3A_1195 : vector<16xf32> to vector<16xf32>
          %lt3A_1197 = arith.cmpf olt, %get3A_1196, %broadcast_in_dim3A_825 : vector<16xf32>
          %select_n3A_1198 = arith.select %lt3A_1197, %broadcast_in_dim3A_827, %broadcast_in_dim3A_829 : vector<16xi1>, vector<16xi32>
          %add3A_1199 = arith.constant 480 : i32
          %add3A_1200 = arith.addi %mul3A_988, %add3A_1199 : i32
          %get3A_1201 = arith.index_cast %add3A_1200 : i32 to index
          %get3A_1202 = tpu.vector_load %arg4[%get3A_1201] {strides = array<i32>} : memref<32768xf32, #tpu.memory_space<vmem>>, vector<16xf32>,
          %get3A_1203 = vector.shape_cast %get3A_1202 : vector<16xf32> to vector<16xf32>
          %lt3A_1204 = arith.cmpf olt, %get3A_1203, %broadcast_in_dim3A_825 : vector<16xf32>
          %select_n3A_1205 = arith.select %lt3A_1204, %broadcast_in_dim3A_827, %broadcast_in_dim3A_829 : vector<16xi1>, vector<16xi32>
          %add3A_1206 = arith.constant 496 : i32
          %add3A_1207 = arith.addi %mul3A_988, %add3A_1206 : i32
          %get3A_1208 = arith.index_cast %add3A_1207 : i32 to index
          %get3A_1209 = tpu.vector_load %arg4[%get3A_1208] {strides = array<i32>} : memref<32768xf32, #tpu.memory_space<vmem>>, vector<16xf32>,
          %get3A_1210 = vector.shape_cast %get3A_1209 : vector<16xf32> to vector<16xf32>
          %lt3A_1211 = arith.cmpf olt, %get3A_1210, %broadcast_in_dim3A_825 : vector<16xf32>
          %select_n3A_1212 = arith.select %lt3A_1211, %broadcast_in_dim3A_827, %broadcast_in_dim3A_829 : vector<16xi1>, vector<16xi32>
          %add3A_1213 = arith.addi %select_n3A_995, %select_n3A_1002 : vector<16xi32>
          %add3A_1214 = arith.addi %select_n3A_1009, %select_n3A_1016 : vector<16xi32>
          %add3A_1215 = arith.addi %select_n3A_1023, %select_n3A_1030 : vector<16xi32>
          %add3A_1216 = arith.addi %select_n3A_1037, %select_n3A_1044 : vector<16xi32>
          %add3A_1217 = arith.addi %select_n3A_1051, %select_n3A_1058 : vector<16xi32>
          %add3A_1218 = arith.addi %select_n3A_1065, %select_n3A_1072 : vector<16xi32>
          %add3A_1219 = arith.addi %select_n3A_1079, %select_n3A_1086 : vector<16xi32>
          %add3A_1220 = arith.addi %select_n3A_1093, %select_n3A_1100 : vector<16xi32>
          %add3A_1221 = arith.addi %select_n3A_1107, %select_n3A_1114 : vector<16xi32>
          %add3A_1222 = arith.addi %select_n3A_1121, %select_n3A_1128 : vector<16xi32>
          %add3A_1223 = arith.addi %select_n3A_1135, %select_n3A_1142 : vector<16xi32>
          %add3A_1224 = arith.addi %select_n3A_1149, %select_n3A_1156 : vector<16xi32>
          %add3A_1225 = arith.addi %select_n3A_1163, %select_n3A_1170 : vector<16xi32>
          %add3A_1226 = arith.addi %select_n3A_1177, %select_n3A_1184 : vector<16xi32>
          %add3A_1227 = arith.addi %select_n3A_1191, %select_n3A_1198 : vector<16xi32>
          %add3A_1228 = arith.addi %select_n3A_1205, %select_n3A_1212 : vector<16xi32>
          %add3A_1229 = arith.addi %add3A_1213, %add3A_1214 : vector<16xi32>
          %add3A_1230 = arith.addi %add3A_1215, %add3A_1216 : vector<16xi32>
          %add3A_1231 = arith.addi %add3A_1217, %add3A_1218 : vector<16xi32>
          %add3A_1232 = arith.addi %add3A_1219, %add3A_1220 : vector<16xi32>
          %add3A_1233 = arith.addi %add3A_1221, %add3A_1222 : vector<16xi32>
          %add3A_1234 = arith.addi %add3A_1223, %add3A_1224 : vector<16xi32>
          %add3A_1235 = arith.addi %add3A_1225, %add3A_1226 : vector<16xi32>
          %add3A_1236 = arith.addi %add3A_1227, %add3A_1228 : vector<16xi32>
          %add3A_1237 = arith.addi %add3A_1229, %add3A_1230 : vector<16xi32>
          %add3A_1238 = arith.addi %add3A_1231, %add3A_1232 : vector<16xi32>
          %add3A_1239 = arith.addi %add3A_1233, %add3A_1234 : vector<16xi32>
          %add3A_1240 = arith.addi %add3A_1235, %add3A_1236 : vector<16xi32>
          %add3A_1241 = arith.addi %add3A_1237, %add3A_1238 : vector<16xi32>
          %add3A_1242 = arith.addi %add3A_1239, %add3A_1240 : vector<16xi32>
          %add3A_1243 = arith.addi %add3A_1241, %add3A_1242 : vector<16xi32>
          %add3A_1244 = arith.addi %scan3A_986, %add3A_1243 : vector<16xi32>
          scf.yield %add3A_1244 : vector<16xi32>
        }
        %scan3A_835 = arith.constant 64 : i32
        %slice3A_836 = vector.extract_strided_slice %scan3A_834 {offsets = [0], sizes = [1], strides = [1]} : vector<16xi32> to vector<1xi32>
        %squeeze3A_837 = vector.extract %slice3A_836[0] : i32 from vector<1xi32>
        %slice3A_838 = vector.extract_strided_slice %scan3A_834 {offsets = [1], sizes = [1], strides = [1]} : vector<16xi32> to vector<1xi32>
        %squeeze3A_839 = vector.extract %slice3A_838[0] : i32 from vector<1xi32>
        %add3A_840 = arith.addi %squeeze3A_837, %squeeze3A_839 : i32
        %slice3A_841 = vector.extract_strided_slice %scan3A_834 {offsets = [2], sizes = [1], strides = [1]} : vector<16xi32> to vector<1xi32>
        %squeeze3A_842 = vector.extract %slice3A_841[0] : i32 from vector<1xi32>
        %add3A_843 = arith.addi %add3A_840, %squeeze3A_842 : i32
        %slice3A_844 = vector.extract_strided_slice %scan3A_834 {offsets = [3], sizes = [1], strides = [1]} : vector<16xi32> to vector<1xi32>
        %squeeze3A_845 = vector.extract %slice3A_844[0] : i32 from vector<1xi32>
        %add3A_846 = arith.addi %add3A_843, %squeeze3A_845 : i32
        %slice3A_847 = vector.extract_strided_slice %scan3A_834 {offsets = [4], sizes = [1], strides = [1]} : vector<16xi32> to vector<1xi32>
        %squeeze3A_848 = vector.extract %slice3A_847[0] : i32 from vector<1xi32>
        %add3A_849 = arith.addi %add3A_846, %squeeze3A_848 : i32
        %slice3A_850 = vector.extract_strided_slice %scan3A_834 {offsets = [5], sizes = [1], strides = [1]} : vector<16xi32> to vector<1xi32>
        %squeeze3A_851 = vector.extract %slice3A_850[0] : i32 from vector<1xi32>
        %add3A_852 = arith.addi %add3A_849, %squeeze3A_851 : i32
        %slice3A_853 = vector.extract_strided_slice %scan3A_834 {offsets = [6], sizes = [1], strides = [1]} : vector<16xi32> to vector<1xi32>
        %squeeze3A_854 = vector.extract %slice3A_853[0] : i32 from vector<1xi32>
        %add3A_855 = arith.addi %add3A_852, %squeeze3A_854 : i32
        %slice3A_856 = vector.extract_strided_slice %scan3A_834 {offsets = [7], sizes = [1], strides = [1]} : vector<16xi32> to vector<1xi32>
        %squeeze3A_857 = vector.extract %slice3A_856[0] : i32 from vector<1xi32>
        %add3A_858 = arith.addi %add3A_855, %squeeze3A_857 : i32
        %slice3A_859 = vector.extract_strided_slice %scan3A_834 {offsets = [8], sizes = [1], strides = [1]} : vector<16xi32> to vector<1xi32>
        %squeeze3A_860 = vector.extract %slice3A_859[0] : i32 from vector<1xi32>
        %add3A_861 = arith.addi %add3A_858, %squeeze3A_860 : i32
        %slice3A_862 = vector.extract_strided_slice %scan3A_834 {offsets = [9], sizes = [1], strides = [1]} : vector<16xi32> to vector<1xi32>
        %squeeze3A_863 = vector.extract %slice3A_862[0] : i32 from vector<1xi32>
        %add3A_864 = arith.addi %add3A_861, %squeeze3A_863 : i32
        %slice3A_865 = vector.extract_strided_slice %scan3A_834 {offsets = [10], sizes = [1], strides = [1]} : vector<16xi32> to vector<1xi32>
        %squeeze3A_866 = vector.extract %slice3A_865[0] : i32 from vector<1xi32>
        %add3A_867 = arith.addi %add3A_864, %squeeze3A_866 : i32
        %slice3A_868 = vector.extract_strided_slice %scan3A_834 {offsets = [11], sizes = [1], strides = [1]} : vector<16xi32> to vector<1xi32>
        %squeeze3A_869 = vector.extract %slice3A_868[0] : i32 from vector<1xi32>
        %add3A_870 = arith.addi %add3A_867, %squeeze3A_869 : i32
        %slice3A_871 = vector.extract_strided_slice %scan3A_834 {offsets = [12], sizes = [1], strides = [1]} : vector<16xi32> to vector<1xi32>
        %squeeze3A_872 = vector.extract %slice3A_871[0] : i32 from vector<1xi32>
        %add3A_873 = arith.addi %add3A_870, %squeeze3A_872 : i32
        %slice3A_874 = vector.extract_strided_slice %scan3A_834 {offsets = [13], sizes = [1], strides = [1]} : vector<16xi32> to vector<1xi32>
        %squeeze3A_875 = vector.extract %slice3A_874[0] : i32 from vector<1xi32>
        %add3A_876 = arith.addi %add3A_873, %squeeze3A_875 : i32
        %slice3A_877 = vector.extract_strided_slice %scan3A_834 {offsets = [14], sizes = [1], strides = [1]} : vector<16xi32> to vector<1xi32>
        %squeeze3A_878 = vector.extract %slice3A_877[0] : i32 from vector<1xi32>
        %add3A_879 = arith.addi %add3A_876, %squeeze3A_878 : i32
        %slice3A_880 = vector.extract_strided_slice %scan3A_834 {offsets = [15], sizes = [1], strides = [1]} : vector<16xi32> to vector<1xi32>
        %squeeze3A_881 = vector.extract %slice3A_880[0] : i32 from vector<1xi32>
        %add3A_882 = arith.addi %add3A_879, %squeeze3A_881 : i32
        %get3A_883 = arith.constant 1 : i32
        %get3A_884 = arith.index_cast %get3A_883 : i32 to index
        %get3A_885 = memref.load %arg7[%get3A_884] : memref<8xi32, #tpu.memory_space<smem>>
        %get3A_886 = arith.constant 2 : i32
        %get3A_887 = arith.index_cast %get3A_886 : i32 to index
        %get3A_888 = memref.load %arg7[%get3A_887] : memref<8xi32, #tpu.memory_space<smem>>
        %get3A_889 = arith.constant 3 : i32
        %get3A_890 = arith.index_cast %get3A_889 : i32 to index
        %get3A_891 = memref.load %arg7[%get3A_890] : memref<8xi32, #tpu.memory_space<smem>>
        %get3A_892 = arith.constant 4 : i32
        %get3A_893 = arith.index_cast %get3A_892 : i32 to index
        %get3A_894 = memref.load %arg7[%get3A_893] : memref<8xi32, #tpu.memory_space<smem>>
        %eq3A_895 = arith.constant 256 : i32
        %eq3A_896 = arith.cmpi eq, %add3A_882, %eq3A_895 : i32
        %lt3A = arith.constant 256 : i32
        %lt3A_897 = arith.cmpi slt, %add3A_882, %lt3A : i32
        %select_n3A_898 = arith.select %lt3A_897, %get3A_816, %get3A_885 : i32
        %select_n3A_899 = arith.select %lt3A_897, %add3A_882, %get3A_891 : i32
        %select_n3A_900 = arith.select %lt3A_897, %get3A_888, %get3A_816 : i32
        %select_n3A_901 = arith.select %lt3A_897, %get3A_894, %add3A_882 : i32
        %sub3A = arith.subi %select_n3A_900, %select_n3A_898 : i32
        %le3A = arith.constant 1 : i32
        %le3A_902 = arith.cmpi ule, %sub3A, %le3A : i32
        %or3A_903 = arith.ori %eq3A_896, %le3A_902 : i1
        %select_n3A_904 = arith.select %eq3A_896, %get3A_816, %select_n3A_900 : i32
        %sub3A_905 = arith.subi %select_n3A_900, %select_n3A_898 : i32
        %convert_element_type3A_906 = arith.uitofp %sub3A_905 : i32 to f32
        %sub3A_907 = arith.constant 256 : i32
        %sub3A_908 = arith.subi %sub3A_907, %select_n3A_899 : i32
        %convert_element_type3A_909 = arith.sitofp %sub3A_908 : i32 to f32
        %sub3A_910 = arith.subi %select_n3A_901, %select_n3A_899 : i32
        %convert_element_type3A_911 = arith.sitofp %sub3A_910 : i32 to f32
        %bitcast_convert_type3A_912 = arith.bitcast %convert_element_type3A_911 : f32 to i32
        %sub3A_913 = arith.constant 2129859011 : i32
        %sub3A_914 = arith.subi %sub3A_913, %bitcast_convert_type3A_912 : i32
        %bitcast_convert_type3A_915 = arith.bitcast %sub3A_914 : i32 to f32
        %mul3A_916 = arith.mulf %convert_element_type3A_911, %bitcast_convert_type3A_915 : f32
        %sub3A_917 = arith.constant 2.000000e+00 : f32
        %sub3A_918 = arith.subf %sub3A_917, %mul3A_916 : f32
        %mul3A_919 = arith.mulf %bitcast_convert_type3A_915, %sub3A_918 : f32
        %mul3A_920 = arith.mulf %convert_element_type3A_911, %mul3A_919 : f32
        %sub3A_921 = arith.constant 2.000000e+00 : f32
        %sub3A_922 = arith.subf %sub3A_921, %mul3A_920 : f32
        %mul3A_923 = arith.mulf %mul3A_919, %sub3A_922 : f32
        %mul3A_924 = arith.mulf %convert_element_type3A_909, %mul3A_923 : f32
        %mul3A_925 = arith.mulf %convert_element_type3A_906, %mul3A_924 : f32
        %convert_element_type3A_926 = arith.fptoui %mul3A_925 : f32 to i32
        %add3A_927 = arith.addi %select_n3A_898, %convert_element_type3A_926 : i32
        %sub3A_928 = arith.subi %select_n3A_900, %select_n3A_898 : i32
        %shift_right_logical3A = arith.constant 1 : i32
        %shift_right_logical3A_929 = arith.shrui %sub3A_928, %shift_right_logical3A : i32
        %add3A_930 = arith.addi %select_n3A_898, %shift_right_logical3A_929 : i32
        %sub3A_931 = arith.constant 256 : i32
        %sub3A_932 = arith.subi %sub3A_931, %add3A_882 : i32
        %convert_element_type3A_933 = arith.sitofp %sub3A_932 : i32 to f32
        %mul3A_934 = arith.mulf %convert_element_type3A_933, %mul3A_144 : f32
        %add3A_935 = arith.addf %bitcast_convert_type3A_824, %mul3A_934 : f32
        %bitcast_convert_type3A_936 = arith.bitcast %add3A_935 : f32 to i32
        %ge3A_937 = arith.constant -2147483648 : i32
        %ge3A_938 = arith.cmpi uge, %bitcast_convert_type3A_936, %ge3A_937 : i32
        %not3A_939 = arith.constant -1 : i32
        %not3A_940 = arith.xori %bitcast_convert_type3A_936, %not3A_939 : i32
        %or3A_941 = arith.constant -2147483648 : i32
        %or3A_942 = arith.ori %bitcast_convert_type3A_936, %or3A_941 : i32
        %select_n3A_943 = arith.select %ge3A_938, %not3A_940, %or3A_942 : i32
        %eq3A_944 = arith.constant 0 : i32
        %eq3A_945 = arith.cmpi eq, %select_n3A_898, %eq3A_944 : i32
        %eq3A_946 = arith.constant -8388608 : i32
        %eq3A_947 = arith.cmpi eq, %select_n3A_900, %eq3A_946 : i32
        %or3A_948 = arith.ori %eq3A_945, %eq3A_947 : i1
        %add3A_949 = arith.constant 1 : i32
        %add3A_950 = arith.addi %scan3A_808, %add3A_949 : i32
        %lt3A_951 = arith.constant 8 : i32
        %lt3A_952 = arith.cmpi slt, %add3A_950, %lt3A_951 : i32
        %and3A = arith.andi %lt3A_952, %or3A_948 : i1
        %select_n3A_953 = arith.select %lt3A_952, %add3A_927, %add3A_930 : i32
        %select_n3A_954 = arith.select %and3A, %select_n3A_943, %select_n3A_953 : i32
        %add3A_955 = arith.constant 1 : i32
        %add3A_956 = arith.addi %select_n3A_898, %add3A_955 : i32
        %sub3A_957 = arith.constant 1 : i32
        %sub3A_958 = arith.subi %select_n3A_900, %sub3A_957 : i32
        %max3A_959 = arith.maxui %add3A_956, %select_n3A_954 : i32
        %min3A_960 = arith.minui %sub3A_958, %max3A_959 : i32
        %swap3A_961 = arith.constant 0 : i32
        %swap3A_962 = arith.index_cast %swap3A_961 : i32 to index
        %swap3A_963 = memref.load %arg7[%swap3A_962] : memref<8xi32, #tpu.memory_space<smem>>
        memref.store %min3A_960, %arg7[%swap3A_962] : memref<8xi32, #tpu.memory_space<smem>>
        %swap3A_964 = arith.constant 1 : i32
        %swap3A_965 = arith.index_cast %swap3A_964 : i32 to index
        %swap3A_966 = memref.load %arg7[%swap3A_965] : memref<8xi32, #tpu.memory_space<smem>>
        memref.store %select_n3A_898, %arg7[%swap3A_965] : memref<8xi32, #tpu.memory_space<smem>>
        %swap3A_967 = arith.constant 2 : i32
        %swap3A_968 = arith.index_cast %swap3A_967 : i32 to index
        %swap3A_969 = memref.load %arg7[%swap3A_968] : memref<8xi32, #tpu.memory_space<smem>>
        memref.store %select_n3A_900, %arg7[%swap3A_968] : memref<8xi32, #tpu.memory_space<smem>>
        %swap3A_970 = arith.constant 3 : i32
        %swap3A_971 = arith.index_cast %swap3A_970 : i32 to index
        %swap3A_972 = memref.load %arg7[%swap3A_971] : memref<8xi32, #tpu.memory_space<smem>>
        memref.store %select_n3A_899, %arg7[%swap3A_971] : memref<8xi32, #tpu.memory_space<smem>>
        %swap3A_973 = arith.constant 4 : i32
        %swap3A_974 = arith.index_cast %swap3A_973 : i32 to index
        %swap3A_975 = memref.load %arg7[%swap3A_974] : memref<8xi32, #tpu.memory_space<smem>>
        memref.store %select_n3A_901, %arg7[%swap3A_974] : memref<8xi32, #tpu.memory_space<smem>>
        %jit3A_976 = arith.constant 1 : i32
        %jit3A_977 = arith.constant 0 : i32
        %select_n3A_978 = arith.select %or3A_903, %jit3A_976, %jit3A_977 : i32
        %swap3A_979 = arith.constant 5 : i32
        %swap3A_980 = arith.index_cast %swap3A_979 : i32 to index
        %swap3A_981 = memref.load %arg7[%swap3A_980] : memref<8xi32, #tpu.memory_space<smem>>
        memref.store %select_n3A_978, %arg7[%swap3A_980] : memref<8xi32, #tpu.memory_space<smem>>
        %swap3A_982 = arith.constant 6 : i32
        %swap3A_983 = arith.index_cast %swap3A_982 : i32 to index
        %swap3A_984 = memref.load %arg7[%swap3A_983] : memref<8xi32, #tpu.memory_space<smem>>
        memref.store %select_n3A_904, %arg7[%swap3A_983] : memref<8xi32, #tpu.memory_space<smem>>
      } else {
      }
    }
    %scan3A_183 = arith.constant 40 : i32
    %get3A = arith.constant 6 : i32
    %get3A_184 = arith.index_cast %get3A : i32 to index
    %get3A_185 = memref.load %arg7[%get3A_184] : memref<8xi32, #tpu.memory_space<smem>>
    %ge3A_186 = arith.constant -2147483648 : i32
    %ge3A_187 = arith.cmpi uge, %get3A_185, %ge3A_186 : i32
    %xor3A = arith.constant -2147483648 : i32
    %xor3A_188 = arith.xori %get3A_185, %xor3A : i32
    %not3A_189 = arith.constant -1 : i32
    %not3A_190 = arith.xori %get3A_185, %not3A_189 : i32
    %select_n3A_191 = arith.select %ge3A_187, %xor3A_188, %not3A_190 : i32
    %bitcast_convert_type3A_192 = arith.bitcast %select_n3A_191 : i32 to f32
    %broadcast_in_dim3A_193 = vector.broadcast %bitcast_convert_type3A_192 : f32 to vector<16xf32>
    %broadcast_in_dim3A_194 = arith.constant 0.000000e+00 : f32
    %broadcast_in_dim3A_195 = vector.broadcast %broadcast_in_dim3A_194 : f32 to vector<16xf32>
    %scan3A_196 = arith.constant 0 : i32
    %scan3A_197 = arith.constant 0 : i32
    %scan3A_198 = arith.constant 128 : i32
    %scan3A_199 = arith.addi %scan3A_197, %scan3A_198 : i32
    %scan3A_200 = arith.constant 1 : i32
    scf.for %scan3A_808 = %scan3A_197 to %scan3A_199 step %scan3A_200  : i32 {
      %mul3A_809 = arith.constant 256 : i32
      %mul3A_810 = arith.muli %scan3A_808, %mul3A_809 : i32
      %add3A_811 = arith.constant 0 : i32
      %add3A_812 = arith.addi %mul3A_810, %add3A_811 : i32
      %get3A_813 = arith.index_cast %add3A_812 : i32 to index
      %get3A_814 = tpu.vector_load %arg4[%get3A_813] {strides = array<i32>} : memref<32768xf32, #tpu.memory_space<vmem>>, vector<16xf32>,
      %get3A_815 = vector.shape_cast %get3A_814 : vector<16xf32> to vector<16xf32>
      %lt3A = arith.cmpf olt, %get3A_815, %broadcast_in_dim3A_193 : vector<16xf32>
      %select_n3A_816 = arith.select %lt3A, %broadcast_in_dim3A_195, %get3A_815 : vector<16xi1>, vector<16xf32>
      %add3A_817 = arith.constant 0 : i32
      %add3A_818 = arith.addi %mul3A_810, %add3A_817 : i32
      %swap3A_819 = arith.index_cast %add3A_818 : i32 to index
      %swap3A_820 = tpu.vector_load %arg4[%swap3A_819] {strides = array<i32>} : memref<32768xf32, #tpu.memory_space<vmem>>, vector<16xf32>,
      %swap3A_821 = vector.shape_cast %swap3A_820 : vector<16xf32> to vector<16xf32>
      %swap3A_822 = vector.shape_cast %select_n3A_816 : vector<16xf32> to vector<16xf32>
      tpu.vector_store %arg4[%swap3A_819], %swap3A_822 {strides = array<i32>} : memref<32768xf32, #tpu.memory_space<vmem>>, vector<16xf32>,
      %add3A_823 = arith.constant 16 : i32
      %add3A_824 = arith.addi %mul3A_810, %add3A_823 : i32
      %get3A_825 = arith.index_cast %add3A_824 : i32 to index
      %get3A_826 = tpu.vector_load %arg4[%get3A_825] {strides = array<i32>} : memref<32768xf32, #tpu.memory_space<vmem>>, vector<16xf32>,
      %get3A_827 = vector.shape_cast %get3A_826 : vector<16xf32> to vector<16xf32>
      %lt3A_828 = arith.cmpf olt, %get3A_827, %broadcast_in_dim3A_193 : vector<16xf32>
      %select_n3A_829 = arith.select %lt3A_828, %broadcast_in_dim3A_195, %get3A_827 : vector<16xi1>, vector<16xf32>
      %add3A_830 = arith.constant 16 : i32
      %add3A_831 = arith.addi %mul3A_810, %add3A_830 : i32
      %swap3A_832 = arith.index_cast %add3A_831 : i32 to index
      %swap3A_833 = tpu.vector_load %arg4[%swap3A_832] {strides = array<i32>} : memref<32768xf32, #tpu.memory_space<vmem>>, vector<16xf32>,
      %swap3A_834 = vector.shape_cast %swap3A_833 : vector<16xf32> to vector<16xf32>
      %swap3A_835 = vector.shape_cast %select_n3A_829 : vector<16xf32> to vector<16xf32>
      tpu.vector_store %arg4[%swap3A_832], %swap3A_835 {strides = array<i32>} : memref<32768xf32, #tpu.memory_space<vmem>>, vector<16xf32>,
      %add3A_836 = arith.constant 32 : i32
      %add3A_837 = arith.addi %mul3A_810, %add3A_836 : i32
      %get3A_838 = arith.index_cast %add3A_837 : i32 to index
      %get3A_839 = tpu.vector_load %arg4[%get3A_838] {strides = array<i32>} : memref<32768xf32, #tpu.memory_space<vmem>>, vector<16xf32>,
      %get3A_840 = vector.shape_cast %get3A_839 : vector<16xf32> to vector<16xf32>
      %lt3A_841 = arith.cmpf olt, %get3A_840, %broadcast_in_dim3A_193 : vector<16xf32>
      %select_n3A_842 = arith.select %lt3A_841, %broadcast_in_dim3A_195, %get3A_840 : vector<16xi1>, vector<16xf32>
      %add3A_843 = arith.constant 32 : i32
      %add3A_844 = arith.addi %mul3A_810, %add3A_843 : i32
      %swap3A_845 = arith.index_cast %add3A_844 : i32 to index
      %swap3A_846 = tpu.vector_load %arg4[%swap3A_845] {strides = array<i32>} : memref<32768xf32, #tpu.memory_space<vmem>>, vector<16xf32>,
      %swap3A_847 = vector.shape_cast %swap3A_846 : vector<16xf32> to vector<16xf32>
      %swap3A_848 = vector.shape_cast %select_n3A_842 : vector<16xf32> to vector<16xf32>
      tpu.vector_store %arg4[%swap3A_845], %swap3A_848 {strides = array<i32>} : memref<32768xf32, #tpu.memory_space<vmem>>, vector<16xf32>,
      %add3A_849 = arith.constant 48 : i32
      %add3A_850 = arith.addi %mul3A_810, %add3A_849 : i32
      %get3A_851 = arith.index_cast %add3A_850 : i32 to index
      %get3A_852 = tpu.vector_load %arg4[%get3A_851] {strides = array<i32>} : memref<32768xf32, #tpu.memory_space<vmem>>, vector<16xf32>,
      %get3A_853 = vector.shape_cast %get3A_852 : vector<16xf32> to vector<16xf32>
      %lt3A_854 = arith.cmpf olt, %get3A_853, %broadcast_in_dim3A_193 : vector<16xf32>
      %select_n3A_855 = arith.select %lt3A_854, %broadcast_in_dim3A_195, %get3A_853 : vector<16xi1>, vector<16xf32>
      %add3A_856 = arith.constant 48 : i32
      %add3A_857 = arith.addi %mul3A_810, %add3A_856 : i32
      %swap3A_858 = arith.index_cast %add3A_857 : i32 to index
      %swap3A_859 = tpu.vector_load %arg4[%swap3A_858] {strides = array<i32>} : memref<32768xf32, #tpu.memory_space<vmem>>, vector<16xf32>,
      %swap3A_860 = vector.shape_cast %swap3A_859 : vector<16xf32> to vector<16xf32>
      %swap3A_861 = vector.shape_cast %select_n3A_855 : vector<16xf32> to vector<16xf32>
      tpu.vector_store %arg4[%swap3A_858], %swap3A_861 {strides = array<i32>} : memref<32768xf32, #tpu.memory_space<vmem>>, vector<16xf32>,
      %add3A_862 = arith.constant 64 : i32
      %add3A_863 = arith.addi %mul3A_810, %add3A_862 : i32
      %get3A_864 = arith.index_cast %add3A_863 : i32 to index
      %get3A_865 = tpu.vector_load %arg4[%get3A_864] {strides = array<i32>} : memref<32768xf32, #tpu.memory_space<vmem>>, vector<16xf32>,
      %get3A_866 = vector.shape_cast %get3A_865 : vector<16xf32> to vector<16xf32>
      %lt3A_867 = arith.cmpf olt, %get3A_866, %broadcast_in_dim3A_193 : vector<16xf32>
      %select_n3A_868 = arith.select %lt3A_867, %broadcast_in_dim3A_195, %get3A_866 : vector<16xi1>, vector<16xf32>
      %add3A_869 = arith.constant 64 : i32
      %add3A_870 = arith.addi %mul3A_810, %add3A_869 : i32
      %swap3A_871 = arith.index_cast %add3A_870 : i32 to index
      %swap3A_872 = tpu.vector_load %arg4[%swap3A_871] {strides = array<i32>} : memref<32768xf32, #tpu.memory_space<vmem>>, vector<16xf32>,
      %swap3A_873 = vector.shape_cast %swap3A_872 : vector<16xf32> to vector<16xf32>
      %swap3A_874 = vector.shape_cast %select_n3A_868 : vector<16xf32> to vector<16xf32>
      tpu.vector_store %arg4[%swap3A_871], %swap3A_874 {strides = array<i32>} : memref<32768xf32, #tpu.memory_space<vmem>>, vector<16xf32>,
      %add3A_875 = arith.constant 80 : i32
      %add3A_876 = arith.addi %mul3A_810, %add3A_875 : i32
      %get3A_877 = arith.index_cast %add3A_876 : i32 to index
      %get3A_878 = tpu.vector_load %arg4[%get3A_877] {strides = array<i32>} : memref<32768xf32, #tpu.memory_space<vmem>>, vector<16xf32>,
      %get3A_879 = vector.shape_cast %get3A_878 : vector<16xf32> to vector<16xf32>
      %lt3A_880 = arith.cmpf olt, %get3A_879, %broadcast_in_dim3A_193 : vector<16xf32>
      %select_n3A_881 = arith.select %lt3A_880, %broadcast_in_dim3A_195, %get3A_879 : vector<16xi1>, vector<16xf32>
      %add3A_882 = arith.constant 80 : i32
      %add3A_883 = arith.addi %mul3A_810, %add3A_882 : i32
      %swap3A_884 = arith.index_cast %add3A_883 : i32 to index
      %swap3A_885 = tpu.vector_load %arg4[%swap3A_884] {strides = array<i32>} : memref<32768xf32, #tpu.memory_space<vmem>>, vector<16xf32>,
      %swap3A_886 = vector.shape_cast %swap3A_885 : vector<16xf32> to vector<16xf32>
      %swap3A_887 = vector.shape_cast %select_n3A_881 : vector<16xf32> to vector<16xf32>
      tpu.vector_store %arg4[%swap3A_884], %swap3A_887 {strides = array<i32>} : memref<32768xf32, #tpu.memory_space<vmem>>, vector<16xf32>,
      %add3A_888 = arith.constant 96 : i32
      %add3A_889 = arith.addi %mul3A_810, %add3A_888 : i32
      %get3A_890 = arith.index_cast %add3A_889 : i32 to index
      %get3A_891 = tpu.vector_load %arg4[%get3A_890] {strides = array<i32>} : memref<32768xf32, #tpu.memory_space<vmem>>, vector<16xf32>,
      %get3A_892 = vector.shape_cast %get3A_891 : vector<16xf32> to vector<16xf32>
      %lt3A_893 = arith.cmpf olt, %get3A_892, %broadcast_in_dim3A_193 : vector<16xf32>
      %select_n3A_894 = arith.select %lt3A_893, %broadcast_in_dim3A_195, %get3A_892 : vector<16xi1>, vector<16xf32>
      %add3A_895 = arith.constant 96 : i32
      %add3A_896 = arith.addi %mul3A_810, %add3A_895 : i32
      %swap3A_897 = arith.index_cast %add3A_896 : i32 to index
      %swap3A_898 = tpu.vector_load %arg4[%swap3A_897] {strides = array<i32>} : memref<32768xf32, #tpu.memory_space<vmem>>, vector<16xf32>,
      %swap3A_899 = vector.shape_cast %swap3A_898 : vector<16xf32> to vector<16xf32>
      %swap3A_900 = vector.shape_cast %select_n3A_894 : vector<16xf32> to vector<16xf32>
      tpu.vector_store %arg4[%swap3A_897], %swap3A_900 {strides = array<i32>} : memref<32768xf32, #tpu.memory_space<vmem>>, vector<16xf32>,
      %add3A_901 = arith.constant 112 : i32
      %add3A_902 = arith.addi %mul3A_810, %add3A_901 : i32
      %get3A_903 = arith.index_cast %add3A_902 : i32 to index
      %get3A_904 = tpu.vector_load %arg4[%get3A_903] {strides = array<i32>} : memref<32768xf32, #tpu.memory_space<vmem>>, vector<16xf32>,
      %get3A_905 = vector.shape_cast %get3A_904 : vector<16xf32> to vector<16xf32>
      %lt3A_906 = arith.cmpf olt, %get3A_905, %broadcast_in_dim3A_193 : vector<16xf32>
      %select_n3A_907 = arith.select %lt3A_906, %broadcast_in_dim3A_195, %get3A_905 : vector<16xi1>, vector<16xf32>
      %add3A_908 = arith.constant 112 : i32
      %add3A_909 = arith.addi %mul3A_810, %add3A_908 : i32
      %swap3A_910 = arith.index_cast %add3A_909 : i32 to index
      %swap3A_911 = tpu.vector_load %arg4[%swap3A_910] {strides = array<i32>} : memref<32768xf32, #tpu.memory_space<vmem>>, vector<16xf32>,
      %swap3A_912 = vector.shape_cast %swap3A_911 : vector<16xf32> to vector<16xf32>
      %swap3A_913 = vector.shape_cast %select_n3A_907 : vector<16xf32> to vector<16xf32>
      tpu.vector_store %arg4[%swap3A_910], %swap3A_913 {strides = array<i32>} : memref<32768xf32, #tpu.memory_space<vmem>>, vector<16xf32>,
      %add3A_914 = arith.constant 128 : i32
      %add3A_915 = arith.addi %mul3A_810, %add3A_914 : i32
      %get3A_916 = arith.index_cast %add3A_915 : i32 to index
      %get3A_917 = tpu.vector_load %arg4[%get3A_916] {strides = array<i32>} : memref<32768xf32, #tpu.memory_space<vmem>>, vector<16xf32>,
      %get3A_918 = vector.shape_cast %get3A_917 : vector<16xf32> to vector<16xf32>
      %lt3A_919 = arith.cmpf olt, %get3A_918, %broadcast_in_dim3A_193 : vector<16xf32>
      %select_n3A_920 = arith.select %lt3A_919, %broadcast_in_dim3A_195, %get3A_918 : vector<16xi1>, vector<16xf32>
      %add3A_921 = arith.constant 128 : i32
      %add3A_922 = arith.addi %mul3A_810, %add3A_921 : i32
      %swap3A_923 = arith.index_cast %add3A_922 : i32 to index
      %swap3A_924 = tpu.vector_load %arg4[%swap3A_923] {strides = array<i32>} : memref<32768xf32, #tpu.memory_space<vmem>>, vector<16xf32>,
      %swap3A_925 = vector.shape_cast %swap3A_924 : vector<16xf32> to vector<16xf32>
      %swap3A_926 = vector.shape_cast %select_n3A_920 : vector<16xf32> to vector<16xf32>
      tpu.vector_store %arg4[%swap3A_923], %swap3A_926 {strides = array<i32>} : memref<32768xf32, #tpu.memory_space<vmem>>, vector<16xf32>,
      %add3A_927 = arith.constant 144 : i32
      %add3A_928 = arith.addi %mul3A_810, %add3A_927 : i32
      %get3A_929 = arith.index_cast %add3A_928 : i32 to index
      %get3A_930 = tpu.vector_load %arg4[%get3A_929] {strides = array<i32>} : memref<32768xf32, #tpu.memory_space<vmem>>, vector<16xf32>,
      %get3A_931 = vector.shape_cast %get3A_930 : vector<16xf32> to vector<16xf32>
      %lt3A_932 = arith.cmpf olt, %get3A_931, %broadcast_in_dim3A_193 : vector<16xf32>
      %select_n3A_933 = arith.select %lt3A_932, %broadcast_in_dim3A_195, %get3A_931 : vector<16xi1>, vector<16xf32>
      %add3A_934 = arith.constant 144 : i32
      %add3A_935 = arith.addi %mul3A_810, %add3A_934 : i32
      %swap3A_936 = arith.index_cast %add3A_935 : i32 to index
      %swap3A_937 = tpu.vector_load %arg4[%swap3A_936] {strides = array<i32>} : memref<32768xf32, #tpu.memory_space<vmem>>, vector<16xf32>,
      %swap3A_938 = vector.shape_cast %swap3A_937 : vector<16xf32> to vector<16xf32>
      %swap3A_939 = vector.shape_cast %select_n3A_933 : vector<16xf32> to vector<16xf32>
      tpu.vector_store %arg4[%swap3A_936], %swap3A_939 {strides = array<i32>} : memref<32768xf32, #tpu.memory_space<vmem>>, vector<16xf32>,
      %add3A_940 = arith.constant 160 : i32
      %add3A_941 = arith.addi %mul3A_810, %add3A_940 : i32
      %get3A_942 = arith.index_cast %add3A_941 : i32 to index
      %get3A_943 = tpu.vector_load %arg4[%get3A_942] {strides = array<i32>} : memref<32768xf32, #tpu.memory_space<vmem>>, vector<16xf32>,
      %get3A_944 = vector.shape_cast %get3A_943 : vector<16xf32> to vector<16xf32>
      %lt3A_945 = arith.cmpf olt, %get3A_944, %broadcast_in_dim3A_193 : vector<16xf32>
      %select_n3A_946 = arith.select %lt3A_945, %broadcast_in_dim3A_195, %get3A_944 : vector<16xi1>, vector<16xf32>
      %add3A_947 = arith.constant 160 : i32
      %add3A_948 = arith.addi %mul3A_810, %add3A_947 : i32
      %swap3A_949 = arith.index_cast %add3A_948 : i32 to index
      %swap3A_950 = tpu.vector_load %arg4[%swap3A_949] {strides = array<i32>} : memref<32768xf32, #tpu.memory_space<vmem>>, vector<16xf32>,
      %swap3A_951 = vector.shape_cast %swap3A_950 : vector<16xf32> to vector<16xf32>
      %swap3A_952 = vector.shape_cast %select_n3A_946 : vector<16xf32> to vector<16xf32>
      tpu.vector_store %arg4[%swap3A_949], %swap3A_952 {strides = array<i32>} : memref<32768xf32, #tpu.memory_space<vmem>>, vector<16xf32>,
      %add3A_953 = arith.constant 176 : i32
      %add3A_954 = arith.addi %mul3A_810, %add3A_953 : i32
      %get3A_955 = arith.index_cast %add3A_954 : i32 to index
      %get3A_956 = tpu.vector_load %arg4[%get3A_955] {strides = array<i32>} : memref<32768xf32, #tpu.memory_space<vmem>>, vector<16xf32>,
      %get3A_957 = vector.shape_cast %get3A_956 : vector<16xf32> to vector<16xf32>
      %lt3A_958 = arith.cmpf olt, %get3A_957, %broadcast_in_dim3A_193 : vector<16xf32>
      %select_n3A_959 = arith.select %lt3A_958, %broadcast_in_dim3A_195, %get3A_957 : vector<16xi1>, vector<16xf32>
      %add3A_960 = arith.constant 176 : i32
      %add3A_961 = arith.addi %mul3A_810, %add3A_960 : i32
      %swap3A_962 = arith.index_cast %add3A_961 : i32 to index
      %swap3A_963 = tpu.vector_load %arg4[%swap3A_962] {strides = array<i32>} : memref<32768xf32, #tpu.memory_space<vmem>>, vector<16xf32>,
      %swap3A_964 = vector.shape_cast %swap3A_963 : vector<16xf32> to vector<16xf32>
      %swap3A_965 = vector.shape_cast %select_n3A_959 : vector<16xf32> to vector<16xf32>
      tpu.vector_store %arg4[%swap3A_962], %swap3A_965 {strides = array<i32>} : memref<32768xf32, #tpu.memory_space<vmem>>, vector<16xf32>,
      %add3A_966 = arith.constant 192 : i32
      %add3A_967 = arith.addi %mul3A_810, %add3A_966 : i32
      %get3A_968 = arith.index_cast %add3A_967 : i32 to index
      %get3A_969 = tpu.vector_load %arg4[%get3A_968] {strides = array<i32>} : memref<32768xf32, #tpu.memory_space<vmem>>, vector<16xf32>,
      %get3A_970 = vector.shape_cast %get3A_969 : vector<16xf32> to vector<16xf32>
      %lt3A_971 = arith.cmpf olt, %get3A_970, %broadcast_in_dim3A_193 : vector<16xf32>
      %select_n3A_972 = arith.select %lt3A_971, %broadcast_in_dim3A_195, %get3A_970 : vector<16xi1>, vector<16xf32>
      %add3A_973 = arith.constant 192 : i32
      %add3A_974 = arith.addi %mul3A_810, %add3A_973 : i32
      %swap3A_975 = arith.index_cast %add3A_974 : i32 to index
      %swap3A_976 = tpu.vector_load %arg4[%swap3A_975] {strides = array<i32>} : memref<32768xf32, #tpu.memory_space<vmem>>, vector<16xf32>,
      %swap3A_977 = vector.shape_cast %swap3A_976 : vector<16xf32> to vector<16xf32>
      %swap3A_978 = vector.shape_cast %select_n3A_972 : vector<16xf32> to vector<16xf32>
      tpu.vector_store %arg4[%swap3A_975], %swap3A_978 {strides = array<i32>} : memref<32768xf32, #tpu.memory_space<vmem>>, vector<16xf32>,
      %add3A_979 = arith.constant 208 : i32
      %add3A_980 = arith.addi %mul3A_810, %add3A_979 : i32
      %get3A_981 = arith.index_cast %add3A_980 : i32 to index
      %get3A_982 = tpu.vector_load %arg4[%get3A_981] {strides = array<i32>} : memref<32768xf32, #tpu.memory_space<vmem>>, vector<16xf32>,
      %get3A_983 = vector.shape_cast %get3A_982 : vector<16xf32> to vector<16xf32>
      %lt3A_984 = arith.cmpf olt, %get3A_983, %broadcast_in_dim3A_193 : vector<16xf32>
      %select_n3A_985 = arith.select %lt3A_984, %broadcast_in_dim3A_195, %get3A_983 : vector<16xi1>, vector<16xf32>
      %add3A_986 = arith.constant 208 : i32
      %add3A_987 = arith.addi %mul3A_810, %add3A_986 : i32
      %swap3A_988 = arith.index_cast %add3A_987 : i32 to index
      %swap3A_989 = tpu.vector_load %arg4[%swap3A_988] {strides = array<i32>} : memref<32768xf32, #tpu.memory_space<vmem>>, vector<16xf32>,
      %swap3A_990 = vector.shape_cast %swap3A_989 : vector<16xf32> to vector<16xf32>
      %swap3A_991 = vector.shape_cast %select_n3A_985 : vector<16xf32> to vector<16xf32>
      tpu.vector_store %arg4[%swap3A_988], %swap3A_991 {strides = array<i32>} : memref<32768xf32, #tpu.memory_space<vmem>>, vector<16xf32>,
      %add3A_992 = arith.constant 224 : i32
      %add3A_993 = arith.addi %mul3A_810, %add3A_992 : i32
      %get3A_994 = arith.index_cast %add3A_993 : i32 to index
      %get3A_995 = tpu.vector_load %arg4[%get3A_994] {strides = array<i32>} : memref<32768xf32, #tpu.memory_space<vmem>>, vector<16xf32>,
      %get3A_996 = vector.shape_cast %get3A_995 : vector<16xf32> to vector<16xf32>
      %lt3A_997 = arith.cmpf olt, %get3A_996, %broadcast_in_dim3A_193 : vector<16xf32>
      %select_n3A_998 = arith.select %lt3A_997, %broadcast_in_dim3A_195, %get3A_996 : vector<16xi1>, vector<16xf32>
      %add3A_999 = arith.constant 224 : i32
      %add3A_1000 = arith.addi %mul3A_810, %add3A_999 : i32
      %swap3A_1001 = arith.index_cast %add3A_1000 : i32 to index
      %swap3A_1002 = tpu.vector_load %arg4[%swap3A_1001] {strides = array<i32>} : memref<32768xf32, #tpu.memory_space<vmem>>, vector<16xf32>,
      %swap3A_1003 = vector.shape_cast %swap3A_1002 : vector<16xf32> to vector<16xf32>
      %swap3A_1004 = vector.shape_cast %select_n3A_998 : vector<16xf32> to vector<16xf32>
      tpu.vector_store %arg4[%swap3A_1001], %swap3A_1004 {strides = array<i32>} : memref<32768xf32, #tpu.memory_space<vmem>>, vector<16xf32>,
      %add3A_1005 = arith.constant 240 : i32
      %add3A_1006 = arith.addi %mul3A_810, %add3A_1005 : i32
      %get3A_1007 = arith.index_cast %add3A_1006 : i32 to index
      %get3A_1008 = tpu.vector_load %arg4[%get3A_1007] {strides = array<i32>} : memref<32768xf32, #tpu.memory_space<vmem>>, vector<16xf32>,
      %get3A_1009 = vector.shape_cast %get3A_1008 : vector<16xf32> to vector<16xf32>
      %lt3A_1010 = arith.cmpf olt, %get3A_1009, %broadcast_in_dim3A_193 : vector<16xf32>
      %select_n3A_1011 = arith.select %lt3A_1010, %broadcast_in_dim3A_195, %get3A_1009 : vector<16xi1>, vector<16xf32>
      %add3A_1012 = arith.constant 240 : i32
      %add3A_1013 = arith.addi %mul3A_810, %add3A_1012 : i32
      %swap3A_1014 = arith.index_cast %add3A_1013 : i32 to index
      %swap3A_1015 = tpu.vector_load %arg4[%swap3A_1014] {strides = array<i32>} : memref<32768xf32, #tpu.memory_space<vmem>>, vector<16xf32>,
      %swap3A_1016 = vector.shape_cast %swap3A_1015 : vector<16xf32> to vector<16xf32>
      %swap3A_1017 = vector.shape_cast %select_n3A_1011 : vector<16xf32> to vector<16xf32>
      tpu.vector_store %arg4[%swap3A_1014], %swap3A_1017 {strides = array<i32>} : memref<32768xf32, #tpu.memory_space<vmem>>, vector<16xf32>,
    }
    %scan3A_201 = arith.constant 128 : i32
    %dma_start3A_202 = arith.constant 0 : i32
    %dma_start3A_203 = tpu.memref_slice %arg3[%add3A_4, %dma_start3A_202] : memref<128x32768xf32, #tpu.memory_space<hbm>> -> memref<1x32768xf32, #tpu.memory_space<hbm>>
    %dma_start3A_204 = tpu.memref_squeeze %dma_start3A_203 : memref<1x32768xf32, #tpu.memory_space<hbm>> -> memref<32768xf32, #tpu.memory_space<hbm>>
    %dma_start3A_205 = arith.constant 0 : i32
    %dma_start3A_206 = tpu.memref_slice %arg3[%add3A_4, %dma_start3A_205] : memref<128x32768xf32, #tpu.memory_space<hbm>> -> memref<1x32768xf32, #tpu.memory_space<hbm>>
    %dma_start3A_207 = tpu.memref_squeeze %dma_start3A_206 : memref<1x32768xf32, #tpu.memory_space<hbm>> -> memref<32768xf32, #tpu.memory_space<hbm>>
    tpu.enqueue_dma source(%arg4 : memref<32768xf32, #tpu.memory_space<vmem>>) target(%dma_start3A_207 : memref<32768xf32, #tpu.memory_space<hbm>>) target_semaphore(%arg8 : memref<!tpu.dma_semaphore, #tpu.memory_space<semaphore_mem>>)
    %dma_wait3A_208 = arith.constant 0 : i32
    %dma_wait3A_209 = tpu.memref_slice %arg2[%add3A_8, %dma_wait3A_208] : memref<128x32768xf32, #tpu.memory_space<hbm>> -> memref<1x32768xf32, #tpu.memory_space<hbm>>
    %dma_wait3A_210 = tpu.memref_squeeze %dma_wait3A_209 : memref<1x32768xf32, #tpu.memory_space<hbm>> -> memref<32768xf32, #tpu.memory_space<hbm>>
    %dma_wait3A_211 = arith.constant 0 : i32
    %dma_wait3A_212 = tpu.memref_slice %arg2[%add3A_8, %dma_wait3A_211] : memref<128x32768xf32, #tpu.memory_space<hbm>> -> memref<1x32768xf32, #tpu.memory_space<hbm>>
    %dma_wait3A_213 = tpu.memref_squeeze %dma_wait3A_212 : memref<1x32768xf32, #tpu.memory_space<hbm>> -> memref<32768xf32, #tpu.memory_space<hbm>>
    tpu.wait_dma2 semaphore(%arg9 : memref<!tpu.dma_semaphore, #tpu.memory_space<semaphore_mem>>) src(%dma_wait3A_213 : memref<32768xf32, #tpu.memory_space<hbm>>) dst(%arg5 : memref<32768xf32, #tpu.memory_space<vmem>>)
    %broadcast_in_dim3A_214 = arith.constant 0.000000e+00 : f32
    %broadcast_in_dim3A_215 = vector.broadcast %broadcast_in_dim3A_214 : f32 to vector<16xf32>
    %scan3A_216 = arith.constant 0 : i32
    %scan3A_217 = arith.constant 512 : i32
    %scan3A_218 = arith.addi %scan3A_216, %scan3A_217 : i32
    %scan3A_219 = arith.constant 4 : i32
    %scan3A_220:2 = scf.for %scan3A_808 = %scan3A_216 to %scan3A_218 step %scan3A_219 iter_args(%scan3A_809 = %broadcast_in_dim3A_215, %scan3A_810 = %broadcast_in_dim3A_215) -> (vector<16xf32>, vector<16xf32>)  : i32 {
      %mul3A_811 = arith.constant 16 : i32
      %mul3A_812 = arith.muli %scan3A_808, %mul3A_811 : i32
      %get3A_813 = arith.index_cast %mul3A_812 : i32 to index
      %get3A_814 = tpu.vector_load %arg5[%get3A_813] {strides = array<i32>} : memref<32768xf32, #tpu.memory_space<vmem>>, vector<16xf32>,
      %get3A_815 = vector.shape_cast %get3A_814 : vector<16xf32> to vector<16xf32>
      %add3A_816 = arith.addf %scan3A_809, %get3A_815 : vector<16xf32>
      %abs3A = math.absf %get3A_815 : vector<16xf32>
      %add3A_817 = arith.addf %scan3A_810, %abs3A : vector<16xf32>
      %scan3A_818 = arith.constant 1 : i32
      %scan3A_819 = arith.addi %scan3A_808, %scan3A_818 : i32
      %mul3A_820 = arith.constant 16 : i32
      %mul3A_821 = arith.muli %scan3A_819, %mul3A_820 : i32
      %get3A_822 = arith.index_cast %mul3A_821 : i32 to index
      %get3A_823 = tpu.vector_load %arg5[%get3A_822] {strides = array<i32>} : memref<32768xf32, #tpu.memory_space<vmem>>, vector<16xf32>,
      %get3A_824 = vector.shape_cast %get3A_823 : vector<16xf32> to vector<16xf32>
      %add3A_825 = arith.addf %add3A_816, %get3A_824 : vector<16xf32>
      %abs3A_826 = math.absf %get3A_824 : vector<16xf32>
      %add3A_827 = arith.addf %add3A_817, %abs3A_826 : vector<16xf32>
      %scan3A_828 = arith.constant 2 : i32
      %scan3A_829 = arith.addi %scan3A_808, %scan3A_828 : i32
      %mul3A_830 = arith.constant 16 : i32
      %mul3A_831 = arith.muli %scan3A_829, %mul3A_830 : i32
      %get3A_832 = arith.index_cast %mul3A_831 : i32 to index
      %get3A_833 = tpu.vector_load %arg5[%get3A_832] {strides = array<i32>} : memref<32768xf32, #tpu.memory_space<vmem>>, vector<16xf32>,
      %get3A_834 = vector.shape_cast %get3A_833 : vector<16xf32> to vector<16xf32>
      %add3A_835 = arith.addf %add3A_825, %get3A_834 : vector<16xf32>
      %abs3A_836 = math.absf %get3A_834 : vector<16xf32>
      %add3A_837 = arith.addf %add3A_827, %abs3A_836 : vector<16xf32>
      %scan3A_838 = arith.constant 3 : i32
      %scan3A_839 = arith.addi %scan3A_808, %scan3A_838 : i32
      %mul3A_840 = arith.constant 16 : i32
      %mul3A_841 = arith.muli %scan3A_839, %mul3A_840 : i32
      %get3A_842 = arith.index_cast %mul3A_841 : i32 to index
      %get3A_843 = tpu.vector_load %arg5[%get3A_842] {strides = array<i32>} : memref<32768xf32, #tpu.memory_space<vmem>>, vector<16xf32>,
      %get3A_844 = vector.shape_cast %get3A_843 : vector<16xf32> to vector<16xf32>
      %add3A_845 = arith.addf %add3A_835, %get3A_844 : vector<16xf32>
      %abs3A_846 = math.absf %get3A_844 : vector<16xf32>
      %add3A_847 = arith.addf %add3A_837, %abs3A_846 : vector<16xf32>
      scf.yield %add3A_845, %add3A_847 : vector<16xf32>, vector<16xf32>
    }
    %scan3A_221 = arith.constant 512 : i32
    %slice3A_222 = vector.extract_strided_slice %scan3A_220#0 {offsets = [0], sizes = [1], strides = [1]} : vector<16xf32> to vector<1xf32>
    %squeeze3A_223 = vector.extract %slice3A_222[0] : f32 from vector<1xf32>
    %slice3A_224 = vector.extract_strided_slice %scan3A_220#0 {offsets = [1], sizes = [1], strides = [1]} : vector<16xf32> to vector<1xf32>
    %squeeze3A_225 = vector.extract %slice3A_224[0] : f32 from vector<1xf32>
    %add3A_226 = arith.addf %squeeze3A_223, %squeeze3A_225 : f32
    %slice3A_227 = vector.extract_strided_slice %scan3A_220#0 {offsets = [2], sizes = [1], strides = [1]} : vector<16xf32> to vector<1xf32>
    %squeeze3A_228 = vector.extract %slice3A_227[0] : f32 from vector<1xf32>
    %add3A_229 = arith.addf %add3A_226, %squeeze3A_228 : f32
    %slice3A_230 = vector.extract_strided_slice %scan3A_220#0 {offsets = [3], sizes = [1], strides = [1]} : vector<16xf32> to vector<1xf32>
    %squeeze3A_231 = vector.extract %slice3A_230[0] : f32 from vector<1xf32>
    %add3A_232 = arith.addf %add3A_229, %squeeze3A_231 : f32
    %slice3A_233 = vector.extract_strided_slice %scan3A_220#0 {offsets = [4], sizes = [1], strides = [1]} : vector<16xf32> to vector<1xf32>
    %squeeze3A_234 = vector.extract %slice3A_233[0] : f32 from vector<1xf32>
    %add3A_235 = arith.addf %add3A_232, %squeeze3A_234 : f32
    %slice3A_236 = vector.extract_strided_slice %scan3A_220#0 {offsets = [5], sizes = [1], strides = [1]} : vector<16xf32> to vector<1xf32>
    %squeeze3A_237 = vector.extract %slice3A_236[0] : f32 from vector<1xf32>
    %add3A_238 = arith.addf %add3A_235, %squeeze3A_237 : f32
    %slice3A_239 = vector.extract_strided_slice %scan3A_220#0 {offsets = [6], sizes = [1], strides = [1]} : vector<16xf32> to vector<1xf32>
    %squeeze3A_240 = vector.extract %slice3A_239[0] : f32 from vector<1xf32>
    %add3A_241 = arith.addf %add3A_238, %squeeze3A_240 : f32
    %slice3A_242 = vector.extract_strided_slice %scan3A_220#0 {offsets = [7], sizes = [1], strides = [1]} : vector<16xf32> to vector<1xf32>
    %squeeze3A_243 = vector.extract %slice3A_242[0] : f32 from vector<1xf32>
    %add3A_244 = arith.addf %add3A_241, %squeeze3A_243 : f32
    %slice3A_245 = vector.extract_strided_slice %scan3A_220#0 {offsets = [8], sizes = [1], strides = [1]} : vector<16xf32> to vector<1xf32>
    %squeeze3A_246 = vector.extract %slice3A_245[0] : f32 from vector<1xf32>
    %add3A_247 = arith.addf %add3A_244, %squeeze3A_246 : f32
    %slice3A_248 = vector.extract_strided_slice %scan3A_220#0 {offsets = [9], sizes = [1], strides = [1]} : vector<16xf32> to vector<1xf32>
    %squeeze3A_249 = vector.extract %slice3A_248[0] : f32 from vector<1xf32>
    %add3A_250 = arith.addf %add3A_247, %squeeze3A_249 : f32
    %slice3A_251 = vector.extract_strided_slice %scan3A_220#0 {offsets = [10], sizes = [1], strides = [1]} : vector<16xf32> to vector<1xf32>
    %squeeze3A_252 = vector.extract %slice3A_251[0] : f32 from vector<1xf32>
    %add3A_253 = arith.addf %add3A_250, %squeeze3A_252 : f32
    %slice3A_254 = vector.extract_strided_slice %scan3A_220#0 {offsets = [11], sizes = [1], strides = [1]} : vector<16xf32> to vector<1xf32>
    %squeeze3A_255 = vector.extract %slice3A_254[0] : f32 from vector<1xf32>
    %add3A_256 = arith.addf %add3A_253, %squeeze3A_255 : f32
    %slice3A_257 = vector.extract_strided_slice %scan3A_220#0 {offsets = [12], sizes = [1], strides = [1]} : vector<16xf32> to vector<1xf32>
    %squeeze3A_258 = vector.extract %slice3A_257[0] : f32 from vector<1xf32>
    %add3A_259 = arith.addf %add3A_256, %squeeze3A_258 : f32
    %slice3A_260 = vector.extract_strided_slice %scan3A_220#0 {offsets = [13], sizes = [1], strides = [1]} : vector<16xf32> to vector<1xf32>
    %squeeze3A_261 = vector.extract %slice3A_260[0] : f32 from vector<1xf32>
    %add3A_262 = arith.addf %add3A_259, %squeeze3A_261 : f32
    %slice3A_263 = vector.extract_strided_slice %scan3A_220#0 {offsets = [14], sizes = [1], strides = [1]} : vector<16xf32> to vector<1xf32>
    %squeeze3A_264 = vector.extract %slice3A_263[0] : f32 from vector<1xf32>
    %add3A_265 = arith.addf %add3A_262, %squeeze3A_264 : f32
    %slice3A_266 = vector.extract_strided_slice %scan3A_220#0 {offsets = [15], sizes = [1], strides = [1]} : vector<16xf32> to vector<1xf32>
    %squeeze3A_267 = vector.extract %slice3A_266[0] : f32 from vector<1xf32>
    %add3A_268 = arith.addf %add3A_265, %squeeze3A_267 : f32
    %mul3A_269 = arith.constant 1.22070313E-4 : f32
    %mul3A_270 = arith.mulf %add3A_268, %mul3A_269 : f32
    %slice3A_271 = vector.extract_strided_slice %scan3A_220#1 {offsets = [0], sizes = [1], strides = [1]} : vector<16xf32> to vector<1xf32>
    %squeeze3A_272 = vector.extract %slice3A_271[0] : f32 from vector<1xf32>
    %slice3A_273 = vector.extract_strided_slice %scan3A_220#1 {offsets = [1], sizes = [1], strides = [1]} : vector<16xf32> to vector<1xf32>
    %squeeze3A_274 = vector.extract %slice3A_273[0] : f32 from vector<1xf32>
    %add3A_275 = arith.addf %squeeze3A_272, %squeeze3A_274 : f32
    %slice3A_276 = vector.extract_strided_slice %scan3A_220#1 {offsets = [2], sizes = [1], strides = [1]} : vector<16xf32> to vector<1xf32>
    %squeeze3A_277 = vector.extract %slice3A_276[0] : f32 from vector<1xf32>
    %add3A_278 = arith.addf %add3A_275, %squeeze3A_277 : f32
    %slice3A_279 = vector.extract_strided_slice %scan3A_220#1 {offsets = [3], sizes = [1], strides = [1]} : vector<16xf32> to vector<1xf32>
    %squeeze3A_280 = vector.extract %slice3A_279[0] : f32 from vector<1xf32>
    %add3A_281 = arith.addf %add3A_278, %squeeze3A_280 : f32
    %slice3A_282 = vector.extract_strided_slice %scan3A_220#1 {offsets = [4], sizes = [1], strides = [1]} : vector<16xf32> to vector<1xf32>
    %squeeze3A_283 = vector.extract %slice3A_282[0] : f32 from vector<1xf32>
    %add3A_284 = arith.addf %add3A_281, %squeeze3A_283 : f32
    %slice3A_285 = vector.extract_strided_slice %scan3A_220#1 {offsets = [5], sizes = [1], strides = [1]} : vector<16xf32> to vector<1xf32>
    %squeeze3A_286 = vector.extract %slice3A_285[0] : f32 from vector<1xf32>
    %add3A_287 = arith.addf %add3A_284, %squeeze3A_286 : f32
    %slice3A_288 = vector.extract_strided_slice %scan3A_220#1 {offsets = [6], sizes = [1], strides = [1]} : vector<16xf32> to vector<1xf32>
    %squeeze3A_289 = vector.extract %slice3A_288[0] : f32 from vector<1xf32>
    %add3A_290 = arith.addf %add3A_287, %squeeze3A_289 : f32
    %slice3A_291 = vector.extract_strided_slice %scan3A_220#1 {offsets = [7], sizes = [1], strides = [1]} : vector<16xf32> to vector<1xf32>
    %squeeze3A_292 = vector.extract %slice3A_291[0] : f32 from vector<1xf32>
    %add3A_293 = arith.addf %add3A_290, %squeeze3A_292 : f32
    %slice3A_294 = vector.extract_strided_slice %scan3A_220#1 {offsets = [8], sizes = [1], strides = [1]} : vector<16xf32> to vector<1xf32>
    %squeeze3A_295 = vector.extract %slice3A_294[0] : f32 from vector<1xf32>
    %add3A_296 = arith.addf %add3A_293, %squeeze3A_295 : f32
    %slice3A_297 = vector.extract_strided_slice %scan3A_220#1 {offsets = [9], sizes = [1], strides = [1]} : vector<16xf32> to vector<1xf32>
    %squeeze3A_298 = vector.extract %slice3A_297[0] : f32 from vector<1xf32>
    %add3A_299 = arith.addf %add3A_296, %squeeze3A_298 : f32
    %slice3A_300 = vector.extract_strided_slice %scan3A_220#1 {offsets = [10], sizes = [1], strides = [1]} : vector<16xf32> to vector<1xf32>
    %squeeze3A_301 = vector.extract %slice3A_300[0] : f32 from vector<1xf32>
    %add3A_302 = arith.addf %add3A_299, %squeeze3A_301 : f32
    %slice3A_303 = vector.extract_strided_slice %scan3A_220#1 {offsets = [11], sizes = [1], strides = [1]} : vector<16xf32> to vector<1xf32>
    %squeeze3A_304 = vector.extract %slice3A_303[0] : f32 from vector<1xf32>
    %add3A_305 = arith.addf %add3A_302, %squeeze3A_304 : f32
    %slice3A_306 = vector.extract_strided_slice %scan3A_220#1 {offsets = [12], sizes = [1], strides = [1]} : vector<16xf32> to vector<1xf32>
    %squeeze3A_307 = vector.extract %slice3A_306[0] : f32 from vector<1xf32>
    %add3A_308 = arith.addf %add3A_305, %squeeze3A_307 : f32
    %slice3A_309 = vector.extract_strided_slice %scan3A_220#1 {offsets = [13], sizes = [1], strides = [1]} : vector<16xf32> to vector<1xf32>
    %squeeze3A_310 = vector.extract %slice3A_309[0] : f32 from vector<1xf32>
    %add3A_311 = arith.addf %add3A_308, %squeeze3A_310 : f32
    %slice3A_312 = vector.extract_strided_slice %scan3A_220#1 {offsets = [14], sizes = [1], strides = [1]} : vector<16xf32> to vector<1xf32>
    %squeeze3A_313 = vector.extract %slice3A_312[0] : f32 from vector<1xf32>
    %add3A_314 = arith.addf %add3A_311, %squeeze3A_313 : f32
    %slice3A_315 = vector.extract_strided_slice %scan3A_220#1 {offsets = [15], sizes = [1], strides = [1]} : vector<16xf32> to vector<1xf32>
    %squeeze3A_316 = vector.extract %slice3A_315[0] : f32 from vector<1xf32>
    %add3A_317 = arith.addf %add3A_314, %squeeze3A_316 : f32
    %mul3A_318 = arith.constant 1.22070313E-4 : f32
    %mul3A_319 = arith.mulf %add3A_317, %mul3A_318 : f32
    %mul3A_320 = arith.constant 1.25331414 : f32
    %mul3A_321 = arith.mulf %mul3A_319, %mul3A_320 : f32
    %mul3A_322 = arith.constant 1.471000e-03 : f32
    %mul3A_323 = arith.mulf %mul3A_321, %mul3A_322 : f32
    %mul3A_324 = arith.constant -2.417700e+00 : f32
    %mul3A_325 = arith.mulf %mul3A_321, %mul3A_324 : f32
    %add3A_326 = arith.addf %mul3A_270, %mul3A_325 : f32
    %bitcast_convert_type3A_327 = arith.bitcast %add3A_326 : f32 to i32
    %ge3A_328 = arith.constant -2147483648 : i32
    %ge3A_329 = arith.cmpi uge, %bitcast_convert_type3A_327, %ge3A_328 : i32
    %not3A_330 = arith.constant -1 : i32
    %not3A_331 = arith.xori %bitcast_convert_type3A_327, %not3A_330 : i32
    %or3A_332 = arith.constant -2147483648 : i32
    %or3A_333 = arith.ori %bitcast_convert_type3A_327, %or3A_332 : i32
    %select_n3A_334 = arith.select %ge3A_329, %not3A_331, %or3A_333 : i32
    %jit3A_335 = arith.constant 1 : i32
    %jit3A_336 = arith.constant -8388609 : i32
    %max3A_337 = arith.maxui %jit3A_335, %select_n3A_334 : i32
    %min3A_338 = arith.minui %jit3A_336, %max3A_337 : i32
    %swap3A_339 = arith.constant 0 : i32
    %swap3A_340 = arith.index_cast %swap3A_339 : i32 to index
    %swap3A_341 = memref.load %arg7[%swap3A_340] : memref<8xi32, #tpu.memory_space<smem>>
    memref.store %min3A_338, %arg7[%swap3A_340] : memref<8xi32, #tpu.memory_space<smem>>
    %swap3A_342 = arith.constant 0 : i32
    %swap3A_343 = arith.constant 1 : i32
    %swap3A_344 = arith.index_cast %swap3A_343 : i32 to index
    %swap3A_345 = memref.load %arg7[%swap3A_344] : memref<8xi32, #tpu.memory_space<smem>>
    memref.store %swap3A_342, %arg7[%swap3A_344] : memref<8xi32, #tpu.memory_space<smem>>
    %swap3A_346 = arith.constant -8388608 : i32
    %swap3A_347 = arith.constant 2 : i32
    %swap3A_348 = arith.index_cast %swap3A_347 : i32 to index
    %swap3A_349 = memref.load %arg7[%swap3A_348] : memref<8xi32, #tpu.memory_space<smem>>
    memref.store %swap3A_346, %arg7[%swap3A_348] : memref<8xi32, #tpu.memory_space<smem>>
    %swap3A_350 = arith.constant 0 : i32
    %swap3A_351 = arith.constant 3 : i32
    %swap3A_352 = arith.index_cast %swap3A_351 : i32 to index
    %swap3A_353 = memref.load %arg7[%swap3A_352] : memref<8xi32, #tpu.memory_space<smem>>
    memref.store %swap3A_350, %arg7[%swap3A_352] : memref<8xi32, #tpu.memory_space<smem>>
    %swap3A_354 = arith.constant 32768 : i32
    %swap3A_355 = arith.constant 4 : i32
    %swap3A_356 = arith.index_cast %swap3A_355 : i32 to index
    %swap3A_357 = memref.load %arg7[%swap3A_356] : memref<8xi32, #tpu.memory_space<smem>>
    memref.store %swap3A_354, %arg7[%swap3A_356] : memref<8xi32, #tpu.memory_space<smem>>
    %swap3A_358 = arith.constant 0 : i32
    %swap3A_359 = arith.constant 5 : i32
    %swap3A_360 = arith.index_cast %swap3A_359 : i32 to index
    %swap3A_361 = memref.load %arg7[%swap3A_360] : memref<8xi32, #tpu.memory_space<smem>>
    memref.store %swap3A_358, %arg7[%swap3A_360] : memref<8xi32, #tpu.memory_space<smem>>
    %swap3A_362 = arith.constant -8388608 : i32
    %swap3A_363 = arith.constant 6 : i32
    %swap3A_364 = arith.index_cast %swap3A_363 : i32 to index
    %swap3A_365 = memref.load %arg7[%swap3A_364] : memref<8xi32, #tpu.memory_space<smem>>
    memref.store %swap3A_362, %arg7[%swap3A_364] : memref<8xi32, #tpu.memory_space<smem>>
    %scan3A_366 = arith.constant 0 : i32
    %scan3A_367 = arith.constant 0 : i32
    %scan3A_368 = arith.constant 40 : i32
    %scan3A_369 = arith.addi %scan3A_367, %scan3A_368 : i32
    %scan3A_370 = arith.constant 1 : i32
    scf.for %scan3A_808 = %scan3A_367 to %scan3A_369 step %scan3A_370  : i32 {
      %get3A_809 = arith.constant 5 : i32
      %get3A_810 = arith.index_cast %get3A_809 : i32 to index
      %get3A_811 = memref.load %arg7[%get3A_810] : memref<8xi32, #tpu.memory_space<smem>>
      %eq3A = arith.constant 0 : i32
      %eq3A_812 = arith.cmpi eq, %get3A_811, %eq3A : i32
      %convert_element_type3A = arith.extui %eq3A_812 : i1 to i32
      %cond3A = arith.constant 0 : i32
      %cond3A_813 = arith.cmpi ne, %convert_element_type3A, %cond3A : i32
      scf.if %cond3A_813 {
        %get3A_814 = arith.constant 0 : i32
        %get3A_815 = arith.index_cast %get3A_814 : i32 to index
        %get3A_816 = memref.load %arg7[%get3A_815] : memref<8xi32, #tpu.memory_space<smem>>
        %ge3A_817 = arith.constant -2147483648 : i32
        %ge3A_818 = arith.cmpi uge, %get3A_816, %ge3A_817 : i32
        %xor3A_819 = arith.constant -2147483648 : i32
        %xor3A_820 = arith.xori %get3A_816, %xor3A_819 : i32
        %not3A_821 = arith.constant -1 : i32
        %not3A_822 = arith.xori %get3A_816, %not3A_821 : i32
        %select_n3A_823 = arith.select %ge3A_818, %xor3A_820, %not3A_822 : i32
        %bitcast_convert_type3A_824 = arith.bitcast %select_n3A_823 : i32 to f32
        %broadcast_in_dim3A_825 = vector.broadcast %bitcast_convert_type3A_824 : f32 to vector<16xf32>
        %broadcast_in_dim3A_826 = arith.constant 1 : i32
        %broadcast_in_dim3A_827 = vector.broadcast %broadcast_in_dim3A_826 : i32 to vector<16xi32>
        %broadcast_in_dim3A_828 = arith.constant 0 : i32
        %broadcast_in_dim3A_829 = vector.broadcast %broadcast_in_dim3A_828 : i32 to vector<16xi32>
        %scan3A_830 = arith.constant 0 : i32
        %scan3A_831 = arith.constant 64 : i32
        %scan3A_832 = arith.addi %scan3A_830, %scan3A_831 : i32
        %scan3A_833 = arith.constant 1 : i32
        %scan3A_834 = scf.for %scan3A_985 = %scan3A_830 to %scan3A_832 step %scan3A_833 iter_args(%scan3A_986 = %broadcast_in_dim3A_829) -> (vector<16xi32>)  : i32 {
          %mul3A_987 = arith.constant 512 : i32
          %mul3A_988 = arith.muli %scan3A_985, %mul3A_987 : i32
          %add3A_989 = arith.constant 0 : i32
          %add3A_990 = arith.addi %mul3A_988, %add3A_989 : i32
          %get3A_991 = arith.index_cast %add3A_990 : i32 to index
          %get3A_992 = tpu.vector_load %arg5[%get3A_991] {strides = array<i32>} : memref<32768xf32, #tpu.memory_space<vmem>>, vector<16xf32>,
          %get3A_993 = vector.shape_cast %get3A_992 : vector<16xf32> to vector<16xf32>
          %lt3A_994 = arith.cmpf olt, %get3A_993, %broadcast_in_dim3A_825 : vector<16xf32>
          %select_n3A_995 = arith.select %lt3A_994, %broadcast_in_dim3A_827, %broadcast_in_dim3A_829 : vector<16xi1>, vector<16xi32>
          %add3A_996 = arith.constant 16 : i32
          %add3A_997 = arith.addi %mul3A_988, %add3A_996 : i32
          %get3A_998 = arith.index_cast %add3A_997 : i32 to index
          %get3A_999 = tpu.vector_load %arg5[%get3A_998] {strides = array<i32>} : memref<32768xf32, #tpu.memory_space<vmem>>, vector<16xf32>,
          %get3A_1000 = vector.shape_cast %get3A_999 : vector<16xf32> to vector<16xf32>
          %lt3A_1001 = arith.cmpf olt, %get3A_1000, %broadcast_in_dim3A_825 : vector<16xf32>
          %select_n3A_1002 = arith.select %lt3A_1001, %broadcast_in_dim3A_827, %broadcast_in_dim3A_829 : vector<16xi1>, vector<16xi32>
          %add3A_1003 = arith.constant 32 : i32
          %add3A_1004 = arith.addi %mul3A_988, %add3A_1003 : i32
          %get3A_1005 = arith.index_cast %add3A_1004 : i32 to index
          %get3A_1006 = tpu.vector_load %arg5[%get3A_1005] {strides = array<i32>} : memref<32768xf32, #tpu.memory_space<vmem>>, vector<16xf32>,
          %get3A_1007 = vector.shape_cast %get3A_1006 : vector<16xf32> to vector<16xf32>
          %lt3A_1008 = arith.cmpf olt, %get3A_1007, %broadcast_in_dim3A_825 : vector<16xf32>
          %select_n3A_1009 = arith.select %lt3A_1008, %broadcast_in_dim3A_827, %broadcast_in_dim3A_829 : vector<16xi1>, vector<16xi32>
          %add3A_1010 = arith.constant 48 : i32
          %add3A_1011 = arith.addi %mul3A_988, %add3A_1010 : i32
          %get3A_1012 = arith.index_cast %add3A_1011 : i32 to index
          %get3A_1013 = tpu.vector_load %arg5[%get3A_1012] {strides = array<i32>} : memref<32768xf32, #tpu.memory_space<vmem>>, vector<16xf32>,
          %get3A_1014 = vector.shape_cast %get3A_1013 : vector<16xf32> to vector<16xf32>
          %lt3A_1015 = arith.cmpf olt, %get3A_1014, %broadcast_in_dim3A_825 : vector<16xf32>
          %select_n3A_1016 = arith.select %lt3A_1015, %broadcast_in_dim3A_827, %broadcast_in_dim3A_829 : vector<16xi1>, vector<16xi32>
          %add3A_1017 = arith.constant 64 : i32
          %add3A_1018 = arith.addi %mul3A_988, %add3A_1017 : i32
          %get3A_1019 = arith.index_cast %add3A_1018 : i32 to index
          %get3A_1020 = tpu.vector_load %arg5[%get3A_1019] {strides = array<i32>} : memref<32768xf32, #tpu.memory_space<vmem>>, vector<16xf32>,
          %get3A_1021 = vector.shape_cast %get3A_1020 : vector<16xf32> to vector<16xf32>
          %lt3A_1022 = arith.cmpf olt, %get3A_1021, %broadcast_in_dim3A_825 : vector<16xf32>
          %select_n3A_1023 = arith.select %lt3A_1022, %broadcast_in_dim3A_827, %broadcast_in_dim3A_829 : vector<16xi1>, vector<16xi32>
          %add3A_1024 = arith.constant 80 : i32
          %add3A_1025 = arith.addi %mul3A_988, %add3A_1024 : i32
          %get3A_1026 = arith.index_cast %add3A_1025 : i32 to index
          %get3A_1027 = tpu.vector_load %arg5[%get3A_1026] {strides = array<i32>} : memref<32768xf32, #tpu.memory_space<vmem>>, vector<16xf32>,
          %get3A_1028 = vector.shape_cast %get3A_1027 : vector<16xf32> to vector<16xf32>
          %lt3A_1029 = arith.cmpf olt, %get3A_1028, %broadcast_in_dim3A_825 : vector<16xf32>
          %select_n3A_1030 = arith.select %lt3A_1029, %broadcast_in_dim3A_827, %broadcast_in_dim3A_829 : vector<16xi1>, vector<16xi32>
          %add3A_1031 = arith.constant 96 : i32
          %add3A_1032 = arith.addi %mul3A_988, %add3A_1031 : i32
          %get3A_1033 = arith.index_cast %add3A_1032 : i32 to index
          %get3A_1034 = tpu.vector_load %arg5[%get3A_1033] {strides = array<i32>} : memref<32768xf32, #tpu.memory_space<vmem>>, vector<16xf32>,
          %get3A_1035 = vector.shape_cast %get3A_1034 : vector<16xf32> to vector<16xf32>
          %lt3A_1036 = arith.cmpf olt, %get3A_1035, %broadcast_in_dim3A_825 : vector<16xf32>
          %select_n3A_1037 = arith.select %lt3A_1036, %broadcast_in_dim3A_827, %broadcast_in_dim3A_829 : vector<16xi1>, vector<16xi32>
          %add3A_1038 = arith.constant 112 : i32
          %add3A_1039 = arith.addi %mul3A_988, %add3A_1038 : i32
          %get3A_1040 = arith.index_cast %add3A_1039 : i32 to index
          %get3A_1041 = tpu.vector_load %arg5[%get3A_1040] {strides = array<i32>} : memref<32768xf32, #tpu.memory_space<vmem>>, vector<16xf32>,
          %get3A_1042 = vector.shape_cast %get3A_1041 : vector<16xf32> to vector<16xf32>
          %lt3A_1043 = arith.cmpf olt, %get3A_1042, %broadcast_in_dim3A_825 : vector<16xf32>
          %select_n3A_1044 = arith.select %lt3A_1043, %broadcast_in_dim3A_827, %broadcast_in_dim3A_829 : vector<16xi1>, vector<16xi32>
          %add3A_1045 = arith.constant 128 : i32
          %add3A_1046 = arith.addi %mul3A_988, %add3A_1045 : i32
          %get3A_1047 = arith.index_cast %add3A_1046 : i32 to index
          %get3A_1048 = tpu.vector_load %arg5[%get3A_1047] {strides = array<i32>} : memref<32768xf32, #tpu.memory_space<vmem>>, vector<16xf32>,
          %get3A_1049 = vector.shape_cast %get3A_1048 : vector<16xf32> to vector<16xf32>
          %lt3A_1050 = arith.cmpf olt, %get3A_1049, %broadcast_in_dim3A_825 : vector<16xf32>
          %select_n3A_1051 = arith.select %lt3A_1050, %broadcast_in_dim3A_827, %broadcast_in_dim3A_829 : vector<16xi1>, vector<16xi32>
          %add3A_1052 = arith.constant 144 : i32
          %add3A_1053 = arith.addi %mul3A_988, %add3A_1052 : i32
          %get3A_1054 = arith.index_cast %add3A_1053 : i32 to index
          %get3A_1055 = tpu.vector_load %arg5[%get3A_1054] {strides = array<i32>} : memref<32768xf32, #tpu.memory_space<vmem>>, vector<16xf32>,
          %get3A_1056 = vector.shape_cast %get3A_1055 : vector<16xf32> to vector<16xf32>
          %lt3A_1057 = arith.cmpf olt, %get3A_1056, %broadcast_in_dim3A_825 : vector<16xf32>
          %select_n3A_1058 = arith.select %lt3A_1057, %broadcast_in_dim3A_827, %broadcast_in_dim3A_829 : vector<16xi1>, vector<16xi32>
          %add3A_1059 = arith.constant 160 : i32
          %add3A_1060 = arith.addi %mul3A_988, %add3A_1059 : i32
          %get3A_1061 = arith.index_cast %add3A_1060 : i32 to index
          %get3A_1062 = tpu.vector_load %arg5[%get3A_1061] {strides = array<i32>} : memref<32768xf32, #tpu.memory_space<vmem>>, vector<16xf32>,
          %get3A_1063 = vector.shape_cast %get3A_1062 : vector<16xf32> to vector<16xf32>
          %lt3A_1064 = arith.cmpf olt, %get3A_1063, %broadcast_in_dim3A_825 : vector<16xf32>
          %select_n3A_1065 = arith.select %lt3A_1064, %broadcast_in_dim3A_827, %broadcast_in_dim3A_829 : vector<16xi1>, vector<16xi32>
          %add3A_1066 = arith.constant 176 : i32
          %add3A_1067 = arith.addi %mul3A_988, %add3A_1066 : i32
          %get3A_1068 = arith.index_cast %add3A_1067 : i32 to index
          %get3A_1069 = tpu.vector_load %arg5[%get3A_1068] {strides = array<i32>} : memref<32768xf32, #tpu.memory_space<vmem>>, vector<16xf32>,
          %get3A_1070 = vector.shape_cast %get3A_1069 : vector<16xf32> to vector<16xf32>
          %lt3A_1071 = arith.cmpf olt, %get3A_1070, %broadcast_in_dim3A_825 : vector<16xf32>
          %select_n3A_1072 = arith.select %lt3A_1071, %broadcast_in_dim3A_827, %broadcast_in_dim3A_829 : vector<16xi1>, vector<16xi32>
          %add3A_1073 = arith.constant 192 : i32
          %add3A_1074 = arith.addi %mul3A_988, %add3A_1073 : i32
          %get3A_1075 = arith.index_cast %add3A_1074 : i32 to index
          %get3A_1076 = tpu.vector_load %arg5[%get3A_1075] {strides = array<i32>} : memref<32768xf32, #tpu.memory_space<vmem>>, vector<16xf32>,
          %get3A_1077 = vector.shape_cast %get3A_1076 : vector<16xf32> to vector<16xf32>
          %lt3A_1078 = arith.cmpf olt, %get3A_1077, %broadcast_in_dim3A_825 : vector<16xf32>
          %select_n3A_1079 = arith.select %lt3A_1078, %broadcast_in_dim3A_827, %broadcast_in_dim3A_829 : vector<16xi1>, vector<16xi32>
          %add3A_1080 = arith.constant 208 : i32
          %add3A_1081 = arith.addi %mul3A_988, %add3A_1080 : i32
          %get3A_1082 = arith.index_cast %add3A_1081 : i32 to index
          %get3A_1083 = tpu.vector_load %arg5[%get3A_1082] {strides = array<i32>} : memref<32768xf32, #tpu.memory_space<vmem>>, vector<16xf32>,
          %get3A_1084 = vector.shape_cast %get3A_1083 : vector<16xf32> to vector<16xf32>
          %lt3A_1085 = arith.cmpf olt, %get3A_1084, %broadcast_in_dim3A_825 : vector<16xf32>
          %select_n3A_1086 = arith.select %lt3A_1085, %broadcast_in_dim3A_827, %broadcast_in_dim3A_829 : vector<16xi1>, vector<16xi32>
          %add3A_1087 = arith.constant 224 : i32
          %add3A_1088 = arith.addi %mul3A_988, %add3A_1087 : i32
          %get3A_1089 = arith.index_cast %add3A_1088 : i32 to index
          %get3A_1090 = tpu.vector_load %arg5[%get3A_1089] {strides = array<i32>} : memref<32768xf32, #tpu.memory_space<vmem>>, vector<16xf32>,
          %get3A_1091 = vector.shape_cast %get3A_1090 : vector<16xf32> to vector<16xf32>
          %lt3A_1092 = arith.cmpf olt, %get3A_1091, %broadcast_in_dim3A_825 : vector<16xf32>
          %select_n3A_1093 = arith.select %lt3A_1092, %broadcast_in_dim3A_827, %broadcast_in_dim3A_829 : vector<16xi1>, vector<16xi32>
          %add3A_1094 = arith.constant 240 : i32
          %add3A_1095 = arith.addi %mul3A_988, %add3A_1094 : i32
          %get3A_1096 = arith.index_cast %add3A_1095 : i32 to index
          %get3A_1097 = tpu.vector_load %arg5[%get3A_1096] {strides = array<i32>} : memref<32768xf32, #tpu.memory_space<vmem>>, vector<16xf32>,
          %get3A_1098 = vector.shape_cast %get3A_1097 : vector<16xf32> to vector<16xf32>
          %lt3A_1099 = arith.cmpf olt, %get3A_1098, %broadcast_in_dim3A_825 : vector<16xf32>
          %select_n3A_1100 = arith.select %lt3A_1099, %broadcast_in_dim3A_827, %broadcast_in_dim3A_829 : vector<16xi1>, vector<16xi32>
          %add3A_1101 = arith.constant 256 : i32
          %add3A_1102 = arith.addi %mul3A_988, %add3A_1101 : i32
          %get3A_1103 = arith.index_cast %add3A_1102 : i32 to index
          %get3A_1104 = tpu.vector_load %arg5[%get3A_1103] {strides = array<i32>} : memref<32768xf32, #tpu.memory_space<vmem>>, vector<16xf32>,
          %get3A_1105 = vector.shape_cast %get3A_1104 : vector<16xf32> to vector<16xf32>
          %lt3A_1106 = arith.cmpf olt, %get3A_1105, %broadcast_in_dim3A_825 : vector<16xf32>
          %select_n3A_1107 = arith.select %lt3A_1106, %broadcast_in_dim3A_827, %broadcast_in_dim3A_829 : vector<16xi1>, vector<16xi32>
          %add3A_1108 = arith.constant 272 : i32
          %add3A_1109 = arith.addi %mul3A_988, %add3A_1108 : i32
          %get3A_1110 = arith.index_cast %add3A_1109 : i32 to index
          %get3A_1111 = tpu.vector_load %arg5[%get3A_1110] {strides = array<i32>} : memref<32768xf32, #tpu.memory_space<vmem>>, vector<16xf32>,
          %get3A_1112 = vector.shape_cast %get3A_1111 : vector<16xf32> to vector<16xf32>
          %lt3A_1113 = arith.cmpf olt, %get3A_1112, %broadcast_in_dim3A_825 : vector<16xf32>
          %select_n3A_1114 = arith.select %lt3A_1113, %broadcast_in_dim3A_827, %broadcast_in_dim3A_829 : vector<16xi1>, vector<16xi32>
          %add3A_1115 = arith.constant 288 : i32
          %add3A_1116 = arith.addi %mul3A_988, %add3A_1115 : i32
          %get3A_1117 = arith.index_cast %add3A_1116 : i32 to index
          %get3A_1118 = tpu.vector_load %arg5[%get3A_1117] {strides = array<i32>} : memref<32768xf32, #tpu.memory_space<vmem>>, vector<16xf32>,
          %get3A_1119 = vector.shape_cast %get3A_1118 : vector<16xf32> to vector<16xf32>
          %lt3A_1120 = arith.cmpf olt, %get3A_1119, %broadcast_in_dim3A_825 : vector<16xf32>
          %select_n3A_1121 = arith.select %lt3A_1120, %broadcast_in_dim3A_827, %broadcast_in_dim3A_829 : vector<16xi1>, vector<16xi32>
          %add3A_1122 = arith.constant 304 : i32
          %add3A_1123 = arith.addi %mul3A_988, %add3A_1122 : i32
          %get3A_1124 = arith.index_cast %add3A_1123 : i32 to index
          %get3A_1125 = tpu.vector_load %arg5[%get3A_1124] {strides = array<i32>} : memref<32768xf32, #tpu.memory_space<vmem>>, vector<16xf32>,
          %get3A_1126 = vector.shape_cast %get3A_1125 : vector<16xf32> to vector<16xf32>
          %lt3A_1127 = arith.cmpf olt, %get3A_1126, %broadcast_in_dim3A_825 : vector<16xf32>
          %select_n3A_1128 = arith.select %lt3A_1127, %broadcast_in_dim3A_827, %broadcast_in_dim3A_829 : vector<16xi1>, vector<16xi32>
          %add3A_1129 = arith.constant 320 : i32
          %add3A_1130 = arith.addi %mul3A_988, %add3A_1129 : i32
          %get3A_1131 = arith.index_cast %add3A_1130 : i32 to index
          %get3A_1132 = tpu.vector_load %arg5[%get3A_1131] {strides = array<i32>} : memref<32768xf32, #tpu.memory_space<vmem>>, vector<16xf32>,
          %get3A_1133 = vector.shape_cast %get3A_1132 : vector<16xf32> to vector<16xf32>
          %lt3A_1134 = arith.cmpf olt, %get3A_1133, %broadcast_in_dim3A_825 : vector<16xf32>
          %select_n3A_1135 = arith.select %lt3A_1134, %broadcast_in_dim3A_827, %broadcast_in_dim3A_829 : vector<16xi1>, vector<16xi32>
          %add3A_1136 = arith.constant 336 : i32
          %add3A_1137 = arith.addi %mul3A_988, %add3A_1136 : i32
          %get3A_1138 = arith.index_cast %add3A_1137 : i32 to index
          %get3A_1139 = tpu.vector_load %arg5[%get3A_1138] {strides = array<i32>} : memref<32768xf32, #tpu.memory_space<vmem>>, vector<16xf32>,
          %get3A_1140 = vector.shape_cast %get3A_1139 : vector<16xf32> to vector<16xf32>
          %lt3A_1141 = arith.cmpf olt, %get3A_1140, %broadcast_in_dim3A_825 : vector<16xf32>
          %select_n3A_1142 = arith.select %lt3A_1141, %broadcast_in_dim3A_827, %broadcast_in_dim3A_829 : vector<16xi1>, vector<16xi32>
          %add3A_1143 = arith.constant 352 : i32
          %add3A_1144 = arith.addi %mul3A_988, %add3A_1143 : i32
          %get3A_1145 = arith.index_cast %add3A_1144 : i32 to index
          %get3A_1146 = tpu.vector_load %arg5[%get3A_1145] {strides = array<i32>} : memref<32768xf32, #tpu.memory_space<vmem>>, vector<16xf32>,
          %get3A_1147 = vector.shape_cast %get3A_1146 : vector<16xf32> to vector<16xf32>
          %lt3A_1148 = arith.cmpf olt, %get3A_1147, %broadcast_in_dim3A_825 : vector<16xf32>
          %select_n3A_1149 = arith.select %lt3A_1148, %broadcast_in_dim3A_827, %broadcast_in_dim3A_829 : vector<16xi1>, vector<16xi32>
          %add3A_1150 = arith.constant 368 : i32
          %add3A_1151 = arith.addi %mul3A_988, %add3A_1150 : i32
          %get3A_1152 = arith.index_cast %add3A_1151 : i32 to index
          %get3A_1153 = tpu.vector_load %arg5[%get3A_1152] {strides = array<i32>} : memref<32768xf32, #tpu.memory_space<vmem>>, vector<16xf32>,
          %get3A_1154 = vector.shape_cast %get3A_1153 : vector<16xf32> to vector<16xf32>
          %lt3A_1155 = arith.cmpf olt, %get3A_1154, %broadcast_in_dim3A_825 : vector<16xf32>
          %select_n3A_1156 = arith.select %lt3A_1155, %broadcast_in_dim3A_827, %broadcast_in_dim3A_829 : vector<16xi1>, vector<16xi32>
          %add3A_1157 = arith.constant 384 : i32
          %add3A_1158 = arith.addi %mul3A_988, %add3A_1157 : i32
          %get3A_1159 = arith.index_cast %add3A_1158 : i32 to index
          %get3A_1160 = tpu.vector_load %arg5[%get3A_1159] {strides = array<i32>} : memref<32768xf32, #tpu.memory_space<vmem>>, vector<16xf32>,
          %get3A_1161 = vector.shape_cast %get3A_1160 : vector<16xf32> to vector<16xf32>
          %lt3A_1162 = arith.cmpf olt, %get3A_1161, %broadcast_in_dim3A_825 : vector<16xf32>
          %select_n3A_1163 = arith.select %lt3A_1162, %broadcast_in_dim3A_827, %broadcast_in_dim3A_829 : vector<16xi1>, vector<16xi32>
          %add3A_1164 = arith.constant 400 : i32
          %add3A_1165 = arith.addi %mul3A_988, %add3A_1164 : i32
          %get3A_1166 = arith.index_cast %add3A_1165 : i32 to index
          %get3A_1167 = tpu.vector_load %arg5[%get3A_1166] {strides = array<i32>} : memref<32768xf32, #tpu.memory_space<vmem>>, vector<16xf32>,
          %get3A_1168 = vector.shape_cast %get3A_1167 : vector<16xf32> to vector<16xf32>
          %lt3A_1169 = arith.cmpf olt, %get3A_1168, %broadcast_in_dim3A_825 : vector<16xf32>
          %select_n3A_1170 = arith.select %lt3A_1169, %broadcast_in_dim3A_827, %broadcast_in_dim3A_829 : vector<16xi1>, vector<16xi32>
          %add3A_1171 = arith.constant 416 : i32
          %add3A_1172 = arith.addi %mul3A_988, %add3A_1171 : i32
          %get3A_1173 = arith.index_cast %add3A_1172 : i32 to index
          %get3A_1174 = tpu.vector_load %arg5[%get3A_1173] {strides = array<i32>} : memref<32768xf32, #tpu.memory_space<vmem>>, vector<16xf32>,
          %get3A_1175 = vector.shape_cast %get3A_1174 : vector<16xf32> to vector<16xf32>
          %lt3A_1176 = arith.cmpf olt, %get3A_1175, %broadcast_in_dim3A_825 : vector<16xf32>
          %select_n3A_1177 = arith.select %lt3A_1176, %broadcast_in_dim3A_827, %broadcast_in_dim3A_829 : vector<16xi1>, vector<16xi32>
          %add3A_1178 = arith.constant 432 : i32
          %add3A_1179 = arith.addi %mul3A_988, %add3A_1178 : i32
          %get3A_1180 = arith.index_cast %add3A_1179 : i32 to index
          %get3A_1181 = tpu.vector_load %arg5[%get3A_1180] {strides = array<i32>} : memref<32768xf32, #tpu.memory_space<vmem>>, vector<16xf32>,
          %get3A_1182 = vector.shape_cast %get3A_1181 : vector<16xf32> to vector<16xf32>
          %lt3A_1183 = arith.cmpf olt, %get3A_1182, %broadcast_in_dim3A_825 : vector<16xf32>
          %select_n3A_1184 = arith.select %lt3A_1183, %broadcast_in_dim3A_827, %broadcast_in_dim3A_829 : vector<16xi1>, vector<16xi32>
          %add3A_1185 = arith.constant 448 : i32
          %add3A_1186 = arith.addi %mul3A_988, %add3A_1185 : i32
          %get3A_1187 = arith.index_cast %add3A_1186 : i32 to index
          %get3A_1188 = tpu.vector_load %arg5[%get3A_1187] {strides = array<i32>} : memref<32768xf32, #tpu.memory_space<vmem>>, vector<16xf32>,
          %get3A_1189 = vector.shape_cast %get3A_1188 : vector<16xf32> to vector<16xf32>
          %lt3A_1190 = arith.cmpf olt, %get3A_1189, %broadcast_in_dim3A_825 : vector<16xf32>
          %select_n3A_1191 = arith.select %lt3A_1190, %broadcast_in_dim3A_827, %broadcast_in_dim3A_829 : vector<16xi1>, vector<16xi32>
          %add3A_1192 = arith.constant 464 : i32
          %add3A_1193 = arith.addi %mul3A_988, %add3A_1192 : i32
          %get3A_1194 = arith.index_cast %add3A_1193 : i32 to index
          %get3A_1195 = tpu.vector_load %arg5[%get3A_1194] {strides = array<i32>} : memref<32768xf32, #tpu.memory_space<vmem>>, vector<16xf32>,
          %get3A_1196 = vector.shape_cast %get3A_1195 : vector<16xf32> to vector<16xf32>
          %lt3A_1197 = arith.cmpf olt, %get3A_1196, %broadcast_in_dim3A_825 : vector<16xf32>
          %select_n3A_1198 = arith.select %lt3A_1197, %broadcast_in_dim3A_827, %broadcast_in_dim3A_829 : vector<16xi1>, vector<16xi32>
          %add3A_1199 = arith.constant 480 : i32
          %add3A_1200 = arith.addi %mul3A_988, %add3A_1199 : i32
          %get3A_1201 = arith.index_cast %add3A_1200 : i32 to index
          %get3A_1202 = tpu.vector_load %arg5[%get3A_1201] {strides = array<i32>} : memref<32768xf32, #tpu.memory_space<vmem>>, vector<16xf32>,
          %get3A_1203 = vector.shape_cast %get3A_1202 : vector<16xf32> to vector<16xf32>
          %lt3A_1204 = arith.cmpf olt, %get3A_1203, %broadcast_in_dim3A_825 : vector<16xf32>
          %select_n3A_1205 = arith.select %lt3A_1204, %broadcast_in_dim3A_827, %broadcast_in_dim3A_829 : vector<16xi1>, vector<16xi32>
          %add3A_1206 = arith.constant 496 : i32
          %add3A_1207 = arith.addi %mul3A_988, %add3A_1206 : i32
          %get3A_1208 = arith.index_cast %add3A_1207 : i32 to index
          %get3A_1209 = tpu.vector_load %arg5[%get3A_1208] {strides = array<i32>} : memref<32768xf32, #tpu.memory_space<vmem>>, vector<16xf32>,
          %get3A_1210 = vector.shape_cast %get3A_1209 : vector<16xf32> to vector<16xf32>
          %lt3A_1211 = arith.cmpf olt, %get3A_1210, %broadcast_in_dim3A_825 : vector<16xf32>
          %select_n3A_1212 = arith.select %lt3A_1211, %broadcast_in_dim3A_827, %broadcast_in_dim3A_829 : vector<16xi1>, vector<16xi32>
          %add3A_1213 = arith.addi %select_n3A_995, %select_n3A_1002 : vector<16xi32>
          %add3A_1214 = arith.addi %select_n3A_1009, %select_n3A_1016 : vector<16xi32>
          %add3A_1215 = arith.addi %select_n3A_1023, %select_n3A_1030 : vector<16xi32>
          %add3A_1216 = arith.addi %select_n3A_1037, %select_n3A_1044 : vector<16xi32>
          %add3A_1217 = arith.addi %select_n3A_1051, %select_n3A_1058 : vector<16xi32>
          %add3A_1218 = arith.addi %select_n3A_1065, %select_n3A_1072 : vector<16xi32>
          %add3A_1219 = arith.addi %select_n3A_1079, %select_n3A_1086 : vector<16xi32>
          %add3A_1220 = arith.addi %select_n3A_1093, %select_n3A_1100 : vector<16xi32>
          %add3A_1221 = arith.addi %select_n3A_1107, %select_n3A_1114 : vector<16xi32>
          %add3A_1222 = arith.addi %select_n3A_1121, %select_n3A_1128 : vector<16xi32>
          %add3A_1223 = arith.addi %select_n3A_1135, %select_n3A_1142 : vector<16xi32>
          %add3A_1224 = arith.addi %select_n3A_1149, %select_n3A_1156 : vector<16xi32>
          %add3A_1225 = arith.addi %select_n3A_1163, %select_n3A_1170 : vector<16xi32>
          %add3A_1226 = arith.addi %select_n3A_1177, %select_n3A_1184 : vector<16xi32>
          %add3A_1227 = arith.addi %select_n3A_1191, %select_n3A_1198 : vector<16xi32>
          %add3A_1228 = arith.addi %select_n3A_1205, %select_n3A_1212 : vector<16xi32>
          %add3A_1229 = arith.addi %add3A_1213, %add3A_1214 : vector<16xi32>
          %add3A_1230 = arith.addi %add3A_1215, %add3A_1216 : vector<16xi32>
          %add3A_1231 = arith.addi %add3A_1217, %add3A_1218 : vector<16xi32>
          %add3A_1232 = arith.addi %add3A_1219, %add3A_1220 : vector<16xi32>
          %add3A_1233 = arith.addi %add3A_1221, %add3A_1222 : vector<16xi32>
          %add3A_1234 = arith.addi %add3A_1223, %add3A_1224 : vector<16xi32>
          %add3A_1235 = arith.addi %add3A_1225, %add3A_1226 : vector<16xi32>
          %add3A_1236 = arith.addi %add3A_1227, %add3A_1228 : vector<16xi32>
          %add3A_1237 = arith.addi %add3A_1229, %add3A_1230 : vector<16xi32>
          %add3A_1238 = arith.addi %add3A_1231, %add3A_1232 : vector<16xi32>
          %add3A_1239 = arith.addi %add3A_1233, %add3A_1234 : vector<16xi32>
          %add3A_1240 = arith.addi %add3A_1235, %add3A_1236 : vector<16xi32>
          %add3A_1241 = arith.addi %add3A_1237, %add3A_1238 : vector<16xi32>
          %add3A_1242 = arith.addi %add3A_1239, %add3A_1240 : vector<16xi32>
          %add3A_1243 = arith.addi %add3A_1241, %add3A_1242 : vector<16xi32>
          %add3A_1244 = arith.addi %scan3A_986, %add3A_1243 : vector<16xi32>
          scf.yield %add3A_1244 : vector<16xi32>
        }
        %scan3A_835 = arith.constant 64 : i32
        %slice3A_836 = vector.extract_strided_slice %scan3A_834 {offsets = [0], sizes = [1], strides = [1]} : vector<16xi32> to vector<1xi32>
        %squeeze3A_837 = vector.extract %slice3A_836[0] : i32 from vector<1xi32>
        %slice3A_838 = vector.extract_strided_slice %scan3A_834 {offsets = [1], sizes = [1], strides = [1]} : vector<16xi32> to vector<1xi32>
        %squeeze3A_839 = vector.extract %slice3A_838[0] : i32 from vector<1xi32>
        %add3A_840 = arith.addi %squeeze3A_837, %squeeze3A_839 : i32
        %slice3A_841 = vector.extract_strided_slice %scan3A_834 {offsets = [2], sizes = [1], strides = [1]} : vector<16xi32> to vector<1xi32>
        %squeeze3A_842 = vector.extract %slice3A_841[0] : i32 from vector<1xi32>
        %add3A_843 = arith.addi %add3A_840, %squeeze3A_842 : i32
        %slice3A_844 = vector.extract_strided_slice %scan3A_834 {offsets = [3], sizes = [1], strides = [1]} : vector<16xi32> to vector<1xi32>
        %squeeze3A_845 = vector.extract %slice3A_844[0] : i32 from vector<1xi32>
        %add3A_846 = arith.addi %add3A_843, %squeeze3A_845 : i32
        %slice3A_847 = vector.extract_strided_slice %scan3A_834 {offsets = [4], sizes = [1], strides = [1]} : vector<16xi32> to vector<1xi32>
        %squeeze3A_848 = vector.extract %slice3A_847[0] : i32 from vector<1xi32>
        %add3A_849 = arith.addi %add3A_846, %squeeze3A_848 : i32
        %slice3A_850 = vector.extract_strided_slice %scan3A_834 {offsets = [5], sizes = [1], strides = [1]} : vector<16xi32> to vector<1xi32>
        %squeeze3A_851 = vector.extract %slice3A_850[0] : i32 from vector<1xi32>
        %add3A_852 = arith.addi %add3A_849, %squeeze3A_851 : i32
        %slice3A_853 = vector.extract_strided_slice %scan3A_834 {offsets = [6], sizes = [1], strides = [1]} : vector<16xi32> to vector<1xi32>
        %squeeze3A_854 = vector.extract %slice3A_853[0] : i32 from vector<1xi32>
        %add3A_855 = arith.addi %add3A_852, %squeeze3A_854 : i32
        %slice3A_856 = vector.extract_strided_slice %scan3A_834 {offsets = [7], sizes = [1], strides = [1]} : vector<16xi32> to vector<1xi32>
        %squeeze3A_857 = vector.extract %slice3A_856[0] : i32 from vector<1xi32>
        %add3A_858 = arith.addi %add3A_855, %squeeze3A_857 : i32
        %slice3A_859 = vector.extract_strided_slice %scan3A_834 {offsets = [8], sizes = [1], strides = [1]} : vector<16xi32> to vector<1xi32>
        %squeeze3A_860 = vector.extract %slice3A_859[0] : i32 from vector<1xi32>
        %add3A_861 = arith.addi %add3A_858, %squeeze3A_860 : i32
        %slice3A_862 = vector.extract_strided_slice %scan3A_834 {offsets = [9], sizes = [1], strides = [1]} : vector<16xi32> to vector<1xi32>
        %squeeze3A_863 = vector.extract %slice3A_862[0] : i32 from vector<1xi32>
        %add3A_864 = arith.addi %add3A_861, %squeeze3A_863 : i32
        %slice3A_865 = vector.extract_strided_slice %scan3A_834 {offsets = [10], sizes = [1], strides = [1]} : vector<16xi32> to vector<1xi32>
        %squeeze3A_866 = vector.extract %slice3A_865[0] : i32 from vector<1xi32>
        %add3A_867 = arith.addi %add3A_864, %squeeze3A_866 : i32
        %slice3A_868 = vector.extract_strided_slice %scan3A_834 {offsets = [11], sizes = [1], strides = [1]} : vector<16xi32> to vector<1xi32>
        %squeeze3A_869 = vector.extract %slice3A_868[0] : i32 from vector<1xi32>
        %add3A_870 = arith.addi %add3A_867, %squeeze3A_869 : i32
        %slice3A_871 = vector.extract_strided_slice %scan3A_834 {offsets = [12], sizes = [1], strides = [1]} : vector<16xi32> to vector<1xi32>
        %squeeze3A_872 = vector.extract %slice3A_871[0] : i32 from vector<1xi32>
        %add3A_873 = arith.addi %add3A_870, %squeeze3A_872 : i32
        %slice3A_874 = vector.extract_strided_slice %scan3A_834 {offsets = [13], sizes = [1], strides = [1]} : vector<16xi32> to vector<1xi32>
        %squeeze3A_875 = vector.extract %slice3A_874[0] : i32 from vector<1xi32>
        %add3A_876 = arith.addi %add3A_873, %squeeze3A_875 : i32
        %slice3A_877 = vector.extract_strided_slice %scan3A_834 {offsets = [14], sizes = [1], strides = [1]} : vector<16xi32> to vector<1xi32>
        %squeeze3A_878 = vector.extract %slice3A_877[0] : i32 from vector<1xi32>
        %add3A_879 = arith.addi %add3A_876, %squeeze3A_878 : i32
        %slice3A_880 = vector.extract_strided_slice %scan3A_834 {offsets = [15], sizes = [1], strides = [1]} : vector<16xi32> to vector<1xi32>
        %squeeze3A_881 = vector.extract %slice3A_880[0] : i32 from vector<1xi32>
        %add3A_882 = arith.addi %add3A_879, %squeeze3A_881 : i32
        %get3A_883 = arith.constant 1 : i32
        %get3A_884 = arith.index_cast %get3A_883 : i32 to index
        %get3A_885 = memref.load %arg7[%get3A_884] : memref<8xi32, #tpu.memory_space<smem>>
        %get3A_886 = arith.constant 2 : i32
        %get3A_887 = arith.index_cast %get3A_886 : i32 to index
        %get3A_888 = memref.load %arg7[%get3A_887] : memref<8xi32, #tpu.memory_space<smem>>
        %get3A_889 = arith.constant 3 : i32
        %get3A_890 = arith.index_cast %get3A_889 : i32 to index
        %get3A_891 = memref.load %arg7[%get3A_890] : memref<8xi32, #tpu.memory_space<smem>>
        %get3A_892 = arith.constant 4 : i32
        %get3A_893 = arith.index_cast %get3A_892 : i32 to index
        %get3A_894 = memref.load %arg7[%get3A_893] : memref<8xi32, #tpu.memory_space<smem>>
        %eq3A_895 = arith.constant 256 : i32
        %eq3A_896 = arith.cmpi eq, %add3A_882, %eq3A_895 : i32
        %lt3A = arith.constant 256 : i32
        %lt3A_897 = arith.cmpi slt, %add3A_882, %lt3A : i32
        %select_n3A_898 = arith.select %lt3A_897, %get3A_816, %get3A_885 : i32
        %select_n3A_899 = arith.select %lt3A_897, %add3A_882, %get3A_891 : i32
        %select_n3A_900 = arith.select %lt3A_897, %get3A_888, %get3A_816 : i32
        %select_n3A_901 = arith.select %lt3A_897, %get3A_894, %add3A_882 : i32
        %sub3A = arith.subi %select_n3A_900, %select_n3A_898 : i32
        %le3A = arith.constant 1 : i32
        %le3A_902 = arith.cmpi ule, %sub3A, %le3A : i32
        %or3A_903 = arith.ori %eq3A_896, %le3A_902 : i1
        %select_n3A_904 = arith.select %eq3A_896, %get3A_816, %select_n3A_900 : i32
        %sub3A_905 = arith.subi %select_n3A_900, %select_n3A_898 : i32
        %convert_element_type3A_906 = arith.uitofp %sub3A_905 : i32 to f32
        %sub3A_907 = arith.constant 256 : i32
        %sub3A_908 = arith.subi %sub3A_907, %select_n3A_899 : i32
        %convert_element_type3A_909 = arith.sitofp %sub3A_908 : i32 to f32
        %sub3A_910 = arith.subi %select_n3A_901, %select_n3A_899 : i32
        %convert_element_type3A_911 = arith.sitofp %sub3A_910 : i32 to f32
        %bitcast_convert_type3A_912 = arith.bitcast %convert_element_type3A_911 : f32 to i32
        %sub3A_913 = arith.constant 2129859011 : i32
        %sub3A_914 = arith.subi %sub3A_913, %bitcast_convert_type3A_912 : i32
        %bitcast_convert_type3A_915 = arith.bitcast %sub3A_914 : i32 to f32
        %mul3A_916 = arith.mulf %convert_element_type3A_911, %bitcast_convert_type3A_915 : f32
        %sub3A_917 = arith.constant 2.000000e+00 : f32
        %sub3A_918 = arith.subf %sub3A_917, %mul3A_916 : f32
        %mul3A_919 = arith.mulf %bitcast_convert_type3A_915, %sub3A_918 : f32
        %mul3A_920 = arith.mulf %convert_element_type3A_911, %mul3A_919 : f32
        %sub3A_921 = arith.constant 2.000000e+00 : f32
        %sub3A_922 = arith.subf %sub3A_921, %mul3A_920 : f32
        %mul3A_923 = arith.mulf %mul3A_919, %sub3A_922 : f32
        %mul3A_924 = arith.mulf %convert_element_type3A_909, %mul3A_923 : f32
        %mul3A_925 = arith.mulf %convert_element_type3A_906, %mul3A_924 : f32
        %convert_element_type3A_926 = arith.fptoui %mul3A_925 : f32 to i32
        %add3A_927 = arith.addi %select_n3A_898, %convert_element_type3A_926 : i32
        %sub3A_928 = arith.subi %select_n3A_900, %select_n3A_898 : i32
        %shift_right_logical3A = arith.constant 1 : i32
        %shift_right_logical3A_929 = arith.shrui %sub3A_928, %shift_right_logical3A : i32
        %add3A_930 = arith.addi %select_n3A_898, %shift_right_logical3A_929 : i32
        %sub3A_931 = arith.constant 256 : i32
        %sub3A_932 = arith.subi %sub3A_931, %add3A_882 : i32
        %convert_element_type3A_933 = arith.sitofp %sub3A_932 : i32 to f32
        %mul3A_934 = arith.mulf %convert_element_type3A_933, %mul3A_323 : f32
        %add3A_935 = arith.addf %bitcast_convert_type3A_824, %mul3A_934 : f32
        %bitcast_convert_type3A_936 = arith.bitcast %add3A_935 : f32 to i32
        %ge3A_937 = arith.constant -2147483648 : i32
        %ge3A_938 = arith.cmpi uge, %bitcast_convert_type3A_936, %ge3A_937 : i32
        %not3A_939 = arith.constant -1 : i32
        %not3A_940 = arith.xori %bitcast_convert_type3A_936, %not3A_939 : i32
        %or3A_941 = arith.constant -2147483648 : i32
        %or3A_942 = arith.ori %bitcast_convert_type3A_936, %or3A_941 : i32
        %select_n3A_943 = arith.select %ge3A_938, %not3A_940, %or3A_942 : i32
        %eq3A_944 = arith.constant 0 : i32
        %eq3A_945 = arith.cmpi eq, %select_n3A_898, %eq3A_944 : i32
        %eq3A_946 = arith.constant -8388608 : i32
        %eq3A_947 = arith.cmpi eq, %select_n3A_900, %eq3A_946 : i32
        %or3A_948 = arith.ori %eq3A_945, %eq3A_947 : i1
        %add3A_949 = arith.constant 1 : i32
        %add3A_950 = arith.addi %scan3A_808, %add3A_949 : i32
        %lt3A_951 = arith.constant 8 : i32
        %lt3A_952 = arith.cmpi slt, %add3A_950, %lt3A_951 : i32
        %and3A = arith.andi %lt3A_952, %or3A_948 : i1
        %select_n3A_953 = arith.select %lt3A_952, %add3A_927, %add3A_930 : i32
        %select_n3A_954 = arith.select %and3A, %select_n3A_943, %select_n3A_953 : i32
        %add3A_955 = arith.constant 1 : i32
        %add3A_956 = arith.addi %select_n3A_898, %add3A_955 : i32
        %sub3A_957 = arith.constant 1 : i32
        %sub3A_958 = arith.subi %select_n3A_900, %sub3A_957 : i32
        %max3A_959 = arith.maxui %add3A_956, %select_n3A_954 : i32
        %min3A_960 = arith.minui %sub3A_958, %max3A_959 : i32
        %swap3A_961 = arith.constant 0 : i32
        %swap3A_962 = arith.index_cast %swap3A_961 : i32 to index
        %swap3A_963 = memref.load %arg7[%swap3A_962] : memref<8xi32, #tpu.memory_space<smem>>
        memref.store %min3A_960, %arg7[%swap3A_962] : memref<8xi32, #tpu.memory_space<smem>>
        %swap3A_964 = arith.constant 1 : i32
        %swap3A_965 = arith.index_cast %swap3A_964 : i32 to index
        %swap3A_966 = memref.load %arg7[%swap3A_965] : memref<8xi32, #tpu.memory_space<smem>>
        memref.store %select_n3A_898, %arg7[%swap3A_965] : memref<8xi32, #tpu.memory_space<smem>>
        %swap3A_967 = arith.constant 2 : i32
        %swap3A_968 = arith.index_cast %swap3A_967 : i32 to index
        %swap3A_969 = memref.load %arg7[%swap3A_968] : memref<8xi32, #tpu.memory_space<smem>>
        memref.store %select_n3A_900, %arg7[%swap3A_968] : memref<8xi32, #tpu.memory_space<smem>>
        %swap3A_970 = arith.constant 3 : i32
        %swap3A_971 = arith.index_cast %swap3A_970 : i32 to index
        %swap3A_972 = memref.load %arg7[%swap3A_971] : memref<8xi32, #tpu.memory_space<smem>>
        memref.store %select_n3A_899, %arg7[%swap3A_971] : memref<8xi32, #tpu.memory_space<smem>>
        %swap3A_973 = arith.constant 4 : i32
        %swap3A_974 = arith.index_cast %swap3A_973 : i32 to index
        %swap3A_975 = memref.load %arg7[%swap3A_974] : memref<8xi32, #tpu.memory_space<smem>>
        memref.store %select_n3A_901, %arg7[%swap3A_974] : memref<8xi32, #tpu.memory_space<smem>>
        %jit3A_976 = arith.constant 1 : i32
        %jit3A_977 = arith.constant 0 : i32
        %select_n3A_978 = arith.select %or3A_903, %jit3A_976, %jit3A_977 : i32
        %swap3A_979 = arith.constant 5 : i32
        %swap3A_980 = arith.index_cast %swap3A_979 : i32 to index
        %swap3A_981 = memref.load %arg7[%swap3A_980] : memref<8xi32, #tpu.memory_space<smem>>
        memref.store %select_n3A_978, %arg7[%swap3A_980] : memref<8xi32, #tpu.memory_space<smem>>
        %swap3A_982 = arith.constant 6 : i32
        %swap3A_983 = arith.index_cast %swap3A_982 : i32 to index
        %swap3A_984 = memref.load %arg7[%swap3A_983] : memref<8xi32, #tpu.memory_space<smem>>
        memref.store %select_n3A_904, %arg7[%swap3A_983] : memref<8xi32, #tpu.memory_space<smem>>
      } else {
      }
    }
    %scan3A_371 = arith.constant 40 : i32
    %get3A_372 = arith.constant 6 : i32
    %get3A_373 = arith.index_cast %get3A_372 : i32 to index
    %get3A_374 = memref.load %arg7[%get3A_373] : memref<8xi32, #tpu.memory_space<smem>>
    %ge3A_375 = arith.constant -2147483648 : i32
    %ge3A_376 = arith.cmpi uge, %get3A_374, %ge3A_375 : i32
    %xor3A_377 = arith.constant -2147483648 : i32
    %xor3A_378 = arith.xori %get3A_374, %xor3A_377 : i32
    %not3A_379 = arith.constant -1 : i32
    %not3A_380 = arith.xori %get3A_374, %not3A_379 : i32
    %select_n3A_381 = arith.select %ge3A_376, %xor3A_378, %not3A_380 : i32
    %bitcast_convert_type3A_382 = arith.bitcast %select_n3A_381 : i32 to f32
    %broadcast_in_dim3A_383 = vector.broadcast %bitcast_convert_type3A_382 : f32 to vector<16xf32>
    %broadcast_in_dim3A_384 = arith.constant 0.000000e+00 : f32
    %broadcast_in_dim3A_385 = vector.broadcast %broadcast_in_dim3A_384 : f32 to vector<16xf32>
    %scan3A_386 = arith.constant 0 : i32
    %scan3A_387 = arith.constant 0 : i32
    %scan3A_388 = arith.constant 128 : i32
    %scan3A_389 = arith.addi %scan3A_387, %scan3A_388 : i32
    %scan3A_390 = arith.constant 1 : i32
    scf.for %scan3A_808 = %scan3A_387 to %scan3A_389 step %scan3A_390  : i32 {
      %mul3A_809 = arith.constant 256 : i32
      %mul3A_810 = arith.muli %scan3A_808, %mul3A_809 : i32
      %add3A_811 = arith.constant 0 : i32
      %add3A_812 = arith.addi %mul3A_810, %add3A_811 : i32
      %get3A_813 = arith.index_cast %add3A_812 : i32 to index
      %get3A_814 = tpu.vector_load %arg5[%get3A_813] {strides = array<i32>} : memref<32768xf32, #tpu.memory_space<vmem>>, vector<16xf32>,
      %get3A_815 = vector.shape_cast %get3A_814 : vector<16xf32> to vector<16xf32>
      %lt3A = arith.cmpf olt, %get3A_815, %broadcast_in_dim3A_383 : vector<16xf32>
      %select_n3A_816 = arith.select %lt3A, %broadcast_in_dim3A_385, %get3A_815 : vector<16xi1>, vector<16xf32>
      %add3A_817 = arith.constant 0 : i32
      %add3A_818 = arith.addi %mul3A_810, %add3A_817 : i32
      %swap3A_819 = arith.index_cast %add3A_818 : i32 to index
      %swap3A_820 = tpu.vector_load %arg5[%swap3A_819] {strides = array<i32>} : memref<32768xf32, #tpu.memory_space<vmem>>, vector<16xf32>,
      %swap3A_821 = vector.shape_cast %swap3A_820 : vector<16xf32> to vector<16xf32>
      %swap3A_822 = vector.shape_cast %select_n3A_816 : vector<16xf32> to vector<16xf32>
      tpu.vector_store %arg5[%swap3A_819], %swap3A_822 {strides = array<i32>} : memref<32768xf32, #tpu.memory_space<vmem>>, vector<16xf32>,
      %add3A_823 = arith.constant 16 : i32
      %add3A_824 = arith.addi %mul3A_810, %add3A_823 : i32
      %get3A_825 = arith.index_cast %add3A_824 : i32 to index
      %get3A_826 = tpu.vector_load %arg5[%get3A_825] {strides = array<i32>} : memref<32768xf32, #tpu.memory_space<vmem>>, vector<16xf32>,
      %get3A_827 = vector.shape_cast %get3A_826 : vector<16xf32> to vector<16xf32>
      %lt3A_828 = arith.cmpf olt, %get3A_827, %broadcast_in_dim3A_383 : vector<16xf32>
      %select_n3A_829 = arith.select %lt3A_828, %broadcast_in_dim3A_385, %get3A_827 : vector<16xi1>, vector<16xf32>
      %add3A_830 = arith.constant 16 : i32
      %add3A_831 = arith.addi %mul3A_810, %add3A_830 : i32
      %swap3A_832 = arith.index_cast %add3A_831 : i32 to index
      %swap3A_833 = tpu.vector_load %arg5[%swap3A_832] {strides = array<i32>} : memref<32768xf32, #tpu.memory_space<vmem>>, vector<16xf32>,
      %swap3A_834 = vector.shape_cast %swap3A_833 : vector<16xf32> to vector<16xf32>
      %swap3A_835 = vector.shape_cast %select_n3A_829 : vector<16xf32> to vector<16xf32>
      tpu.vector_store %arg5[%swap3A_832], %swap3A_835 {strides = array<i32>} : memref<32768xf32, #tpu.memory_space<vmem>>, vector<16xf32>,
      %add3A_836 = arith.constant 32 : i32
      %add3A_837 = arith.addi %mul3A_810, %add3A_836 : i32
      %get3A_838 = arith.index_cast %add3A_837 : i32 to index
      %get3A_839 = tpu.vector_load %arg5[%get3A_838] {strides = array<i32>} : memref<32768xf32, #tpu.memory_space<vmem>>, vector<16xf32>,
      %get3A_840 = vector.shape_cast %get3A_839 : vector<16xf32> to vector<16xf32>
      %lt3A_841 = arith.cmpf olt, %get3A_840, %broadcast_in_dim3A_383 : vector<16xf32>
      %select_n3A_842 = arith.select %lt3A_841, %broadcast_in_dim3A_385, %get3A_840 : vector<16xi1>, vector<16xf32>
      %add3A_843 = arith.constant 32 : i32
      %add3A_844 = arith.addi %mul3A_810, %add3A_843 : i32
      %swap3A_845 = arith.index_cast %add3A_844 : i32 to index
      %swap3A_846 = tpu.vector_load %arg5[%swap3A_845] {strides = array<i32>} : memref<32768xf32, #tpu.memory_space<vmem>>, vector<16xf32>,
      %swap3A_847 = vector.shape_cast %swap3A_846 : vector<16xf32> to vector<16xf32>
      %swap3A_848 = vector.shape_cast %select_n3A_842 : vector<16xf32> to vector<16xf32>
      tpu.vector_store %arg5[%swap3A_845], %swap3A_848 {strides = array<i32>} : memref<32768xf32, #tpu.memory_space<vmem>>, vector<16xf32>,
      %add3A_849 = arith.constant 48 : i32
      %add3A_850 = arith.addi %mul3A_810, %add3A_849 : i32
      %get3A_851 = arith.index_cast %add3A_850 : i32 to index
      %get3A_852 = tpu.vector_load %arg5[%get3A_851] {strides = array<i32>} : memref<32768xf32, #tpu.memory_space<vmem>>, vector<16xf32>,
      %get3A_853 = vector.shape_cast %get3A_852 : vector<16xf32> to vector<16xf32>
      %lt3A_854 = arith.cmpf olt, %get3A_853, %broadcast_in_dim3A_383 : vector<16xf32>
      %select_n3A_855 = arith.select %lt3A_854, %broadcast_in_dim3A_385, %get3A_853 : vector<16xi1>, vector<16xf32>
      %add3A_856 = arith.constant 48 : i32
      %add3A_857 = arith.addi %mul3A_810, %add3A_856 : i32
      %swap3A_858 = arith.index_cast %add3A_857 : i32 to index
      %swap3A_859 = tpu.vector_load %arg5[%swap3A_858] {strides = array<i32>} : memref<32768xf32, #tpu.memory_space<vmem>>, vector<16xf32>,
      %swap3A_860 = vector.shape_cast %swap3A_859 : vector<16xf32> to vector<16xf32>
      %swap3A_861 = vector.shape_cast %select_n3A_855 : vector<16xf32> to vector<16xf32>
      tpu.vector_store %arg5[%swap3A_858], %swap3A_861 {strides = array<i32>} : memref<32768xf32, #tpu.memory_space<vmem>>, vector<16xf32>,
      %add3A_862 = arith.constant 64 : i32
      %add3A_863 = arith.addi %mul3A_810, %add3A_862 : i32
      %get3A_864 = arith.index_cast %add3A_863 : i32 to index
      %get3A_865 = tpu.vector_load %arg5[%get3A_864] {strides = array<i32>} : memref<32768xf32, #tpu.memory_space<vmem>>, vector<16xf32>,
      %get3A_866 = vector.shape_cast %get3A_865 : vector<16xf32> to vector<16xf32>
      %lt3A_867 = arith.cmpf olt, %get3A_866, %broadcast_in_dim3A_383 : vector<16xf32>
      %select_n3A_868 = arith.select %lt3A_867, %broadcast_in_dim3A_385, %get3A_866 : vector<16xi1>, vector<16xf32>
      %add3A_869 = arith.constant 64 : i32
      %add3A_870 = arith.addi %mul3A_810, %add3A_869 : i32
      %swap3A_871 = arith.index_cast %add3A_870 : i32 to index
      %swap3A_872 = tpu.vector_load %arg5[%swap3A_871] {strides = array<i32>} : memref<32768xf32, #tpu.memory_space<vmem>>, vector<16xf32>,
      %swap3A_873 = vector.shape_cast %swap3A_872 : vector<16xf32> to vector<16xf32>
      %swap3A_874 = vector.shape_cast %select_n3A_868 : vector<16xf32> to vector<16xf32>
      tpu.vector_store %arg5[%swap3A_871], %swap3A_874 {strides = array<i32>} : memref<32768xf32, #tpu.memory_space<vmem>>, vector<16xf32>,
      %add3A_875 = arith.constant 80 : i32
      %add3A_876 = arith.addi %mul3A_810, %add3A_875 : i32
      %get3A_877 = arith.index_cast %add3A_876 : i32 to index
      %get3A_878 = tpu.vector_load %arg5[%get3A_877] {strides = array<i32>} : memref<32768xf32, #tpu.memory_space<vmem>>, vector<16xf32>,
      %get3A_879 = vector.shape_cast %get3A_878 : vector<16xf32> to vector<16xf32>
      %lt3A_880 = arith.cmpf olt, %get3A_879, %broadcast_in_dim3A_383 : vector<16xf32>
      %select_n3A_881 = arith.select %lt3A_880, %broadcast_in_dim3A_385, %get3A_879 : vector<16xi1>, vector<16xf32>
      %add3A_882 = arith.constant 80 : i32
      %add3A_883 = arith.addi %mul3A_810, %add3A_882 : i32
      %swap3A_884 = arith.index_cast %add3A_883 : i32 to index
      %swap3A_885 = tpu.vector_load %arg5[%swap3A_884] {strides = array<i32>} : memref<32768xf32, #tpu.memory_space<vmem>>, vector<16xf32>,
      %swap3A_886 = vector.shape_cast %swap3A_885 : vector<16xf32> to vector<16xf32>
      %swap3A_887 = vector.shape_cast %select_n3A_881 : vector<16xf32> to vector<16xf32>
      tpu.vector_store %arg5[%swap3A_884], %swap3A_887 {strides = array<i32>} : memref<32768xf32, #tpu.memory_space<vmem>>, vector<16xf32>,
      %add3A_888 = arith.constant 96 : i32
      %add3A_889 = arith.addi %mul3A_810, %add3A_888 : i32
      %get3A_890 = arith.index_cast %add3A_889 : i32 to index
      %get3A_891 = tpu.vector_load %arg5[%get3A_890] {strides = array<i32>} : memref<32768xf32, #tpu.memory_space<vmem>>, vector<16xf32>,
      %get3A_892 = vector.shape_cast %get3A_891 : vector<16xf32> to vector<16xf32>
      %lt3A_893 = arith.cmpf olt, %get3A_892, %broadcast_in_dim3A_383 : vector<16xf32>
      %select_n3A_894 = arith.select %lt3A_893, %broadcast_in_dim3A_385, %get3A_892 : vector<16xi1>, vector<16xf32>
      %add3A_895 = arith.constant 96 : i32
      %add3A_896 = arith.addi %mul3A_810, %add3A_895 : i32
      %swap3A_897 = arith.index_cast %add3A_896 : i32 to index
      %swap3A_898 = tpu.vector_load %arg5[%swap3A_897] {strides = array<i32>} : memref<32768xf32, #tpu.memory_space<vmem>>, vector<16xf32>,
      %swap3A_899 = vector.shape_cast %swap3A_898 : vector<16xf32> to vector<16xf32>
      %swap3A_900 = vector.shape_cast %select_n3A_894 : vector<16xf32> to vector<16xf32>
      tpu.vector_store %arg5[%swap3A_897], %swap3A_900 {strides = array<i32>} : memref<32768xf32, #tpu.memory_space<vmem>>, vector<16xf32>,
      %add3A_901 = arith.constant 112 : i32
      %add3A_902 = arith.addi %mul3A_810, %add3A_901 : i32
      %get3A_903 = arith.index_cast %add3A_902 : i32 to index
      %get3A_904 = tpu.vector_load %arg5[%get3A_903] {strides = array<i32>} : memref<32768xf32, #tpu.memory_space<vmem>>, vector<16xf32>,
      %get3A_905 = vector.shape_cast %get3A_904 : vector<16xf32> to vector<16xf32>
      %lt3A_906 = arith.cmpf olt, %get3A_905, %broadcast_in_dim3A_383 : vector<16xf32>
      %select_n3A_907 = arith.select %lt3A_906, %broadcast_in_dim3A_385, %get3A_905 : vector<16xi1>, vector<16xf32>
      %add3A_908 = arith.constant 112 : i32
      %add3A_909 = arith.addi %mul3A_810, %add3A_908 : i32
      %swap3A_910 = arith.index_cast %add3A_909 : i32 to index
      %swap3A_911 = tpu.vector_load %arg5[%swap3A_910] {strides = array<i32>} : memref<32768xf32, #tpu.memory_space<vmem>>, vector<16xf32>,
      %swap3A_912 = vector.shape_cast %swap3A_911 : vector<16xf32> to vector<16xf32>
      %swap3A_913 = vector.shape_cast %select_n3A_907 : vector<16xf32> to vector<16xf32>
      tpu.vector_store %arg5[%swap3A_910], %swap3A_913 {strides = array<i32>} : memref<32768xf32, #tpu.memory_space<vmem>>, vector<16xf32>,
      %add3A_914 = arith.constant 128 : i32
      %add3A_915 = arith.addi %mul3A_810, %add3A_914 : i32
      %get3A_916 = arith.index_cast %add3A_915 : i32 to index
      %get3A_917 = tpu.vector_load %arg5[%get3A_916] {strides = array<i32>} : memref<32768xf32, #tpu.memory_space<vmem>>, vector<16xf32>,
      %get3A_918 = vector.shape_cast %get3A_917 : vector<16xf32> to vector<16xf32>
      %lt3A_919 = arith.cmpf olt, %get3A_918, %broadcast_in_dim3A_383 : vector<16xf32>
      %select_n3A_920 = arith.select %lt3A_919, %broadcast_in_dim3A_385, %get3A_918 : vector<16xi1>, vector<16xf32>
      %add3A_921 = arith.constant 128 : i32
      %add3A_922 = arith.addi %mul3A_810, %add3A_921 : i32
      %swap3A_923 = arith.index_cast %add3A_922 : i32 to index
      %swap3A_924 = tpu.vector_load %arg5[%swap3A_923] {strides = array<i32>} : memref<32768xf32, #tpu.memory_space<vmem>>, vector<16xf32>,
      %swap3A_925 = vector.shape_cast %swap3A_924 : vector<16xf32> to vector<16xf32>
      %swap3A_926 = vector.shape_cast %select_n3A_920 : vector<16xf32> to vector<16xf32>
      tpu.vector_store %arg5[%swap3A_923], %swap3A_926 {strides = array<i32>} : memref<32768xf32, #tpu.memory_space<vmem>>, vector<16xf32>,
      %add3A_927 = arith.constant 144 : i32
      %add3A_928 = arith.addi %mul3A_810, %add3A_927 : i32
      %get3A_929 = arith.index_cast %add3A_928 : i32 to index
      %get3A_930 = tpu.vector_load %arg5[%get3A_929] {strides = array<i32>} : memref<32768xf32, #tpu.memory_space<vmem>>, vector<16xf32>,
      %get3A_931 = vector.shape_cast %get3A_930 : vector<16xf32> to vector<16xf32>
      %lt3A_932 = arith.cmpf olt, %get3A_931, %broadcast_in_dim3A_383 : vector<16xf32>
      %select_n3A_933 = arith.select %lt3A_932, %broadcast_in_dim3A_385, %get3A_931 : vector<16xi1>, vector<16xf32>
      %add3A_934 = arith.constant 144 : i32
      %add3A_935 = arith.addi %mul3A_810, %add3A_934 : i32
      %swap3A_936 = arith.index_cast %add3A_935 : i32 to index
      %swap3A_937 = tpu.vector_load %arg5[%swap3A_936] {strides = array<i32>} : memref<32768xf32, #tpu.memory_space<vmem>>, vector<16xf32>,
      %swap3A_938 = vector.shape_cast %swap3A_937 : vector<16xf32> to vector<16xf32>
      %swap3A_939 = vector.shape_cast %select_n3A_933 : vector<16xf32> to vector<16xf32>
      tpu.vector_store %arg5[%swap3A_936], %swap3A_939 {strides = array<i32>} : memref<32768xf32, #tpu.memory_space<vmem>>, vector<16xf32>,
      %add3A_940 = arith.constant 160 : i32
      %add3A_941 = arith.addi %mul3A_810, %add3A_940 : i32
      %get3A_942 = arith.index_cast %add3A_941 : i32 to index
      %get3A_943 = tpu.vector_load %arg5[%get3A_942] {strides = array<i32>} : memref<32768xf32, #tpu.memory_space<vmem>>, vector<16xf32>,
      %get3A_944 = vector.shape_cast %get3A_943 : vector<16xf32> to vector<16xf32>
      %lt3A_945 = arith.cmpf olt, %get3A_944, %broadcast_in_dim3A_383 : vector<16xf32>
      %select_n3A_946 = arith.select %lt3A_945, %broadcast_in_dim3A_385, %get3A_944 : vector<16xi1>, vector<16xf32>
      %add3A_947 = arith.constant 160 : i32
      %add3A_948 = arith.addi %mul3A_810, %add3A_947 : i32
      %swap3A_949 = arith.index_cast %add3A_948 : i32 to index
      %swap3A_950 = tpu.vector_load %arg5[%swap3A_949] {strides = array<i32>} : memref<32768xf32, #tpu.memory_space<vmem>>, vector<16xf32>,
      %swap3A_951 = vector.shape_cast %swap3A_950 : vector<16xf32> to vector<16xf32>
      %swap3A_952 = vector.shape_cast %select_n3A_946 : vector<16xf32> to vector<16xf32>
      tpu.vector_store %arg5[%swap3A_949], %swap3A_952 {strides = array<i32>} : memref<32768xf32, #tpu.memory_space<vmem>>, vector<16xf32>,
      %add3A_953 = arith.constant 176 : i32
      %add3A_954 = arith.addi %mul3A_810, %add3A_953 : i32
      %get3A_955 = arith.index_cast %add3A_954 : i32 to index
      %get3A_956 = tpu.vector_load %arg5[%get3A_955] {strides = array<i32>} : memref<32768xf32, #tpu.memory_space<vmem>>, vector<16xf32>,
      %get3A_957 = vector.shape_cast %get3A_956 : vector<16xf32> to vector<16xf32>
      %lt3A_958 = arith.cmpf olt, %get3A_957, %broadcast_in_dim3A_383 : vector<16xf32>
      %select_n3A_959 = arith.select %lt3A_958, %broadcast_in_dim3A_385, %get3A_957 : vector<16xi1>, vector<16xf32>
      %add3A_960 = arith.constant 176 : i32
      %add3A_961 = arith.addi %mul3A_810, %add3A_960 : i32
      %swap3A_962 = arith.index_cast %add3A_961 : i32 to index
      %swap3A_963 = tpu.vector_load %arg5[%swap3A_962] {strides = array<i32>} : memref<32768xf32, #tpu.memory_space<vmem>>, vector<16xf32>,
      %swap3A_964 = vector.shape_cast %swap3A_963 : vector<16xf32> to vector<16xf32>
      %swap3A_965 = vector.shape_cast %select_n3A_959 : vector<16xf32> to vector<16xf32>
      tpu.vector_store %arg5[%swap3A_962], %swap3A_965 {strides = array<i32>} : memref<32768xf32, #tpu.memory_space<vmem>>, vector<16xf32>,
      %add3A_966 = arith.constant 192 : i32
      %add3A_967 = arith.addi %mul3A_810, %add3A_966 : i32
      %get3A_968 = arith.index_cast %add3A_967 : i32 to index
      %get3A_969 = tpu.vector_load %arg5[%get3A_968] {strides = array<i32>} : memref<32768xf32, #tpu.memory_space<vmem>>, vector<16xf32>,
      %get3A_970 = vector.shape_cast %get3A_969 : vector<16xf32> to vector<16xf32>
      %lt3A_971 = arith.cmpf olt, %get3A_970, %broadcast_in_dim3A_383 : vector<16xf32>
      %select_n3A_972 = arith.select %lt3A_971, %broadcast_in_dim3A_385, %get3A_970 : vector<16xi1>, vector<16xf32>
      %add3A_973 = arith.constant 192 : i32
      %add3A_974 = arith.addi %mul3A_810, %add3A_973 : i32
      %swap3A_975 = arith.index_cast %add3A_974 : i32 to index
      %swap3A_976 = tpu.vector_load %arg5[%swap3A_975] {strides = array<i32>} : memref<32768xf32, #tpu.memory_space<vmem>>, vector<16xf32>,
      %swap3A_977 = vector.shape_cast %swap3A_976 : vector<16xf32> to vector<16xf32>
      %swap3A_978 = vector.shape_cast %select_n3A_972 : vector<16xf32> to vector<16xf32>
      tpu.vector_store %arg5[%swap3A_975], %swap3A_978 {strides = array<i32>} : memref<32768xf32, #tpu.memory_space<vmem>>, vector<16xf32>,
      %add3A_979 = arith.constant 208 : i32
      %add3A_980 = arith.addi %mul3A_810, %add3A_979 : i32
      %get3A_981 = arith.index_cast %add3A_980 : i32 to index
      %get3A_982 = tpu.vector_load %arg5[%get3A_981] {strides = array<i32>} : memref<32768xf32, #tpu.memory_space<vmem>>, vector<16xf32>,
      %get3A_983 = vector.shape_cast %get3A_982 : vector<16xf32> to vector<16xf32>
      %lt3A_984 = arith.cmpf olt, %get3A_983, %broadcast_in_dim3A_383 : vector<16xf32>
      %select_n3A_985 = arith.select %lt3A_984, %broadcast_in_dim3A_385, %get3A_983 : vector<16xi1>, vector<16xf32>
      %add3A_986 = arith.constant 208 : i32
      %add3A_987 = arith.addi %mul3A_810, %add3A_986 : i32
      %swap3A_988 = arith.index_cast %add3A_987 : i32 to index
      %swap3A_989 = tpu.vector_load %arg5[%swap3A_988] {strides = array<i32>} : memref<32768xf32, #tpu.memory_space<vmem>>, vector<16xf32>,
      %swap3A_990 = vector.shape_cast %swap3A_989 : vector<16xf32> to vector<16xf32>
      %swap3A_991 = vector.shape_cast %select_n3A_985 : vector<16xf32> to vector<16xf32>
      tpu.vector_store %arg5[%swap3A_988], %swap3A_991 {strides = array<i32>} : memref<32768xf32, #tpu.memory_space<vmem>>, vector<16xf32>,
      %add3A_992 = arith.constant 224 : i32
      %add3A_993 = arith.addi %mul3A_810, %add3A_992 : i32
      %get3A_994 = arith.index_cast %add3A_993 : i32 to index
      %get3A_995 = tpu.vector_load %arg5[%get3A_994] {strides = array<i32>} : memref<32768xf32, #tpu.memory_space<vmem>>, vector<16xf32>,
      %get3A_996 = vector.shape_cast %get3A_995 : vector<16xf32> to vector<16xf32>
      %lt3A_997 = arith.cmpf olt, %get3A_996, %broadcast_in_dim3A_383 : vector<16xf32>
      %select_n3A_998 = arith.select %lt3A_997, %broadcast_in_dim3A_385, %get3A_996 : vector<16xi1>, vector<16xf32>
      %add3A_999 = arith.constant 224 : i32
      %add3A_1000 = arith.addi %mul3A_810, %add3A_999 : i32
      %swap3A_1001 = arith.index_cast %add3A_1000 : i32 to index
      %swap3A_1002 = tpu.vector_load %arg5[%swap3A_1001] {strides = array<i32>} : memref<32768xf32, #tpu.memory_space<vmem>>, vector<16xf32>,
      %swap3A_1003 = vector.shape_cast %swap3A_1002 : vector<16xf32> to vector<16xf32>
      %swap3A_1004 = vector.shape_cast %select_n3A_998 : vector<16xf32> to vector<16xf32>
      tpu.vector_store %arg5[%swap3A_1001], %swap3A_1004 {strides = array<i32>} : memref<32768xf32, #tpu.memory_space<vmem>>, vector<16xf32>,
      %add3A_1005 = arith.constant 240 : i32
      %add3A_1006 = arith.addi %mul3A_810, %add3A_1005 : i32
      %get3A_1007 = arith.index_cast %add3A_1006 : i32 to index
      %get3A_1008 = tpu.vector_load %arg5[%get3A_1007] {strides = array<i32>} : memref<32768xf32, #tpu.memory_space<vmem>>, vector<16xf32>,
      %get3A_1009 = vector.shape_cast %get3A_1008 : vector<16xf32> to vector<16xf32>
      %lt3A_1010 = arith.cmpf olt, %get3A_1009, %broadcast_in_dim3A_383 : vector<16xf32>
      %select_n3A_1011 = arith.select %lt3A_1010, %broadcast_in_dim3A_385, %get3A_1009 : vector<16xi1>, vector<16xf32>
      %add3A_1012 = arith.constant 240 : i32
      %add3A_1013 = arith.addi %mul3A_810, %add3A_1012 : i32
      %swap3A_1014 = arith.index_cast %add3A_1013 : i32 to index
      %swap3A_1015 = tpu.vector_load %arg5[%swap3A_1014] {strides = array<i32>} : memref<32768xf32, #tpu.memory_space<vmem>>, vector<16xf32>,
      %swap3A_1016 = vector.shape_cast %swap3A_1015 : vector<16xf32> to vector<16xf32>
      %swap3A_1017 = vector.shape_cast %select_n3A_1011 : vector<16xf32> to vector<16xf32>
      tpu.vector_store %arg5[%swap3A_1014], %swap3A_1017 {strides = array<i32>} : memref<32768xf32, #tpu.memory_space<vmem>>, vector<16xf32>,
    }
    %scan3A_391 = arith.constant 128 : i32
    %dma_start3A_392 = arith.constant 0 : i32
    %dma_start3A_393 = tpu.memref_slice %arg3[%add3A_8, %dma_start3A_392] : memref<128x32768xf32, #tpu.memory_space<hbm>> -> memref<1x32768xf32, #tpu.memory_space<hbm>>
    %dma_start3A_394 = tpu.memref_squeeze %dma_start3A_393 : memref<1x32768xf32, #tpu.memory_space<hbm>> -> memref<32768xf32, #tpu.memory_space<hbm>>
    %dma_start3A_395 = arith.constant 0 : i32
    %dma_start3A_396 = tpu.memref_slice %arg3[%add3A_8, %dma_start3A_395] : memref<128x32768xf32, #tpu.memory_space<hbm>> -> memref<1x32768xf32, #tpu.memory_space<hbm>>
    %dma_start3A_397 = tpu.memref_squeeze %dma_start3A_396 : memref<1x32768xf32, #tpu.memory_space<hbm>> -> memref<32768xf32, #tpu.memory_space<hbm>>
    tpu.enqueue_dma source(%arg5 : memref<32768xf32, #tpu.memory_space<vmem>>) target(%dma_start3A_397 : memref<32768xf32, #tpu.memory_space<hbm>>) target_semaphore(%arg9 : memref<!tpu.dma_semaphore, #tpu.memory_space<semaphore_mem>>)
    %dma_wait3A_398 = arith.constant 0 : i32
    %dma_wait3A_399 = tpu.memref_slice %arg3[%add3A_4, %dma_wait3A_398] : memref<128x32768xf32, #tpu.memory_space<hbm>> -> memref<1x32768xf32, #tpu.memory_space<hbm>>
    %dma_wait3A_400 = tpu.memref_squeeze %dma_wait3A_399 : memref<1x32768xf32, #tpu.memory_space<hbm>> -> memref<32768xf32, #tpu.memory_space<hbm>>
    %dma_wait3A_401 = arith.constant 0 : i32
    %dma_wait3A_402 = tpu.memref_slice %arg3[%add3A_4, %dma_wait3A_401] : memref<128x32768xf32, #tpu.memory_space<hbm>> -> memref<1x32768xf32, #tpu.memory_space<hbm>>
    %dma_wait3A_403 = tpu.memref_squeeze %dma_wait3A_402 : memref<1x32768xf32, #tpu.memory_space<hbm>> -> memref<32768xf32, #tpu.memory_space<hbm>>
    tpu.wait_dma2 semaphore(%arg8 : memref<!tpu.dma_semaphore, #tpu.memory_space<semaphore_mem>>) src(%arg4 : memref<32768xf32, #tpu.memory_space<vmem>>) dst(%dma_wait3A_403 : memref<32768xf32, #tpu.memory_space<hbm>>)
    %dma_start3A_404 = arith.constant 0 : i32
    %dma_start3A_405 = tpu.memref_slice %arg2[%add3A_16, %dma_start3A_404] : memref<128x32768xf32, #tpu.memory_space<hbm>> -> memref<1x32768xf32, #tpu.memory_space<hbm>>
    %dma_start3A_406 = tpu.memref_squeeze %dma_start3A_405 : memref<1x32768xf32, #tpu.memory_space<hbm>> -> memref<32768xf32, #tpu.memory_space<hbm>>
    %dma_start3A_407 = arith.constant 0 : i32
    %dma_start3A_408 = tpu.memref_slice %arg2[%add3A_16, %dma_start3A_407] : memref<128x32768xf32, #tpu.memory_space<hbm>> -> memref<1x32768xf32, #tpu.memory_space<hbm>>
    %dma_start3A_409 = tpu.memref_squeeze %dma_start3A_408 : memref<1x32768xf32, #tpu.memory_space<hbm>> -> memref<32768xf32, #tpu.memory_space<hbm>>
    tpu.enqueue_dma source(%dma_start3A_409 : memref<32768xf32, #tpu.memory_space<hbm>>) target(%arg4 : memref<32768xf32, #tpu.memory_space<vmem>>) target_semaphore(%arg8 : memref<!tpu.dma_semaphore, #tpu.memory_space<semaphore_mem>>)
    %dma_wait3A_410 = arith.constant 0 : i32
    %dma_wait3A_411 = tpu.memref_slice %arg2[%add3A_12, %dma_wait3A_410] : memref<128x32768xf32, #tpu.memory_space<hbm>> -> memref<1x32768xf32, #tpu.memory_space<hbm>>
    %dma_wait3A_412 = tpu.memref_squeeze %dma_wait3A_411 : memref<1x32768xf32, #tpu.memory_space<hbm>> -> memref<32768xf32, #tpu.memory_space<hbm>>
    %dma_wait3A_413 = arith.constant 0 : i32
    %dma_wait3A_414 = tpu.memref_slice %arg2[%add3A_12, %dma_wait3A_413] : memref<128x32768xf32, #tpu.memory_space<hbm>> -> memref<1x32768xf32, #tpu.memory_space<hbm>>
    %dma_wait3A_415 = tpu.memref_squeeze %dma_wait3A_414 : memref<1x32768xf32, #tpu.memory_space<hbm>> -> memref<32768xf32, #tpu.memory_space<hbm>>
    tpu.wait_dma2 semaphore(%arg10 : memref<!tpu.dma_semaphore, #tpu.memory_space<semaphore_mem>>) src(%dma_wait3A_415 : memref<32768xf32, #tpu.memory_space<hbm>>) dst(%arg6 : memref<32768xf32, #tpu.memory_space<vmem>>)
    %broadcast_in_dim3A_416 = arith.constant 0.000000e+00 : f32
    %broadcast_in_dim3A_417 = vector.broadcast %broadcast_in_dim3A_416 : f32 to vector<16xf32>
    %scan3A_418 = arith.constant 0 : i32
    %scan3A_419 = arith.constant 512 : i32
    %scan3A_420 = arith.addi %scan3A_418, %scan3A_419 : i32
    %scan3A_421 = arith.constant 4 : i32
    %scan3A_422:2 = scf.for %scan3A_808 = %scan3A_418 to %scan3A_420 step %scan3A_421 iter_args(%scan3A_809 = %broadcast_in_dim3A_417, %scan3A_810 = %broadcast_in_dim3A_417) -> (vector<16xf32>, vector<16xf32>)  : i32 {
      %mul3A_811 = arith.constant 16 : i32
      %mul3A_812 = arith.muli %scan3A_808, %mul3A_811 : i32
      %get3A_813 = arith.index_cast %mul3A_812 : i32 to index
      %get3A_814 = tpu.vector_load %arg6[%get3A_813] {strides = array<i32>} : memref<32768xf32, #tpu.memory_space<vmem>>, vector<16xf32>,
      %get3A_815 = vector.shape_cast %get3A_814 : vector<16xf32> to vector<16xf32>
      %add3A_816 = arith.addf %scan3A_809, %get3A_815 : vector<16xf32>
      %abs3A = math.absf %get3A_815 : vector<16xf32>
      %add3A_817 = arith.addf %scan3A_810, %abs3A : vector<16xf32>
      %scan3A_818 = arith.constant 1 : i32
      %scan3A_819 = arith.addi %scan3A_808, %scan3A_818 : i32
      %mul3A_820 = arith.constant 16 : i32
      %mul3A_821 = arith.muli %scan3A_819, %mul3A_820 : i32
      %get3A_822 = arith.index_cast %mul3A_821 : i32 to index
      %get3A_823 = tpu.vector_load %arg6[%get3A_822] {strides = array<i32>} : memref<32768xf32, #tpu.memory_space<vmem>>, vector<16xf32>,
      %get3A_824 = vector.shape_cast %get3A_823 : vector<16xf32> to vector<16xf32>
      %add3A_825 = arith.addf %add3A_816, %get3A_824 : vector<16xf32>
      %abs3A_826 = math.absf %get3A_824 : vector<16xf32>
      %add3A_827 = arith.addf %add3A_817, %abs3A_826 : vector<16xf32>
      %scan3A_828 = arith.constant 2 : i32
      %scan3A_829 = arith.addi %scan3A_808, %scan3A_828 : i32
      %mul3A_830 = arith.constant 16 : i32
      %mul3A_831 = arith.muli %scan3A_829, %mul3A_830 : i32
      %get3A_832 = arith.index_cast %mul3A_831 : i32 to index
      %get3A_833 = tpu.vector_load %arg6[%get3A_832] {strides = array<i32>} : memref<32768xf32, #tpu.memory_space<vmem>>, vector<16xf32>,
      %get3A_834 = vector.shape_cast %get3A_833 : vector<16xf32> to vector<16xf32>
      %add3A_835 = arith.addf %add3A_825, %get3A_834 : vector<16xf32>
      %abs3A_836 = math.absf %get3A_834 : vector<16xf32>
      %add3A_837 = arith.addf %add3A_827, %abs3A_836 : vector<16xf32>
      %scan3A_838 = arith.constant 3 : i32
      %scan3A_839 = arith.addi %scan3A_808, %scan3A_838 : i32
      %mul3A_840 = arith.constant 16 : i32
      %mul3A_841 = arith.muli %scan3A_839, %mul3A_840 : i32
      %get3A_842 = arith.index_cast %mul3A_841 : i32 to index
      %get3A_843 = tpu.vector_load %arg6[%get3A_842] {strides = array<i32>} : memref<32768xf32, #tpu.memory_space<vmem>>, vector<16xf32>,
      %get3A_844 = vector.shape_cast %get3A_843 : vector<16xf32> to vector<16xf32>
      %add3A_845 = arith.addf %add3A_835, %get3A_844 : vector<16xf32>
      %abs3A_846 = math.absf %get3A_844 : vector<16xf32>
      %add3A_847 = arith.addf %add3A_837, %abs3A_846 : vector<16xf32>
      scf.yield %add3A_845, %add3A_847 : vector<16xf32>, vector<16xf32>
    }
    %scan3A_423 = arith.constant 512 : i32
    %slice3A_424 = vector.extract_strided_slice %scan3A_422#0 {offsets = [0], sizes = [1], strides = [1]} : vector<16xf32> to vector<1xf32>
    %squeeze3A_425 = vector.extract %slice3A_424[0] : f32 from vector<1xf32>
    %slice3A_426 = vector.extract_strided_slice %scan3A_422#0 {offsets = [1], sizes = [1], strides = [1]} : vector<16xf32> to vector<1xf32>
    %squeeze3A_427 = vector.extract %slice3A_426[0] : f32 from vector<1xf32>
    %add3A_428 = arith.addf %squeeze3A_425, %squeeze3A_427 : f32
    %slice3A_429 = vector.extract_strided_slice %scan3A_422#0 {offsets = [2], sizes = [1], strides = [1]} : vector<16xf32> to vector<1xf32>
    %squeeze3A_430 = vector.extract %slice3A_429[0] : f32 from vector<1xf32>
    %add3A_431 = arith.addf %add3A_428, %squeeze3A_430 : f32
    %slice3A_432 = vector.extract_strided_slice %scan3A_422#0 {offsets = [3], sizes = [1], strides = [1]} : vector<16xf32> to vector<1xf32>
    %squeeze3A_433 = vector.extract %slice3A_432[0] : f32 from vector<1xf32>
    %add3A_434 = arith.addf %add3A_431, %squeeze3A_433 : f32
    %slice3A_435 = vector.extract_strided_slice %scan3A_422#0 {offsets = [4], sizes = [1], strides = [1]} : vector<16xf32> to vector<1xf32>
    %squeeze3A_436 = vector.extract %slice3A_435[0] : f32 from vector<1xf32>
    %add3A_437 = arith.addf %add3A_434, %squeeze3A_436 : f32
    %slice3A_438 = vector.extract_strided_slice %scan3A_422#0 {offsets = [5], sizes = [1], strides = [1]} : vector<16xf32> to vector<1xf32>
    %squeeze3A_439 = vector.extract %slice3A_438[0] : f32 from vector<1xf32>
    %add3A_440 = arith.addf %add3A_437, %squeeze3A_439 : f32
    %slice3A_441 = vector.extract_strided_slice %scan3A_422#0 {offsets = [6], sizes = [1], strides = [1]} : vector<16xf32> to vector<1xf32>
    %squeeze3A_442 = vector.extract %slice3A_441[0] : f32 from vector<1xf32>
    %add3A_443 = arith.addf %add3A_440, %squeeze3A_442 : f32
    %slice3A_444 = vector.extract_strided_slice %scan3A_422#0 {offsets = [7], sizes = [1], strides = [1]} : vector<16xf32> to vector<1xf32>
    %squeeze3A_445 = vector.extract %slice3A_444[0] : f32 from vector<1xf32>
    %add3A_446 = arith.addf %add3A_443, %squeeze3A_445 : f32
    %slice3A_447 = vector.extract_strided_slice %scan3A_422#0 {offsets = [8], sizes = [1], strides = [1]} : vector<16xf32> to vector<1xf32>
    %squeeze3A_448 = vector.extract %slice3A_447[0] : f32 from vector<1xf32>
    %add3A_449 = arith.addf %add3A_446, %squeeze3A_448 : f32
    %slice3A_450 = vector.extract_strided_slice %scan3A_422#0 {offsets = [9], sizes = [1], strides = [1]} : vector<16xf32> to vector<1xf32>
    %squeeze3A_451 = vector.extract %slice3A_450[0] : f32 from vector<1xf32>
    %add3A_452 = arith.addf %add3A_449, %squeeze3A_451 : f32
    %slice3A_453 = vector.extract_strided_slice %scan3A_422#0 {offsets = [10], sizes = [1], strides = [1]} : vector<16xf32> to vector<1xf32>
    %squeeze3A_454 = vector.extract %slice3A_453[0] : f32 from vector<1xf32>
    %add3A_455 = arith.addf %add3A_452, %squeeze3A_454 : f32
    %slice3A_456 = vector.extract_strided_slice %scan3A_422#0 {offsets = [11], sizes = [1], strides = [1]} : vector<16xf32> to vector<1xf32>
    %squeeze3A_457 = vector.extract %slice3A_456[0] : f32 from vector<1xf32>
    %add3A_458 = arith.addf %add3A_455, %squeeze3A_457 : f32
    %slice3A_459 = vector.extract_strided_slice %scan3A_422#0 {offsets = [12], sizes = [1], strides = [1]} : vector<16xf32> to vector<1xf32>
    %squeeze3A_460 = vector.extract %slice3A_459[0] : f32 from vector<1xf32>
    %add3A_461 = arith.addf %add3A_458, %squeeze3A_460 : f32
    %slice3A_462 = vector.extract_strided_slice %scan3A_422#0 {offsets = [13], sizes = [1], strides = [1]} : vector<16xf32> to vector<1xf32>
    %squeeze3A_463 = vector.extract %slice3A_462[0] : f32 from vector<1xf32>
    %add3A_464 = arith.addf %add3A_461, %squeeze3A_463 : f32
    %slice3A_465 = vector.extract_strided_slice %scan3A_422#0 {offsets = [14], sizes = [1], strides = [1]} : vector<16xf32> to vector<1xf32>
    %squeeze3A_466 = vector.extract %slice3A_465[0] : f32 from vector<1xf32>
    %add3A_467 = arith.addf %add3A_464, %squeeze3A_466 : f32
    %slice3A_468 = vector.extract_strided_slice %scan3A_422#0 {offsets = [15], sizes = [1], strides = [1]} : vector<16xf32> to vector<1xf32>
    %squeeze3A_469 = vector.extract %slice3A_468[0] : f32 from vector<1xf32>
    %add3A_470 = arith.addf %add3A_467, %squeeze3A_469 : f32
    %mul3A_471 = arith.constant 1.22070313E-4 : f32
    %mul3A_472 = arith.mulf %add3A_470, %mul3A_471 : f32
    %slice3A_473 = vector.extract_strided_slice %scan3A_422#1 {offsets = [0], sizes = [1], strides = [1]} : vector<16xf32> to vector<1xf32>
    %squeeze3A_474 = vector.extract %slice3A_473[0] : f32 from vector<1xf32>
    %slice3A_475 = vector.extract_strided_slice %scan3A_422#1 {offsets = [1], sizes = [1], strides = [1]} : vector<16xf32> to vector<1xf32>
    %squeeze3A_476 = vector.extract %slice3A_475[0] : f32 from vector<1xf32>
    %add3A_477 = arith.addf %squeeze3A_474, %squeeze3A_476 : f32
    %slice3A_478 = vector.extract_strided_slice %scan3A_422#1 {offsets = [2], sizes = [1], strides = [1]} : vector<16xf32> to vector<1xf32>
    %squeeze3A_479 = vector.extract %slice3A_478[0] : f32 from vector<1xf32>
    %add3A_480 = arith.addf %add3A_477, %squeeze3A_479 : f32
    %slice3A_481 = vector.extract_strided_slice %scan3A_422#1 {offsets = [3], sizes = [1], strides = [1]} : vector<16xf32> to vector<1xf32>
    %squeeze3A_482 = vector.extract %slice3A_481[0] : f32 from vector<1xf32>
    %add3A_483 = arith.addf %add3A_480, %squeeze3A_482 : f32
    %slice3A_484 = vector.extract_strided_slice %scan3A_422#1 {offsets = [4], sizes = [1], strides = [1]} : vector<16xf32> to vector<1xf32>
    %squeeze3A_485 = vector.extract %slice3A_484[0] : f32 from vector<1xf32>
    %add3A_486 = arith.addf %add3A_483, %squeeze3A_485 : f32
    %slice3A_487 = vector.extract_strided_slice %scan3A_422#1 {offsets = [5], sizes = [1], strides = [1]} : vector<16xf32> to vector<1xf32>
    %squeeze3A_488 = vector.extract %slice3A_487[0] : f32 from vector<1xf32>
    %add3A_489 = arith.addf %add3A_486, %squeeze3A_488 : f32
    %slice3A_490 = vector.extract_strided_slice %scan3A_422#1 {offsets = [6], sizes = [1], strides = [1]} : vector<16xf32> to vector<1xf32>
    %squeeze3A_491 = vector.extract %slice3A_490[0] : f32 from vector<1xf32>
    %add3A_492 = arith.addf %add3A_489, %squeeze3A_491 : f32
    %slice3A_493 = vector.extract_strided_slice %scan3A_422#1 {offsets = [7], sizes = [1], strides = [1]} : vector<16xf32> to vector<1xf32>
    %squeeze3A_494 = vector.extract %slice3A_493[0] : f32 from vector<1xf32>
    %add3A_495 = arith.addf %add3A_492, %squeeze3A_494 : f32
    %slice3A_496 = vector.extract_strided_slice %scan3A_422#1 {offsets = [8], sizes = [1], strides = [1]} : vector<16xf32> to vector<1xf32>
    %squeeze3A_497 = vector.extract %slice3A_496[0] : f32 from vector<1xf32>
    %add3A_498 = arith.addf %add3A_495, %squeeze3A_497 : f32
    %slice3A_499 = vector.extract_strided_slice %scan3A_422#1 {offsets = [9], sizes = [1], strides = [1]} : vector<16xf32> to vector<1xf32>
    %squeeze3A_500 = vector.extract %slice3A_499[0] : f32 from vector<1xf32>
    %add3A_501 = arith.addf %add3A_498, %squeeze3A_500 : f32
    %slice3A_502 = vector.extract_strided_slice %scan3A_422#1 {offsets = [10], sizes = [1], strides = [1]} : vector<16xf32> to vector<1xf32>
    %squeeze3A_503 = vector.extract %slice3A_502[0] : f32 from vector<1xf32>
    %add3A_504 = arith.addf %add3A_501, %squeeze3A_503 : f32
    %slice3A_505 = vector.extract_strided_slice %scan3A_422#1 {offsets = [11], sizes = [1], strides = [1]} : vector<16xf32> to vector<1xf32>
    %squeeze3A_506 = vector.extract %slice3A_505[0] : f32 from vector<1xf32>
    %add3A_507 = arith.addf %add3A_504, %squeeze3A_506 : f32
    %slice3A_508 = vector.extract_strided_slice %scan3A_422#1 {offsets = [12], sizes = [1], strides = [1]} : vector<16xf32> to vector<1xf32>
    %squeeze3A_509 = vector.extract %slice3A_508[0] : f32 from vector<1xf32>
    %add3A_510 = arith.addf %add3A_507, %squeeze3A_509 : f32
    %slice3A_511 = vector.extract_strided_slice %scan3A_422#1 {offsets = [13], sizes = [1], strides = [1]} : vector<16xf32> to vector<1xf32>
    %squeeze3A_512 = vector.extract %slice3A_511[0] : f32 from vector<1xf32>
    %add3A_513 = arith.addf %add3A_510, %squeeze3A_512 : f32
    %slice3A_514 = vector.extract_strided_slice %scan3A_422#1 {offsets = [14], sizes = [1], strides = [1]} : vector<16xf32> to vector<1xf32>
    %squeeze3A_515 = vector.extract %slice3A_514[0] : f32 from vector<1xf32>
    %add3A_516 = arith.addf %add3A_513, %squeeze3A_515 : f32
    %slice3A_517 = vector.extract_strided_slice %scan3A_422#1 {offsets = [15], sizes = [1], strides = [1]} : vector<16xf32> to vector<1xf32>
    %squeeze3A_518 = vector.extract %slice3A_517[0] : f32 from vector<1xf32>
    %add3A_519 = arith.addf %add3A_516, %squeeze3A_518 : f32
    %mul3A_520 = arith.constant 1.22070313E-4 : f32
    %mul3A_521 = arith.mulf %add3A_519, %mul3A_520 : f32
    %mul3A_522 = arith.constant 1.25331414 : f32
    %mul3A_523 = arith.mulf %mul3A_521, %mul3A_522 : f32
    %mul3A_524 = arith.constant 1.471000e-03 : f32
    %mul3A_525 = arith.mulf %mul3A_523, %mul3A_524 : f32
    %mul3A_526 = arith.constant -2.417700e+00 : f32
    %mul3A_527 = arith.mulf %mul3A_523, %mul3A_526 : f32
    %add3A_528 = arith.addf %mul3A_472, %mul3A_527 : f32
    %bitcast_convert_type3A_529 = arith.bitcast %add3A_528 : f32 to i32
    %ge3A_530 = arith.constant -2147483648 : i32
    %ge3A_531 = arith.cmpi uge, %bitcast_convert_type3A_529, %ge3A_530 : i32
    %not3A_532 = arith.constant -1 : i32
    %not3A_533 = arith.xori %bitcast_convert_type3A_529, %not3A_532 : i32
    %or3A_534 = arith.constant -2147483648 : i32
    %or3A_535 = arith.ori %bitcast_convert_type3A_529, %or3A_534 : i32
    %select_n3A_536 = arith.select %ge3A_531, %not3A_533, %or3A_535 : i32
    %jit3A_537 = arith.constant 1 : i32
    %jit3A_538 = arith.constant -8388609 : i32
    %max3A_539 = arith.maxui %jit3A_537, %select_n3A_536 : i32
    %min3A_540 = arith.minui %jit3A_538, %max3A_539 : i32
    %swap3A_541 = arith.constant 0 : i32
    %swap3A_542 = arith.index_cast %swap3A_541 : i32 to index
    %swap3A_543 = memref.load %arg7[%swap3A_542] : memref<8xi32, #tpu.memory_space<smem>>
    memref.store %min3A_540, %arg7[%swap3A_542] : memref<8xi32, #tpu.memory_space<smem>>
    %swap3A_544 = arith.constant 0 : i32
    %swap3A_545 = arith.constant 1 : i32
    %swap3A_546 = arith.index_cast %swap3A_545 : i32 to index
    %swap3A_547 = memref.load %arg7[%swap3A_546] : memref<8xi32, #tpu.memory_space<smem>>
    memref.store %swap3A_544, %arg7[%swap3A_546] : memref<8xi32, #tpu.memory_space<smem>>
    %swap3A_548 = arith.constant -8388608 : i32
    %swap3A_549 = arith.constant 2 : i32
    %swap3A_550 = arith.index_cast %swap3A_549 : i32 to index
    %swap3A_551 = memref.load %arg7[%swap3A_550] : memref<8xi32, #tpu.memory_space<smem>>
    memref.store %swap3A_548, %arg7[%swap3A_550] : memref<8xi32, #tpu.memory_space<smem>>
    %swap3A_552 = arith.constant 0 : i32
    %swap3A_553 = arith.constant 3 : i32
    %swap3A_554 = arith.index_cast %swap3A_553 : i32 to index
    %swap3A_555 = memref.load %arg7[%swap3A_554] : memref<8xi32, #tpu.memory_space<smem>>
    memref.store %swap3A_552, %arg7[%swap3A_554] : memref<8xi32, #tpu.memory_space<smem>>
    %swap3A_556 = arith.constant 32768 : i32
    %swap3A_557 = arith.constant 4 : i32
    %swap3A_558 = arith.index_cast %swap3A_557 : i32 to index
    %swap3A_559 = memref.load %arg7[%swap3A_558] : memref<8xi32, #tpu.memory_space<smem>>
    memref.store %swap3A_556, %arg7[%swap3A_558] : memref<8xi32, #tpu.memory_space<smem>>
    %swap3A_560 = arith.constant 0 : i32
    %swap3A_561 = arith.constant 5 : i32
    %swap3A_562 = arith.index_cast %swap3A_561 : i32 to index
    %swap3A_563 = memref.load %arg7[%swap3A_562] : memref<8xi32, #tpu.memory_space<smem>>
    memref.store %swap3A_560, %arg7[%swap3A_562] : memref<8xi32, #tpu.memory_space<smem>>
    %swap3A_564 = arith.constant -8388608 : i32
    %swap3A_565 = arith.constant 6 : i32
    %swap3A_566 = arith.index_cast %swap3A_565 : i32 to index
    %swap3A_567 = memref.load %arg7[%swap3A_566] : memref<8xi32, #tpu.memory_space<smem>>
    memref.store %swap3A_564, %arg7[%swap3A_566] : memref<8xi32, #tpu.memory_space<smem>>
    %scan3A_568 = arith.constant 0 : i32
    %scan3A_569 = arith.constant 0 : i32
    %scan3A_570 = arith.constant 40 : i32
    %scan3A_571 = arith.addi %scan3A_569, %scan3A_570 : i32
    %scan3A_572 = arith.constant 1 : i32
    scf.for %scan3A_808 = %scan3A_569 to %scan3A_571 step %scan3A_572  : i32 {
      %get3A_809 = arith.constant 5 : i32
      %get3A_810 = arith.index_cast %get3A_809 : i32 to index
      %get3A_811 = memref.load %arg7[%get3A_810] : memref<8xi32, #tpu.memory_space<smem>>
      %eq3A = arith.constant 0 : i32
      %eq3A_812 = arith.cmpi eq, %get3A_811, %eq3A : i32
      %convert_element_type3A = arith.extui %eq3A_812 : i1 to i32
      %cond3A = arith.constant 0 : i32
      %cond3A_813 = arith.cmpi ne, %convert_element_type3A, %cond3A : i32
      scf.if %cond3A_813 {
        %get3A_814 = arith.constant 0 : i32
        %get3A_815 = arith.index_cast %get3A_814 : i32 to index
        %get3A_816 = memref.load %arg7[%get3A_815] : memref<8xi32, #tpu.memory_space<smem>>
        %ge3A_817 = arith.constant -2147483648 : i32
        %ge3A_818 = arith.cmpi uge, %get3A_816, %ge3A_817 : i32
        %xor3A_819 = arith.constant -2147483648 : i32
        %xor3A_820 = arith.xori %get3A_816, %xor3A_819 : i32
        %not3A_821 = arith.constant -1 : i32
        %not3A_822 = arith.xori %get3A_816, %not3A_821 : i32
        %select_n3A_823 = arith.select %ge3A_818, %xor3A_820, %not3A_822 : i32
        %bitcast_convert_type3A_824 = arith.bitcast %select_n3A_823 : i32 to f32
        %broadcast_in_dim3A_825 = vector.broadcast %bitcast_convert_type3A_824 : f32 to vector<16xf32>
        %broadcast_in_dim3A_826 = arith.constant 1 : i32
        %broadcast_in_dim3A_827 = vector.broadcast %broadcast_in_dim3A_826 : i32 to vector<16xi32>
        %broadcast_in_dim3A_828 = arith.constant 0 : i32
        %broadcast_in_dim3A_829 = vector.broadcast %broadcast_in_dim3A_828 : i32 to vector<16xi32>
        %scan3A_830 = arith.constant 0 : i32
        %scan3A_831 = arith.constant 64 : i32
        %scan3A_832 = arith.addi %scan3A_830, %scan3A_831 : i32
        %scan3A_833 = arith.constant 1 : i32
        %scan3A_834 = scf.for %scan3A_985 = %scan3A_830 to %scan3A_832 step %scan3A_833 iter_args(%scan3A_986 = %broadcast_in_dim3A_829) -> (vector<16xi32>)  : i32 {
          %mul3A_987 = arith.constant 512 : i32
          %mul3A_988 = arith.muli %scan3A_985, %mul3A_987 : i32
          %add3A_989 = arith.constant 0 : i32
          %add3A_990 = arith.addi %mul3A_988, %add3A_989 : i32
          %get3A_991 = arith.index_cast %add3A_990 : i32 to index
          %get3A_992 = tpu.vector_load %arg6[%get3A_991] {strides = array<i32>} : memref<32768xf32, #tpu.memory_space<vmem>>, vector<16xf32>,
          %get3A_993 = vector.shape_cast %get3A_992 : vector<16xf32> to vector<16xf32>
          %lt3A_994 = arith.cmpf olt, %get3A_993, %broadcast_in_dim3A_825 : vector<16xf32>
          %select_n3A_995 = arith.select %lt3A_994, %broadcast_in_dim3A_827, %broadcast_in_dim3A_829 : vector<16xi1>, vector<16xi32>
          %add3A_996 = arith.constant 16 : i32
          %add3A_997 = arith.addi %mul3A_988, %add3A_996 : i32
          %get3A_998 = arith.index_cast %add3A_997 : i32 to index
          %get3A_999 = tpu.vector_load %arg6[%get3A_998] {strides = array<i32>} : memref<32768xf32, #tpu.memory_space<vmem>>, vector<16xf32>,
          %get3A_1000 = vector.shape_cast %get3A_999 : vector<16xf32> to vector<16xf32>
          %lt3A_1001 = arith.cmpf olt, %get3A_1000, %broadcast_in_dim3A_825 : vector<16xf32>
          %select_n3A_1002 = arith.select %lt3A_1001, %broadcast_in_dim3A_827, %broadcast_in_dim3A_829 : vector<16xi1>, vector<16xi32>
          %add3A_1003 = arith.constant 32 : i32
          %add3A_1004 = arith.addi %mul3A_988, %add3A_1003 : i32
          %get3A_1005 = arith.index_cast %add3A_1004 : i32 to index
          %get3A_1006 = tpu.vector_load %arg6[%get3A_1005] {strides = array<i32>} : memref<32768xf32, #tpu.memory_space<vmem>>, vector<16xf32>,
          %get3A_1007 = vector.shape_cast %get3A_1006 : vector<16xf32> to vector<16xf32>
          %lt3A_1008 = arith.cmpf olt, %get3A_1007, %broadcast_in_dim3A_825 : vector<16xf32>
          %select_n3A_1009 = arith.select %lt3A_1008, %broadcast_in_dim3A_827, %broadcast_in_dim3A_829 : vector<16xi1>, vector<16xi32>
          %add3A_1010 = arith.constant 48 : i32
          %add3A_1011 = arith.addi %mul3A_988, %add3A_1010 : i32
          %get3A_1012 = arith.index_cast %add3A_1011 : i32 to index
          %get3A_1013 = tpu.vector_load %arg6[%get3A_1012] {strides = array<i32>} : memref<32768xf32, #tpu.memory_space<vmem>>, vector<16xf32>,
          %get3A_1014 = vector.shape_cast %get3A_1013 : vector<16xf32> to vector<16xf32>
          %lt3A_1015 = arith.cmpf olt, %get3A_1014, %broadcast_in_dim3A_825 : vector<16xf32>
          %select_n3A_1016 = arith.select %lt3A_1015, %broadcast_in_dim3A_827, %broadcast_in_dim3A_829 : vector<16xi1>, vector<16xi32>
          %add3A_1017 = arith.constant 64 : i32
          %add3A_1018 = arith.addi %mul3A_988, %add3A_1017 : i32
          %get3A_1019 = arith.index_cast %add3A_1018 : i32 to index
          %get3A_1020 = tpu.vector_load %arg6[%get3A_1019] {strides = array<i32>} : memref<32768xf32, #tpu.memory_space<vmem>>, vector<16xf32>,
          %get3A_1021 = vector.shape_cast %get3A_1020 : vector<16xf32> to vector<16xf32>
          %lt3A_1022 = arith.cmpf olt, %get3A_1021, %broadcast_in_dim3A_825 : vector<16xf32>
          %select_n3A_1023 = arith.select %lt3A_1022, %broadcast_in_dim3A_827, %broadcast_in_dim3A_829 : vector<16xi1>, vector<16xi32>
          %add3A_1024 = arith.constant 80 : i32
          %add3A_1025 = arith.addi %mul3A_988, %add3A_1024 : i32
          %get3A_1026 = arith.index_cast %add3A_1025 : i32 to index
          %get3A_1027 = tpu.vector_load %arg6[%get3A_1026] {strides = array<i32>} : memref<32768xf32, #tpu.memory_space<vmem>>, vector<16xf32>,
          %get3A_1028 = vector.shape_cast %get3A_1027 : vector<16xf32> to vector<16xf32>
          %lt3A_1029 = arith.cmpf olt, %get3A_1028, %broadcast_in_dim3A_825 : vector<16xf32>
          %select_n3A_1030 = arith.select %lt3A_1029, %broadcast_in_dim3A_827, %broadcast_in_dim3A_829 : vector<16xi1>, vector<16xi32>
          %add3A_1031 = arith.constant 96 : i32
          %add3A_1032 = arith.addi %mul3A_988, %add3A_1031 : i32
          %get3A_1033 = arith.index_cast %add3A_1032 : i32 to index
          %get3A_1034 = tpu.vector_load %arg6[%get3A_1033] {strides = array<i32>} : memref<32768xf32, #tpu.memory_space<vmem>>, vector<16xf32>,
          %get3A_1035 = vector.shape_cast %get3A_1034 : vector<16xf32> to vector<16xf32>
          %lt3A_1036 = arith.cmpf olt, %get3A_1035, %broadcast_in_dim3A_825 : vector<16xf32>
          %select_n3A_1037 = arith.select %lt3A_1036, %broadcast_in_dim3A_827, %broadcast_in_dim3A_829 : vector<16xi1>, vector<16xi32>
          %add3A_1038 = arith.constant 112 : i32
          %add3A_1039 = arith.addi %mul3A_988, %add3A_1038 : i32
          %get3A_1040 = arith.index_cast %add3A_1039 : i32 to index
          %get3A_1041 = tpu.vector_load %arg6[%get3A_1040] {strides = array<i32>} : memref<32768xf32, #tpu.memory_space<vmem>>, vector<16xf32>,
          %get3A_1042 = vector.shape_cast %get3A_1041 : vector<16xf32> to vector<16xf32>
          %lt3A_1043 = arith.cmpf olt, %get3A_1042, %broadcast_in_dim3A_825 : vector<16xf32>
          %select_n3A_1044 = arith.select %lt3A_1043, %broadcast_in_dim3A_827, %broadcast_in_dim3A_829 : vector<16xi1>, vector<16xi32>
          %add3A_1045 = arith.constant 128 : i32
          %add3A_1046 = arith.addi %mul3A_988, %add3A_1045 : i32
          %get3A_1047 = arith.index_cast %add3A_1046 : i32 to index
          %get3A_1048 = tpu.vector_load %arg6[%get3A_1047] {strides = array<i32>} : memref<32768xf32, #tpu.memory_space<vmem>>, vector<16xf32>,
          %get3A_1049 = vector.shape_cast %get3A_1048 : vector<16xf32> to vector<16xf32>
          %lt3A_1050 = arith.cmpf olt, %get3A_1049, %broadcast_in_dim3A_825 : vector<16xf32>
          %select_n3A_1051 = arith.select %lt3A_1050, %broadcast_in_dim3A_827, %broadcast_in_dim3A_829 : vector<16xi1>, vector<16xi32>
          %add3A_1052 = arith.constant 144 : i32
          %add3A_1053 = arith.addi %mul3A_988, %add3A_1052 : i32
          %get3A_1054 = arith.index_cast %add3A_1053 : i32 to index
          %get3A_1055 = tpu.vector_load %arg6[%get3A_1054] {strides = array<i32>} : memref<32768xf32, #tpu.memory_space<vmem>>, vector<16xf32>,
          %get3A_1056 = vector.shape_cast %get3A_1055 : vector<16xf32> to vector<16xf32>
          %lt3A_1057 = arith.cmpf olt, %get3A_1056, %broadcast_in_dim3A_825 : vector<16xf32>
          %select_n3A_1058 = arith.select %lt3A_1057, %broadcast_in_dim3A_827, %broadcast_in_dim3A_829 : vector<16xi1>, vector<16xi32>
          %add3A_1059 = arith.constant 160 : i32
          %add3A_1060 = arith.addi %mul3A_988, %add3A_1059 : i32
          %get3A_1061 = arith.index_cast %add3A_1060 : i32 to index
          %get3A_1062 = tpu.vector_load %arg6[%get3A_1061] {strides = array<i32>} : memref<32768xf32, #tpu.memory_space<vmem>>, vector<16xf32>,
          %get3A_1063 = vector.shape_cast %get3A_1062 : vector<16xf32> to vector<16xf32>
          %lt3A_1064 = arith.cmpf olt, %get3A_1063, %broadcast_in_dim3A_825 : vector<16xf32>
          %select_n3A_1065 = arith.select %lt3A_1064, %broadcast_in_dim3A_827, %broadcast_in_dim3A_829 : vector<16xi1>, vector<16xi32>
          %add3A_1066 = arith.constant 176 : i32
          %add3A_1067 = arith.addi %mul3A_988, %add3A_1066 : i32
          %get3A_1068 = arith.index_cast %add3A_1067 : i32 to index
          %get3A_1069 = tpu.vector_load %arg6[%get3A_1068] {strides = array<i32>} : memref<32768xf32, #tpu.memory_space<vmem>>, vector<16xf32>,
          %get3A_1070 = vector.shape_cast %get3A_1069 : vector<16xf32> to vector<16xf32>
          %lt3A_1071 = arith.cmpf olt, %get3A_1070, %broadcast_in_dim3A_825 : vector<16xf32>
          %select_n3A_1072 = arith.select %lt3A_1071, %broadcast_in_dim3A_827, %broadcast_in_dim3A_829 : vector<16xi1>, vector<16xi32>
          %add3A_1073 = arith.constant 192 : i32
          %add3A_1074 = arith.addi %mul3A_988, %add3A_1073 : i32
          %get3A_1075 = arith.index_cast %add3A_1074 : i32 to index
          %get3A_1076 = tpu.vector_load %arg6[%get3A_1075] {strides = array<i32>} : memref<32768xf32, #tpu.memory_space<vmem>>, vector<16xf32>,
          %get3A_1077 = vector.shape_cast %get3A_1076 : vector<16xf32> to vector<16xf32>
          %lt3A_1078 = arith.cmpf olt, %get3A_1077, %broadcast_in_dim3A_825 : vector<16xf32>
          %select_n3A_1079 = arith.select %lt3A_1078, %broadcast_in_dim3A_827, %broadcast_in_dim3A_829 : vector<16xi1>, vector<16xi32>
          %add3A_1080 = arith.constant 208 : i32
          %add3A_1081 = arith.addi %mul3A_988, %add3A_1080 : i32
          %get3A_1082 = arith.index_cast %add3A_1081 : i32 to index
          %get3A_1083 = tpu.vector_load %arg6[%get3A_1082] {strides = array<i32>} : memref<32768xf32, #tpu.memory_space<vmem>>, vector<16xf32>,
          %get3A_1084 = vector.shape_cast %get3A_1083 : vector<16xf32> to vector<16xf32>
          %lt3A_1085 = arith.cmpf olt, %get3A_1084, %broadcast_in_dim3A_825 : vector<16xf32>
          %select_n3A_1086 = arith.select %lt3A_1085, %broadcast_in_dim3A_827, %broadcast_in_dim3A_829 : vector<16xi1>, vector<16xi32>
          %add3A_1087 = arith.constant 224 : i32
          %add3A_1088 = arith.addi %mul3A_988, %add3A_1087 : i32
          %get3A_1089 = arith.index_cast %add3A_1088 : i32 to index
          %get3A_1090 = tpu.vector_load %arg6[%get3A_1089] {strides = array<i32>} : memref<32768xf32, #tpu.memory_space<vmem>>, vector<16xf32>,
          %get3A_1091 = vector.shape_cast %get3A_1090 : vector<16xf32> to vector<16xf32>
          %lt3A_1092 = arith.cmpf olt, %get3A_1091, %broadcast_in_dim3A_825 : vector<16xf32>
          %select_n3A_1093 = arith.select %lt3A_1092, %broadcast_in_dim3A_827, %broadcast_in_dim3A_829 : vector<16xi1>, vector<16xi32>
          %add3A_1094 = arith.constant 240 : i32
          %add3A_1095 = arith.addi %mul3A_988, %add3A_1094 : i32
          %get3A_1096 = arith.index_cast %add3A_1095 : i32 to index
          %get3A_1097 = tpu.vector_load %arg6[%get3A_1096] {strides = array<i32>} : memref<32768xf32, #tpu.memory_space<vmem>>, vector<16xf32>,
          %get3A_1098 = vector.shape_cast %get3A_1097 : vector<16xf32> to vector<16xf32>
          %lt3A_1099 = arith.cmpf olt, %get3A_1098, %broadcast_in_dim3A_825 : vector<16xf32>
          %select_n3A_1100 = arith.select %lt3A_1099, %broadcast_in_dim3A_827, %broadcast_in_dim3A_829 : vector<16xi1>, vector<16xi32>
          %add3A_1101 = arith.constant 256 : i32
          %add3A_1102 = arith.addi %mul3A_988, %add3A_1101 : i32
          %get3A_1103 = arith.index_cast %add3A_1102 : i32 to index
          %get3A_1104 = tpu.vector_load %arg6[%get3A_1103] {strides = array<i32>} : memref<32768xf32, #tpu.memory_space<vmem>>, vector<16xf32>,
          %get3A_1105 = vector.shape_cast %get3A_1104 : vector<16xf32> to vector<16xf32>
          %lt3A_1106 = arith.cmpf olt, %get3A_1105, %broadcast_in_dim3A_825 : vector<16xf32>
          %select_n3A_1107 = arith.select %lt3A_1106, %broadcast_in_dim3A_827, %broadcast_in_dim3A_829 : vector<16xi1>, vector<16xi32>
          %add3A_1108 = arith.constant 272 : i32
          %add3A_1109 = arith.addi %mul3A_988, %add3A_1108 : i32
          %get3A_1110 = arith.index_cast %add3A_1109 : i32 to index
          %get3A_1111 = tpu.vector_load %arg6[%get3A_1110] {strides = array<i32>} : memref<32768xf32, #tpu.memory_space<vmem>>, vector<16xf32>,
          %get3A_1112 = vector.shape_cast %get3A_1111 : vector<16xf32> to vector<16xf32>
          %lt3A_1113 = arith.cmpf olt, %get3A_1112, %broadcast_in_dim3A_825 : vector<16xf32>
          %select_n3A_1114 = arith.select %lt3A_1113, %broadcast_in_dim3A_827, %broadcast_in_dim3A_829 : vector<16xi1>, vector<16xi32>
          %add3A_1115 = arith.constant 288 : i32
          %add3A_1116 = arith.addi %mul3A_988, %add3A_1115 : i32
          %get3A_1117 = arith.index_cast %add3A_1116 : i32 to index
          %get3A_1118 = tpu.vector_load %arg6[%get3A_1117] {strides = array<i32>} : memref<32768xf32, #tpu.memory_space<vmem>>, vector<16xf32>,
          %get3A_1119 = vector.shape_cast %get3A_1118 : vector<16xf32> to vector<16xf32>
          %lt3A_1120 = arith.cmpf olt, %get3A_1119, %broadcast_in_dim3A_825 : vector<16xf32>
          %select_n3A_1121 = arith.select %lt3A_1120, %broadcast_in_dim3A_827, %broadcast_in_dim3A_829 : vector<16xi1>, vector<16xi32>
          %add3A_1122 = arith.constant 304 : i32
          %add3A_1123 = arith.addi %mul3A_988, %add3A_1122 : i32
          %get3A_1124 = arith.index_cast %add3A_1123 : i32 to index
          %get3A_1125 = tpu.vector_load %arg6[%get3A_1124] {strides = array<i32>} : memref<32768xf32, #tpu.memory_space<vmem>>, vector<16xf32>,
          %get3A_1126 = vector.shape_cast %get3A_1125 : vector<16xf32> to vector<16xf32>
          %lt3A_1127 = arith.cmpf olt, %get3A_1126, %broadcast_in_dim3A_825 : vector<16xf32>
          %select_n3A_1128 = arith.select %lt3A_1127, %broadcast_in_dim3A_827, %broadcast_in_dim3A_829 : vector<16xi1>, vector<16xi32>
          %add3A_1129 = arith.constant 320 : i32
          %add3A_1130 = arith.addi %mul3A_988, %add3A_1129 : i32
          %get3A_1131 = arith.index_cast %add3A_1130 : i32 to index
          %get3A_1132 = tpu.vector_load %arg6[%get3A_1131] {strides = array<i32>} : memref<32768xf32, #tpu.memory_space<vmem>>, vector<16xf32>,
          %get3A_1133 = vector.shape_cast %get3A_1132 : vector<16xf32> to vector<16xf32>
          %lt3A_1134 = arith.cmpf olt, %get3A_1133, %broadcast_in_dim3A_825 : vector<16xf32>
          %select_n3A_1135 = arith.select %lt3A_1134, %broadcast_in_dim3A_827, %broadcast_in_dim3A_829 : vector<16xi1>, vector<16xi32>
          %add3A_1136 = arith.constant 336 : i32
          %add3A_1137 = arith.addi %mul3A_988, %add3A_1136 : i32
          %get3A_1138 = arith.index_cast %add3A_1137 : i32 to index
          %get3A_1139 = tpu.vector_load %arg6[%get3A_1138] {strides = array<i32>} : memref<32768xf32, #tpu.memory_space<vmem>>, vector<16xf32>,
          %get3A_1140 = vector.shape_cast %get3A_1139 : vector<16xf32> to vector<16xf32>
          %lt3A_1141 = arith.cmpf olt, %get3A_1140, %broadcast_in_dim3A_825 : vector<16xf32>
          %select_n3A_1142 = arith.select %lt3A_1141, %broadcast_in_dim3A_827, %broadcast_in_dim3A_829 : vector<16xi1>, vector<16xi32>
          %add3A_1143 = arith.constant 352 : i32
          %add3A_1144 = arith.addi %mul3A_988, %add3A_1143 : i32
          %get3A_1145 = arith.index_cast %add3A_1144 : i32 to index
          %get3A_1146 = tpu.vector_load %arg6[%get3A_1145] {strides = array<i32>} : memref<32768xf32, #tpu.memory_space<vmem>>, vector<16xf32>,
          %get3A_1147 = vector.shape_cast %get3A_1146 : vector<16xf32> to vector<16xf32>
          %lt3A_1148 = arith.cmpf olt, %get3A_1147, %broadcast_in_dim3A_825 : vector<16xf32>
          %select_n3A_1149 = arith.select %lt3A_1148, %broadcast_in_dim3A_827, %broadcast_in_dim3A_829 : vector<16xi1>, vector<16xi32>
          %add3A_1150 = arith.constant 368 : i32
          %add3A_1151 = arith.addi %mul3A_988, %add3A_1150 : i32
          %get3A_1152 = arith.index_cast %add3A_1151 : i32 to index
          %get3A_1153 = tpu.vector_load %arg6[%get3A_1152] {strides = array<i32>} : memref<32768xf32, #tpu.memory_space<vmem>>, vector<16xf32>,
          %get3A_1154 = vector.shape_cast %get3A_1153 : vector<16xf32> to vector<16xf32>
          %lt3A_1155 = arith.cmpf olt, %get3A_1154, %broadcast_in_dim3A_825 : vector<16xf32>
          %select_n3A_1156 = arith.select %lt3A_1155, %broadcast_in_dim3A_827, %broadcast_in_dim3A_829 : vector<16xi1>, vector<16xi32>
          %add3A_1157 = arith.constant 384 : i32
          %add3A_1158 = arith.addi %mul3A_988, %add3A_1157 : i32
          %get3A_1159 = arith.index_cast %add3A_1158 : i32 to index
          %get3A_1160 = tpu.vector_load %arg6[%get3A_1159] {strides = array<i32>} : memref<32768xf32, #tpu.memory_space<vmem>>, vector<16xf32>,
          %get3A_1161 = vector.shape_cast %get3A_1160 : vector<16xf32> to vector<16xf32>
          %lt3A_1162 = arith.cmpf olt, %get3A_1161, %broadcast_in_dim3A_825 : vector<16xf32>
          %select_n3A_1163 = arith.select %lt3A_1162, %broadcast_in_dim3A_827, %broadcast_in_dim3A_829 : vector<16xi1>, vector<16xi32>
          %add3A_1164 = arith.constant 400 : i32
          %add3A_1165 = arith.addi %mul3A_988, %add3A_1164 : i32
          %get3A_1166 = arith.index_cast %add3A_1165 : i32 to index
          %get3A_1167 = tpu.vector_load %arg6[%get3A_1166] {strides = array<i32>} : memref<32768xf32, #tpu.memory_space<vmem>>, vector<16xf32>,
          %get3A_1168 = vector.shape_cast %get3A_1167 : vector<16xf32> to vector<16xf32>
          %lt3A_1169 = arith.cmpf olt, %get3A_1168, %broadcast_in_dim3A_825 : vector<16xf32>
          %select_n3A_1170 = arith.select %lt3A_1169, %broadcast_in_dim3A_827, %broadcast_in_dim3A_829 : vector<16xi1>, vector<16xi32>
          %add3A_1171 = arith.constant 416 : i32
          %add3A_1172 = arith.addi %mul3A_988, %add3A_1171 : i32
          %get3A_1173 = arith.index_cast %add3A_1172 : i32 to index
          %get3A_1174 = tpu.vector_load %arg6[%get3A_1173] {strides = array<i32>} : memref<32768xf32, #tpu.memory_space<vmem>>, vector<16xf32>,
          %get3A_1175 = vector.shape_cast %get3A_1174 : vector<16xf32> to vector<16xf32>
          %lt3A_1176 = arith.cmpf olt, %get3A_1175, %broadcast_in_dim3A_825 : vector<16xf32>
          %select_n3A_1177 = arith.select %lt3A_1176, %broadcast_in_dim3A_827, %broadcast_in_dim3A_829 : vector<16xi1>, vector<16xi32>
          %add3A_1178 = arith.constant 432 : i32
          %add3A_1179 = arith.addi %mul3A_988, %add3A_1178 : i32
          %get3A_1180 = arith.index_cast %add3A_1179 : i32 to index
          %get3A_1181 = tpu.vector_load %arg6[%get3A_1180] {strides = array<i32>} : memref<32768xf32, #tpu.memory_space<vmem>>, vector<16xf32>,
          %get3A_1182 = vector.shape_cast %get3A_1181 : vector<16xf32> to vector<16xf32>
          %lt3A_1183 = arith.cmpf olt, %get3A_1182, %broadcast_in_dim3A_825 : vector<16xf32>
          %select_n3A_1184 = arith.select %lt3A_1183, %broadcast_in_dim3A_827, %broadcast_in_dim3A_829 : vector<16xi1>, vector<16xi32>
          %add3A_1185 = arith.constant 448 : i32
          %add3A_1186 = arith.addi %mul3A_988, %add3A_1185 : i32
          %get3A_1187 = arith.index_cast %add3A_1186 : i32 to index
          %get3A_1188 = tpu.vector_load %arg6[%get3A_1187] {strides = array<i32>} : memref<32768xf32, #tpu.memory_space<vmem>>, vector<16xf32>,
          %get3A_1189 = vector.shape_cast %get3A_1188 : vector<16xf32> to vector<16xf32>
          %lt3A_1190 = arith.cmpf olt, %get3A_1189, %broadcast_in_dim3A_825 : vector<16xf32>
          %select_n3A_1191 = arith.select %lt3A_1190, %broadcast_in_dim3A_827, %broadcast_in_dim3A_829 : vector<16xi1>, vector<16xi32>
          %add3A_1192 = arith.constant 464 : i32
          %add3A_1193 = arith.addi %mul3A_988, %add3A_1192 : i32
          %get3A_1194 = arith.index_cast %add3A_1193 : i32 to index
          %get3A_1195 = tpu.vector_load %arg6[%get3A_1194] {strides = array<i32>} : memref<32768xf32, #tpu.memory_space<vmem>>, vector<16xf32>,
          %get3A_1196 = vector.shape_cast %get3A_1195 : vector<16xf32> to vector<16xf32>
          %lt3A_1197 = arith.cmpf olt, %get3A_1196, %broadcast_in_dim3A_825 : vector<16xf32>
          %select_n3A_1198 = arith.select %lt3A_1197, %broadcast_in_dim3A_827, %broadcast_in_dim3A_829 : vector<16xi1>, vector<16xi32>
          %add3A_1199 = arith.constant 480 : i32
          %add3A_1200 = arith.addi %mul3A_988, %add3A_1199 : i32
          %get3A_1201 = arith.index_cast %add3A_1200 : i32 to index
          %get3A_1202 = tpu.vector_load %arg6[%get3A_1201] {strides = array<i32>} : memref<32768xf32, #tpu.memory_space<vmem>>, vector<16xf32>,
          %get3A_1203 = vector.shape_cast %get3A_1202 : vector<16xf32> to vector<16xf32>
          %lt3A_1204 = arith.cmpf olt, %get3A_1203, %broadcast_in_dim3A_825 : vector<16xf32>
          %select_n3A_1205 = arith.select %lt3A_1204, %broadcast_in_dim3A_827, %broadcast_in_dim3A_829 : vector<16xi1>, vector<16xi32>
          %add3A_1206 = arith.constant 496 : i32
          %add3A_1207 = arith.addi %mul3A_988, %add3A_1206 : i32
          %get3A_1208 = arith.index_cast %add3A_1207 : i32 to index
          %get3A_1209 = tpu.vector_load %arg6[%get3A_1208] {strides = array<i32>} : memref<32768xf32, #tpu.memory_space<vmem>>, vector<16xf32>,
          %get3A_1210 = vector.shape_cast %get3A_1209 : vector<16xf32> to vector<16xf32>
          %lt3A_1211 = arith.cmpf olt, %get3A_1210, %broadcast_in_dim3A_825 : vector<16xf32>
          %select_n3A_1212 = arith.select %lt3A_1211, %broadcast_in_dim3A_827, %broadcast_in_dim3A_829 : vector<16xi1>, vector<16xi32>
          %add3A_1213 = arith.addi %select_n3A_995, %select_n3A_1002 : vector<16xi32>
          %add3A_1214 = arith.addi %select_n3A_1009, %select_n3A_1016 : vector<16xi32>
          %add3A_1215 = arith.addi %select_n3A_1023, %select_n3A_1030 : vector<16xi32>
          %add3A_1216 = arith.addi %select_n3A_1037, %select_n3A_1044 : vector<16xi32>
          %add3A_1217 = arith.addi %select_n3A_1051, %select_n3A_1058 : vector<16xi32>
          %add3A_1218 = arith.addi %select_n3A_1065, %select_n3A_1072 : vector<16xi32>
          %add3A_1219 = arith.addi %select_n3A_1079, %select_n3A_1086 : vector<16xi32>
          %add3A_1220 = arith.addi %select_n3A_1093, %select_n3A_1100 : vector<16xi32>
          %add3A_1221 = arith.addi %select_n3A_1107, %select_n3A_1114 : vector<16xi32>
          %add3A_1222 = arith.addi %select_n3A_1121, %select_n3A_1128 : vector<16xi32>
          %add3A_1223 = arith.addi %select_n3A_1135, %select_n3A_1142 : vector<16xi32>
          %add3A_1224 = arith.addi %select_n3A_1149, %select_n3A_1156 : vector<16xi32>
          %add3A_1225 = arith.addi %select_n3A_1163, %select_n3A_1170 : vector<16xi32>
          %add3A_1226 = arith.addi %select_n3A_1177, %select_n3A_1184 : vector<16xi32>
          %add3A_1227 = arith.addi %select_n3A_1191, %select_n3A_1198 : vector<16xi32>
          %add3A_1228 = arith.addi %select_n3A_1205, %select_n3A_1212 : vector<16xi32>
          %add3A_1229 = arith.addi %add3A_1213, %add3A_1214 : vector<16xi32>
          %add3A_1230 = arith.addi %add3A_1215, %add3A_1216 : vector<16xi32>
          %add3A_1231 = arith.addi %add3A_1217, %add3A_1218 : vector<16xi32>
          %add3A_1232 = arith.addi %add3A_1219, %add3A_1220 : vector<16xi32>
          %add3A_1233 = arith.addi %add3A_1221, %add3A_1222 : vector<16xi32>
          %add3A_1234 = arith.addi %add3A_1223, %add3A_1224 : vector<16xi32>
          %add3A_1235 = arith.addi %add3A_1225, %add3A_1226 : vector<16xi32>
          %add3A_1236 = arith.addi %add3A_1227, %add3A_1228 : vector<16xi32>
          %add3A_1237 = arith.addi %add3A_1229, %add3A_1230 : vector<16xi32>
          %add3A_1238 = arith.addi %add3A_1231, %add3A_1232 : vector<16xi32>
          %add3A_1239 = arith.addi %add3A_1233, %add3A_1234 : vector<16xi32>
          %add3A_1240 = arith.addi %add3A_1235, %add3A_1236 : vector<16xi32>
          %add3A_1241 = arith.addi %add3A_1237, %add3A_1238 : vector<16xi32>
          %add3A_1242 = arith.addi %add3A_1239, %add3A_1240 : vector<16xi32>
          %add3A_1243 = arith.addi %add3A_1241, %add3A_1242 : vector<16xi32>
          %add3A_1244 = arith.addi %scan3A_986, %add3A_1243 : vector<16xi32>
          scf.yield %add3A_1244 : vector<16xi32>
        }
        %scan3A_835 = arith.constant 64 : i32
        %slice3A_836 = vector.extract_strided_slice %scan3A_834 {offsets = [0], sizes = [1], strides = [1]} : vector<16xi32> to vector<1xi32>
        %squeeze3A_837 = vector.extract %slice3A_836[0] : i32 from vector<1xi32>
        %slice3A_838 = vector.extract_strided_slice %scan3A_834 {offsets = [1], sizes = [1], strides = [1]} : vector<16xi32> to vector<1xi32>
        %squeeze3A_839 = vector.extract %slice3A_838[0] : i32 from vector<1xi32>
        %add3A_840 = arith.addi %squeeze3A_837, %squeeze3A_839 : i32
        %slice3A_841 = vector.extract_strided_slice %scan3A_834 {offsets = [2], sizes = [1], strides = [1]} : vector<16xi32> to vector<1xi32>
        %squeeze3A_842 = vector.extract %slice3A_841[0] : i32 from vector<1xi32>
        %add3A_843 = arith.addi %add3A_840, %squeeze3A_842 : i32
        %slice3A_844 = vector.extract_strided_slice %scan3A_834 {offsets = [3], sizes = [1], strides = [1]} : vector<16xi32> to vector<1xi32>
        %squeeze3A_845 = vector.extract %slice3A_844[0] : i32 from vector<1xi32>
        %add3A_846 = arith.addi %add3A_843, %squeeze3A_845 : i32
        %slice3A_847 = vector.extract_strided_slice %scan3A_834 {offsets = [4], sizes = [1], strides = [1]} : vector<16xi32> to vector<1xi32>
        %squeeze3A_848 = vector.extract %slice3A_847[0] : i32 from vector<1xi32>
        %add3A_849 = arith.addi %add3A_846, %squeeze3A_848 : i32
        %slice3A_850 = vector.extract_strided_slice %scan3A_834 {offsets = [5], sizes = [1], strides = [1]} : vector<16xi32> to vector<1xi32>
        %squeeze3A_851 = vector.extract %slice3A_850[0] : i32 from vector<1xi32>
        %add3A_852 = arith.addi %add3A_849, %squeeze3A_851 : i32
        %slice3A_853 = vector.extract_strided_slice %scan3A_834 {offsets = [6], sizes = [1], strides = [1]} : vector<16xi32> to vector<1xi32>
        %squeeze3A_854 = vector.extract %slice3A_853[0] : i32 from vector<1xi32>
        %add3A_855 = arith.addi %add3A_852, %squeeze3A_854 : i32
        %slice3A_856 = vector.extract_strided_slice %scan3A_834 {offsets = [7], sizes = [1], strides = [1]} : vector<16xi32> to vector<1xi32>
        %squeeze3A_857 = vector.extract %slice3A_856[0] : i32 from vector<1xi32>
        %add3A_858 = arith.addi %add3A_855, %squeeze3A_857 : i32
        %slice3A_859 = vector.extract_strided_slice %scan3A_834 {offsets = [8], sizes = [1], strides = [1]} : vector<16xi32> to vector<1xi32>
        %squeeze3A_860 = vector.extract %slice3A_859[0] : i32 from vector<1xi32>
        %add3A_861 = arith.addi %add3A_858, %squeeze3A_860 : i32
        %slice3A_862 = vector.extract_strided_slice %scan3A_834 {offsets = [9], sizes = [1], strides = [1]} : vector<16xi32> to vector<1xi32>
        %squeeze3A_863 = vector.extract %slice3A_862[0] : i32 from vector<1xi32>
        %add3A_864 = arith.addi %add3A_861, %squeeze3A_863 : i32
        %slice3A_865 = vector.extract_strided_slice %scan3A_834 {offsets = [10], sizes = [1], strides = [1]} : vector<16xi32> to vector<1xi32>
        %squeeze3A_866 = vector.extract %slice3A_865[0] : i32 from vector<1xi32>
        %add3A_867 = arith.addi %add3A_864, %squeeze3A_866 : i32
        %slice3A_868 = vector.extract_strided_slice %scan3A_834 {offsets = [11], sizes = [1], strides = [1]} : vector<16xi32> to vector<1xi32>
        %squeeze3A_869 = vector.extract %slice3A_868[0] : i32 from vector<1xi32>
        %add3A_870 = arith.addi %add3A_867, %squeeze3A_869 : i32
        %slice3A_871 = vector.extract_strided_slice %scan3A_834 {offsets = [12], sizes = [1], strides = [1]} : vector<16xi32> to vector<1xi32>
        %squeeze3A_872 = vector.extract %slice3A_871[0] : i32 from vector<1xi32>
        %add3A_873 = arith.addi %add3A_870, %squeeze3A_872 : i32
        %slice3A_874 = vector.extract_strided_slice %scan3A_834 {offsets = [13], sizes = [1], strides = [1]} : vector<16xi32> to vector<1xi32>
        %squeeze3A_875 = vector.extract %slice3A_874[0] : i32 from vector<1xi32>
        %add3A_876 = arith.addi %add3A_873, %squeeze3A_875 : i32
        %slice3A_877 = vector.extract_strided_slice %scan3A_834 {offsets = [14], sizes = [1], strides = [1]} : vector<16xi32> to vector<1xi32>
        %squeeze3A_878 = vector.extract %slice3A_877[0] : i32 from vector<1xi32>
        %add3A_879 = arith.addi %add3A_876, %squeeze3A_878 : i32
        %slice3A_880 = vector.extract_strided_slice %scan3A_834 {offsets = [15], sizes = [1], strides = [1]} : vector<16xi32> to vector<1xi32>
        %squeeze3A_881 = vector.extract %slice3A_880[0] : i32 from vector<1xi32>
        %add3A_882 = arith.addi %add3A_879, %squeeze3A_881 : i32
        %get3A_883 = arith.constant 1 : i32
        %get3A_884 = arith.index_cast %get3A_883 : i32 to index
        %get3A_885 = memref.load %arg7[%get3A_884] : memref<8xi32, #tpu.memory_space<smem>>
        %get3A_886 = arith.constant 2 : i32
        %get3A_887 = arith.index_cast %get3A_886 : i32 to index
        %get3A_888 = memref.load %arg7[%get3A_887] : memref<8xi32, #tpu.memory_space<smem>>
        %get3A_889 = arith.constant 3 : i32
        %get3A_890 = arith.index_cast %get3A_889 : i32 to index
        %get3A_891 = memref.load %arg7[%get3A_890] : memref<8xi32, #tpu.memory_space<smem>>
        %get3A_892 = arith.constant 4 : i32
        %get3A_893 = arith.index_cast %get3A_892 : i32 to index
        %get3A_894 = memref.load %arg7[%get3A_893] : memref<8xi32, #tpu.memory_space<smem>>
        %eq3A_895 = arith.constant 256 : i32
        %eq3A_896 = arith.cmpi eq, %add3A_882, %eq3A_895 : i32
        %lt3A = arith.constant 256 : i32
        %lt3A_897 = arith.cmpi slt, %add3A_882, %lt3A : i32
        %select_n3A_898 = arith.select %lt3A_897, %get3A_816, %get3A_885 : i32
        %select_n3A_899 = arith.select %lt3A_897, %add3A_882, %get3A_891 : i32
        %select_n3A_900 = arith.select %lt3A_897, %get3A_888, %get3A_816 : i32
        %select_n3A_901 = arith.select %lt3A_897, %get3A_894, %add3A_882 : i32
        %sub3A = arith.subi %select_n3A_900, %select_n3A_898 : i32
        %le3A = arith.constant 1 : i32
        %le3A_902 = arith.cmpi ule, %sub3A, %le3A : i32
        %or3A_903 = arith.ori %eq3A_896, %le3A_902 : i1
        %select_n3A_904 = arith.select %eq3A_896, %get3A_816, %select_n3A_900 : i32
        %sub3A_905 = arith.subi %select_n3A_900, %select_n3A_898 : i32
        %convert_element_type3A_906 = arith.uitofp %sub3A_905 : i32 to f32
        %sub3A_907 = arith.constant 256 : i32
        %sub3A_908 = arith.subi %sub3A_907, %select_n3A_899 : i32
        %convert_element_type3A_909 = arith.sitofp %sub3A_908 : i32 to f32
        %sub3A_910 = arith.subi %select_n3A_901, %select_n3A_899 : i32
        %convert_element_type3A_911 = arith.sitofp %sub3A_910 : i32 to f32
        %bitcast_convert_type3A_912 = arith.bitcast %convert_element_type3A_911 : f32 to i32
        %sub3A_913 = arith.constant 2129859011 : i32
        %sub3A_914 = arith.subi %sub3A_913, %bitcast_convert_type3A_912 : i32
        %bitcast_convert_type3A_915 = arith.bitcast %sub3A_914 : i32 to f32
        %mul3A_916 = arith.mulf %convert_element_type3A_911, %bitcast_convert_type3A_915 : f32
        %sub3A_917 = arith.constant 2.000000e+00 : f32
        %sub3A_918 = arith.subf %sub3A_917, %mul3A_916 : f32
        %mul3A_919 = arith.mulf %bitcast_convert_type3A_915, %sub3A_918 : f32
        %mul3A_920 = arith.mulf %convert_element_type3A_911, %mul3A_919 : f32
        %sub3A_921 = arith.constant 2.000000e+00 : f32
        %sub3A_922 = arith.subf %sub3A_921, %mul3A_920 : f32
        %mul3A_923 = arith.mulf %mul3A_919, %sub3A_922 : f32
        %mul3A_924 = arith.mulf %convert_element_type3A_909, %mul3A_923 : f32
        %mul3A_925 = arith.mulf %convert_element_type3A_906, %mul3A_924 : f32
        %convert_element_type3A_926 = arith.fptoui %mul3A_925 : f32 to i32
        %add3A_927 = arith.addi %select_n3A_898, %convert_element_type3A_926 : i32
        %sub3A_928 = arith.subi %select_n3A_900, %select_n3A_898 : i32
        %shift_right_logical3A = arith.constant 1 : i32
        %shift_right_logical3A_929 = arith.shrui %sub3A_928, %shift_right_logical3A : i32
        %add3A_930 = arith.addi %select_n3A_898, %shift_right_logical3A_929 : i32
        %sub3A_931 = arith.constant 256 : i32
        %sub3A_932 = arith.subi %sub3A_931, %add3A_882 : i32
        %convert_element_type3A_933 = arith.sitofp %sub3A_932 : i32 to f32
        %mul3A_934 = arith.mulf %convert_element_type3A_933, %mul3A_525 : f32
        %add3A_935 = arith.addf %bitcast_convert_type3A_824, %mul3A_934 : f32
        %bitcast_convert_type3A_936 = arith.bitcast %add3A_935 : f32 to i32
        %ge3A_937 = arith.constant -2147483648 : i32
        %ge3A_938 = arith.cmpi uge, %bitcast_convert_type3A_936, %ge3A_937 : i32
        %not3A_939 = arith.constant -1 : i32
        %not3A_940 = arith.xori %bitcast_convert_type3A_936, %not3A_939 : i32
        %or3A_941 = arith.constant -2147483648 : i32
        %or3A_942 = arith.ori %bitcast_convert_type3A_936, %or3A_941 : i32
        %select_n3A_943 = arith.select %ge3A_938, %not3A_940, %or3A_942 : i32
        %eq3A_944 = arith.constant 0 : i32
        %eq3A_945 = arith.cmpi eq, %select_n3A_898, %eq3A_944 : i32
        %eq3A_946 = arith.constant -8388608 : i32
        %eq3A_947 = arith.cmpi eq, %select_n3A_900, %eq3A_946 : i32
        %or3A_948 = arith.ori %eq3A_945, %eq3A_947 : i1
        %add3A_949 = arith.constant 1 : i32
        %add3A_950 = arith.addi %scan3A_808, %add3A_949 : i32
        %lt3A_951 = arith.constant 8 : i32
        %lt3A_952 = arith.cmpi slt, %add3A_950, %lt3A_951 : i32
        %and3A = arith.andi %lt3A_952, %or3A_948 : i1
        %select_n3A_953 = arith.select %lt3A_952, %add3A_927, %add3A_930 : i32
        %select_n3A_954 = arith.select %and3A, %select_n3A_943, %select_n3A_953 : i32
        %add3A_955 = arith.constant 1 : i32
        %add3A_956 = arith.addi %select_n3A_898, %add3A_955 : i32
        %sub3A_957 = arith.constant 1 : i32
        %sub3A_958 = arith.subi %select_n3A_900, %sub3A_957 : i32
        %max3A_959 = arith.maxui %add3A_956, %select_n3A_954 : i32
        %min3A_960 = arith.minui %sub3A_958, %max3A_959 : i32
        %swap3A_961 = arith.constant 0 : i32
        %swap3A_962 = arith.index_cast %swap3A_961 : i32 to index
        %swap3A_963 = memref.load %arg7[%swap3A_962] : memref<8xi32, #tpu.memory_space<smem>>
        memref.store %min3A_960, %arg7[%swap3A_962] : memref<8xi32, #tpu.memory_space<smem>>
        %swap3A_964 = arith.constant 1 : i32
        %swap3A_965 = arith.index_cast %swap3A_964 : i32 to index
        %swap3A_966 = memref.load %arg7[%swap3A_965] : memref<8xi32, #tpu.memory_space<smem>>
        memref.store %select_n3A_898, %arg7[%swap3A_965] : memref<8xi32, #tpu.memory_space<smem>>
        %swap3A_967 = arith.constant 2 : i32
        %swap3A_968 = arith.index_cast %swap3A_967 : i32 to index
        %swap3A_969 = memref.load %arg7[%swap3A_968] : memref<8xi32, #tpu.memory_space<smem>>
        memref.store %select_n3A_900, %arg7[%swap3A_968] : memref<8xi32, #tpu.memory_space<smem>>
        %swap3A_970 = arith.constant 3 : i32
        %swap3A_971 = arith.index_cast %swap3A_970 : i32 to index
        %swap3A_972 = memref.load %arg7[%swap3A_971] : memref<8xi32, #tpu.memory_space<smem>>
        memref.store %select_n3A_899, %arg7[%swap3A_971] : memref<8xi32, #tpu.memory_space<smem>>
        %swap3A_973 = arith.constant 4 : i32
        %swap3A_974 = arith.index_cast %swap3A_973 : i32 to index
        %swap3A_975 = memref.load %arg7[%swap3A_974] : memref<8xi32, #tpu.memory_space<smem>>
        memref.store %select_n3A_901, %arg7[%swap3A_974] : memref<8xi32, #tpu.memory_space<smem>>
        %jit3A_976 = arith.constant 1 : i32
        %jit3A_977 = arith.constant 0 : i32
        %select_n3A_978 = arith.select %or3A_903, %jit3A_976, %jit3A_977 : i32
        %swap3A_979 = arith.constant 5 : i32
        %swap3A_980 = arith.index_cast %swap3A_979 : i32 to index
        %swap3A_981 = memref.load %arg7[%swap3A_980] : memref<8xi32, #tpu.memory_space<smem>>
        memref.store %select_n3A_978, %arg7[%swap3A_980] : memref<8xi32, #tpu.memory_space<smem>>
        %swap3A_982 = arith.constant 6 : i32
        %swap3A_983 = arith.index_cast %swap3A_982 : i32 to index
        %swap3A_984 = memref.load %arg7[%swap3A_983] : memref<8xi32, #tpu.memory_space<smem>>
        memref.store %select_n3A_904, %arg7[%swap3A_983] : memref<8xi32, #tpu.memory_space<smem>>
      } else {
      }
    }
    %scan3A_573 = arith.constant 40 : i32
    %get3A_574 = arith.constant 6 : i32
    %get3A_575 = arith.index_cast %get3A_574 : i32 to index
    %get3A_576 = memref.load %arg7[%get3A_575] : memref<8xi32, #tpu.memory_space<smem>>
    %ge3A_577 = arith.constant -2147483648 : i32
    %ge3A_578 = arith.cmpi uge, %get3A_576, %ge3A_577 : i32
    %xor3A_579 = arith.constant -2147483648 : i32
    %xor3A_580 = arith.xori %get3A_576, %xor3A_579 : i32
    %not3A_581 = arith.constant -1 : i32
    %not3A_582 = arith.xori %get3A_576, %not3A_581 : i32
    %select_n3A_583 = arith.select %ge3A_578, %xor3A_580, %not3A_582 : i32
    %bitcast_convert_type3A_584 = arith.bitcast %select_n3A_583 : i32 to f32
    %broadcast_in_dim3A_585 = vector.broadcast %bitcast_convert_type3A_584 : f32 to vector<16xf32>
    %broadcast_in_dim3A_586 = arith.constant 0.000000e+00 : f32
    %broadcast_in_dim3A_587 = vector.broadcast %broadcast_in_dim3A_586 : f32 to vector<16xf32>
    %scan3A_588 = arith.constant 0 : i32
    %scan3A_589 = arith.constant 0 : i32
    %scan3A_590 = arith.constant 128 : i32
    %scan3A_591 = arith.addi %scan3A_589, %scan3A_590 : i32
    %scan3A_592 = arith.constant 1 : i32
    scf.for %scan3A_808 = %scan3A_589 to %scan3A_591 step %scan3A_592  : i32 {
      %mul3A_809 = arith.constant 256 : i32
      %mul3A_810 = arith.muli %scan3A_808, %mul3A_809 : i32
      %add3A_811 = arith.constant 0 : i32
      %add3A_812 = arith.addi %mul3A_810, %add3A_811 : i32
      %get3A_813 = arith.index_cast %add3A_812 : i32 to index
      %get3A_814 = tpu.vector_load %arg6[%get3A_813] {strides = array<i32>} : memref<32768xf32, #tpu.memory_space<vmem>>, vector<16xf32>,
      %get3A_815 = vector.shape_cast %get3A_814 : vector<16xf32> to vector<16xf32>
      %lt3A = arith.cmpf olt, %get3A_815, %broadcast_in_dim3A_585 : vector<16xf32>
      %select_n3A_816 = arith.select %lt3A, %broadcast_in_dim3A_587, %get3A_815 : vector<16xi1>, vector<16xf32>
      %add3A_817 = arith.constant 0 : i32
      %add3A_818 = arith.addi %mul3A_810, %add3A_817 : i32
      %swap3A_819 = arith.index_cast %add3A_818 : i32 to index
      %swap3A_820 = tpu.vector_load %arg6[%swap3A_819] {strides = array<i32>} : memref<32768xf32, #tpu.memory_space<vmem>>, vector<16xf32>,
      %swap3A_821 = vector.shape_cast %swap3A_820 : vector<16xf32> to vector<16xf32>
      %swap3A_822 = vector.shape_cast %select_n3A_816 : vector<16xf32> to vector<16xf32>
      tpu.vector_store %arg6[%swap3A_819], %swap3A_822 {strides = array<i32>} : memref<32768xf32, #tpu.memory_space<vmem>>, vector<16xf32>,
      %add3A_823 = arith.constant 16 : i32
      %add3A_824 = arith.addi %mul3A_810, %add3A_823 : i32
      %get3A_825 = arith.index_cast %add3A_824 : i32 to index
      %get3A_826 = tpu.vector_load %arg6[%get3A_825] {strides = array<i32>} : memref<32768xf32, #tpu.memory_space<vmem>>, vector<16xf32>,
      %get3A_827 = vector.shape_cast %get3A_826 : vector<16xf32> to vector<16xf32>
      %lt3A_828 = arith.cmpf olt, %get3A_827, %broadcast_in_dim3A_585 : vector<16xf32>
      %select_n3A_829 = arith.select %lt3A_828, %broadcast_in_dim3A_587, %get3A_827 : vector<16xi1>, vector<16xf32>
      %add3A_830 = arith.constant 16 : i32
      %add3A_831 = arith.addi %mul3A_810, %add3A_830 : i32
      %swap3A_832 = arith.index_cast %add3A_831 : i32 to index
      %swap3A_833 = tpu.vector_load %arg6[%swap3A_832] {strides = array<i32>} : memref<32768xf32, #tpu.memory_space<vmem>>, vector<16xf32>,
      %swap3A_834 = vector.shape_cast %swap3A_833 : vector<16xf32> to vector<16xf32>
      %swap3A_835 = vector.shape_cast %select_n3A_829 : vector<16xf32> to vector<16xf32>
      tpu.vector_store %arg6[%swap3A_832], %swap3A_835 {strides = array<i32>} : memref<32768xf32, #tpu.memory_space<vmem>>, vector<16xf32>,
      %add3A_836 = arith.constant 32 : i32
      %add3A_837 = arith.addi %mul3A_810, %add3A_836 : i32
      %get3A_838 = arith.index_cast %add3A_837 : i32 to index
      %get3A_839 = tpu.vector_load %arg6[%get3A_838] {strides = array<i32>} : memref<32768xf32, #tpu.memory_space<vmem>>, vector<16xf32>,
      %get3A_840 = vector.shape_cast %get3A_839 : vector<16xf32> to vector<16xf32>
      %lt3A_841 = arith.cmpf olt, %get3A_840, %broadcast_in_dim3A_585 : vector<16xf32>
      %select_n3A_842 = arith.select %lt3A_841, %broadcast_in_dim3A_587, %get3A_840 : vector<16xi1>, vector<16xf32>
      %add3A_843 = arith.constant 32 : i32
      %add3A_844 = arith.addi %mul3A_810, %add3A_843 : i32
      %swap3A_845 = arith.index_cast %add3A_844 : i32 to index
      %swap3A_846 = tpu.vector_load %arg6[%swap3A_845] {strides = array<i32>} : memref<32768xf32, #tpu.memory_space<vmem>>, vector<16xf32>,
      %swap3A_847 = vector.shape_cast %swap3A_846 : vector<16xf32> to vector<16xf32>
      %swap3A_848 = vector.shape_cast %select_n3A_842 : vector<16xf32> to vector<16xf32>
      tpu.vector_store %arg6[%swap3A_845], %swap3A_848 {strides = array<i32>} : memref<32768xf32, #tpu.memory_space<vmem>>, vector<16xf32>,
      %add3A_849 = arith.constant 48 : i32
      %add3A_850 = arith.addi %mul3A_810, %add3A_849 : i32
      %get3A_851 = arith.index_cast %add3A_850 : i32 to index
      %get3A_852 = tpu.vector_load %arg6[%get3A_851] {strides = array<i32>} : memref<32768xf32, #tpu.memory_space<vmem>>, vector<16xf32>,
      %get3A_853 = vector.shape_cast %get3A_852 : vector<16xf32> to vector<16xf32>
      %lt3A_854 = arith.cmpf olt, %get3A_853, %broadcast_in_dim3A_585 : vector<16xf32>
      %select_n3A_855 = arith.select %lt3A_854, %broadcast_in_dim3A_587, %get3A_853 : vector<16xi1>, vector<16xf32>
      %add3A_856 = arith.constant 48 : i32
      %add3A_857 = arith.addi %mul3A_810, %add3A_856 : i32
      %swap3A_858 = arith.index_cast %add3A_857 : i32 to index
      %swap3A_859 = tpu.vector_load %arg6[%swap3A_858] {strides = array<i32>} : memref<32768xf32, #tpu.memory_space<vmem>>, vector<16xf32>,
      %swap3A_860 = vector.shape_cast %swap3A_859 : vector<16xf32> to vector<16xf32>
      %swap3A_861 = vector.shape_cast %select_n3A_855 : vector<16xf32> to vector<16xf32>
      tpu.vector_store %arg6[%swap3A_858], %swap3A_861 {strides = array<i32>} : memref<32768xf32, #tpu.memory_space<vmem>>, vector<16xf32>,
      %add3A_862 = arith.constant 64 : i32
      %add3A_863 = arith.addi %mul3A_810, %add3A_862 : i32
      %get3A_864 = arith.index_cast %add3A_863 : i32 to index
      %get3A_865 = tpu.vector_load %arg6[%get3A_864] {strides = array<i32>} : memref<32768xf32, #tpu.memory_space<vmem>>, vector<16xf32>,
      %get3A_866 = vector.shape_cast %get3A_865 : vector<16xf32> to vector<16xf32>
      %lt3A_867 = arith.cmpf olt, %get3A_866, %broadcast_in_dim3A_585 : vector<16xf32>
      %select_n3A_868 = arith.select %lt3A_867, %broadcast_in_dim3A_587, %get3A_866 : vector<16xi1>, vector<16xf32>
      %add3A_869 = arith.constant 64 : i32
      %add3A_870 = arith.addi %mul3A_810, %add3A_869 : i32
      %swap3A_871 = arith.index_cast %add3A_870 : i32 to index
      %swap3A_872 = tpu.vector_load %arg6[%swap3A_871] {strides = array<i32>} : memref<32768xf32, #tpu.memory_space<vmem>>, vector<16xf32>,
      %swap3A_873 = vector.shape_cast %swap3A_872 : vector<16xf32> to vector<16xf32>
      %swap3A_874 = vector.shape_cast %select_n3A_868 : vector<16xf32> to vector<16xf32>
      tpu.vector_store %arg6[%swap3A_871], %swap3A_874 {strides = array<i32>} : memref<32768xf32, #tpu.memory_space<vmem>>, vector<16xf32>,
      %add3A_875 = arith.constant 80 : i32
      %add3A_876 = arith.addi %mul3A_810, %add3A_875 : i32
      %get3A_877 = arith.index_cast %add3A_876 : i32 to index
      %get3A_878 = tpu.vector_load %arg6[%get3A_877] {strides = array<i32>} : memref<32768xf32, #tpu.memory_space<vmem>>, vector<16xf32>,
      %get3A_879 = vector.shape_cast %get3A_878 : vector<16xf32> to vector<16xf32>
      %lt3A_880 = arith.cmpf olt, %get3A_879, %broadcast_in_dim3A_585 : vector<16xf32>
      %select_n3A_881 = arith.select %lt3A_880, %broadcast_in_dim3A_587, %get3A_879 : vector<16xi1>, vector<16xf32>
      %add3A_882 = arith.constant 80 : i32
      %add3A_883 = arith.addi %mul3A_810, %add3A_882 : i32
      %swap3A_884 = arith.index_cast %add3A_883 : i32 to index
      %swap3A_885 = tpu.vector_load %arg6[%swap3A_884] {strides = array<i32>} : memref<32768xf32, #tpu.memory_space<vmem>>, vector<16xf32>,
      %swap3A_886 = vector.shape_cast %swap3A_885 : vector<16xf32> to vector<16xf32>
      %swap3A_887 = vector.shape_cast %select_n3A_881 : vector<16xf32> to vector<16xf32>
      tpu.vector_store %arg6[%swap3A_884], %swap3A_887 {strides = array<i32>} : memref<32768xf32, #tpu.memory_space<vmem>>, vector<16xf32>,
      %add3A_888 = arith.constant 96 : i32
      %add3A_889 = arith.addi %mul3A_810, %add3A_888 : i32
      %get3A_890 = arith.index_cast %add3A_889 : i32 to index
      %get3A_891 = tpu.vector_load %arg6[%get3A_890] {strides = array<i32>} : memref<32768xf32, #tpu.memory_space<vmem>>, vector<16xf32>,
      %get3A_892 = vector.shape_cast %get3A_891 : vector<16xf32> to vector<16xf32>
      %lt3A_893 = arith.cmpf olt, %get3A_892, %broadcast_in_dim3A_585 : vector<16xf32>
      %select_n3A_894 = arith.select %lt3A_893, %broadcast_in_dim3A_587, %get3A_892 : vector<16xi1>, vector<16xf32>
      %add3A_895 = arith.constant 96 : i32
      %add3A_896 = arith.addi %mul3A_810, %add3A_895 : i32
      %swap3A_897 = arith.index_cast %add3A_896 : i32 to index
      %swap3A_898 = tpu.vector_load %arg6[%swap3A_897] {strides = array<i32>} : memref<32768xf32, #tpu.memory_space<vmem>>, vector<16xf32>,
      %swap3A_899 = vector.shape_cast %swap3A_898 : vector<16xf32> to vector<16xf32>
      %swap3A_900 = vector.shape_cast %select_n3A_894 : vector<16xf32> to vector<16xf32>
      tpu.vector_store %arg6[%swap3A_897], %swap3A_900 {strides = array<i32>} : memref<32768xf32, #tpu.memory_space<vmem>>, vector<16xf32>,
      %add3A_901 = arith.constant 112 : i32
      %add3A_902 = arith.addi %mul3A_810, %add3A_901 : i32
      %get3A_903 = arith.index_cast %add3A_902 : i32 to index
      %get3A_904 = tpu.vector_load %arg6[%get3A_903] {strides = array<i32>} : memref<32768xf32, #tpu.memory_space<vmem>>, vector<16xf32>,
      %get3A_905 = vector.shape_cast %get3A_904 : vector<16xf32> to vector<16xf32>
      %lt3A_906 = arith.cmpf olt, %get3A_905, %broadcast_in_dim3A_585 : vector<16xf32>
      %select_n3A_907 = arith.select %lt3A_906, %broadcast_in_dim3A_587, %get3A_905 : vector<16xi1>, vector<16xf32>
      %add3A_908 = arith.constant 112 : i32
      %add3A_909 = arith.addi %mul3A_810, %add3A_908 : i32
      %swap3A_910 = arith.index_cast %add3A_909 : i32 to index
      %swap3A_911 = tpu.vector_load %arg6[%swap3A_910] {strides = array<i32>} : memref<32768xf32, #tpu.memory_space<vmem>>, vector<16xf32>,
      %swap3A_912 = vector.shape_cast %swap3A_911 : vector<16xf32> to vector<16xf32>
      %swap3A_913 = vector.shape_cast %select_n3A_907 : vector<16xf32> to vector<16xf32>
      tpu.vector_store %arg6[%swap3A_910], %swap3A_913 {strides = array<i32>} : memref<32768xf32, #tpu.memory_space<vmem>>, vector<16xf32>,
      %add3A_914 = arith.constant 128 : i32
      %add3A_915 = arith.addi %mul3A_810, %add3A_914 : i32
      %get3A_916 = arith.index_cast %add3A_915 : i32 to index
      %get3A_917 = tpu.vector_load %arg6[%get3A_916] {strides = array<i32>} : memref<32768xf32, #tpu.memory_space<vmem>>, vector<16xf32>,
      %get3A_918 = vector.shape_cast %get3A_917 : vector<16xf32> to vector<16xf32>
      %lt3A_919 = arith.cmpf olt, %get3A_918, %broadcast_in_dim3A_585 : vector<16xf32>
      %select_n3A_920 = arith.select %lt3A_919, %broadcast_in_dim3A_587, %get3A_918 : vector<16xi1>, vector<16xf32>
      %add3A_921 = arith.constant 128 : i32
      %add3A_922 = arith.addi %mul3A_810, %add3A_921 : i32
      %swap3A_923 = arith.index_cast %add3A_922 : i32 to index
      %swap3A_924 = tpu.vector_load %arg6[%swap3A_923] {strides = array<i32>} : memref<32768xf32, #tpu.memory_space<vmem>>, vector<16xf32>,
      %swap3A_925 = vector.shape_cast %swap3A_924 : vector<16xf32> to vector<16xf32>
      %swap3A_926 = vector.shape_cast %select_n3A_920 : vector<16xf32> to vector<16xf32>
      tpu.vector_store %arg6[%swap3A_923], %swap3A_926 {strides = array<i32>} : memref<32768xf32, #tpu.memory_space<vmem>>, vector<16xf32>,
      %add3A_927 = arith.constant 144 : i32
      %add3A_928 = arith.addi %mul3A_810, %add3A_927 : i32
      %get3A_929 = arith.index_cast %add3A_928 : i32 to index
      %get3A_930 = tpu.vector_load %arg6[%get3A_929] {strides = array<i32>} : memref<32768xf32, #tpu.memory_space<vmem>>, vector<16xf32>,
      %get3A_931 = vector.shape_cast %get3A_930 : vector<16xf32> to vector<16xf32>
      %lt3A_932 = arith.cmpf olt, %get3A_931, %broadcast_in_dim3A_585 : vector<16xf32>
      %select_n3A_933 = arith.select %lt3A_932, %broadcast_in_dim3A_587, %get3A_931 : vector<16xi1>, vector<16xf32>
      %add3A_934 = arith.constant 144 : i32
      %add3A_935 = arith.addi %mul3A_810, %add3A_934 : i32
      %swap3A_936 = arith.index_cast %add3A_935 : i32 to index
      %swap3A_937 = tpu.vector_load %arg6[%swap3A_936] {strides = array<i32>} : memref<32768xf32, #tpu.memory_space<vmem>>, vector<16xf32>,
      %swap3A_938 = vector.shape_cast %swap3A_937 : vector<16xf32> to vector<16xf32>
      %swap3A_939 = vector.shape_cast %select_n3A_933 : vector<16xf32> to vector<16xf32>
      tpu.vector_store %arg6[%swap3A_936], %swap3A_939 {strides = array<i32>} : memref<32768xf32, #tpu.memory_space<vmem>>, vector<16xf32>,
      %add3A_940 = arith.constant 160 : i32
      %add3A_941 = arith.addi %mul3A_810, %add3A_940 : i32
      %get3A_942 = arith.index_cast %add3A_941 : i32 to index
      %get3A_943 = tpu.vector_load %arg6[%get3A_942] {strides = array<i32>} : memref<32768xf32, #tpu.memory_space<vmem>>, vector<16xf32>,
      %get3A_944 = vector.shape_cast %get3A_943 : vector<16xf32> to vector<16xf32>
      %lt3A_945 = arith.cmpf olt, %get3A_944, %broadcast_in_dim3A_585 : vector<16xf32>
      %select_n3A_946 = arith.select %lt3A_945, %broadcast_in_dim3A_587, %get3A_944 : vector<16xi1>, vector<16xf32>
      %add3A_947 = arith.constant 160 : i32
      %add3A_948 = arith.addi %mul3A_810, %add3A_947 : i32
      %swap3A_949 = arith.index_cast %add3A_948 : i32 to index
      %swap3A_950 = tpu.vector_load %arg6[%swap3A_949] {strides = array<i32>} : memref<32768xf32, #tpu.memory_space<vmem>>, vector<16xf32>,
      %swap3A_951 = vector.shape_cast %swap3A_950 : vector<16xf32> to vector<16xf32>
      %swap3A_952 = vector.shape_cast %select_n3A_946 : vector<16xf32> to vector<16xf32>
      tpu.vector_store %arg6[%swap3A_949], %swap3A_952 {strides = array<i32>} : memref<32768xf32, #tpu.memory_space<vmem>>, vector<16xf32>,
      %add3A_953 = arith.constant 176 : i32
      %add3A_954 = arith.addi %mul3A_810, %add3A_953 : i32
      %get3A_955 = arith.index_cast %add3A_954 : i32 to index
      %get3A_956 = tpu.vector_load %arg6[%get3A_955] {strides = array<i32>} : memref<32768xf32, #tpu.memory_space<vmem>>, vector<16xf32>,
      %get3A_957 = vector.shape_cast %get3A_956 : vector<16xf32> to vector<16xf32>
      %lt3A_958 = arith.cmpf olt, %get3A_957, %broadcast_in_dim3A_585 : vector<16xf32>
      %select_n3A_959 = arith.select %lt3A_958, %broadcast_in_dim3A_587, %get3A_957 : vector<16xi1>, vector<16xf32>
      %add3A_960 = arith.constant 176 : i32
      %add3A_961 = arith.addi %mul3A_810, %add3A_960 : i32
      %swap3A_962 = arith.index_cast %add3A_961 : i32 to index
      %swap3A_963 = tpu.vector_load %arg6[%swap3A_962] {strides = array<i32>} : memref<32768xf32, #tpu.memory_space<vmem>>, vector<16xf32>,
      %swap3A_964 = vector.shape_cast %swap3A_963 : vector<16xf32> to vector<16xf32>
      %swap3A_965 = vector.shape_cast %select_n3A_959 : vector<16xf32> to vector<16xf32>
      tpu.vector_store %arg6[%swap3A_962], %swap3A_965 {strides = array<i32>} : memref<32768xf32, #tpu.memory_space<vmem>>, vector<16xf32>,
      %add3A_966 = arith.constant 192 : i32
      %add3A_967 = arith.addi %mul3A_810, %add3A_966 : i32
      %get3A_968 = arith.index_cast %add3A_967 : i32 to index
      %get3A_969 = tpu.vector_load %arg6[%get3A_968] {strides = array<i32>} : memref<32768xf32, #tpu.memory_space<vmem>>, vector<16xf32>,
      %get3A_970 = vector.shape_cast %get3A_969 : vector<16xf32> to vector<16xf32>
      %lt3A_971 = arith.cmpf olt, %get3A_970, %broadcast_in_dim3A_585 : vector<16xf32>
      %select_n3A_972 = arith.select %lt3A_971, %broadcast_in_dim3A_587, %get3A_970 : vector<16xi1>, vector<16xf32>
      %add3A_973 = arith.constant 192 : i32
      %add3A_974 = arith.addi %mul3A_810, %add3A_973 : i32
      %swap3A_975 = arith.index_cast %add3A_974 : i32 to index
      %swap3A_976 = tpu.vector_load %arg6[%swap3A_975] {strides = array<i32>} : memref<32768xf32, #tpu.memory_space<vmem>>, vector<16xf32>,
      %swap3A_977 = vector.shape_cast %swap3A_976 : vector<16xf32> to vector<16xf32>
      %swap3A_978 = vector.shape_cast %select_n3A_972 : vector<16xf32> to vector<16xf32>
      tpu.vector_store %arg6[%swap3A_975], %swap3A_978 {strides = array<i32>} : memref<32768xf32, #tpu.memory_space<vmem>>, vector<16xf32>,
      %add3A_979 = arith.constant 208 : i32
      %add3A_980 = arith.addi %mul3A_810, %add3A_979 : i32
      %get3A_981 = arith.index_cast %add3A_980 : i32 to index
      %get3A_982 = tpu.vector_load %arg6[%get3A_981] {strides = array<i32>} : memref<32768xf32, #tpu.memory_space<vmem>>, vector<16xf32>,
      %get3A_983 = vector.shape_cast %get3A_982 : vector<16xf32> to vector<16xf32>
      %lt3A_984 = arith.cmpf olt, %get3A_983, %broadcast_in_dim3A_585 : vector<16xf32>
      %select_n3A_985 = arith.select %lt3A_984, %broadcast_in_dim3A_587, %get3A_983 : vector<16xi1>, vector<16xf32>
      %add3A_986 = arith.constant 208 : i32
      %add3A_987 = arith.addi %mul3A_810, %add3A_986 : i32
      %swap3A_988 = arith.index_cast %add3A_987 : i32 to index
      %swap3A_989 = tpu.vector_load %arg6[%swap3A_988] {strides = array<i32>} : memref<32768xf32, #tpu.memory_space<vmem>>, vector<16xf32>,
      %swap3A_990 = vector.shape_cast %swap3A_989 : vector<16xf32> to vector<16xf32>
      %swap3A_991 = vector.shape_cast %select_n3A_985 : vector<16xf32> to vector<16xf32>
      tpu.vector_store %arg6[%swap3A_988], %swap3A_991 {strides = array<i32>} : memref<32768xf32, #tpu.memory_space<vmem>>, vector<16xf32>,
      %add3A_992 = arith.constant 224 : i32
      %add3A_993 = arith.addi %mul3A_810, %add3A_992 : i32
      %get3A_994 = arith.index_cast %add3A_993 : i32 to index
      %get3A_995 = tpu.vector_load %arg6[%get3A_994] {strides = array<i32>} : memref<32768xf32, #tpu.memory_space<vmem>>, vector<16xf32>,
      %get3A_996 = vector.shape_cast %get3A_995 : vector<16xf32> to vector<16xf32>
      %lt3A_997 = arith.cmpf olt, %get3A_996, %broadcast_in_dim3A_585 : vector<16xf32>
      %select_n3A_998 = arith.select %lt3A_997, %broadcast_in_dim3A_587, %get3A_996 : vector<16xi1>, vector<16xf32>
      %add3A_999 = arith.constant 224 : i32
      %add3A_1000 = arith.addi %mul3A_810, %add3A_999 : i32
      %swap3A_1001 = arith.index_cast %add3A_1000 : i32 to index
      %swap3A_1002 = tpu.vector_load %arg6[%swap3A_1001] {strides = array<i32>} : memref<32768xf32, #tpu.memory_space<vmem>>, vector<16xf32>,
      %swap3A_1003 = vector.shape_cast %swap3A_1002 : vector<16xf32> to vector<16xf32>
      %swap3A_1004 = vector.shape_cast %select_n3A_998 : vector<16xf32> to vector<16xf32>
      tpu.vector_store %arg6[%swap3A_1001], %swap3A_1004 {strides = array<i32>} : memref<32768xf32, #tpu.memory_space<vmem>>, vector<16xf32>,
      %add3A_1005 = arith.constant 240 : i32
      %add3A_1006 = arith.addi %mul3A_810, %add3A_1005 : i32
      %get3A_1007 = arith.index_cast %add3A_1006 : i32 to index
      %get3A_1008 = tpu.vector_load %arg6[%get3A_1007] {strides = array<i32>} : memref<32768xf32, #tpu.memory_space<vmem>>, vector<16xf32>,
      %get3A_1009 = vector.shape_cast %get3A_1008 : vector<16xf32> to vector<16xf32>
      %lt3A_1010 = arith.cmpf olt, %get3A_1009, %broadcast_in_dim3A_585 : vector<16xf32>
      %select_n3A_1011 = arith.select %lt3A_1010, %broadcast_in_dim3A_587, %get3A_1009 : vector<16xi1>, vector<16xf32>
      %add3A_1012 = arith.constant 240 : i32
      %add3A_1013 = arith.addi %mul3A_810, %add3A_1012 : i32
      %swap3A_1014 = arith.index_cast %add3A_1013 : i32 to index
      %swap3A_1015 = tpu.vector_load %arg6[%swap3A_1014] {strides = array<i32>} : memref<32768xf32, #tpu.memory_space<vmem>>, vector<16xf32>,
      %swap3A_1016 = vector.shape_cast %swap3A_1015 : vector<16xf32> to vector<16xf32>
      %swap3A_1017 = vector.shape_cast %select_n3A_1011 : vector<16xf32> to vector<16xf32>
      tpu.vector_store %arg6[%swap3A_1014], %swap3A_1017 {strides = array<i32>} : memref<32768xf32, #tpu.memory_space<vmem>>, vector<16xf32>,
    }
    %scan3A_593 = arith.constant 128 : i32
    %dma_start3A_594 = arith.constant 0 : i32
    %dma_start3A_595 = tpu.memref_slice %arg3[%add3A_12, %dma_start3A_594] : memref<128x32768xf32, #tpu.memory_space<hbm>> -> memref<1x32768xf32, #tpu.memory_space<hbm>>
    %dma_start3A_596 = tpu.memref_squeeze %dma_start3A_595 : memref<1x32768xf32, #tpu.memory_space<hbm>> -> memref<32768xf32, #tpu.memory_space<hbm>>
    %dma_start3A_597 = arith.constant 0 : i32
    %dma_start3A_598 = tpu.memref_slice %arg3[%add3A_12, %dma_start3A_597] : memref<128x32768xf32, #tpu.memory_space<hbm>> -> memref<1x32768xf32, #tpu.memory_space<hbm>>
    %dma_start3A_599 = tpu.memref_squeeze %dma_start3A_598 : memref<1x32768xf32, #tpu.memory_space<hbm>> -> memref<32768xf32, #tpu.memory_space<hbm>>
    tpu.enqueue_dma source(%arg6 : memref<32768xf32, #tpu.memory_space<vmem>>) target(%dma_start3A_599 : memref<32768xf32, #tpu.memory_space<hbm>>) target_semaphore(%arg10 : memref<!tpu.dma_semaphore, #tpu.memory_space<semaphore_mem>>)
    %dma_wait3A_600 = arith.constant 0 : i32
    %dma_wait3A_601 = tpu.memref_slice %arg2[%add3A_16, %dma_wait3A_600] : memref<128x32768xf32, #tpu.memory_space<hbm>> -> memref<1x32768xf32, #tpu.memory_space<hbm>>
    %dma_wait3A_602 = tpu.memref_squeeze %dma_wait3A_601 : memref<1x32768xf32, #tpu.memory_space<hbm>> -> memref<32768xf32, #tpu.memory_space<hbm>>
    %dma_wait3A_603 = arith.constant 0 : i32
    %dma_wait3A_604 = tpu.memref_slice %arg2[%add3A_16, %dma_wait3A_603] : memref<128x32768xf32, #tpu.memory_space<hbm>> -> memref<1x32768xf32, #tpu.memory_space<hbm>>
    %dma_wait3A_605 = tpu.memref_squeeze %dma_wait3A_604 : memref<1x32768xf32, #tpu.memory_space<hbm>> -> memref<32768xf32, #tpu.memory_space<hbm>>
    tpu.wait_dma2 semaphore(%arg8 : memref<!tpu.dma_semaphore, #tpu.memory_space<semaphore_mem>>) src(%dma_wait3A_605 : memref<32768xf32, #tpu.memory_space<hbm>>) dst(%arg4 : memref<32768xf32, #tpu.memory_space<vmem>>)
    %broadcast_in_dim3A_606 = arith.constant 0.000000e+00 : f32
    %broadcast_in_dim3A_607 = vector.broadcast %broadcast_in_dim3A_606 : f32 to vector<16xf32>
    %scan3A_608 = arith.constant 0 : i32
    %scan3A_609 = arith.constant 512 : i32
    %scan3A_610 = arith.addi %scan3A_608, %scan3A_609 : i32
    %scan3A_611 = arith.constant 4 : i32
    %scan3A_612:2 = scf.for %scan3A_808 = %scan3A_608 to %scan3A_610 step %scan3A_611 iter_args(%scan3A_809 = %broadcast_in_dim3A_607, %scan3A_810 = %broadcast_in_dim3A_607) -> (vector<16xf32>, vector<16xf32>)  : i32 {
      %mul3A_811 = arith.constant 16 : i32
      %mul3A_812 = arith.muli %scan3A_808, %mul3A_811 : i32
      %get3A_813 = arith.index_cast %mul3A_812 : i32 to index
      %get3A_814 = tpu.vector_load %arg4[%get3A_813] {strides = array<i32>} : memref<32768xf32, #tpu.memory_space<vmem>>, vector<16xf32>,
      %get3A_815 = vector.shape_cast %get3A_814 : vector<16xf32> to vector<16xf32>
      %add3A_816 = arith.addf %scan3A_809, %get3A_815 : vector<16xf32>
      %abs3A = math.absf %get3A_815 : vector<16xf32>
      %add3A_817 = arith.addf %scan3A_810, %abs3A : vector<16xf32>
      %scan3A_818 = arith.constant 1 : i32
      %scan3A_819 = arith.addi %scan3A_808, %scan3A_818 : i32
      %mul3A_820 = arith.constant 16 : i32
      %mul3A_821 = arith.muli %scan3A_819, %mul3A_820 : i32
      %get3A_822 = arith.index_cast %mul3A_821 : i32 to index
      %get3A_823 = tpu.vector_load %arg4[%get3A_822] {strides = array<i32>} : memref<32768xf32, #tpu.memory_space<vmem>>, vector<16xf32>,
      %get3A_824 = vector.shape_cast %get3A_823 : vector<16xf32> to vector<16xf32>
      %add3A_825 = arith.addf %add3A_816, %get3A_824 : vector<16xf32>
      %abs3A_826 = math.absf %get3A_824 : vector<16xf32>
      %add3A_827 = arith.addf %add3A_817, %abs3A_826 : vector<16xf32>
      %scan3A_828 = arith.constant 2 : i32
      %scan3A_829 = arith.addi %scan3A_808, %scan3A_828 : i32
      %mul3A_830 = arith.constant 16 : i32
      %mul3A_831 = arith.muli %scan3A_829, %mul3A_830 : i32
      %get3A_832 = arith.index_cast %mul3A_831 : i32 to index
      %get3A_833 = tpu.vector_load %arg4[%get3A_832] {strides = array<i32>} : memref<32768xf32, #tpu.memory_space<vmem>>, vector<16xf32>,
      %get3A_834 = vector.shape_cast %get3A_833 : vector<16xf32> to vector<16xf32>
      %add3A_835 = arith.addf %add3A_825, %get3A_834 : vector<16xf32>
      %abs3A_836 = math.absf %get3A_834 : vector<16xf32>
      %add3A_837 = arith.addf %add3A_827, %abs3A_836 : vector<16xf32>
      %scan3A_838 = arith.constant 3 : i32
      %scan3A_839 = arith.addi %scan3A_808, %scan3A_838 : i32
      %mul3A_840 = arith.constant 16 : i32
      %mul3A_841 = arith.muli %scan3A_839, %mul3A_840 : i32
      %get3A_842 = arith.index_cast %mul3A_841 : i32 to index
      %get3A_843 = tpu.vector_load %arg4[%get3A_842] {strides = array<i32>} : memref<32768xf32, #tpu.memory_space<vmem>>, vector<16xf32>,
      %get3A_844 = vector.shape_cast %get3A_843 : vector<16xf32> to vector<16xf32>
      %add3A_845 = arith.addf %add3A_835, %get3A_844 : vector<16xf32>
      %abs3A_846 = math.absf %get3A_844 : vector<16xf32>
      %add3A_847 = arith.addf %add3A_837, %abs3A_846 : vector<16xf32>
      scf.yield %add3A_845, %add3A_847 : vector<16xf32>, vector<16xf32>
    }
    %scan3A_613 = arith.constant 512 : i32
    %slice3A_614 = vector.extract_strided_slice %scan3A_612#0 {offsets = [0], sizes = [1], strides = [1]} : vector<16xf32> to vector<1xf32>
    %squeeze3A_615 = vector.extract %slice3A_614[0] : f32 from vector<1xf32>
    %slice3A_616 = vector.extract_strided_slice %scan3A_612#0 {offsets = [1], sizes = [1], strides = [1]} : vector<16xf32> to vector<1xf32>
    %squeeze3A_617 = vector.extract %slice3A_616[0] : f32 from vector<1xf32>
    %add3A_618 = arith.addf %squeeze3A_615, %squeeze3A_617 : f32
    %slice3A_619 = vector.extract_strided_slice %scan3A_612#0 {offsets = [2], sizes = [1], strides = [1]} : vector<16xf32> to vector<1xf32>
    %squeeze3A_620 = vector.extract %slice3A_619[0] : f32 from vector<1xf32>
    %add3A_621 = arith.addf %add3A_618, %squeeze3A_620 : f32
    %slice3A_622 = vector.extract_strided_slice %scan3A_612#0 {offsets = [3], sizes = [1], strides = [1]} : vector<16xf32> to vector<1xf32>
    %squeeze3A_623 = vector.extract %slice3A_622[0] : f32 from vector<1xf32>
    %add3A_624 = arith.addf %add3A_621, %squeeze3A_623 : f32
    %slice3A_625 = vector.extract_strided_slice %scan3A_612#0 {offsets = [4], sizes = [1], strides = [1]} : vector<16xf32> to vector<1xf32>
    %squeeze3A_626 = vector.extract %slice3A_625[0] : f32 from vector<1xf32>
    %add3A_627 = arith.addf %add3A_624, %squeeze3A_626 : f32
    %slice3A_628 = vector.extract_strided_slice %scan3A_612#0 {offsets = [5], sizes = [1], strides = [1]} : vector<16xf32> to vector<1xf32>
    %squeeze3A_629 = vector.extract %slice3A_628[0] : f32 from vector<1xf32>
    %add3A_630 = arith.addf %add3A_627, %squeeze3A_629 : f32
    %slice3A_631 = vector.extract_strided_slice %scan3A_612#0 {offsets = [6], sizes = [1], strides = [1]} : vector<16xf32> to vector<1xf32>
    %squeeze3A_632 = vector.extract %slice3A_631[0] : f32 from vector<1xf32>
    %add3A_633 = arith.addf %add3A_630, %squeeze3A_632 : f32
    %slice3A_634 = vector.extract_strided_slice %scan3A_612#0 {offsets = [7], sizes = [1], strides = [1]} : vector<16xf32> to vector<1xf32>
    %squeeze3A_635 = vector.extract %slice3A_634[0] : f32 from vector<1xf32>
    %add3A_636 = arith.addf %add3A_633, %squeeze3A_635 : f32
    %slice3A_637 = vector.extract_strided_slice %scan3A_612#0 {offsets = [8], sizes = [1], strides = [1]} : vector<16xf32> to vector<1xf32>
    %squeeze3A_638 = vector.extract %slice3A_637[0] : f32 from vector<1xf32>
    %add3A_639 = arith.addf %add3A_636, %squeeze3A_638 : f32
    %slice3A_640 = vector.extract_strided_slice %scan3A_612#0 {offsets = [9], sizes = [1], strides = [1]} : vector<16xf32> to vector<1xf32>
    %squeeze3A_641 = vector.extract %slice3A_640[0] : f32 from vector<1xf32>
    %add3A_642 = arith.addf %add3A_639, %squeeze3A_641 : f32
    %slice3A_643 = vector.extract_strided_slice %scan3A_612#0 {offsets = [10], sizes = [1], strides = [1]} : vector<16xf32> to vector<1xf32>
    %squeeze3A_644 = vector.extract %slice3A_643[0] : f32 from vector<1xf32>
    %add3A_645 = arith.addf %add3A_642, %squeeze3A_644 : f32
    %slice3A_646 = vector.extract_strided_slice %scan3A_612#0 {offsets = [11], sizes = [1], strides = [1]} : vector<16xf32> to vector<1xf32>
    %squeeze3A_647 = vector.extract %slice3A_646[0] : f32 from vector<1xf32>
    %add3A_648 = arith.addf %add3A_645, %squeeze3A_647 : f32
    %slice3A_649 = vector.extract_strided_slice %scan3A_612#0 {offsets = [12], sizes = [1], strides = [1]} : vector<16xf32> to vector<1xf32>
    %squeeze3A_650 = vector.extract %slice3A_649[0] : f32 from vector<1xf32>
    %add3A_651 = arith.addf %add3A_648, %squeeze3A_650 : f32
    %slice3A_652 = vector.extract_strided_slice %scan3A_612#0 {offsets = [13], sizes = [1], strides = [1]} : vector<16xf32> to vector<1xf32>
    %squeeze3A_653 = vector.extract %slice3A_652[0] : f32 from vector<1xf32>
    %add3A_654 = arith.addf %add3A_651, %squeeze3A_653 : f32
    %slice3A_655 = vector.extract_strided_slice %scan3A_612#0 {offsets = [14], sizes = [1], strides = [1]} : vector<16xf32> to vector<1xf32>
    %squeeze3A_656 = vector.extract %slice3A_655[0] : f32 from vector<1xf32>
    %add3A_657 = arith.addf %add3A_654, %squeeze3A_656 : f32
    %slice3A_658 = vector.extract_strided_slice %scan3A_612#0 {offsets = [15], sizes = [1], strides = [1]} : vector<16xf32> to vector<1xf32>
    %squeeze3A_659 = vector.extract %slice3A_658[0] : f32 from vector<1xf32>
    %add3A_660 = arith.addf %add3A_657, %squeeze3A_659 : f32
    %mul3A_661 = arith.constant 1.22070313E-4 : f32
    %mul3A_662 = arith.mulf %add3A_660, %mul3A_661 : f32
    %slice3A_663 = vector.extract_strided_slice %scan3A_612#1 {offsets = [0], sizes = [1], strides = [1]} : vector<16xf32> to vector<1xf32>
    %squeeze3A_664 = vector.extract %slice3A_663[0] : f32 from vector<1xf32>
    %slice3A_665 = vector.extract_strided_slice %scan3A_612#1 {offsets = [1], sizes = [1], strides = [1]} : vector<16xf32> to vector<1xf32>
    %squeeze3A_666 = vector.extract %slice3A_665[0] : f32 from vector<1xf32>
    %add3A_667 = arith.addf %squeeze3A_664, %squeeze3A_666 : f32
    %slice3A_668 = vector.extract_strided_slice %scan3A_612#1 {offsets = [2], sizes = [1], strides = [1]} : vector<16xf32> to vector<1xf32>
    %squeeze3A_669 = vector.extract %slice3A_668[0] : f32 from vector<1xf32>
    %add3A_670 = arith.addf %add3A_667, %squeeze3A_669 : f32
    %slice3A_671 = vector.extract_strided_slice %scan3A_612#1 {offsets = [3], sizes = [1], strides = [1]} : vector<16xf32> to vector<1xf32>
    %squeeze3A_672 = vector.extract %slice3A_671[0] : f32 from vector<1xf32>
    %add3A_673 = arith.addf %add3A_670, %squeeze3A_672 : f32
    %slice3A_674 = vector.extract_strided_slice %scan3A_612#1 {offsets = [4], sizes = [1], strides = [1]} : vector<16xf32> to vector<1xf32>
    %squeeze3A_675 = vector.extract %slice3A_674[0] : f32 from vector<1xf32>
    %add3A_676 = arith.addf %add3A_673, %squeeze3A_675 : f32
    %slice3A_677 = vector.extract_strided_slice %scan3A_612#1 {offsets = [5], sizes = [1], strides = [1]} : vector<16xf32> to vector<1xf32>
    %squeeze3A_678 = vector.extract %slice3A_677[0] : f32 from vector<1xf32>
    %add3A_679 = arith.addf %add3A_676, %squeeze3A_678 : f32
    %slice3A_680 = vector.extract_strided_slice %scan3A_612#1 {offsets = [6], sizes = [1], strides = [1]} : vector<16xf32> to vector<1xf32>
    %squeeze3A_681 = vector.extract %slice3A_680[0] : f32 from vector<1xf32>
    %add3A_682 = arith.addf %add3A_679, %squeeze3A_681 : f32
    %slice3A_683 = vector.extract_strided_slice %scan3A_612#1 {offsets = [7], sizes = [1], strides = [1]} : vector<16xf32> to vector<1xf32>
    %squeeze3A_684 = vector.extract %slice3A_683[0] : f32 from vector<1xf32>
    %add3A_685 = arith.addf %add3A_682, %squeeze3A_684 : f32
    %slice3A_686 = vector.extract_strided_slice %scan3A_612#1 {offsets = [8], sizes = [1], strides = [1]} : vector<16xf32> to vector<1xf32>
    %squeeze3A_687 = vector.extract %slice3A_686[0] : f32 from vector<1xf32>
    %add3A_688 = arith.addf %add3A_685, %squeeze3A_687 : f32
    %slice3A_689 = vector.extract_strided_slice %scan3A_612#1 {offsets = [9], sizes = [1], strides = [1]} : vector<16xf32> to vector<1xf32>
    %squeeze3A_690 = vector.extract %slice3A_689[0] : f32 from vector<1xf32>
    %add3A_691 = arith.addf %add3A_688, %squeeze3A_690 : f32
    %slice3A_692 = vector.extract_strided_slice %scan3A_612#1 {offsets = [10], sizes = [1], strides = [1]} : vector<16xf32> to vector<1xf32>
    %squeeze3A_693 = vector.extract %slice3A_692[0] : f32 from vector<1xf32>
    %add3A_694 = arith.addf %add3A_691, %squeeze3A_693 : f32
    %slice3A_695 = vector.extract_strided_slice %scan3A_612#1 {offsets = [11], sizes = [1], strides = [1]} : vector<16xf32> to vector<1xf32>
    %squeeze3A_696 = vector.extract %slice3A_695[0] : f32 from vector<1xf32>
    %add3A_697 = arith.addf %add3A_694, %squeeze3A_696 : f32
    %slice3A_698 = vector.extract_strided_slice %scan3A_612#1 {offsets = [12], sizes = [1], strides = [1]} : vector<16xf32> to vector<1xf32>
    %squeeze3A_699 = vector.extract %slice3A_698[0] : f32 from vector<1xf32>
    %add3A_700 = arith.addf %add3A_697, %squeeze3A_699 : f32
    %slice3A_701 = vector.extract_strided_slice %scan3A_612#1 {offsets = [13], sizes = [1], strides = [1]} : vector<16xf32> to vector<1xf32>
    %squeeze3A_702 = vector.extract %slice3A_701[0] : f32 from vector<1xf32>
    %add3A_703 = arith.addf %add3A_700, %squeeze3A_702 : f32
    %slice3A_704 = vector.extract_strided_slice %scan3A_612#1 {offsets = [14], sizes = [1], strides = [1]} : vector<16xf32> to vector<1xf32>
    %squeeze3A_705 = vector.extract %slice3A_704[0] : f32 from vector<1xf32>
    %add3A_706 = arith.addf %add3A_703, %squeeze3A_705 : f32
    %slice3A_707 = vector.extract_strided_slice %scan3A_612#1 {offsets = [15], sizes = [1], strides = [1]} : vector<16xf32> to vector<1xf32>
    %squeeze3A_708 = vector.extract %slice3A_707[0] : f32 from vector<1xf32>
    %add3A_709 = arith.addf %add3A_706, %squeeze3A_708 : f32
    %mul3A_710 = arith.constant 1.22070313E-4 : f32
    %mul3A_711 = arith.mulf %add3A_709, %mul3A_710 : f32
    %mul3A_712 = arith.constant 1.25331414 : f32
    %mul3A_713 = arith.mulf %mul3A_711, %mul3A_712 : f32
    %mul3A_714 = arith.constant 1.471000e-03 : f32
    %mul3A_715 = arith.mulf %mul3A_713, %mul3A_714 : f32
    %mul3A_716 = arith.constant -2.417700e+00 : f32
    %mul3A_717 = arith.mulf %mul3A_713, %mul3A_716 : f32
    %add3A_718 = arith.addf %mul3A_662, %mul3A_717 : f32
    %bitcast_convert_type3A_719 = arith.bitcast %add3A_718 : f32 to i32
    %ge3A_720 = arith.constant -2147483648 : i32
    %ge3A_721 = arith.cmpi uge, %bitcast_convert_type3A_719, %ge3A_720 : i32
    %not3A_722 = arith.constant -1 : i32
    %not3A_723 = arith.xori %bitcast_convert_type3A_719, %not3A_722 : i32
    %or3A_724 = arith.constant -2147483648 : i32
    %or3A_725 = arith.ori %bitcast_convert_type3A_719, %or3A_724 : i32
    %select_n3A_726 = arith.select %ge3A_721, %not3A_723, %or3A_725 : i32
    %jit3A_727 = arith.constant 1 : i32
    %jit3A_728 = arith.constant -8388609 : i32
    %max3A_729 = arith.maxui %jit3A_727, %select_n3A_726 : i32
    %min3A_730 = arith.minui %jit3A_728, %max3A_729 : i32
    %swap3A_731 = arith.constant 0 : i32
    %swap3A_732 = arith.index_cast %swap3A_731 : i32 to index
    %swap3A_733 = memref.load %arg7[%swap3A_732] : memref<8xi32, #tpu.memory_space<smem>>
    memref.store %min3A_730, %arg7[%swap3A_732] : memref<8xi32, #tpu.memory_space<smem>>
    %swap3A_734 = arith.constant 0 : i32
    %swap3A_735 = arith.constant 1 : i32
    %swap3A_736 = arith.index_cast %swap3A_735 : i32 to index
    %swap3A_737 = memref.load %arg7[%swap3A_736] : memref<8xi32, #tpu.memory_space<smem>>
    memref.store %swap3A_734, %arg7[%swap3A_736] : memref<8xi32, #tpu.memory_space<smem>>
    %swap3A_738 = arith.constant -8388608 : i32
    %swap3A_739 = arith.constant 2 : i32
    %swap3A_740 = arith.index_cast %swap3A_739 : i32 to index
    %swap3A_741 = memref.load %arg7[%swap3A_740] : memref<8xi32, #tpu.memory_space<smem>>
    memref.store %swap3A_738, %arg7[%swap3A_740] : memref<8xi32, #tpu.memory_space<smem>>
    %swap3A_742 = arith.constant 0 : i32
    %swap3A_743 = arith.constant 3 : i32
    %swap3A_744 = arith.index_cast %swap3A_743 : i32 to index
    %swap3A_745 = memref.load %arg7[%swap3A_744] : memref<8xi32, #tpu.memory_space<smem>>
    memref.store %swap3A_742, %arg7[%swap3A_744] : memref<8xi32, #tpu.memory_space<smem>>
    %swap3A_746 = arith.constant 32768 : i32
    %swap3A_747 = arith.constant 4 : i32
    %swap3A_748 = arith.index_cast %swap3A_747 : i32 to index
    %swap3A_749 = memref.load %arg7[%swap3A_748] : memref<8xi32, #tpu.memory_space<smem>>
    memref.store %swap3A_746, %arg7[%swap3A_748] : memref<8xi32, #tpu.memory_space<smem>>
    %swap3A_750 = arith.constant 0 : i32
    %swap3A_751 = arith.constant 5 : i32
    %swap3A_752 = arith.index_cast %swap3A_751 : i32 to index
    %swap3A_753 = memref.load %arg7[%swap3A_752] : memref<8xi32, #tpu.memory_space<smem>>
    memref.store %swap3A_750, %arg7[%swap3A_752] : memref<8xi32, #tpu.memory_space<smem>>
    %swap3A_754 = arith.constant -8388608 : i32
    %swap3A_755 = arith.constant 6 : i32
    %swap3A_756 = arith.index_cast %swap3A_755 : i32 to index
    %swap3A_757 = memref.load %arg7[%swap3A_756] : memref<8xi32, #tpu.memory_space<smem>>
    memref.store %swap3A_754, %arg7[%swap3A_756] : memref<8xi32, #tpu.memory_space<smem>>
    %scan3A_758 = arith.constant 0 : i32
    %scan3A_759 = arith.constant 0 : i32
    %scan3A_760 = arith.constant 40 : i32
    %scan3A_761 = arith.addi %scan3A_759, %scan3A_760 : i32
    %scan3A_762 = arith.constant 1 : i32
    scf.for %scan3A_808 = %scan3A_759 to %scan3A_761 step %scan3A_762  : i32 {
      %get3A_809 = arith.constant 5 : i32
      %get3A_810 = arith.index_cast %get3A_809 : i32 to index
      %get3A_811 = memref.load %arg7[%get3A_810] : memref<8xi32, #tpu.memory_space<smem>>
      %eq3A = arith.constant 0 : i32
      %eq3A_812 = arith.cmpi eq, %get3A_811, %eq3A : i32
      %convert_element_type3A = arith.extui %eq3A_812 : i1 to i32
      %cond3A = arith.constant 0 : i32
      %cond3A_813 = arith.cmpi ne, %convert_element_type3A, %cond3A : i32
      scf.if %cond3A_813 {
        %get3A_814 = arith.constant 0 : i32
        %get3A_815 = arith.index_cast %get3A_814 : i32 to index
        %get3A_816 = memref.load %arg7[%get3A_815] : memref<8xi32, #tpu.memory_space<smem>>
        %ge3A_817 = arith.constant -2147483648 : i32
        %ge3A_818 = arith.cmpi uge, %get3A_816, %ge3A_817 : i32
        %xor3A_819 = arith.constant -2147483648 : i32
        %xor3A_820 = arith.xori %get3A_816, %xor3A_819 : i32
        %not3A_821 = arith.constant -1 : i32
        %not3A_822 = arith.xori %get3A_816, %not3A_821 : i32
        %select_n3A_823 = arith.select %ge3A_818, %xor3A_820, %not3A_822 : i32
        %bitcast_convert_type3A_824 = arith.bitcast %select_n3A_823 : i32 to f32
        %broadcast_in_dim3A_825 = vector.broadcast %bitcast_convert_type3A_824 : f32 to vector<16xf32>
        %broadcast_in_dim3A_826 = arith.constant 1 : i32
        %broadcast_in_dim3A_827 = vector.broadcast %broadcast_in_dim3A_826 : i32 to vector<16xi32>
        %broadcast_in_dim3A_828 = arith.constant 0 : i32
        %broadcast_in_dim3A_829 = vector.broadcast %broadcast_in_dim3A_828 : i32 to vector<16xi32>
        %scan3A_830 = arith.constant 0 : i32
        %scan3A_831 = arith.constant 64 : i32
        %scan3A_832 = arith.addi %scan3A_830, %scan3A_831 : i32
        %scan3A_833 = arith.constant 1 : i32
        %scan3A_834 = scf.for %scan3A_985 = %scan3A_830 to %scan3A_832 step %scan3A_833 iter_args(%scan3A_986 = %broadcast_in_dim3A_829) -> (vector<16xi32>)  : i32 {
          %mul3A_987 = arith.constant 512 : i32
          %mul3A_988 = arith.muli %scan3A_985, %mul3A_987 : i32
          %add3A_989 = arith.constant 0 : i32
          %add3A_990 = arith.addi %mul3A_988, %add3A_989 : i32
          %get3A_991 = arith.index_cast %add3A_990 : i32 to index
          %get3A_992 = tpu.vector_load %arg4[%get3A_991] {strides = array<i32>} : memref<32768xf32, #tpu.memory_space<vmem>>, vector<16xf32>,
          %get3A_993 = vector.shape_cast %get3A_992 : vector<16xf32> to vector<16xf32>
          %lt3A_994 = arith.cmpf olt, %get3A_993, %broadcast_in_dim3A_825 : vector<16xf32>
          %select_n3A_995 = arith.select %lt3A_994, %broadcast_in_dim3A_827, %broadcast_in_dim3A_829 : vector<16xi1>, vector<16xi32>
          %add3A_996 = arith.constant 16 : i32
          %add3A_997 = arith.addi %mul3A_988, %add3A_996 : i32
          %get3A_998 = arith.index_cast %add3A_997 : i32 to index
          %get3A_999 = tpu.vector_load %arg4[%get3A_998] {strides = array<i32>} : memref<32768xf32, #tpu.memory_space<vmem>>, vector<16xf32>,
          %get3A_1000 = vector.shape_cast %get3A_999 : vector<16xf32> to vector<16xf32>
          %lt3A_1001 = arith.cmpf olt, %get3A_1000, %broadcast_in_dim3A_825 : vector<16xf32>
          %select_n3A_1002 = arith.select %lt3A_1001, %broadcast_in_dim3A_827, %broadcast_in_dim3A_829 : vector<16xi1>, vector<16xi32>
          %add3A_1003 = arith.constant 32 : i32
          %add3A_1004 = arith.addi %mul3A_988, %add3A_1003 : i32
          %get3A_1005 = arith.index_cast %add3A_1004 : i32 to index
          %get3A_1006 = tpu.vector_load %arg4[%get3A_1005] {strides = array<i32>} : memref<32768xf32, #tpu.memory_space<vmem>>, vector<16xf32>,
          %get3A_1007 = vector.shape_cast %get3A_1006 : vector<16xf32> to vector<16xf32>
          %lt3A_1008 = arith.cmpf olt, %get3A_1007, %broadcast_in_dim3A_825 : vector<16xf32>
          %select_n3A_1009 = arith.select %lt3A_1008, %broadcast_in_dim3A_827, %broadcast_in_dim3A_829 : vector<16xi1>, vector<16xi32>
          %add3A_1010 = arith.constant 48 : i32
          %add3A_1011 = arith.addi %mul3A_988, %add3A_1010 : i32
          %get3A_1012 = arith.index_cast %add3A_1011 : i32 to index
          %get3A_1013 = tpu.vector_load %arg4[%get3A_1012] {strides = array<i32>} : memref<32768xf32, #tpu.memory_space<vmem>>, vector<16xf32>,
          %get3A_1014 = vector.shape_cast %get3A_1013 : vector<16xf32> to vector<16xf32>
          %lt3A_1015 = arith.cmpf olt, %get3A_1014, %broadcast_in_dim3A_825 : vector<16xf32>
          %select_n3A_1016 = arith.select %lt3A_1015, %broadcast_in_dim3A_827, %broadcast_in_dim3A_829 : vector<16xi1>, vector<16xi32>
          %add3A_1017 = arith.constant 64 : i32
          %add3A_1018 = arith.addi %mul3A_988, %add3A_1017 : i32
          %get3A_1019 = arith.index_cast %add3A_1018 : i32 to index
          %get3A_1020 = tpu.vector_load %arg4[%get3A_1019] {strides = array<i32>} : memref<32768xf32, #tpu.memory_space<vmem>>, vector<16xf32>,
          %get3A_1021 = vector.shape_cast %get3A_1020 : vector<16xf32> to vector<16xf32>
          %lt3A_1022 = arith.cmpf olt, %get3A_1021, %broadcast_in_dim3A_825 : vector<16xf32>
          %select_n3A_1023 = arith.select %lt3A_1022, %broadcast_in_dim3A_827, %broadcast_in_dim3A_829 : vector<16xi1>, vector<16xi32>
          %add3A_1024 = arith.constant 80 : i32
          %add3A_1025 = arith.addi %mul3A_988, %add3A_1024 : i32
          %get3A_1026 = arith.index_cast %add3A_1025 : i32 to index
          %get3A_1027 = tpu.vector_load %arg4[%get3A_1026] {strides = array<i32>} : memref<32768xf32, #tpu.memory_space<vmem>>, vector<16xf32>,
          %get3A_1028 = vector.shape_cast %get3A_1027 : vector<16xf32> to vector<16xf32>
          %lt3A_1029 = arith.cmpf olt, %get3A_1028, %broadcast_in_dim3A_825 : vector<16xf32>
          %select_n3A_1030 = arith.select %lt3A_1029, %broadcast_in_dim3A_827, %broadcast_in_dim3A_829 : vector<16xi1>, vector<16xi32>
          %add3A_1031 = arith.constant 96 : i32
          %add3A_1032 = arith.addi %mul3A_988, %add3A_1031 : i32
          %get3A_1033 = arith.index_cast %add3A_1032 : i32 to index
          %get3A_1034 = tpu.vector_load %arg4[%get3A_1033] {strides = array<i32>} : memref<32768xf32, #tpu.memory_space<vmem>>, vector<16xf32>,
          %get3A_1035 = vector.shape_cast %get3A_1034 : vector<16xf32> to vector<16xf32>
          %lt3A_1036 = arith.cmpf olt, %get3A_1035, %broadcast_in_dim3A_825 : vector<16xf32>
          %select_n3A_1037 = arith.select %lt3A_1036, %broadcast_in_dim3A_827, %broadcast_in_dim3A_829 : vector<16xi1>, vector<16xi32>
          %add3A_1038 = arith.constant 112 : i32
          %add3A_1039 = arith.addi %mul3A_988, %add3A_1038 : i32
          %get3A_1040 = arith.index_cast %add3A_1039 : i32 to index
          %get3A_1041 = tpu.vector_load %arg4[%get3A_1040] {strides = array<i32>} : memref<32768xf32, #tpu.memory_space<vmem>>, vector<16xf32>,
          %get3A_1042 = vector.shape_cast %get3A_1041 : vector<16xf32> to vector<16xf32>
          %lt3A_1043 = arith.cmpf olt, %get3A_1042, %broadcast_in_dim3A_825 : vector<16xf32>
          %select_n3A_1044 = arith.select %lt3A_1043, %broadcast_in_dim3A_827, %broadcast_in_dim3A_829 : vector<16xi1>, vector<16xi32>
          %add3A_1045 = arith.constant 128 : i32
          %add3A_1046 = arith.addi %mul3A_988, %add3A_1045 : i32
          %get3A_1047 = arith.index_cast %add3A_1046 : i32 to index
          %get3A_1048 = tpu.vector_load %arg4[%get3A_1047] {strides = array<i32>} : memref<32768xf32, #tpu.memory_space<vmem>>, vector<16xf32>,
          %get3A_1049 = vector.shape_cast %get3A_1048 : vector<16xf32> to vector<16xf32>
          %lt3A_1050 = arith.cmpf olt, %get3A_1049, %broadcast_in_dim3A_825 : vector<16xf32>
          %select_n3A_1051 = arith.select %lt3A_1050, %broadcast_in_dim3A_827, %broadcast_in_dim3A_829 : vector<16xi1>, vector<16xi32>
          %add3A_1052 = arith.constant 144 : i32
          %add3A_1053 = arith.addi %mul3A_988, %add3A_1052 : i32
          %get3A_1054 = arith.index_cast %add3A_1053 : i32 to index
          %get3A_1055 = tpu.vector_load %arg4[%get3A_1054] {strides = array<i32>} : memref<32768xf32, #tpu.memory_space<vmem>>, vector<16xf32>,
          %get3A_1056 = vector.shape_cast %get3A_1055 : vector<16xf32> to vector<16xf32>
          %lt3A_1057 = arith.cmpf olt, %get3A_1056, %broadcast_in_dim3A_825 : vector<16xf32>
          %select_n3A_1058 = arith.select %lt3A_1057, %broadcast_in_dim3A_827, %broadcast_in_dim3A_829 : vector<16xi1>, vector<16xi32>
          %add3A_1059 = arith.constant 160 : i32
          %add3A_1060 = arith.addi %mul3A_988, %add3A_1059 : i32
          %get3A_1061 = arith.index_cast %add3A_1060 : i32 to index
          %get3A_1062 = tpu.vector_load %arg4[%get3A_1061] {strides = array<i32>} : memref<32768xf32, #tpu.memory_space<vmem>>, vector<16xf32>,
          %get3A_1063 = vector.shape_cast %get3A_1062 : vector<16xf32> to vector<16xf32>
          %lt3A_1064 = arith.cmpf olt, %get3A_1063, %broadcast_in_dim3A_825 : vector<16xf32>
          %select_n3A_1065 = arith.select %lt3A_1064, %broadcast_in_dim3A_827, %broadcast_in_dim3A_829 : vector<16xi1>, vector<16xi32>
          %add3A_1066 = arith.constant 176 : i32
          %add3A_1067 = arith.addi %mul3A_988, %add3A_1066 : i32
          %get3A_1068 = arith.index_cast %add3A_1067 : i32 to index
          %get3A_1069 = tpu.vector_load %arg4[%get3A_1068] {strides = array<i32>} : memref<32768xf32, #tpu.memory_space<vmem>>, vector<16xf32>,
          %get3A_1070 = vector.shape_cast %get3A_1069 : vector<16xf32> to vector<16xf32>
          %lt3A_1071 = arith.cmpf olt, %get3A_1070, %broadcast_in_dim3A_825 : vector<16xf32>
          %select_n3A_1072 = arith.select %lt3A_1071, %broadcast_in_dim3A_827, %broadcast_in_dim3A_829 : vector<16xi1>, vector<16xi32>
          %add3A_1073 = arith.constant 192 : i32
          %add3A_1074 = arith.addi %mul3A_988, %add3A_1073 : i32
          %get3A_1075 = arith.index_cast %add3A_1074 : i32 to index
          %get3A_1076 = tpu.vector_load %arg4[%get3A_1075] {strides = array<i32>} : memref<32768xf32, #tpu.memory_space<vmem>>, vector<16xf32>,
          %get3A_1077 = vector.shape_cast %get3A_1076 : vector<16xf32> to vector<16xf32>
          %lt3A_1078 = arith.cmpf olt, %get3A_1077, %broadcast_in_dim3A_825 : vector<16xf32>
          %select_n3A_1079 = arith.select %lt3A_1078, %broadcast_in_dim3A_827, %broadcast_in_dim3A_829 : vector<16xi1>, vector<16xi32>
          %add3A_1080 = arith.constant 208 : i32
          %add3A_1081 = arith.addi %mul3A_988, %add3A_1080 : i32
          %get3A_1082 = arith.index_cast %add3A_1081 : i32 to index
          %get3A_1083 = tpu.vector_load %arg4[%get3A_1082] {strides = array<i32>} : memref<32768xf32, #tpu.memory_space<vmem>>, vector<16xf32>,
          %get3A_1084 = vector.shape_cast %get3A_1083 : vector<16xf32> to vector<16xf32>
          %lt3A_1085 = arith.cmpf olt, %get3A_1084, %broadcast_in_dim3A_825 : vector<16xf32>
          %select_n3A_1086 = arith.select %lt3A_1085, %broadcast_in_dim3A_827, %broadcast_in_dim3A_829 : vector<16xi1>, vector<16xi32>
          %add3A_1087 = arith.constant 224 : i32
          %add3A_1088 = arith.addi %mul3A_988, %add3A_1087 : i32
          %get3A_1089 = arith.index_cast %add3A_1088 : i32 to index
          %get3A_1090 = tpu.vector_load %arg4[%get3A_1089] {strides = array<i32>} : memref<32768xf32, #tpu.memory_space<vmem>>, vector<16xf32>,
          %get3A_1091 = vector.shape_cast %get3A_1090 : vector<16xf32> to vector<16xf32>
          %lt3A_1092 = arith.cmpf olt, %get3A_1091, %broadcast_in_dim3A_825 : vector<16xf32>
          %select_n3A_1093 = arith.select %lt3A_1092, %broadcast_in_dim3A_827, %broadcast_in_dim3A_829 : vector<16xi1>, vector<16xi32>
          %add3A_1094 = arith.constant 240 : i32
          %add3A_1095 = arith.addi %mul3A_988, %add3A_1094 : i32
          %get3A_1096 = arith.index_cast %add3A_1095 : i32 to index
          %get3A_1097 = tpu.vector_load %arg4[%get3A_1096] {strides = array<i32>} : memref<32768xf32, #tpu.memory_space<vmem>>, vector<16xf32>,
          %get3A_1098 = vector.shape_cast %get3A_1097 : vector<16xf32> to vector<16xf32>
          %lt3A_1099 = arith.cmpf olt, %get3A_1098, %broadcast_in_dim3A_825 : vector<16xf32>
          %select_n3A_1100 = arith.select %lt3A_1099, %broadcast_in_dim3A_827, %broadcast_in_dim3A_829 : vector<16xi1>, vector<16xi32>
          %add3A_1101 = arith.constant 256 : i32
          %add3A_1102 = arith.addi %mul3A_988, %add3A_1101 : i32
          %get3A_1103 = arith.index_cast %add3A_1102 : i32 to index
          %get3A_1104 = tpu.vector_load %arg4[%get3A_1103] {strides = array<i32>} : memref<32768xf32, #tpu.memory_space<vmem>>, vector<16xf32>,
          %get3A_1105 = vector.shape_cast %get3A_1104 : vector<16xf32> to vector<16xf32>
          %lt3A_1106 = arith.cmpf olt, %get3A_1105, %broadcast_in_dim3A_825 : vector<16xf32>
          %select_n3A_1107 = arith.select %lt3A_1106, %broadcast_in_dim3A_827, %broadcast_in_dim3A_829 : vector<16xi1>, vector<16xi32>
          %add3A_1108 = arith.constant 272 : i32
          %add3A_1109 = arith.addi %mul3A_988, %add3A_1108 : i32
          %get3A_1110 = arith.index_cast %add3A_1109 : i32 to index
          %get3A_1111 = tpu.vector_load %arg4[%get3A_1110] {strides = array<i32>} : memref<32768xf32, #tpu.memory_space<vmem>>, vector<16xf32>,
          %get3A_1112 = vector.shape_cast %get3A_1111 : vector<16xf32> to vector<16xf32>
          %lt3A_1113 = arith.cmpf olt, %get3A_1112, %broadcast_in_dim3A_825 : vector<16xf32>
          %select_n3A_1114 = arith.select %lt3A_1113, %broadcast_in_dim3A_827, %broadcast_in_dim3A_829 : vector<16xi1>, vector<16xi32>
          %add3A_1115 = arith.constant 288 : i32
          %add3A_1116 = arith.addi %mul3A_988, %add3A_1115 : i32
          %get3A_1117 = arith.index_cast %add3A_1116 : i32 to index
          %get3A_1118 = tpu.vector_load %arg4[%get3A_1117] {strides = array<i32>} : memref<32768xf32, #tpu.memory_space<vmem>>, vector<16xf32>,
          %get3A_1119 = vector.shape_cast %get3A_1118 : vector<16xf32> to vector<16xf32>
          %lt3A_1120 = arith.cmpf olt, %get3A_1119, %broadcast_in_dim3A_825 : vector<16xf32>
          %select_n3A_1121 = arith.select %lt3A_1120, %broadcast_in_dim3A_827, %broadcast_in_dim3A_829 : vector<16xi1>, vector<16xi32>
          %add3A_1122 = arith.constant 304 : i32
          %add3A_1123 = arith.addi %mul3A_988, %add3A_1122 : i32
          %get3A_1124 = arith.index_cast %add3A_1123 : i32 to index
          %get3A_1125 = tpu.vector_load %arg4[%get3A_1124] {strides = array<i32>} : memref<32768xf32, #tpu.memory_space<vmem>>, vector<16xf32>,
          %get3A_1126 = vector.shape_cast %get3A_1125 : vector<16xf32> to vector<16xf32>
          %lt3A_1127 = arith.cmpf olt, %get3A_1126, %broadcast_in_dim3A_825 : vector<16xf32>
          %select_n3A_1128 = arith.select %lt3A_1127, %broadcast_in_dim3A_827, %broadcast_in_dim3A_829 : vector<16xi1>, vector<16xi32>
          %add3A_1129 = arith.constant 320 : i32
          %add3A_1130 = arith.addi %mul3A_988, %add3A_1129 : i32
          %get3A_1131 = arith.index_cast %add3A_1130 : i32 to index
          %get3A_1132 = tpu.vector_load %arg4[%get3A_1131] {strides = array<i32>} : memref<32768xf32, #tpu.memory_space<vmem>>, vector<16xf32>,
          %get3A_1133 = vector.shape_cast %get3A_1132 : vector<16xf32> to vector<16xf32>
          %lt3A_1134 = arith.cmpf olt, %get3A_1133, %broadcast_in_dim3A_825 : vector<16xf32>
          %select_n3A_1135 = arith.select %lt3A_1134, %broadcast_in_dim3A_827, %broadcast_in_dim3A_829 : vector<16xi1>, vector<16xi32>
          %add3A_1136 = arith.constant 336 : i32
          %add3A_1137 = arith.addi %mul3A_988, %add3A_1136 : i32
          %get3A_1138 = arith.index_cast %add3A_1137 : i32 to index
          %get3A_1139 = tpu.vector_load %arg4[%get3A_1138] {strides = array<i32>} : memref<32768xf32, #tpu.memory_space<vmem>>, vector<16xf32>,
          %get3A_1140 = vector.shape_cast %get3A_1139 : vector<16xf32> to vector<16xf32>
          %lt3A_1141 = arith.cmpf olt, %get3A_1140, %broadcast_in_dim3A_825 : vector<16xf32>
          %select_n3A_1142 = arith.select %lt3A_1141, %broadcast_in_dim3A_827, %broadcast_in_dim3A_829 : vector<16xi1>, vector<16xi32>
          %add3A_1143 = arith.constant 352 : i32
          %add3A_1144 = arith.addi %mul3A_988, %add3A_1143 : i32
          %get3A_1145 = arith.index_cast %add3A_1144 : i32 to index
          %get3A_1146 = tpu.vector_load %arg4[%get3A_1145] {strides = array<i32>} : memref<32768xf32, #tpu.memory_space<vmem>>, vector<16xf32>,
          %get3A_1147 = vector.shape_cast %get3A_1146 : vector<16xf32> to vector<16xf32>
          %lt3A_1148 = arith.cmpf olt, %get3A_1147, %broadcast_in_dim3A_825 : vector<16xf32>
          %select_n3A_1149 = arith.select %lt3A_1148, %broadcast_in_dim3A_827, %broadcast_in_dim3A_829 : vector<16xi1>, vector<16xi32>
          %add3A_1150 = arith.constant 368 : i32
          %add3A_1151 = arith.addi %mul3A_988, %add3A_1150 : i32
          %get3A_1152 = arith.index_cast %add3A_1151 : i32 to index
          %get3A_1153 = tpu.vector_load %arg4[%get3A_1152] {strides = array<i32>} : memref<32768xf32, #tpu.memory_space<vmem>>, vector<16xf32>,
          %get3A_1154 = vector.shape_cast %get3A_1153 : vector<16xf32> to vector<16xf32>
          %lt3A_1155 = arith.cmpf olt, %get3A_1154, %broadcast_in_dim3A_825 : vector<16xf32>
          %select_n3A_1156 = arith.select %lt3A_1155, %broadcast_in_dim3A_827, %broadcast_in_dim3A_829 : vector<16xi1>, vector<16xi32>
          %add3A_1157 = arith.constant 384 : i32
          %add3A_1158 = arith.addi %mul3A_988, %add3A_1157 : i32
          %get3A_1159 = arith.index_cast %add3A_1158 : i32 to index
          %get3A_1160 = tpu.vector_load %arg4[%get3A_1159] {strides = array<i32>} : memref<32768xf32, #tpu.memory_space<vmem>>, vector<16xf32>,
          %get3A_1161 = vector.shape_cast %get3A_1160 : vector<16xf32> to vector<16xf32>
          %lt3A_1162 = arith.cmpf olt, %get3A_1161, %broadcast_in_dim3A_825 : vector<16xf32>
          %select_n3A_1163 = arith.select %lt3A_1162, %broadcast_in_dim3A_827, %broadcast_in_dim3A_829 : vector<16xi1>, vector<16xi32>
          %add3A_1164 = arith.constant 400 : i32
          %add3A_1165 = arith.addi %mul3A_988, %add3A_1164 : i32
          %get3A_1166 = arith.index_cast %add3A_1165 : i32 to index
          %get3A_1167 = tpu.vector_load %arg4[%get3A_1166] {strides = array<i32>} : memref<32768xf32, #tpu.memory_space<vmem>>, vector<16xf32>,
          %get3A_1168 = vector.shape_cast %get3A_1167 : vector<16xf32> to vector<16xf32>
          %lt3A_1169 = arith.cmpf olt, %get3A_1168, %broadcast_in_dim3A_825 : vector<16xf32>
          %select_n3A_1170 = arith.select %lt3A_1169, %broadcast_in_dim3A_827, %broadcast_in_dim3A_829 : vector<16xi1>, vector<16xi32>
          %add3A_1171 = arith.constant 416 : i32
          %add3A_1172 = arith.addi %mul3A_988, %add3A_1171 : i32
          %get3A_1173 = arith.index_cast %add3A_1172 : i32 to index
          %get3A_1174 = tpu.vector_load %arg4[%get3A_1173] {strides = array<i32>} : memref<32768xf32, #tpu.memory_space<vmem>>, vector<16xf32>,
          %get3A_1175 = vector.shape_cast %get3A_1174 : vector<16xf32> to vector<16xf32>
          %lt3A_1176 = arith.cmpf olt, %get3A_1175, %broadcast_in_dim3A_825 : vector<16xf32>
          %select_n3A_1177 = arith.select %lt3A_1176, %broadcast_in_dim3A_827, %broadcast_in_dim3A_829 : vector<16xi1>, vector<16xi32>
          %add3A_1178 = arith.constant 432 : i32
          %add3A_1179 = arith.addi %mul3A_988, %add3A_1178 : i32
          %get3A_1180 = arith.index_cast %add3A_1179 : i32 to index
          %get3A_1181 = tpu.vector_load %arg4[%get3A_1180] {strides = array<i32>} : memref<32768xf32, #tpu.memory_space<vmem>>, vector<16xf32>,
          %get3A_1182 = vector.shape_cast %get3A_1181 : vector<16xf32> to vector<16xf32>
          %lt3A_1183 = arith.cmpf olt, %get3A_1182, %broadcast_in_dim3A_825 : vector<16xf32>
          %select_n3A_1184 = arith.select %lt3A_1183, %broadcast_in_dim3A_827, %broadcast_in_dim3A_829 : vector<16xi1>, vector<16xi32>
          %add3A_1185 = arith.constant 448 : i32
          %add3A_1186 = arith.addi %mul3A_988, %add3A_1185 : i32
          %get3A_1187 = arith.index_cast %add3A_1186 : i32 to index
          %get3A_1188 = tpu.vector_load %arg4[%get3A_1187] {strides = array<i32>} : memref<32768xf32, #tpu.memory_space<vmem>>, vector<16xf32>,
          %get3A_1189 = vector.shape_cast %get3A_1188 : vector<16xf32> to vector<16xf32>
          %lt3A_1190 = arith.cmpf olt, %get3A_1189, %broadcast_in_dim3A_825 : vector<16xf32>
          %select_n3A_1191 = arith.select %lt3A_1190, %broadcast_in_dim3A_827, %broadcast_in_dim3A_829 : vector<16xi1>, vector<16xi32>
          %add3A_1192 = arith.constant 464 : i32
          %add3A_1193 = arith.addi %mul3A_988, %add3A_1192 : i32
          %get3A_1194 = arith.index_cast %add3A_1193 : i32 to index
          %get3A_1195 = tpu.vector_load %arg4[%get3A_1194] {strides = array<i32>} : memref<32768xf32, #tpu.memory_space<vmem>>, vector<16xf32>,
          %get3A_1196 = vector.shape_cast %get3A_1195 : vector<16xf32> to vector<16xf32>
          %lt3A_1197 = arith.cmpf olt, %get3A_1196, %broadcast_in_dim3A_825 : vector<16xf32>
          %select_n3A_1198 = arith.select %lt3A_1197, %broadcast_in_dim3A_827, %broadcast_in_dim3A_829 : vector<16xi1>, vector<16xi32>
          %add3A_1199 = arith.constant 480 : i32
          %add3A_1200 = arith.addi %mul3A_988, %add3A_1199 : i32
          %get3A_1201 = arith.index_cast %add3A_1200 : i32 to index
          %get3A_1202 = tpu.vector_load %arg4[%get3A_1201] {strides = array<i32>} : memref<32768xf32, #tpu.memory_space<vmem>>, vector<16xf32>,
          %get3A_1203 = vector.shape_cast %get3A_1202 : vector<16xf32> to vector<16xf32>
          %lt3A_1204 = arith.cmpf olt, %get3A_1203, %broadcast_in_dim3A_825 : vector<16xf32>
          %select_n3A_1205 = arith.select %lt3A_1204, %broadcast_in_dim3A_827, %broadcast_in_dim3A_829 : vector<16xi1>, vector<16xi32>
          %add3A_1206 = arith.constant 496 : i32
          %add3A_1207 = arith.addi %mul3A_988, %add3A_1206 : i32
          %get3A_1208 = arith.index_cast %add3A_1207 : i32 to index
          %get3A_1209 = tpu.vector_load %arg4[%get3A_1208] {strides = array<i32>} : memref<32768xf32, #tpu.memory_space<vmem>>, vector<16xf32>,
          %get3A_1210 = vector.shape_cast %get3A_1209 : vector<16xf32> to vector<16xf32>
          %lt3A_1211 = arith.cmpf olt, %get3A_1210, %broadcast_in_dim3A_825 : vector<16xf32>
          %select_n3A_1212 = arith.select %lt3A_1211, %broadcast_in_dim3A_827, %broadcast_in_dim3A_829 : vector<16xi1>, vector<16xi32>
          %add3A_1213 = arith.addi %select_n3A_995, %select_n3A_1002 : vector<16xi32>
          %add3A_1214 = arith.addi %select_n3A_1009, %select_n3A_1016 : vector<16xi32>
          %add3A_1215 = arith.addi %select_n3A_1023, %select_n3A_1030 : vector<16xi32>
          %add3A_1216 = arith.addi %select_n3A_1037, %select_n3A_1044 : vector<16xi32>
          %add3A_1217 = arith.addi %select_n3A_1051, %select_n3A_1058 : vector<16xi32>
          %add3A_1218 = arith.addi %select_n3A_1065, %select_n3A_1072 : vector<16xi32>
          %add3A_1219 = arith.addi %select_n3A_1079, %select_n3A_1086 : vector<16xi32>
          %add3A_1220 = arith.addi %select_n3A_1093, %select_n3A_1100 : vector<16xi32>
          %add3A_1221 = arith.addi %select_n3A_1107, %select_n3A_1114 : vector<16xi32>
          %add3A_1222 = arith.addi %select_n3A_1121, %select_n3A_1128 : vector<16xi32>
          %add3A_1223 = arith.addi %select_n3A_1135, %select_n3A_1142 : vector<16xi32>
          %add3A_1224 = arith.addi %select_n3A_1149, %select_n3A_1156 : vector<16xi32>
          %add3A_1225 = arith.addi %select_n3A_1163, %select_n3A_1170 : vector<16xi32>
          %add3A_1226 = arith.addi %select_n3A_1177, %select_n3A_1184 : vector<16xi32>
          %add3A_1227 = arith.addi %select_n3A_1191, %select_n3A_1198 : vector<16xi32>
          %add3A_1228 = arith.addi %select_n3A_1205, %select_n3A_1212 : vector<16xi32>
          %add3A_1229 = arith.addi %add3A_1213, %add3A_1214 : vector<16xi32>
          %add3A_1230 = arith.addi %add3A_1215, %add3A_1216 : vector<16xi32>
          %add3A_1231 = arith.addi %add3A_1217, %add3A_1218 : vector<16xi32>
          %add3A_1232 = arith.addi %add3A_1219, %add3A_1220 : vector<16xi32>
          %add3A_1233 = arith.addi %add3A_1221, %add3A_1222 : vector<16xi32>
          %add3A_1234 = arith.addi %add3A_1223, %add3A_1224 : vector<16xi32>
          %add3A_1235 = arith.addi %add3A_1225, %add3A_1226 : vector<16xi32>
          %add3A_1236 = arith.addi %add3A_1227, %add3A_1228 : vector<16xi32>
          %add3A_1237 = arith.addi %add3A_1229, %add3A_1230 : vector<16xi32>
          %add3A_1238 = arith.addi %add3A_1231, %add3A_1232 : vector<16xi32>
          %add3A_1239 = arith.addi %add3A_1233, %add3A_1234 : vector<16xi32>
          %add3A_1240 = arith.addi %add3A_1235, %add3A_1236 : vector<16xi32>
          %add3A_1241 = arith.addi %add3A_1237, %add3A_1238 : vector<16xi32>
          %add3A_1242 = arith.addi %add3A_1239, %add3A_1240 : vector<16xi32>
          %add3A_1243 = arith.addi %add3A_1241, %add3A_1242 : vector<16xi32>
          %add3A_1244 = arith.addi %scan3A_986, %add3A_1243 : vector<16xi32>
          scf.yield %add3A_1244 : vector<16xi32>
        }
        %scan3A_835 = arith.constant 64 : i32
        %slice3A_836 = vector.extract_strided_slice %scan3A_834 {offsets = [0], sizes = [1], strides = [1]} : vector<16xi32> to vector<1xi32>
        %squeeze3A_837 = vector.extract %slice3A_836[0] : i32 from vector<1xi32>
        %slice3A_838 = vector.extract_strided_slice %scan3A_834 {offsets = [1], sizes = [1], strides = [1]} : vector<16xi32> to vector<1xi32>
        %squeeze3A_839 = vector.extract %slice3A_838[0] : i32 from vector<1xi32>
        %add3A_840 = arith.addi %squeeze3A_837, %squeeze3A_839 : i32
        %slice3A_841 = vector.extract_strided_slice %scan3A_834 {offsets = [2], sizes = [1], strides = [1]} : vector<16xi32> to vector<1xi32>
        %squeeze3A_842 = vector.extract %slice3A_841[0] : i32 from vector<1xi32>
        %add3A_843 = arith.addi %add3A_840, %squeeze3A_842 : i32
        %slice3A_844 = vector.extract_strided_slice %scan3A_834 {offsets = [3], sizes = [1], strides = [1]} : vector<16xi32> to vector<1xi32>
        %squeeze3A_845 = vector.extract %slice3A_844[0] : i32 from vector<1xi32>
        %add3A_846 = arith.addi %add3A_843, %squeeze3A_845 : i32
        %slice3A_847 = vector.extract_strided_slice %scan3A_834 {offsets = [4], sizes = [1], strides = [1]} : vector<16xi32> to vector<1xi32>
        %squeeze3A_848 = vector.extract %slice3A_847[0] : i32 from vector<1xi32>
        %add3A_849 = arith.addi %add3A_846, %squeeze3A_848 : i32
        %slice3A_850 = vector.extract_strided_slice %scan3A_834 {offsets = [5], sizes = [1], strides = [1]} : vector<16xi32> to vector<1xi32>
        %squeeze3A_851 = vector.extract %slice3A_850[0] : i32 from vector<1xi32>
        %add3A_852 = arith.addi %add3A_849, %squeeze3A_851 : i32
        %slice3A_853 = vector.extract_strided_slice %scan3A_834 {offsets = [6], sizes = [1], strides = [1]} : vector<16xi32> to vector<1xi32>
        %squeeze3A_854 = vector.extract %slice3A_853[0] : i32 from vector<1xi32>
        %add3A_855 = arith.addi %add3A_852, %squeeze3A_854 : i32
        %slice3A_856 = vector.extract_strided_slice %scan3A_834 {offsets = [7], sizes = [1], strides = [1]} : vector<16xi32> to vector<1xi32>
        %squeeze3A_857 = vector.extract %slice3A_856[0] : i32 from vector<1xi32>
        %add3A_858 = arith.addi %add3A_855, %squeeze3A_857 : i32
        %slice3A_859 = vector.extract_strided_slice %scan3A_834 {offsets = [8], sizes = [1], strides = [1]} : vector<16xi32> to vector<1xi32>
        %squeeze3A_860 = vector.extract %slice3A_859[0] : i32 from vector<1xi32>
        %add3A_861 = arith.addi %add3A_858, %squeeze3A_860 : i32
        %slice3A_862 = vector.extract_strided_slice %scan3A_834 {offsets = [9], sizes = [1], strides = [1]} : vector<16xi32> to vector<1xi32>
        %squeeze3A_863 = vector.extract %slice3A_862[0] : i32 from vector<1xi32>
        %add3A_864 = arith.addi %add3A_861, %squeeze3A_863 : i32
        %slice3A_865 = vector.extract_strided_slice %scan3A_834 {offsets = [10], sizes = [1], strides = [1]} : vector<16xi32> to vector<1xi32>
        %squeeze3A_866 = vector.extract %slice3A_865[0] : i32 from vector<1xi32>
        %add3A_867 = arith.addi %add3A_864, %squeeze3A_866 : i32
        %slice3A_868 = vector.extract_strided_slice %scan3A_834 {offsets = [11], sizes = [1], strides = [1]} : vector<16xi32> to vector<1xi32>
        %squeeze3A_869 = vector.extract %slice3A_868[0] : i32 from vector<1xi32>
        %add3A_870 = arith.addi %add3A_867, %squeeze3A_869 : i32
        %slice3A_871 = vector.extract_strided_slice %scan3A_834 {offsets = [12], sizes = [1], strides = [1]} : vector<16xi32> to vector<1xi32>
        %squeeze3A_872 = vector.extract %slice3A_871[0] : i32 from vector<1xi32>
        %add3A_873 = arith.addi %add3A_870, %squeeze3A_872 : i32
        %slice3A_874 = vector.extract_strided_slice %scan3A_834 {offsets = [13], sizes = [1], strides = [1]} : vector<16xi32> to vector<1xi32>
        %squeeze3A_875 = vector.extract %slice3A_874[0] : i32 from vector<1xi32>
        %add3A_876 = arith.addi %add3A_873, %squeeze3A_875 : i32
        %slice3A_877 = vector.extract_strided_slice %scan3A_834 {offsets = [14], sizes = [1], strides = [1]} : vector<16xi32> to vector<1xi32>
        %squeeze3A_878 = vector.extract %slice3A_877[0] : i32 from vector<1xi32>
        %add3A_879 = arith.addi %add3A_876, %squeeze3A_878 : i32
        %slice3A_880 = vector.extract_strided_slice %scan3A_834 {offsets = [15], sizes = [1], strides = [1]} : vector<16xi32> to vector<1xi32>
        %squeeze3A_881 = vector.extract %slice3A_880[0] : i32 from vector<1xi32>
        %add3A_882 = arith.addi %add3A_879, %squeeze3A_881 : i32
        %get3A_883 = arith.constant 1 : i32
        %get3A_884 = arith.index_cast %get3A_883 : i32 to index
        %get3A_885 = memref.load %arg7[%get3A_884] : memref<8xi32, #tpu.memory_space<smem>>
        %get3A_886 = arith.constant 2 : i32
        %get3A_887 = arith.index_cast %get3A_886 : i32 to index
        %get3A_888 = memref.load %arg7[%get3A_887] : memref<8xi32, #tpu.memory_space<smem>>
        %get3A_889 = arith.constant 3 : i32
        %get3A_890 = arith.index_cast %get3A_889 : i32 to index
        %get3A_891 = memref.load %arg7[%get3A_890] : memref<8xi32, #tpu.memory_space<smem>>
        %get3A_892 = arith.constant 4 : i32
        %get3A_893 = arith.index_cast %get3A_892 : i32 to index
        %get3A_894 = memref.load %arg7[%get3A_893] : memref<8xi32, #tpu.memory_space<smem>>
        %eq3A_895 = arith.constant 256 : i32
        %eq3A_896 = arith.cmpi eq, %add3A_882, %eq3A_895 : i32
        %lt3A = arith.constant 256 : i32
        %lt3A_897 = arith.cmpi slt, %add3A_882, %lt3A : i32
        %select_n3A_898 = arith.select %lt3A_897, %get3A_816, %get3A_885 : i32
        %select_n3A_899 = arith.select %lt3A_897, %add3A_882, %get3A_891 : i32
        %select_n3A_900 = arith.select %lt3A_897, %get3A_888, %get3A_816 : i32
        %select_n3A_901 = arith.select %lt3A_897, %get3A_894, %add3A_882 : i32
        %sub3A = arith.subi %select_n3A_900, %select_n3A_898 : i32
        %le3A = arith.constant 1 : i32
        %le3A_902 = arith.cmpi ule, %sub3A, %le3A : i32
        %or3A_903 = arith.ori %eq3A_896, %le3A_902 : i1
        %select_n3A_904 = arith.select %eq3A_896, %get3A_816, %select_n3A_900 : i32
        %sub3A_905 = arith.subi %select_n3A_900, %select_n3A_898 : i32
        %convert_element_type3A_906 = arith.uitofp %sub3A_905 : i32 to f32
        %sub3A_907 = arith.constant 256 : i32
        %sub3A_908 = arith.subi %sub3A_907, %select_n3A_899 : i32
        %convert_element_type3A_909 = arith.sitofp %sub3A_908 : i32 to f32
        %sub3A_910 = arith.subi %select_n3A_901, %select_n3A_899 : i32
        %convert_element_type3A_911 = arith.sitofp %sub3A_910 : i32 to f32
        %bitcast_convert_type3A_912 = arith.bitcast %convert_element_type3A_911 : f32 to i32
        %sub3A_913 = arith.constant 2129859011 : i32
        %sub3A_914 = arith.subi %sub3A_913, %bitcast_convert_type3A_912 : i32
        %bitcast_convert_type3A_915 = arith.bitcast %sub3A_914 : i32 to f32
        %mul3A_916 = arith.mulf %convert_element_type3A_911, %bitcast_convert_type3A_915 : f32
        %sub3A_917 = arith.constant 2.000000e+00 : f32
        %sub3A_918 = arith.subf %sub3A_917, %mul3A_916 : f32
        %mul3A_919 = arith.mulf %bitcast_convert_type3A_915, %sub3A_918 : f32
        %mul3A_920 = arith.mulf %convert_element_type3A_911, %mul3A_919 : f32
        %sub3A_921 = arith.constant 2.000000e+00 : f32
        %sub3A_922 = arith.subf %sub3A_921, %mul3A_920 : f32
        %mul3A_923 = arith.mulf %mul3A_919, %sub3A_922 : f32
        %mul3A_924 = arith.mulf %convert_element_type3A_909, %mul3A_923 : f32
        %mul3A_925 = arith.mulf %convert_element_type3A_906, %mul3A_924 : f32
        %convert_element_type3A_926 = arith.fptoui %mul3A_925 : f32 to i32
        %add3A_927 = arith.addi %select_n3A_898, %convert_element_type3A_926 : i32
        %sub3A_928 = arith.subi %select_n3A_900, %select_n3A_898 : i32
        %shift_right_logical3A = arith.constant 1 : i32
        %shift_right_logical3A_929 = arith.shrui %sub3A_928, %shift_right_logical3A : i32
        %add3A_930 = arith.addi %select_n3A_898, %shift_right_logical3A_929 : i32
        %sub3A_931 = arith.constant 256 : i32
        %sub3A_932 = arith.subi %sub3A_931, %add3A_882 : i32
        %convert_element_type3A_933 = arith.sitofp %sub3A_932 : i32 to f32
        %mul3A_934 = arith.mulf %convert_element_type3A_933, %mul3A_715 : f32
        %add3A_935 = arith.addf %bitcast_convert_type3A_824, %mul3A_934 : f32
        %bitcast_convert_type3A_936 = arith.bitcast %add3A_935 : f32 to i32
        %ge3A_937 = arith.constant -2147483648 : i32
        %ge3A_938 = arith.cmpi uge, %bitcast_convert_type3A_936, %ge3A_937 : i32
        %not3A_939 = arith.constant -1 : i32
        %not3A_940 = arith.xori %bitcast_convert_type3A_936, %not3A_939 : i32
        %or3A_941 = arith.constant -2147483648 : i32
        %or3A_942 = arith.ori %bitcast_convert_type3A_936, %or3A_941 : i32
        %select_n3A_943 = arith.select %ge3A_938, %not3A_940, %or3A_942 : i32
        %eq3A_944 = arith.constant 0 : i32
        %eq3A_945 = arith.cmpi eq, %select_n3A_898, %eq3A_944 : i32
        %eq3A_946 = arith.constant -8388608 : i32
        %eq3A_947 = arith.cmpi eq, %select_n3A_900, %eq3A_946 : i32
        %or3A_948 = arith.ori %eq3A_945, %eq3A_947 : i1
        %add3A_949 = arith.constant 1 : i32
        %add3A_950 = arith.addi %scan3A_808, %add3A_949 : i32
        %lt3A_951 = arith.constant 8 : i32
        %lt3A_952 = arith.cmpi slt, %add3A_950, %lt3A_951 : i32
        %and3A = arith.andi %lt3A_952, %or3A_948 : i1
        %select_n3A_953 = arith.select %lt3A_952, %add3A_927, %add3A_930 : i32
        %select_n3A_954 = arith.select %and3A, %select_n3A_943, %select_n3A_953 : i32
        %add3A_955 = arith.constant 1 : i32
        %add3A_956 = arith.addi %select_n3A_898, %add3A_955 : i32
        %sub3A_957 = arith.constant 1 : i32
        %sub3A_958 = arith.subi %select_n3A_900, %sub3A_957 : i32
        %max3A_959 = arith.maxui %add3A_956, %select_n3A_954 : i32
        %min3A_960 = arith.minui %sub3A_958, %max3A_959 : i32
        %swap3A_961 = arith.constant 0 : i32
        %swap3A_962 = arith.index_cast %swap3A_961 : i32 to index
        %swap3A_963 = memref.load %arg7[%swap3A_962] : memref<8xi32, #tpu.memory_space<smem>>
        memref.store %min3A_960, %arg7[%swap3A_962] : memref<8xi32, #tpu.memory_space<smem>>
        %swap3A_964 = arith.constant 1 : i32
        %swap3A_965 = arith.index_cast %swap3A_964 : i32 to index
        %swap3A_966 = memref.load %arg7[%swap3A_965] : memref<8xi32, #tpu.memory_space<smem>>
        memref.store %select_n3A_898, %arg7[%swap3A_965] : memref<8xi32, #tpu.memory_space<smem>>
        %swap3A_967 = arith.constant 2 : i32
        %swap3A_968 = arith.index_cast %swap3A_967 : i32 to index
        %swap3A_969 = memref.load %arg7[%swap3A_968] : memref<8xi32, #tpu.memory_space<smem>>
        memref.store %select_n3A_900, %arg7[%swap3A_968] : memref<8xi32, #tpu.memory_space<smem>>
        %swap3A_970 = arith.constant 3 : i32
        %swap3A_971 = arith.index_cast %swap3A_970 : i32 to index
        %swap3A_972 = memref.load %arg7[%swap3A_971] : memref<8xi32, #tpu.memory_space<smem>>
        memref.store %select_n3A_899, %arg7[%swap3A_971] : memref<8xi32, #tpu.memory_space<smem>>
        %swap3A_973 = arith.constant 4 : i32
        %swap3A_974 = arith.index_cast %swap3A_973 : i32 to index
        %swap3A_975 = memref.load %arg7[%swap3A_974] : memref<8xi32, #tpu.memory_space<smem>>
        memref.store %select_n3A_901, %arg7[%swap3A_974] : memref<8xi32, #tpu.memory_space<smem>>
        %jit3A_976 = arith.constant 1 : i32
        %jit3A_977 = arith.constant 0 : i32
        %select_n3A_978 = arith.select %or3A_903, %jit3A_976, %jit3A_977 : i32
        %swap3A_979 = arith.constant 5 : i32
        %swap3A_980 = arith.index_cast %swap3A_979 : i32 to index
        %swap3A_981 = memref.load %arg7[%swap3A_980] : memref<8xi32, #tpu.memory_space<smem>>
        memref.store %select_n3A_978, %arg7[%swap3A_980] : memref<8xi32, #tpu.memory_space<smem>>
        %swap3A_982 = arith.constant 6 : i32
        %swap3A_983 = arith.index_cast %swap3A_982 : i32 to index
        %swap3A_984 = memref.load %arg7[%swap3A_983] : memref<8xi32, #tpu.memory_space<smem>>
        memref.store %select_n3A_904, %arg7[%swap3A_983] : memref<8xi32, #tpu.memory_space<smem>>
      } else {
      }
    }
    %scan3A_763 = arith.constant 40 : i32
    %get3A_764 = arith.constant 6 : i32
    %get3A_765 = arith.index_cast %get3A_764 : i32 to index
    %get3A_766 = memref.load %arg7[%get3A_765] : memref<8xi32, #tpu.memory_space<smem>>
    %ge3A_767 = arith.constant -2147483648 : i32
    %ge3A_768 = arith.cmpi uge, %get3A_766, %ge3A_767 : i32
    %xor3A_769 = arith.constant -2147483648 : i32
    %xor3A_770 = arith.xori %get3A_766, %xor3A_769 : i32
    %not3A_771 = arith.constant -1 : i32
    %not3A_772 = arith.xori %get3A_766, %not3A_771 : i32
    %select_n3A_773 = arith.select %ge3A_768, %xor3A_770, %not3A_772 : i32
    %bitcast_convert_type3A_774 = arith.bitcast %select_n3A_773 : i32 to f32
    %broadcast_in_dim3A_775 = vector.broadcast %bitcast_convert_type3A_774 : f32 to vector<16xf32>
    %broadcast_in_dim3A_776 = arith.constant 0.000000e+00 : f32
    %broadcast_in_dim3A_777 = vector.broadcast %broadcast_in_dim3A_776 : f32 to vector<16xf32>
    %scan3A_778 = arith.constant 0 : i32
    %scan3A_779 = arith.constant 0 : i32
    %scan3A_780 = arith.constant 128 : i32
    %scan3A_781 = arith.addi %scan3A_779, %scan3A_780 : i32
    %scan3A_782 = arith.constant 1 : i32
    scf.for %scan3A_808 = %scan3A_779 to %scan3A_781 step %scan3A_782  : i32 {
      %mul3A_809 = arith.constant 256 : i32
      %mul3A_810 = arith.muli %scan3A_808, %mul3A_809 : i32
      %add3A_811 = arith.constant 0 : i32
      %add3A_812 = arith.addi %mul3A_810, %add3A_811 : i32
      %get3A_813 = arith.index_cast %add3A_812 : i32 to index
      %get3A_814 = tpu.vector_load %arg4[%get3A_813] {strides = array<i32>} : memref<32768xf32, #tpu.memory_space<vmem>>, vector<16xf32>,
      %get3A_815 = vector.shape_cast %get3A_814 : vector<16xf32> to vector<16xf32>
      %lt3A = arith.cmpf olt, %get3A_815, %broadcast_in_dim3A_775 : vector<16xf32>
      %select_n3A_816 = arith.select %lt3A, %broadcast_in_dim3A_777, %get3A_815 : vector<16xi1>, vector<16xf32>
      %add3A_817 = arith.constant 0 : i32
      %add3A_818 = arith.addi %mul3A_810, %add3A_817 : i32
      %swap3A_819 = arith.index_cast %add3A_818 : i32 to index
      %swap3A_820 = tpu.vector_load %arg4[%swap3A_819] {strides = array<i32>} : memref<32768xf32, #tpu.memory_space<vmem>>, vector<16xf32>,
      %swap3A_821 = vector.shape_cast %swap3A_820 : vector<16xf32> to vector<16xf32>
      %swap3A_822 = vector.shape_cast %select_n3A_816 : vector<16xf32> to vector<16xf32>
      tpu.vector_store %arg4[%swap3A_819], %swap3A_822 {strides = array<i32>} : memref<32768xf32, #tpu.memory_space<vmem>>, vector<16xf32>,
      %add3A_823 = arith.constant 16 : i32
      %add3A_824 = arith.addi %mul3A_810, %add3A_823 : i32
      %get3A_825 = arith.index_cast %add3A_824 : i32 to index
      %get3A_826 = tpu.vector_load %arg4[%get3A_825] {strides = array<i32>} : memref<32768xf32, #tpu.memory_space<vmem>>, vector<16xf32>,
      %get3A_827 = vector.shape_cast %get3A_826 : vector<16xf32> to vector<16xf32>
      %lt3A_828 = arith.cmpf olt, %get3A_827, %broadcast_in_dim3A_775 : vector<16xf32>
      %select_n3A_829 = arith.select %lt3A_828, %broadcast_in_dim3A_777, %get3A_827 : vector<16xi1>, vector<16xf32>
      %add3A_830 = arith.constant 16 : i32
      %add3A_831 = arith.addi %mul3A_810, %add3A_830 : i32
      %swap3A_832 = arith.index_cast %add3A_831 : i32 to index
      %swap3A_833 = tpu.vector_load %arg4[%swap3A_832] {strides = array<i32>} : memref<32768xf32, #tpu.memory_space<vmem>>, vector<16xf32>,
      %swap3A_834 = vector.shape_cast %swap3A_833 : vector<16xf32> to vector<16xf32>
      %swap3A_835 = vector.shape_cast %select_n3A_829 : vector<16xf32> to vector<16xf32>
      tpu.vector_store %arg4[%swap3A_832], %swap3A_835 {strides = array<i32>} : memref<32768xf32, #tpu.memory_space<vmem>>, vector<16xf32>,
      %add3A_836 = arith.constant 32 : i32
      %add3A_837 = arith.addi %mul3A_810, %add3A_836 : i32
      %get3A_838 = arith.index_cast %add3A_837 : i32 to index
      %get3A_839 = tpu.vector_load %arg4[%get3A_838] {strides = array<i32>} : memref<32768xf32, #tpu.memory_space<vmem>>, vector<16xf32>,
      %get3A_840 = vector.shape_cast %get3A_839 : vector<16xf32> to vector<16xf32>
      %lt3A_841 = arith.cmpf olt, %get3A_840, %broadcast_in_dim3A_775 : vector<16xf32>
      %select_n3A_842 = arith.select %lt3A_841, %broadcast_in_dim3A_777, %get3A_840 : vector<16xi1>, vector<16xf32>
      %add3A_843 = arith.constant 32 : i32
      %add3A_844 = arith.addi %mul3A_810, %add3A_843 : i32
      %swap3A_845 = arith.index_cast %add3A_844 : i32 to index
      %swap3A_846 = tpu.vector_load %arg4[%swap3A_845] {strides = array<i32>} : memref<32768xf32, #tpu.memory_space<vmem>>, vector<16xf32>,
      %swap3A_847 = vector.shape_cast %swap3A_846 : vector<16xf32> to vector<16xf32>
      %swap3A_848 = vector.shape_cast %select_n3A_842 : vector<16xf32> to vector<16xf32>
      tpu.vector_store %arg4[%swap3A_845], %swap3A_848 {strides = array<i32>} : memref<32768xf32, #tpu.memory_space<vmem>>, vector<16xf32>,
      %add3A_849 = arith.constant 48 : i32
      %add3A_850 = arith.addi %mul3A_810, %add3A_849 : i32
      %get3A_851 = arith.index_cast %add3A_850 : i32 to index
      %get3A_852 = tpu.vector_load %arg4[%get3A_851] {strides = array<i32>} : memref<32768xf32, #tpu.memory_space<vmem>>, vector<16xf32>,
      %get3A_853 = vector.shape_cast %get3A_852 : vector<16xf32> to vector<16xf32>
      %lt3A_854 = arith.cmpf olt, %get3A_853, %broadcast_in_dim3A_775 : vector<16xf32>
      %select_n3A_855 = arith.select %lt3A_854, %broadcast_in_dim3A_777, %get3A_853 : vector<16xi1>, vector<16xf32>
      %add3A_856 = arith.constant 48 : i32
      %add3A_857 = arith.addi %mul3A_810, %add3A_856 : i32
      %swap3A_858 = arith.index_cast %add3A_857 : i32 to index
      %swap3A_859 = tpu.vector_load %arg4[%swap3A_858] {strides = array<i32>} : memref<32768xf32, #tpu.memory_space<vmem>>, vector<16xf32>,
      %swap3A_860 = vector.shape_cast %swap3A_859 : vector<16xf32> to vector<16xf32>
      %swap3A_861 = vector.shape_cast %select_n3A_855 : vector<16xf32> to vector<16xf32>
      tpu.vector_store %arg4[%swap3A_858], %swap3A_861 {strides = array<i32>} : memref<32768xf32, #tpu.memory_space<vmem>>, vector<16xf32>,
      %add3A_862 = arith.constant 64 : i32
      %add3A_863 = arith.addi %mul3A_810, %add3A_862 : i32
      %get3A_864 = arith.index_cast %add3A_863 : i32 to index
      %get3A_865 = tpu.vector_load %arg4[%get3A_864] {strides = array<i32>} : memref<32768xf32, #tpu.memory_space<vmem>>, vector<16xf32>,
      %get3A_866 = vector.shape_cast %get3A_865 : vector<16xf32> to vector<16xf32>
      %lt3A_867 = arith.cmpf olt, %get3A_866, %broadcast_in_dim3A_775 : vector<16xf32>
      %select_n3A_868 = arith.select %lt3A_867, %broadcast_in_dim3A_777, %get3A_866 : vector<16xi1>, vector<16xf32>
      %add3A_869 = arith.constant 64 : i32
      %add3A_870 = arith.addi %mul3A_810, %add3A_869 : i32
      %swap3A_871 = arith.index_cast %add3A_870 : i32 to index
      %swap3A_872 = tpu.vector_load %arg4[%swap3A_871] {strides = array<i32>} : memref<32768xf32, #tpu.memory_space<vmem>>, vector<16xf32>,
      %swap3A_873 = vector.shape_cast %swap3A_872 : vector<16xf32> to vector<16xf32>
      %swap3A_874 = vector.shape_cast %select_n3A_868 : vector<16xf32> to vector<16xf32>
      tpu.vector_store %arg4[%swap3A_871], %swap3A_874 {strides = array<i32>} : memref<32768xf32, #tpu.memory_space<vmem>>, vector<16xf32>,
      %add3A_875 = arith.constant 80 : i32
      %add3A_876 = arith.addi %mul3A_810, %add3A_875 : i32
      %get3A_877 = arith.index_cast %add3A_876 : i32 to index
      %get3A_878 = tpu.vector_load %arg4[%get3A_877] {strides = array<i32>} : memref<32768xf32, #tpu.memory_space<vmem>>, vector<16xf32>,
      %get3A_879 = vector.shape_cast %get3A_878 : vector<16xf32> to vector<16xf32>
      %lt3A_880 = arith.cmpf olt, %get3A_879, %broadcast_in_dim3A_775 : vector<16xf32>
      %select_n3A_881 = arith.select %lt3A_880, %broadcast_in_dim3A_777, %get3A_879 : vector<16xi1>, vector<16xf32>
      %add3A_882 = arith.constant 80 : i32
      %add3A_883 = arith.addi %mul3A_810, %add3A_882 : i32
      %swap3A_884 = arith.index_cast %add3A_883 : i32 to index
      %swap3A_885 = tpu.vector_load %arg4[%swap3A_884] {strides = array<i32>} : memref<32768xf32, #tpu.memory_space<vmem>>, vector<16xf32>,
      %swap3A_886 = vector.shape_cast %swap3A_885 : vector<16xf32> to vector<16xf32>
      %swap3A_887 = vector.shape_cast %select_n3A_881 : vector<16xf32> to vector<16xf32>
      tpu.vector_store %arg4[%swap3A_884], %swap3A_887 {strides = array<i32>} : memref<32768xf32, #tpu.memory_space<vmem>>, vector<16xf32>,
      %add3A_888 = arith.constant 96 : i32
      %add3A_889 = arith.addi %mul3A_810, %add3A_888 : i32
      %get3A_890 = arith.index_cast %add3A_889 : i32 to index
      %get3A_891 = tpu.vector_load %arg4[%get3A_890] {strides = array<i32>} : memref<32768xf32, #tpu.memory_space<vmem>>, vector<16xf32>,
      %get3A_892 = vector.shape_cast %get3A_891 : vector<16xf32> to vector<16xf32>
      %lt3A_893 = arith.cmpf olt, %get3A_892, %broadcast_in_dim3A_775 : vector<16xf32>
      %select_n3A_894 = arith.select %lt3A_893, %broadcast_in_dim3A_777, %get3A_892 : vector<16xi1>, vector<16xf32>
      %add3A_895 = arith.constant 96 : i32
      %add3A_896 = arith.addi %mul3A_810, %add3A_895 : i32
      %swap3A_897 = arith.index_cast %add3A_896 : i32 to index
      %swap3A_898 = tpu.vector_load %arg4[%swap3A_897] {strides = array<i32>} : memref<32768xf32, #tpu.memory_space<vmem>>, vector<16xf32>,
      %swap3A_899 = vector.shape_cast %swap3A_898 : vector<16xf32> to vector<16xf32>
      %swap3A_900 = vector.shape_cast %select_n3A_894 : vector<16xf32> to vector<16xf32>
      tpu.vector_store %arg4[%swap3A_897], %swap3A_900 {strides = array<i32>} : memref<32768xf32, #tpu.memory_space<vmem>>, vector<16xf32>,
      %add3A_901 = arith.constant 112 : i32
      %add3A_902 = arith.addi %mul3A_810, %add3A_901 : i32
      %get3A_903 = arith.index_cast %add3A_902 : i32 to index
      %get3A_904 = tpu.vector_load %arg4[%get3A_903] {strides = array<i32>} : memref<32768xf32, #tpu.memory_space<vmem>>, vector<16xf32>,
      %get3A_905 = vector.shape_cast %get3A_904 : vector<16xf32> to vector<16xf32>
      %lt3A_906 = arith.cmpf olt, %get3A_905, %broadcast_in_dim3A_775 : vector<16xf32>
      %select_n3A_907 = arith.select %lt3A_906, %broadcast_in_dim3A_777, %get3A_905 : vector<16xi1>, vector<16xf32>
      %add3A_908 = arith.constant 112 : i32
      %add3A_909 = arith.addi %mul3A_810, %add3A_908 : i32
      %swap3A_910 = arith.index_cast %add3A_909 : i32 to index
      %swap3A_911 = tpu.vector_load %arg4[%swap3A_910] {strides = array<i32>} : memref<32768xf32, #tpu.memory_space<vmem>>, vector<16xf32>,
      %swap3A_912 = vector.shape_cast %swap3A_911 : vector<16xf32> to vector<16xf32>
      %swap3A_913 = vector.shape_cast %select_n3A_907 : vector<16xf32> to vector<16xf32>
      tpu.vector_store %arg4[%swap3A_910], %swap3A_913 {strides = array<i32>} : memref<32768xf32, #tpu.memory_space<vmem>>, vector<16xf32>,
      %add3A_914 = arith.constant 128 : i32
      %add3A_915 = arith.addi %mul3A_810, %add3A_914 : i32
      %get3A_916 = arith.index_cast %add3A_915 : i32 to index
      %get3A_917 = tpu.vector_load %arg4[%get3A_916] {strides = array<i32>} : memref<32768xf32, #tpu.memory_space<vmem>>, vector<16xf32>,
      %get3A_918 = vector.shape_cast %get3A_917 : vector<16xf32> to vector<16xf32>
      %lt3A_919 = arith.cmpf olt, %get3A_918, %broadcast_in_dim3A_775 : vector<16xf32>
      %select_n3A_920 = arith.select %lt3A_919, %broadcast_in_dim3A_777, %get3A_918 : vector<16xi1>, vector<16xf32>
      %add3A_921 = arith.constant 128 : i32
      %add3A_922 = arith.addi %mul3A_810, %add3A_921 : i32
      %swap3A_923 = arith.index_cast %add3A_922 : i32 to index
      %swap3A_924 = tpu.vector_load %arg4[%swap3A_923] {strides = array<i32>} : memref<32768xf32, #tpu.memory_space<vmem>>, vector<16xf32>,
      %swap3A_925 = vector.shape_cast %swap3A_924 : vector<16xf32> to vector<16xf32>
      %swap3A_926 = vector.shape_cast %select_n3A_920 : vector<16xf32> to vector<16xf32>
      tpu.vector_store %arg4[%swap3A_923], %swap3A_926 {strides = array<i32>} : memref<32768xf32, #tpu.memory_space<vmem>>, vector<16xf32>,
      %add3A_927 = arith.constant 144 : i32
      %add3A_928 = arith.addi %mul3A_810, %add3A_927 : i32
      %get3A_929 = arith.index_cast %add3A_928 : i32 to index
      %get3A_930 = tpu.vector_load %arg4[%get3A_929] {strides = array<i32>} : memref<32768xf32, #tpu.memory_space<vmem>>, vector<16xf32>,
      %get3A_931 = vector.shape_cast %get3A_930 : vector<16xf32> to vector<16xf32>
      %lt3A_932 = arith.cmpf olt, %get3A_931, %broadcast_in_dim3A_775 : vector<16xf32>
      %select_n3A_933 = arith.select %lt3A_932, %broadcast_in_dim3A_777, %get3A_931 : vector<16xi1>, vector<16xf32>
      %add3A_934 = arith.constant 144 : i32
      %add3A_935 = arith.addi %mul3A_810, %add3A_934 : i32
      %swap3A_936 = arith.index_cast %add3A_935 : i32 to index
      %swap3A_937 = tpu.vector_load %arg4[%swap3A_936] {strides = array<i32>} : memref<32768xf32, #tpu.memory_space<vmem>>, vector<16xf32>,
      %swap3A_938 = vector.shape_cast %swap3A_937 : vector<16xf32> to vector<16xf32>
      %swap3A_939 = vector.shape_cast %select_n3A_933 : vector<16xf32> to vector<16xf32>
      tpu.vector_store %arg4[%swap3A_936], %swap3A_939 {strides = array<i32>} : memref<32768xf32, #tpu.memory_space<vmem>>, vector<16xf32>,
      %add3A_940 = arith.constant 160 : i32
      %add3A_941 = arith.addi %mul3A_810, %add3A_940 : i32
      %get3A_942 = arith.index_cast %add3A_941 : i32 to index
      %get3A_943 = tpu.vector_load %arg4[%get3A_942] {strides = array<i32>} : memref<32768xf32, #tpu.memory_space<vmem>>, vector<16xf32>,
      %get3A_944 = vector.shape_cast %get3A_943 : vector<16xf32> to vector<16xf32>
      %lt3A_945 = arith.cmpf olt, %get3A_944, %broadcast_in_dim3A_775 : vector<16xf32>
      %select_n3A_946 = arith.select %lt3A_945, %broadcast_in_dim3A_777, %get3A_944 : vector<16xi1>, vector<16xf32>
      %add3A_947 = arith.constant 160 : i32
      %add3A_948 = arith.addi %mul3A_810, %add3A_947 : i32
      %swap3A_949 = arith.index_cast %add3A_948 : i32 to index
      %swap3A_950 = tpu.vector_load %arg4[%swap3A_949] {strides = array<i32>} : memref<32768xf32, #tpu.memory_space<vmem>>, vector<16xf32>,
      %swap3A_951 = vector.shape_cast %swap3A_950 : vector<16xf32> to vector<16xf32>
      %swap3A_952 = vector.shape_cast %select_n3A_946 : vector<16xf32> to vector<16xf32>
      tpu.vector_store %arg4[%swap3A_949], %swap3A_952 {strides = array<i32>} : memref<32768xf32, #tpu.memory_space<vmem>>, vector<16xf32>,
      %add3A_953 = arith.constant 176 : i32
      %add3A_954 = arith.addi %mul3A_810, %add3A_953 : i32
      %get3A_955 = arith.index_cast %add3A_954 : i32 to index
      %get3A_956 = tpu.vector_load %arg4[%get3A_955] {strides = array<i32>} : memref<32768xf32, #tpu.memory_space<vmem>>, vector<16xf32>,
      %get3A_957 = vector.shape_cast %get3A_956 : vector<16xf32> to vector<16xf32>
      %lt3A_958 = arith.cmpf olt, %get3A_957, %broadcast_in_dim3A_775 : vector<16xf32>
      %select_n3A_959 = arith.select %lt3A_958, %broadcast_in_dim3A_777, %get3A_957 : vector<16xi1>, vector<16xf32>
      %add3A_960 = arith.constant 176 : i32
      %add3A_961 = arith.addi %mul3A_810, %add3A_960 : i32
      %swap3A_962 = arith.index_cast %add3A_961 : i32 to index
      %swap3A_963 = tpu.vector_load %arg4[%swap3A_962] {strides = array<i32>} : memref<32768xf32, #tpu.memory_space<vmem>>, vector<16xf32>,
      %swap3A_964 = vector.shape_cast %swap3A_963 : vector<16xf32> to vector<16xf32>
      %swap3A_965 = vector.shape_cast %select_n3A_959 : vector<16xf32> to vector<16xf32>
      tpu.vector_store %arg4[%swap3A_962], %swap3A_965 {strides = array<i32>} : memref<32768xf32, #tpu.memory_space<vmem>>, vector<16xf32>,
      %add3A_966 = arith.constant 192 : i32
      %add3A_967 = arith.addi %mul3A_810, %add3A_966 : i32
      %get3A_968 = arith.index_cast %add3A_967 : i32 to index
      %get3A_969 = tpu.vector_load %arg4[%get3A_968] {strides = array<i32>} : memref<32768xf32, #tpu.memory_space<vmem>>, vector<16xf32>,
      %get3A_970 = vector.shape_cast %get3A_969 : vector<16xf32> to vector<16xf32>
      %lt3A_971 = arith.cmpf olt, %get3A_970, %broadcast_in_dim3A_775 : vector<16xf32>
      %select_n3A_972 = arith.select %lt3A_971, %broadcast_in_dim3A_777, %get3A_970 : vector<16xi1>, vector<16xf32>
      %add3A_973 = arith.constant 192 : i32
      %add3A_974 = arith.addi %mul3A_810, %add3A_973 : i32
      %swap3A_975 = arith.index_cast %add3A_974 : i32 to index
      %swap3A_976 = tpu.vector_load %arg4[%swap3A_975] {strides = array<i32>} : memref<32768xf32, #tpu.memory_space<vmem>>, vector<16xf32>,
      %swap3A_977 = vector.shape_cast %swap3A_976 : vector<16xf32> to vector<16xf32>
      %swap3A_978 = vector.shape_cast %select_n3A_972 : vector<16xf32> to vector<16xf32>
      tpu.vector_store %arg4[%swap3A_975], %swap3A_978 {strides = array<i32>} : memref<32768xf32, #tpu.memory_space<vmem>>, vector<16xf32>,
      %add3A_979 = arith.constant 208 : i32
      %add3A_980 = arith.addi %mul3A_810, %add3A_979 : i32
      %get3A_981 = arith.index_cast %add3A_980 : i32 to index
      %get3A_982 = tpu.vector_load %arg4[%get3A_981] {strides = array<i32>} : memref<32768xf32, #tpu.memory_space<vmem>>, vector<16xf32>,
      %get3A_983 = vector.shape_cast %get3A_982 : vector<16xf32> to vector<16xf32>
      %lt3A_984 = arith.cmpf olt, %get3A_983, %broadcast_in_dim3A_775 : vector<16xf32>
      %select_n3A_985 = arith.select %lt3A_984, %broadcast_in_dim3A_777, %get3A_983 : vector<16xi1>, vector<16xf32>
      %add3A_986 = arith.constant 208 : i32
      %add3A_987 = arith.addi %mul3A_810, %add3A_986 : i32
      %swap3A_988 = arith.index_cast %add3A_987 : i32 to index
      %swap3A_989 = tpu.vector_load %arg4[%swap3A_988] {strides = array<i32>} : memref<32768xf32, #tpu.memory_space<vmem>>, vector<16xf32>,
      %swap3A_990 = vector.shape_cast %swap3A_989 : vector<16xf32> to vector<16xf32>
      %swap3A_991 = vector.shape_cast %select_n3A_985 : vector<16xf32> to vector<16xf32>
      tpu.vector_store %arg4[%swap3A_988], %swap3A_991 {strides = array<i32>} : memref<32768xf32, #tpu.memory_space<vmem>>, vector<16xf32>,
      %add3A_992 = arith.constant 224 : i32
      %add3A_993 = arith.addi %mul3A_810, %add3A_992 : i32
      %get3A_994 = arith.index_cast %add3A_993 : i32 to index
      %get3A_995 = tpu.vector_load %arg4[%get3A_994] {strides = array<i32>} : memref<32768xf32, #tpu.memory_space<vmem>>, vector<16xf32>,
      %get3A_996 = vector.shape_cast %get3A_995 : vector<16xf32> to vector<16xf32>
      %lt3A_997 = arith.cmpf olt, %get3A_996, %broadcast_in_dim3A_775 : vector<16xf32>
      %select_n3A_998 = arith.select %lt3A_997, %broadcast_in_dim3A_777, %get3A_996 : vector<16xi1>, vector<16xf32>
      %add3A_999 = arith.constant 224 : i32
      %add3A_1000 = arith.addi %mul3A_810, %add3A_999 : i32
      %swap3A_1001 = arith.index_cast %add3A_1000 : i32 to index
      %swap3A_1002 = tpu.vector_load %arg4[%swap3A_1001] {strides = array<i32>} : memref<32768xf32, #tpu.memory_space<vmem>>, vector<16xf32>,
      %swap3A_1003 = vector.shape_cast %swap3A_1002 : vector<16xf32> to vector<16xf32>
      %swap3A_1004 = vector.shape_cast %select_n3A_998 : vector<16xf32> to vector<16xf32>
      tpu.vector_store %arg4[%swap3A_1001], %swap3A_1004 {strides = array<i32>} : memref<32768xf32, #tpu.memory_space<vmem>>, vector<16xf32>,
      %add3A_1005 = arith.constant 240 : i32
      %add3A_1006 = arith.addi %mul3A_810, %add3A_1005 : i32
      %get3A_1007 = arith.index_cast %add3A_1006 : i32 to index
      %get3A_1008 = tpu.vector_load %arg4[%get3A_1007] {strides = array<i32>} : memref<32768xf32, #tpu.memory_space<vmem>>, vector<16xf32>,
      %get3A_1009 = vector.shape_cast %get3A_1008 : vector<16xf32> to vector<16xf32>
      %lt3A_1010 = arith.cmpf olt, %get3A_1009, %broadcast_in_dim3A_775 : vector<16xf32>
      %select_n3A_1011 = arith.select %lt3A_1010, %broadcast_in_dim3A_777, %get3A_1009 : vector<16xi1>, vector<16xf32>
      %add3A_1012 = arith.constant 240 : i32
      %add3A_1013 = arith.addi %mul3A_810, %add3A_1012 : i32
      %swap3A_1014 = arith.index_cast %add3A_1013 : i32 to index
      %swap3A_1015 = tpu.vector_load %arg4[%swap3A_1014] {strides = array<i32>} : memref<32768xf32, #tpu.memory_space<vmem>>, vector<16xf32>,
      %swap3A_1016 = vector.shape_cast %swap3A_1015 : vector<16xf32> to vector<16xf32>
      %swap3A_1017 = vector.shape_cast %select_n3A_1011 : vector<16xf32> to vector<16xf32>
      tpu.vector_store %arg4[%swap3A_1014], %swap3A_1017 {strides = array<i32>} : memref<32768xf32, #tpu.memory_space<vmem>>, vector<16xf32>,
    }
    %scan3A_783 = arith.constant 128 : i32
    %dma_start3A_784 = arith.constant 0 : i32
    %dma_start3A_785 = tpu.memref_slice %arg3[%add3A_16, %dma_start3A_784] : memref<128x32768xf32, #tpu.memory_space<hbm>> -> memref<1x32768xf32, #tpu.memory_space<hbm>>
    %dma_start3A_786 = tpu.memref_squeeze %dma_start3A_785 : memref<1x32768xf32, #tpu.memory_space<hbm>> -> memref<32768xf32, #tpu.memory_space<hbm>>
    %dma_start3A_787 = arith.constant 0 : i32
    %dma_start3A_788 = tpu.memref_slice %arg3[%add3A_16, %dma_start3A_787] : memref<128x32768xf32, #tpu.memory_space<hbm>> -> memref<1x32768xf32, #tpu.memory_space<hbm>>
    %dma_start3A_789 = tpu.memref_squeeze %dma_start3A_788 : memref<1x32768xf32, #tpu.memory_space<hbm>> -> memref<32768xf32, #tpu.memory_space<hbm>>
    tpu.enqueue_dma source(%arg4 : memref<32768xf32, #tpu.memory_space<vmem>>) target(%dma_start3A_789 : memref<32768xf32, #tpu.memory_space<hbm>>) target_semaphore(%arg8 : memref<!tpu.dma_semaphore, #tpu.memory_space<semaphore_mem>>)
    %dma_wait3A_790 = arith.constant 0 : i32
    %dma_wait3A_791 = tpu.memref_slice %arg3[%add3A_8, %dma_wait3A_790] : memref<128x32768xf32, #tpu.memory_space<hbm>> -> memref<1x32768xf32, #tpu.memory_space<hbm>>
    %dma_wait3A_792 = tpu.memref_squeeze %dma_wait3A_791 : memref<1x32768xf32, #tpu.memory_space<hbm>> -> memref<32768xf32, #tpu.memory_space<hbm>>
    %dma_wait3A_793 = arith.constant 0 : i32
    %dma_wait3A_794 = tpu.memref_slice %arg3[%add3A_8, %dma_wait3A_793] : memref<128x32768xf32, #tpu.memory_space<hbm>> -> memref<1x32768xf32, #tpu.memory_space<hbm>>
    %dma_wait3A_795 = tpu.memref_squeeze %dma_wait3A_794 : memref<1x32768xf32, #tpu.memory_space<hbm>> -> memref<32768xf32, #tpu.memory_space<hbm>>
    tpu.wait_dma2 semaphore(%arg9 : memref<!tpu.dma_semaphore, #tpu.memory_space<semaphore_mem>>) src(%arg5 : memref<32768xf32, #tpu.memory_space<vmem>>) dst(%dma_wait3A_795 : memref<32768xf32, #tpu.memory_space<hbm>>)
    %dma_wait3A_796 = arith.constant 0 : i32
    %dma_wait3A_797 = tpu.memref_slice %arg3[%add3A_12, %dma_wait3A_796] : memref<128x32768xf32, #tpu.memory_space<hbm>> -> memref<1x32768xf32, #tpu.memory_space<hbm>>
    %dma_wait3A_798 = tpu.memref_squeeze %dma_wait3A_797 : memref<1x32768xf32, #tpu.memory_space<hbm>> -> memref<32768xf32, #tpu.memory_space<hbm>>
    %dma_wait3A_799 = arith.constant 0 : i32
    %dma_wait3A_800 = tpu.memref_slice %arg3[%add3A_12, %dma_wait3A_799] : memref<128x32768xf32, #tpu.memory_space<hbm>> -> memref<1x32768xf32, #tpu.memory_space<hbm>>
    %dma_wait3A_801 = tpu.memref_squeeze %dma_wait3A_800 : memref<1x32768xf32, #tpu.memory_space<hbm>> -> memref<32768xf32, #tpu.memory_space<hbm>>
    tpu.wait_dma2 semaphore(%arg10 : memref<!tpu.dma_semaphore, #tpu.memory_space<semaphore_mem>>) src(%arg6 : memref<32768xf32, #tpu.memory_space<vmem>>) dst(%dma_wait3A_801 : memref<32768xf32, #tpu.memory_space<hbm>>)
    %dma_wait3A_802 = arith.constant 0 : i32
    %dma_wait3A_803 = tpu.memref_slice %arg3[%add3A_16, %dma_wait3A_802] : memref<128x32768xf32, #tpu.memory_space<hbm>> -> memref<1x32768xf32, #tpu.memory_space<hbm>>
    %dma_wait3A_804 = tpu.memref_squeeze %dma_wait3A_803 : memref<1x32768xf32, #tpu.memory_space<hbm>> -> memref<32768xf32, #tpu.memory_space<hbm>>
    %dma_wait3A_805 = arith.constant 0 : i32
    %dma_wait3A_806 = tpu.memref_slice %arg3[%add3A_16, %dma_wait3A_805] : memref<128x32768xf32, #tpu.memory_space<hbm>> -> memref<1x32768xf32, #tpu.memory_space<hbm>>
    %dma_wait3A_807 = tpu.memref_squeeze %dma_wait3A_806 : memref<1x32768xf32, #tpu.memory_space<hbm>> -> memref<32768xf32, #tpu.memory_space<hbm>>
    tpu.wait_dma2 semaphore(%arg8 : memref<!tpu.dma_semaphore, #tpu.memory_space<semaphore_mem>>) src(%arg4 : memref<32768xf32, #tpu.memory_space<vmem>>) dst(%dma_wait3A_807 : memref<32768xf32, #tpu.memory_space<hbm>>)
    return
  }
}

</mosaic_0001>

<sc_bundles>
// kernel: kernel.3.cloned.1.call-start
scs
__scs_entry_jumppad:
0x0: {  	(pc) =	sbr.rel $0x88, $3  }
0x1: {  	(tag) =	ssettag $0x0;
	lr =	simm.s32 $0x1  }
0x2: {  	[smem:$0x3FA0] =	sst lr;
	_ =	strace $0xD0000000  }
0x3: {  	_ = 	snop  }
0x4: {  	_ = 	snop  }
0x5: {  	_ = 	snop  }
0x6: {  	_ = 	snop  }
0x7: {  	_ = 	snop  }
__scs_overlays_trampoline_lowered:
0x8: {  	[smem:$0x3FAF] =	sst s0  }
0x9: {  	[smem:$0x3FB0] =	sst s1  }
0xa: {  	[smem:$0x3FB1] =	sst s2  }
0xb: {  	[smem:$0x3FB2] =	sst s3  }
0xc: {  	[smem:$0x3FB3] =	sst s4  }
0xd: {  	[smem:$0x3FB4] =	sst s5  }
0xe: {  	[smem:$0x3FB5] =	sst s6  }
0xf: {  	[smem:$0x3FB6] =	sst s7  }
0x10: {  	[smem:$0x3FB7] =	sst s8  }
0x11: {  	[smem:$0x3FB8] =	sst s9;
	s0 =	simm.s32 @!p0 $0x0  }
0x12: {  	s1 =	sld [smem:$0x3F9E];
	s0 =	simm.s32 @p0 $0x1  }
0x13: {  	[smem:$0x3FB9] =	sst s0;
	s0 =	simm.s32 @!p1 $0x0  }
0x14: {  	s2 =	sld [smem:$0x3F9D];
	s0 =	simm.s32 @p1 $0x1  }
0x15: {  	[smem:$0x3FBA] =	sst s0;
	s0 =	simm.s32 @!p2 $0x0  }
0x16: {  	s3 =	sld [smem:$0x3FDB];
	s0 =	simm.s32 @p2 $0x1  }
0x17: {  	s4 =	simm.s32 $0x1BF5;
	[smem:$0x3FBC] =	sst s0  }
0x18: {  	s0 =	sld [smem:$0x3F9F];
	_ =	swait.ge [sflag:s4], $0x0  }
0x19: {  	s7 =	sld [smem:$0x3FA0]  }
0x1a: {  	s8 =	sadd.s32 $0xFFFFE003, lr  }
0x1b: {  	s9 =	sadd.s32 $0xFFFFFEF7, lr;
	s5 =	simm.s32 $0xFFFFFFFF;
	p2 =	slt.u32 s8, $0xFFFFF086  }
0x1c: {  	p1 =	slt.u32 s9, $0xF7A;
	s5 =	simm.s32 @!p2 $0x0  }
0x1d: {  	s5 =	simm.s32 @p1 $0x1;
	p0 =	seq.s32 s7, s2  }
0x1e: {  	s7 =	smul.u32 @!p0 $0xF7A, s2;
	p2 =	seq.s32 @!p0 s5, $0x0  }
0x1f: {  	s9 =	smul.u32 $0xF7A, s1;
	s8 =	simm.s32 @!p0 $0x1BF5;
	p2 =	por !p2, p0  }
0x20: {  	[sflag:s8] =	ssyncset.s32 @!p0 $0xFFFFF086;
	s6 =	sadd.s32 @!p0 s3, s7;
	s7 =	simm.s32 @!p0 $0x108  }
0x21: {  	s3 =	sadd.s32 s3, s9;
	s6 =	sadd.s32 @!p0 $0x88, s6;
	s7 =	simm.s32 @p2 $0x1082  }
0x22: {  	[simem:s7], [sflag:s8] =	dma.local @!p0 [hbm:s6], $0xF7A  }
0x23: {  	s9 =	sor.u32 $0xD0000000, s2;
	s6 =	simm.s32 $0x108;
	_ =	swait.ge @!p0 [sflag:s8], $0x0  }
0x24: {  	s3 =	sadd.s32 $0x88, s3;
	s6 =	simm.s32 @!p1 $0x1082;
	[sflag:s4] =	ssyncset.s32 $0xFFFFF086  }
0x25: {  	[simem:s6], [sflag:s4] =	dma.local [hbm:s3], $0xF7A  }
0x26: {  	[smem:$0x3FA0] =	sst s1;
	(tag) =	ssettag s2;
	_ =	strace s9  }
0x27: {  	s1 =	sld [smem:$0x3FB0]  }
0x28: {  	s2 =	sld [smem:$0x3FB1]  }
0x29: {  	s4 =	sld [smem:$0x3FB3]  }
0x2a: {  	p0 =	seq.s32 s5, $0x0;
	s5 =	sld [smem:$0x3FB4]  }
0x2b: {  	s6 =	sld [smem:$0x3FB5]  }
0x2c: {  	s7 =	sld [smem:$0x3FB6]  }
0x2d: {  	s3 =	simm.s32 $0x108;
	s8 =	sld [smem:$0x3FB7]  }
0x2e: {  	s3 =	simm.s32 @!p0 $0x1082;
	s9 =	sld [smem:$0x3FB8]  }
0x2f: {  	lr =	sadd.s32 s0, s3;
	s0 =	sld [smem:$0x3FAF]  }
0x30: {  	s3 =	sld [smem:$0x3FB2]  }
0x31: {  	[smem:$0x3FBB] =	sst s10  }
0x32: {  	s10 =	sld [smem:$0x3FB9];
	_ =	sdelay $0x3  }
0x33: {  	p0 =	seq.s32 s10, $0x1;
	s10 =	sld [smem:$0x3FBB];
	_ =	sdelay $0x3  }
0x34: {  	[smem:$0x3FBB] =	sst s10  }
0x35: {  	s10 =	sld [smem:$0x3FBA];
	_ =	sdelay $0x3  }
0x36: {  	p1 =	seq.s32 s10, $0x1;
	s10 =	sld [smem:$0x3FBB];
	_ =	sdelay $0x3  }
0x37: {  	[smem:$0x3FBB] =	sst s10  }
0x38: {  	s10 =	sld [smem:$0x3FBC]  }
0x39: {  	_ = 	snop;
	(pc) =	sbr.ind lr, $3  }
0x3a: {  	_ = 	snop  }
0x3b: {  	_ = 	snop  }
0x3c: {  	p2 =	seq.s32 s10, $0x1;
	s10 =	sld [smem:$0x3FBB]  }
0x3d: {  	_ =	shalt  }
0x3e: {  	_ =	shalt  }
0x3f: {  	_ =	shalt  }
0x40: {  	_ =	shalt  }
0x41: {  	_ =	shalt  }
0x42: {  	_ =	shalt  }
0x43: {  	_ =	shalt  }
0x44: {  	_ =	shalt  }
0x45: {  	_ =	shalt  }
0x46: {  	_ =	shalt  }
0x47: {  	_ =	shalt  }
0x48: {  	_ =	shalt  }
0x49: {  	_ =	shalt  }
0x4a: {  	_ =	shalt  }
0x4b: {  	_ =	shalt  }
0x4c: {  	_ =	shalt  }
0x4d: {  	_ =	shalt  }
0x4e: {  	_ =	shalt  }
0x4f: {  	_ =	shalt  }
0x50: {  	_ =	shalt  }
0x51: {  	_ =	shalt  }
0x52: {  	_ =	shalt  }
0x53: {  	_ =	shalt  }
0x54: {  	_ =	shalt  }
0x55: {  	_ =	shalt  }
0x56: {  	_ =	shalt  }
0x57: {  	_ =	shalt  }
0x58: {  	_ =	shalt  }
0x59: {  	_ =	shalt  }
0x5a: {  	_ =	shalt  }
0x5b: {  	_ =	shalt  }
0x5c: {  	_ =	shalt  }
0x5d: {  	_ =	shalt  }
0x5e: {  	_ =	shalt  }
0x5f: {  	_ =	shalt  }
0x60: {  	_ =	shalt  }
0x61: {  	_ =	shalt  }
0x62: {  	_ =	shalt  }
0x63: {  	_ =	shalt  }
0x64: {  	_ =	shalt  }
0x65: {  	_ =	shalt  }
0x66: {  	_ =	shalt  }
0x67: {  	_ =	shalt  }
0x68: {  	_ =	shalt  }
0x69: {  	_ =	shalt  }
0x6a: {  	_ =	shalt  }
0x6b: {  	_ =	shalt  }
0x6c: {  	_ =	shalt  }
0x6d: {  	_ =	shalt  }
0x6e: {  	_ =	shalt  }
0x6f: {  	_ =	shalt  }
0x70: {  	_ =	shalt  }
0x71: {  	_ =	shalt  }
0x72: {  	_ =	shalt  }
0x73: {  	_ =	shalt  }
0x74: {  	_ =	shalt  }
0x75: {  	_ =	shalt  }
0x76: {  	_ =	shalt  }
0x77: {  	_ =	shalt  }
0x78: {  	_ =	shalt  }
0x79: {  	_ =	shalt  }
0x7a: {  	_ =	shalt  }
0x7b: {  	_ =	shalt  }
0x7c: {  	_ =	shalt  }
0x7d: {  	_ =	shalt  }
0x7e: {  	_ =	shalt  }
0x7f: {  	_ =	shalt  }
0x80: {  	_ =	shalt  }
0x81: {  	_ =	shalt  }
0x82: {  	_ =	shalt  }
0x83: {  	_ =	shalt  }
0x84: {  	_ =	shalt  }
0x85: {  	_ =	shalt  }
0x86: {  	_ =	shalt  }
0x87: {  	_ =	shalt  }
.Lfunc_end0:
.L_simem_size_0:
called_computation_lowered:
.L_overlay_start_0:
0x88: {  	s2 =	sld [smem:$0x3FD9]  }
0x89: {  	s3 =	sld [smem:$0x3FFE];
	_ =	sdelay $0x1  }
0x8a: {  	s1 =	srdreg.scid  }
0x8b: {  	s0 =	sand.u32 $0x1, s1  }
0x8c: {  	s18 =	sshll.u32 s0, $0xA;
	s2 =	sadd.s32 s3, s2  }
0x8d: {  	s2 =	sadd.s32 s2, s18  }
0x8e: {  	[smem:$0x3FC7] =	sst s2  }
0x8f: {  	_ = 	snop  }
0x90: {  	s2 =	sld [smem:$0x3FC9]  }
0x91: {  	s19 =	sld [smem:$0x3FD0];
	(tm) =	ssettm $0x1  }
0x92: {  	s4 =	sld [smem:$0x3FFB];
	_ =	sdelay $0x3  }
0x93: {  	_ =	strace s4  }
0x94: {  	s4 =	sld [smem:$0x3FFC];
	_ =	sdelay $0x3  }
0x95: {  	_ =	strace s4  }
0x96: {  	s4 =	sld [smem:$0x3FFD];
	_ =	sdelay $0x3  }
0x97: {  	_ =	strace s4  }
0x98: {  	_ =	strace $0x8FFFFFFF  }
0x99: {  	s20 =	sld [smem:$0x3FDB];
	_ =	sdelay $0x1  }
0x9a: {  	s5 =	simm.s32 $_scs_section_size  }
0x9b: {  	s6 =	simm.s32 $_size__tile_overlayer_lowered;
	s7 =	simm.s32 $_tile_overlayer_lowered  }
0x9c: {  	s23 =	simm.s32 $0x1BFF;
	s22 =	sshll.u32 s7, $0x1;
	s4 =	sadd.s32 s5, s20  }
0x9d: {  	s8 =	simm.s32 $0x0;
	s21 =	sshll.u32 s6, $0x1;
	s6 =	sadd.s32 s22, s4  }
0x9e: {  	[timem:s8], [sflag:s23] =	dma.local [hbm:s6], s21  }
0x9f: {  	_ =	swait.ge [sflag:s23], s21  }
0xa0: {  	s5 =	ssub.s32 $0x0, s21;
	[sflag:s23] =	ssyncset.done $0x0  }
0xa1: {  	[sflag:s23] =	ssyncadd.s32 s5;
	_ =	sdelay $0x1  }
0xa2: {  	s24 =	simm.s32 $0x1B8B  }
0xa3: {  	_ =	swait.ge [sflag:s24], $0x1  }
0xa4: {  	[sflag:s24] =	ssyncset.done $0x0  }
0xa5: {  	s25 =	simm.s32 $0x1B8E;
	[sflag:s24] =	ssyncadd.s32 $0xFFFFFFFF  }
0xa6: {  	s26 =	simm.s32 $execute0_lowered;
	[smem:$0x3FD2] =	sst s25  }
0xa7: {  	s5 =	sshll.u32 s26, $0x1;
	_ =	strace $0x80000046;
	[dreg:$0x1] =	wrdreg $0xFFFFFFFF  }
0xa8: {  	s28 =	simm.s32 $_size_execute0_lowered;
	s4 =	sadd.s32 s4, s5;
	[dreg:$0x0] =	wrdreg $0x0  }
0xa9: {  	s5 =	sshll.u32 s28, $0x1;
	[dreg:$0x2] =	wrdreg s4  }
0xaa: {  	[dreg:$0x3] =	wrdreg s5  }
0xab: {  	[dreg:$0x4] =	wrdreg $0xC0  }
0xac: {  	_ =	task [dreg:s8], $0x5FFFF  }
0xad: {  	[dreg:$0x1] =	wrdreg $0xFFFFFFFF  }
0xae: {  	[dreg:$0x0] =	wrdreg $0x60  }
0xaf: {  	[dreg:$0x2] =	wrdreg s2  }
0xb0: {  	[dreg:$0x3] =	wrdreg s19  }
0xb1: {  	[dreg:$0x4] =	wrdreg $0x9  }
0xb2: {  	_ =	task.clear_ibuf [dreg:s8], $0x5FFFF;
	_ =	strace $0x90000046  }
0xb3: {  	s29 =	simm.s32 $0x9;
	_ =	strace $0x80000048  }
0xb4: {  	_ =	swait.ge [sflag:s29], $0x1  }
0xb5: {  	[sflag:s29] =	ssyncadd.s32 $0xFFFFFFFF  }
0xb6: {  	_ =	strace $0x90000048  }
0xb7: {  	_ =	sfence  }
0xb8: {  	s30 =	sld [smem:$0x0];
	_ =	sdelay $0x2  }
0xb9: {  	s31 =	sshll.u32 s1, $0xD;
	s1 =	sshrl.u32 s1, $0x2  }
0xba: {  	s3 =	sand.u32 $0x4000, s31;
	s1 =	sadd.s32 s1, s30  }
0xbb: {  	s0 =	sor.u32 s3, s0;
	s1 =	sshll.u32 s1, $0x11  }
0xbc: {  	s0 =	sor.u32 s1, s0  }
0xbd: {  	s0 =	sadd.s32 $0x8F2B, s0  }
0xbe: {  	[sflag:s0] =	ssyncadd.remote.s32 $0x1  }
0xbf: {  	_ =	sfence.sel $0xFFFF  }
0xc0: {  	[dreg:$0x0] =	wrdreg $0xFFFFFFFF;
	(pc) =	sbr.abs _section_cstart, $3  }
0xc1: {  	[dreg:$0x1] =	wrdreg $0xFFFFFFFF  }
0xc2: {  	_ =	task.clear_ibuf [dreg:s8], $0x2FFFF;
	_ =	strace $0x9FFFFFFF  }
0xc3: {  	(tm) =	ssettm $0x7FFFFFFF  }
tec
execute0_lowered:
.L_overlay_start_1:
0x0: {  	(tag) =	ssettag $0x1  }
0x1: {  	s8 =	rddreg [dreg:$0x0]  }
0x2: {  	s10 =	rddreg [dreg:$0x1];
	s1 =	srdreg.scid  }
0x3: {  	s2 =	simm.s32 $0x0;
	s0 =	stileid.u32;
	s13 =	simm.s32 $0x400  }
0x4: {  	s14 =	simm.s32 $0x8000;
	s16 =	simm.s32 $0x1;
	s17 =	simm.f32 $2.147483650e+09  }
0x5: {  	s18 =	simm.s32 $0x2;
	s19 =	simm.s32 $0x3;
	s3 =	sand.u32 $0x1, s1  }
0x6: {  	s20 =	simm.s32 $0x0;
	[smem:$0x7FF] =	sst s2;
	s4 =	ssub.s32 $0x2, s3  }
0x7: {  	s6 =	sshll.u32 s0, $0xF;
	s3 =	sshll.u32 s3, $0x6;
	s5 =	sshrl.u32 s4, $0x1  }
0x8: {  	_ =	strace $0x80000047;
	s6 =	sor.u32 s3, s6;
	s11 =	ssub.s32 s4, s5  }
0x9: {  	s26 =	sadd.s32 s8, s6;
	s7 =	sor.u32 $0x10, s6;
	s9 =	sor.u32 $0x20, s6  }
0xa: {  	s12 =	sor.u32 $0x30, s6;
	s30 =	sadd.s32 s10, s6;
	[dreg:$0x3] =	wrdreg s26  }
0xb: {  	s28 =	sadd.s32 s8, s7;
	s29 =	sadd.s32 s8, s9;
	[dreg:$0x6] =	wrdreg s30  }
0xc: {  	s31 =	sadd.s32 s10, s7;
	s8 =	sadd.s32 s8, s12;
	[dreg:$0x4] =	wrdreg s28  }
0xd: {  	s9 =	sadd.s32 s10, s9;
	s10 =	sadd.s32 s10, s12;
	[dreg:$0x5] =	wrdreg s29  }
0xe: {  	v0 =	vimm.s32 $0x0;
	s11 =	smax.u32 s11, $0x1;
	s12 =	simm.s32 $0x80;
	[dreg:$0x7] =	wrdreg s31  }
.LBB2_1:
0xf: {  	s0 =	rddreg [dreg:$0x3]  }
0x10: {  	[tilespmem:s2], [sflag:$0x1] =	stream.strided.gather [hbm4b:s0+s12], $0x8000, s13, s12, $0x38;
	[tilespmem:$0x18000] =	vst v63  }
0x11: {  	s30 =	rddreg [dreg:$0x4]  }
0x12: {  	[tilespmem:s14], [sflag:$0x2] =	stream.strided.gather [hbm4b:s30+s12], $0x8000, s13, s12, $0x38;
	[tilespmem:$0x18000] =	vst v63  }
0x13: {  	s31 =	rddreg [dreg:$0x5];
	s1 =	simm.s32 $0x10000  }
0x14: {  	[tilespmem:s1], [sflag:$0x3] =	stream.strided.gather [hbm4b:s31+s12], $0x8000, s13, s12, $0x38;
	[tilespmem:$0x18000] =	vst v63  }
0x15: {  	_ =	swait.ge [sflag:s16], $0x8000  }
0x16: {  	[sflag:s16] =	ssyncset.done $0x0  }
0x17: {  	s22 =	simm.s32 $0x20;
	[sflag:s16] =	ssyncadd.s32 $0xFFFF8000  }
0x18: {  	v2 =	vld [tilespmem:s22+$0xFFFFFFE0];
	_ =	sdelay $0x1  }
0x19: {  	v3 =	vld [tilespmem:s22+$0xFFFFFFF0];
	_ =	sdelay $0x1  }
0x1a: {  	v1 =	vld [tilespmem:s22+$0x0]  }
0x1b: {  	v4 =	vimm.f32 $0.0e+00;
	v5 =	vand.u32 $0x7FFFFFFF, v2  }
0x1c: {  	v6 =	vadd.f32 v2, v4;
	v2 =	vld [tilespmem:s22+$0x10];
	v4 =	vadd.f32 v5, v4  }
0x1d: {  	s21 =	simm.s32 $0x0;
	s22 =	simm.s32 $0x60;
	v5 =	vand.u32 $0x7FFFFFFF, v3  }
.LBB2_2:
0x1e: {  	v7 =	vld [tilespmem:s22+$0xFFFFFFE0];
	s21 =	sadd.s32 $0x4, s21;
	v6 =	vadd.f32 v3, v6;
	v4 =	vadd.f32 v5, v4  }
0x1f: {  	p0 =	slt.u32 s21, $0x1FC;
	v5 =	vand.u32 $0x7FFFFFFF, v1  }
0x20: {  	v3 =	vld [tilespmem:s22+$0xFFFFFFF0];
	v6 =	vadd.f32 v1, v6;
	v4 =	vadd.f32 v5, v4  }
.Ltmp0:
0x21: {  	v5 =	vand.u32 $0x7FFFFFFF, v2;
	(pc) =	sbr.rel @p0 .LBB2_2-.Ltmp0, $4  }
0x22: {  	v1 =	vld [tilespmem:s22+$0x0];
	v2 =	vadd.f32 v2, v6;
	v4 =	vadd.f32 v5, v4  }
0x23: {  	v5 =	vand.u32 $0x7FFFFFFF, v7  }
0x24: {  	v6 =	vadd.f32 v7, v2;
	v4 =	vadd.f32 v5, v4;
	v2 =	vld [tilespmem:s22+$0x10]  }
0x25: {  	s22 =	sadd.s32 $0x40, s22;
	v5 =	vand.u32 $0x7FFFFFFF, v3  }
0x26: {  	v3 =	vadd.f32 v3, v6;
	_ =	sdelay $0x1  }
0x27: {  	v3 =	vadd.f32 v1, v3;
	_ =	sdelay $0x1  }
0x28: {  	v3 =	vadd.f32 v2, v3;
	_ =	sdelay $0x1  }
0x29: {  	(v2sf) =	vpush v3, $0x0  }
0x2a: {  	(v2sf) =	vpush v3, $0x1  }
0x2b: {  	(v2sf) =	vpush v3, $0x2  }
0x2c: {  	(v2sf) =	vpush v3, $0x3  }
0x2d: {  	(v2sf) =	vpush v3, $0x4  }
0x2e: {  	(v2sf) =	vpush v3, $0x5  }
0x2f: {  	(v2sf) =	vpush v3, $0x6  }
0x30: {  	(v2sf) =	vpush v3, $0x7  }
0x31: {  	(v2sf) =	vpush v3, $0x8  }
0x32: {  	(v2sf) =	vpush v3, $0x9  }
0x33: {  	v4 =	vadd.f32 v5, v4;
	(v2sf) =	vpush v3, $0xA  }
0x34: {  	v1 =	vand.u32 $0x7FFFFFFF, v1;
	(v2sf) =	vpush v3, $0xB  }
0x35: {  	v1 =	vadd.f32 v1, v4;
	(v2sf) =	vpush v3, $0xC  }
0x36: {  	v2 =	vand.u32 $0x7FFFFFFF, v2;
	(v2sf) =	vpush v3, $0xD  }
0x37: {  	v1 =	vadd.f32 v2, v1;
	(v2sf) =	vpush v3, $0xE  }
0x38: {  	s21 =	spop (v2sf);
	(v2sf) =	vpush v3, $0xF  }
0x39: {  	s22 =	spop (v2sf);
	(v2sf) =	vpush v1, $0x0  }
0x3a: {  	s23 =	spop (v2sf);
	(v2sf) =	vpush v1, $0x1  }
0x3b: {  	s24 =	spop (v2sf)  }
0x3c: {  	(v2sf) =	vpush v1, $0x2;
	s25 =	spop (v2sf)  }
0x3d: {  	s26 =	spop (v2sf)  }
0x3e: {  	(v2sf) =	vpush v1, $0x3;
	s28 =	spop (v2sf)  }
0x3f: {  	s29 =	spop (v2sf)  }
0x40: {  	(v2sf) =	vpush v1, $0x4;
	s30 =	spop (v2sf)  }
0x41: {  	s31 =	spop (v2sf)  }
0x42: {  	(v2sf) =	vpush v1, $0x5;
	s0 =	spop (v2sf)  }
0x43: {  	s1 =	spop (v2sf)  }
0x44: {  	(v2sf) =	vpush v1, $0x6;
	s15 =	spop (v2sf)  }
0x45: {  	s3 =	spop (v2sf)  }
0x46: {  	(v2sf) =	vpush v1, $0x7;
	s4 =	spop (v2sf)  }
0x47: {  	s5 =	spop (v2sf)  }
0x48: {  	(v2sf) =	vpush v1, $0x8;
	s6 =	spop (v2sf)  }
0x49: {  	s7 =	spop (v2sf)  }
0x4a: {  	(v2sf) =	vpush v1, $0x9;
	s6 =	sadd.f32 s7, s6  }
0x4b: {  	s7 =	spop (v2sf)  }
0x4c: {  	(v2sf) =	vpush v1, $0xA;
	s6 =	sadd.f32 s6, s7  }
0x4d: {  	s7 =	sadd.f32 s22, s21;
	s22 =	spop (v2sf)  }
0x4e: {  	(v2sf) =	vpush v1, $0xB;
	s6 =	sadd.f32 s6, s22  }
0x4f: {  	s7 =	sadd.f32 s7, s23;
	s23 =	spop (v2sf)  }
0x50: {  	(v2sf) =	vpush v1, $0xC;
	s6 =	sadd.f32 s6, s23  }
0x51: {  	s7 =	sadd.f32 s7, s24;
	s24 =	spop (v2sf)  }
0x52: {  	(v2sf) =	vpush v1, $0xD;
	s6 =	sadd.f32 s6, s24  }
0x53: {  	s7 =	sadd.f32 s7, s25;
	s25 =	spop (v2sf)  }
0x54: {  	(v2sf) =	vpush v1, $0xE;
	s6 =	sadd.f32 s6, s25  }
0x55: {  	s7 =	sadd.f32 s7, s26;
	s26 =	spop (v2sf)  }
0x56: {  	(v2sf) =	vpush v1, $0xF;
	s6 =	sadd.f32 s6, s26  }
0x57: {  	s7 =	sadd.f32 s7, s28;
	s28 =	spop (v2sf)  }
0x58: {  	s6 =	sadd.f32 s6, s28  }
0x59: {  	s22 =	spop (v2sf);
	s7 =	sadd.f32 s7, s29  }
0x5a: {  	s6 =	sadd.f32 s6, s22  }
0x5b: {  	s23 =	spop (v2sf);
	s7 =	sadd.f32 s7, s30  }
0x5c: {  	s6 =	sadd.f32 s6, s23  }
0x5d: {  	s24 =	spop (v2sf);
	s7 =	sadd.f32 s7, s31  }
0x5e: {  	s6 =	sadd.f32 s6, s24  }
0x5f: {  	s25 =	spop (v2sf);
	s0 =	sadd.f32 s7, s0  }
0x60: {  	s6 =	sadd.f32 s6, s25  }
0x61: {  	s26 =	spop (v2sf);
	s0 =	sadd.f32 s0, s1  }
0x62: {  	s1 =	sadd.f32 s6, s26  }
0x63: {  	s28 =	spop (v2sf);
	s0 =	sadd.f32 s0, s15  }
0x64: {  	s1 =	sadd.f32 s1, s28  }
0x65: {  	s29 =	spop (v2sf);
	s0 =	sadd.f32 s0, s3  }
0x66: {  	s1 =	sadd.f32 s1, s29  }
0x67: {  	s0 =	sadd.f32 s0, s4  }
0x68: {  	s1 =	smul.f32 $1.220703130e-04, s1  }
0x69: {  	s0 =	sadd.f32 s0, s5  }
0x6a: {  	s1 =	smul.f32 $1.253314140e+00, s1  }
0x6b: {  	s0 =	smul.f32 $1.220703130e-04, s0  }
0x6c: {  	s30 =	smul.f32 $-2.417700050e+00, s1;
	_ =	sdelay $0x1  }
0x6d: {  	s22 =	simm.s32 $0x0;
	s0 =	sadd.f32 s30, s0  }
.Ltmp1:
0x6e: {  	[smem:$0x1] =	sst s22;
	s24 =	simm.s32 $0xFF800000;
	(pc) =	sbr.rel .LBB2_4-.Ltmp1, $4  }
0x6f: {  	[smem:$0x2] =	sst s24;
	s21 =	smul.f32 $1.471000030e-03, s1;
	s31 =	smin.u32 s0, $0xFFFFFFFE  }
0x70: {  	p0 =	slt.s32 s0, $0x0;
	s0 =	sor.u32 $0x80000000, s0;
	s1 =	sxor.u32 $0xFFFFFFFF, s31  }
0x71: {  	[smem:$0x3] =	sst s22;
	s0 =	smov.u32 @p0 s1  }
0x72: {  	s25 =	simm.s32 $0x0;
	[smem:$0x4] =	sst s14;
	s23 =	smin.u32 s0, $0xFF7FFFFF  }
.LBB2_8:
0x73: {  	s22 =	sadd.s32 $0x1, s22  }
0x74: {  	p0 =	sne.s32 s22, $0x28  }
.Ltmp2:
0x75: {  	_ = 	snop;
	(pc) =	sbr.rel @!p0 .LBB2_9-.Ltmp2, $1  }
0x76: {  	_ =	sdelay $0x3  }
.LBB2_4:
0x77: {  	p0 =	sne.s32 s25, $0x0  }
.Ltmp3:
0x78: {  	_ = 	snop;
	(pc) =	sbr.rel @p0 .LBB2_8-.Ltmp3, $2  }
0x79: {  	_ =	sdelay $0x2  }
0x7a: {  	s25 =	simm.s32 $0x1  }
0x7b: {  	s28 =	simm.s32 $0x0  }
0x7c: {  	v2 =	vld [tilespmem:s28+$0x0]  }
0x7d: {  	p0 =	sgt.s32 s23, $0xFFFFFFFF;
	s0 =	simm.s32 $0xFFFFFFFF;
	v3 =	vld [tilespmem:s28+$0x10]  }
0x7e: {  	s0 =	simm.s32 @!p0 $0x80000000;
	v4 =	vld [tilespmem:s28+$0x20]  }
0x7f: {  	v5 =	vld [tilespmem:s28+$0x30];
	s24 =	sxor.u32 s23, s0  }
0x80: {  	v6 =	vld [tilespmem:s28+$0x40];
	v1 =	vmov s24  }
0x81: {  	vm0 =	vlt.f32 v2, v1;
	v2 =	vld [tilespmem:s28+$0x50]  }
0x82: {  	v7 =	vimm.s32 $0x0;
	v8 =	vsel vm0, $0x1, v0;
	vm0 =	vlt.f32 v3, v1;
	v3 =	vld [tilespmem:s28+$0x60]  }
0x83: {  	v9 =	vsel vm0, $0x1, v0;
	vm0 =	vlt.f32 v4, v1;
	v4 =	vld [tilespmem:s28+$0x70];
	v7 =	vadd.s32 v8, v7  }
0x84: {  	v8 =	vsel vm0, $0x1, v0;
	vm0 =	vlt.f32 v5, v1;
	v5 =	vld [tilespmem:s28+$0x80];
	v7 =	vadd.s32 v9, v7  }
0x85: {  	v9 =	vsel vm0, $0x1, v0;
	vm0 =	vlt.f32 v6, v1;
	v6 =	vld [tilespmem:s28+$0x90];
	v7 =	vadd.s32 v8, v7  }
0x86: {  	v8 =	vsel vm0, $0x1, v0;
	vm0 =	vlt.f32 v2, v1;
	v2 =	vld [tilespmem:s28+$0xA0];
	v7 =	vadd.s32 v9, v7  }
0x87: {  	v9 =	vsel vm0, $0x1, v0;
	vm0 =	vlt.f32 v3, v1;
	v3 =	vld [tilespmem:s28+$0xB0];
	v7 =	vadd.s32 v8, v7  }
0x88: {  	v8 =	vsel vm0, $0x1, v0;
	vm0 =	vlt.f32 v4, v1;
	v4 =	vld [tilespmem:s28+$0xC0];
	v7 =	vadd.s32 v9, v7  }
0x89: {  	v9 =	vsel vm0, $0x1, v0;
	vm0 =	vlt.f32 v5, v1;
	v5 =	vld [tilespmem:s28+$0xD0];
	v7 =	vadd.s32 v8, v7  }
0x8a: {  	v8 =	vsel vm0, $0x1, v0;
	vm0 =	vlt.f32 v6, v1;
	v6 =	vld [tilespmem:s28+$0xE0];
	v7 =	vadd.s32 v9, v7  }
0x8b: {  	v9 =	vsel vm0, $0x1, v0;
	vm0 =	vlt.f32 v2, v1;
	v2 =	vld [tilespmem:s28+$0xF0];
	v7 =	vadd.s32 v8, v7  }
0x8c: {  	v8 =	vsel vm0, $0x1, v0;
	vm0 =	vlt.f32 v3, v1;
	v3 =	vld [tilespmem:s28+$0x100];
	v7 =	vadd.s32 v9, v7  }
0x8d: {  	v9 =	vsel vm0, $0x1, v0;
	vm0 =	vlt.f32 v4, v1;
	v4 =	vld [tilespmem:s28+$0x110];
	v7 =	vadd.s32 v8, v7  }
0x8e: {  	v8 =	vsel vm0, $0x1, v0;
	vm0 =	vlt.f32 v5, v1;
	v5 =	vld [tilespmem:s28+$0x120];
	v7 =	vadd.s32 v9, v7  }
0x8f: {  	v9 =	vsel vm0, $0x1, v0;
	vm0 =	vlt.f32 v6, v1;
	v6 =	vld [tilespmem:s28+$0x130];
	v7 =	vadd.s32 v8, v7  }
0x90: {  	v8 =	vsel vm0, $0x1, v0;
	vm0 =	vlt.f32 v2, v1;
	v2 =	vld [tilespmem:s28+$0x140];
	v7 =	vadd.s32 v9, v7  }
0x91: {  	v9 =	vsel vm0, $0x1, v0;
	vm0 =	vlt.f32 v3, v1;
	v3 =	vld [tilespmem:s28+$0x150];
	v7 =	vadd.s32 v8, v7  }
0x92: {  	v8 =	vsel vm0, $0x1, v0;
	vm0 =	vlt.f32 v4, v1;
	v4 =	vld [tilespmem:s28+$0x160];
	v7 =	vadd.s32 v9, v7  }
0x93: {  	v9 =	vsel vm0, $0x1, v0;
	vm0 =	vlt.f32 v5, v1;
	v5 =	vld [tilespmem:s28+$0x170];
	v7 =	vadd.s32 v8, v7  }
0x94: {  	v8 =	vsel vm0, $0x1, v0;
	vm0 =	vlt.f32 v6, v1;
	v6 =	vld [tilespmem:s28+$0x180];
	v7 =	vadd.s32 v9, v7  }
0x95: {  	v10 =	vld [tilespmem:s28+$0x190];
	v9 =	vsel vm0, $0x1, v0;
	vm0 =	vlt.f32 v2, v1;
	v2 =	vadd.s32 v8, v7  }
0x96: {  	v8 =	vld [tilespmem:s28+$0x1A0];
	v7 =	vsel vm0, $0x1, v0;
	vm0 =	vlt.f32 v3, v1;
	v3 =	vadd.s32 v9, v2  }
0x97: {  	v2 =	vld [tilespmem:s28+$0x1B0];
	v9 =	vsel vm0, $0x1, v0;
	vm0 =	vlt.f32 v4, v1;
	v4 =	vadd.s32 v7, v3  }
0x98: {  	v3 =	vld [tilespmem:s28+$0x1C0];
	v7 =	vsel vm0, $0x1, v0;
	vm0 =	vlt.f32 v5, v1;
	v5 =	vadd.s32 v9, v4  }
0x99: {  	v4 =	vld [tilespmem:s28+$0x1D0];
	v9 =	vsel vm0, $0x1, v0;
	vm0 =	vlt.f32 v6, v1;
	v6 =	vadd.s32 v7, v5  }
0x9a: {  	v5 =	vld [tilespmem:s28+$0x1E0];
	v11 =	vsel vm0, $0x1, v0;
	vm0 =	vlt.f32 v10, v1;
	v9 =	vadd.s32 v9, v6  }
0x9b: {  	s25 =	simm.s32 $0x200;
	s26 =	simm.s32 $0x1000;
	v6 =	vld [tilespmem:s28+$0x1F0];
	v7 =	vsel vm0, $0x1, v0;
	vm0 =	vlt.f32 v8, v1;
	v8 =	vadd.s32 v11, v9  }
.LBB2_6:
0x9c: {  	p0 =	sne.s32 s26, $0x1F800;
	v9 =	vld [tilespmem:s25+$0x0];
	v10 =	vsel vm0, $0x1, v0;
	vm0 =	vlt.f32 v2, v1;
	v2 =	vadd.s32 v7, v8  }
0x9d: {  	v7 =	vld [tilespmem:s25+$0x10];
	v8 =	vsel vm0, $0x1, v0;
	vm0 =	vlt.f32 v3, v1;
	v2 =	vadd.s32 v10, v2  }
0x9e: {  	v3 =	vld [tilespmem:s25+$0x20];
	v10 =	vsel vm0, $0x1, v0;
	vm0 =	vlt.f32 v4, v1;
	v2 =	vadd.s32 v8, v2  }
0x9f: {  	v4 =	vld [tilespmem:s25+$0x30];
	v8 =	vsel vm0, $0x1, v0;
	vm0 =	vlt.f32 v5, v1;
	v2 =	vadd.s32 v10, v2  }
0xa0: {  	v5 =	vld [tilespmem:s25+$0x40];
	v10 =	vsel vm0, $0x1, v0;
	vm0 =	vlt.f32 v6, v1;
	v2 =	vadd.s32 v8, v2  }
0xa1: {  	vm1 =	vlt.f32 v9, v1;
	v6 =	vld [tilespmem:s25+$0x50];
	v8 =	vsel vm0, $0x1, v0;
	v2 =	vadd.s32 v10, v2  }
0xa2: {  	v9 =	vsel vm1, $0x1, v0;
	vm0 =	vlt.f32 v7, v1;
	v7 =	vld [tilespmem:s25+$0x60];
	v2 =	vadd.s32 v8, v2  }
0xa3: {  	v8 =	vsel vm0, $0x1, v0;
	vm0 =	vlt.f32 v3, v1;
	v3 =	vld [tilespmem:s25+$0x70];
	v2 =	vadd.s32 v9, v2  }
0xa4: {  	v9 =	vsel vm0, $0x1, v0;
	vm0 =	vlt.f32 v4, v1;
	v4 =	vld [tilespmem:s25+$0x80];
	v2 =	vadd.s32 v8, v2  }
0xa5: {  	v8 =	vsel vm0, $0x1, v0;
	vm0 =	vlt.f32 v5, v1;
	v5 =	vld [tilespmem:s25+$0x90];
	v2 =	vadd.s32 v9, v2  }
0xa6: {  	v9 =	vsel vm0, $0x1, v0;
	vm0 =	vlt.f32 v6, v1;
	v6 =	vld [tilespmem:s25+$0xA0];
	v2 =	vadd.s32 v8, v2  }
0xa7: {  	v8 =	vsel vm0, $0x1, v0;
	vm0 =	vlt.f32 v7, v1;
	v7 =	vld [tilespmem:s25+$0xB0];
	v2 =	vadd.s32 v9, v2  }
0xa8: {  	v9 =	vsel vm0, $0x1, v0;
	vm0 =	vlt.f32 v3, v1;
	v3 =	vld [tilespmem:s25+$0xC0];
	v2 =	vadd.s32 v8, v2  }
0xa9: {  	v8 =	vsel vm0, $0x1, v0;
	vm0 =	vlt.f32 v4, v1;
	v4 =	vld [tilespmem:s25+$0xD0];
	v2 =	vadd.s32 v9, v2  }
0xaa: {  	v9 =	vsel vm0, $0x1, v0;
	vm0 =	vlt.f32 v5, v1;
	v5 =	vld [tilespmem:s25+$0xE0];
	v2 =	vadd.s32 v8, v2  }
0xab: {  	v8 =	vsel vm0, $0x1, v0;
	vm0 =	vlt.f32 v6, v1;
	v6 =	vld [tilespmem:s25+$0xF0];
	v2 =	vadd.s32 v9, v2  }
0xac: {  	v9 =	vsel vm0, $0x1, v0;
	vm0 =	vlt.f32 v7, v1;
	v7 =	vld [tilespmem:s25+$0x100];
	v2 =	vadd.s32 v8, v2  }
0xad: {  	v8 =	vsel vm0, $0x1, v0;
	vm0 =	vlt.f32 v3, v1;
	v3 =	vld [tilespmem:s25+$0x110];
	v2 =	vadd.s32 v9, v2  }
0xae: {  	v9 =	vsel vm0, $0x1, v0;
	vm0 =	vlt.f32 v4, v1;
	v4 =	vld [tilespmem:s25+$0x120];
	v2 =	vadd.s32 v8, v2  }
0xaf: {  	v8 =	vsel vm0, $0x1, v0;
	vm0 =	vlt.f32 v5, v1;
	v5 =	vld [tilespmem:s25+$0x130];
	v2 =	vadd.s32 v9, v2  }
0xb0: {  	v9 =	vsel vm0, $0x1, v0;
	vm0 =	vlt.f32 v6, v1;
	v6 =	vld [tilespmem:s25+$0x140];
	v2 =	vadd.s32 v8, v2  }
0xb1: {  	v8 =	vsel vm0, $0x1, v0;
	vm0 =	vlt.f32 v7, v1;
	v7 =	vld [tilespmem:s25+$0x150];
	v2 =	vadd.s32 v9, v2  }
0xb2: {  	v9 =	vsel vm0, $0x1, v0;
	vm0 =	vlt.f32 v3, v1;
	v3 =	vld [tilespmem:s25+$0x160];
	v2 =	vadd.s32 v8, v2  }
0xb3: {  	v8 =	vsel vm0, $0x1, v0;
	vm0 =	vlt.f32 v4, v1;
	v4 =	vld [tilespmem:s25+$0x170];
	v2 =	vadd.s32 v9, v2  }
0xb4: {  	v9 =	vsel vm0, $0x1, v0;
	vm0 =	vlt.f32 v5, v1;
	v5 =	vld [tilespmem:s25+$0x180];
	v2 =	vadd.s32 v8, v2  }
0xb5: {  	v8 =	vsel vm0, $0x1, v0;
	vm0 =	vlt.f32 v6, v1;
	v6 =	vld [tilespmem:s25+$0x190];
	v2 =	vadd.s32 v9, v2  }
0xb6: {  	v9 =	vsel vm0, $0x1, v0;
	vm0 =	vlt.f32 v7, v1;
	v10 =	vld [tilespmem:s25+$0x1A0];
	v7 =	vadd.s32 v8, v2  }
.Ltmp4:
0xb7: {  	v8 =	vsel vm0, $0x1, v0;
	vm0 =	vlt.f32 v3, v1;
	v2 =	vld [tilespmem:s25+$0x1B0];
	v7 =	vadd.s32 v9, v7;
	(pc) =	sbr.rel @p0 .LBB2_6-.Ltmp4, $4  }
0xb8: {  	v9 =	vsel vm0, $0x1, v0;
	vm0 =	vlt.f32 v4, v1;
	v3 =	vld [tilespmem:s25+$0x1C0];
	v7 =	vadd.s32 v8, v7  }
0xb9: {  	v8 =	vsel vm0, $0x1, v0;
	vm0 =	vlt.f32 v5, v1;
	v4 =	vld [tilespmem:s25+$0x1D0];
	v7 =	vadd.s32 v9, v7  }
0xba: {  	v9 =	vsel vm0, $0x1, v0;
	vm0 =	vlt.f32 v6, v1;
	v5 =	vld [tilespmem:s25+$0x1E0];
	v8 =	vadd.s32 v8, v7  }
0xbb: {  	v7 =	vsel vm0, $0x1, v0;
	vm0 =	vlt.f32 v10, v1;
	v6 =	vld [tilespmem:s25+$0x1F0];
	s25 =	sshra.s32 s26, $0x2;
	s26 =	sadd.s32 $0x800, s26;
	v8 =	vadd.s32 v9, v8  }
0xbc: {  	v9 =	vld [tilespmem:s25+$0x0];
	v10 =	vsel vm0, $0x1, v0;
	vm4 =	vlt.f32 v2, v1;
	v2 =	vadd.s32 v7, v8  }
0xbd: {  	v59 =	vld [tilespmem:s25+$0x10];
	v60 =	vsel vm4, $0x1, v0;
	vm5 =	vlt.f32 v3, v1;
	v2 =	vadd.s32 v10, v2  }
0xbe: {  	v3 =	vld [tilespmem:s25+$0x20];
	v61 =	vsel vm5, $0x1, v0;
	vm6 =	vlt.f32 v4, v1;
	v2 =	vadd.s32 v60, v2  }
0xbf: {  	v62 =	vld [tilespmem:s25+$0x30];
	v63 =	vsel vm6, $0x1, v0;
	vm7 =	vlt.f32 v5, v1;
	v2 =	vadd.s32 v61, v2  }
0xc0: {  	v12 =	vld [tilespmem:s25+$0x40];
	v13 =	vsel vm7, $0x1, v0;
	vm8 =	vlt.f32 v6, v1;
	v2 =	vadd.s32 v63, v2  }
0xc1: {  	v14 =	vld [tilespmem:s25+$0x50];
	vm1 =	vlt.f32 v9, v1;
	v15 =	vsel vm8, $0x1, v0;
	v2 =	vadd.s32 v13, v2  }
0xc2: {  	v16 =	vld [tilespmem:s25+$0x60];
	vm9 =	vlt.f32 v59, v1;
	v9 =	vsel vm1, $0x1, v0;
	v2 =	vadd.s32 v15, v2  }
0xc3: {  	v17 =	vsel vm9, $0x1, v0;
	vm10 =	vlt.f32 v3, v1;
	v3 =	vld [tilespmem:s25+$0x70];
	v2 =	vadd.s32 v9, v2  }
0xc4: {  	v19 =	vld [tilespmem:s25+$0x80];
	vm11 =	vlt.f32 v62, v1;
	v18 =	vsel vm10, $0x1, v0;
	v2 =	vadd.s32 v17, v2  }
0xc5: {  	v21 =	vld [tilespmem:s25+$0x90];
	vm12 =	vlt.f32 v12, v1;
	v20 =	vsel vm11, $0x1, v0;
	v2 =	vadd.s32 v18, v2  }
0xc6: {  	v23 =	vld [tilespmem:s25+$0xA0];
	vm13 =	vlt.f32 v14, v1;
	v22 =	vsel vm12, $0x1, v0;
	v2 =	vadd.s32 v20, v2  }
0xc7: {  	v25 =	vld [tilespmem:s25+$0xB0];
	vm14 =	vlt.f32 v16, v1;
	v24 =	vsel vm13, $0x1, v0;
	v2 =	vadd.s32 v22, v2  }
0xc8: {  	v26 =	vsel vm14, $0x1, v0;
	vm15 =	vlt.f32 v3, v1;
	v3 =	vld [tilespmem:s25+$0xC0];
	v2 =	vadd.s32 v24, v2  }
0xc9: {  	v28 =	vld [tilespmem:s25+$0xD0];
	vm4 =	vlt.f32 v19, v1;
	v27 =	vsel vm15, $0x1, v0;
	v2 =	vadd.s32 v26, v2  }
0xca: {  	v30 =	vld [tilespmem:s25+$0xE0];
	vm5 =	vlt.f32 v21, v1;
	v29 =	vsel vm4, $0x1, v0;
	v2 =	vadd.s32 v27, v2  }
0xcb: {  	v32 =	vld [tilespmem:s25+$0xF0];
	vm6 =	vlt.f32 v23, v1;
	v31 =	vsel vm5, $0x1, v0;
	v2 =	vadd.s32 v29, v2  }
0xcc: {  	v34 =	vld [tilespmem:s25+$0x100];
	vm7 =	vlt.f32 v25, v1;
	v33 =	vsel vm6, $0x1, v0;
	v2 =	vadd.s32 v31, v2  }
0xcd: {  	v35 =	vsel vm7, $0x1, v0;
	vm8 =	vlt.f32 v3, v1;
	v3 =	vld [tilespmem:s25+$0x110];
	v2 =	vadd.s32 v33, v2  }
0xce: {  	v37 =	vld [tilespmem:s25+$0x120];
	vm9 =	vlt.f32 v28, v1;
	v36 =	vsel vm8, $0x1, v0;
	v2 =	vadd.s32 v35, v2  }
0xcf: {  	v39 =	vld [tilespmem:s25+$0x130];
	v38 =	vsel vm9, $0x1, v0;
	vm10 =	vlt.f32 v30, v1;
	v2 =	vadd.s32 v36, v2  }
0xd0: {  	v41 =	vld [tilespmem:s25+$0x140];
	vm11 =	vlt.f32 v32, v1;
	v40 =	vsel vm10, $0x1, v0;
	v2 =	vadd.s32 v38, v2  }
0xd1: {  	v43 =	vld [tilespmem:s25+$0x150];
	vm12 =	vlt.f32 v34, v1;
	v42 =	vsel vm11, $0x1, v0;
	v2 =	vadd.s32 v40, v2  }
0xd2: {  	v44 =	vsel vm12, $0x1, v0;
	vm13 =	vlt.f32 v3, v1;
	v3 =	vld [tilespmem:s25+$0x160];
	v2 =	vadd.s32 v42, v2  }
0xd3: {  	v46 =	vld [tilespmem:s25+$0x170];
	vm14 =	vlt.f32 v37, v1;
	v45 =	vsel vm13, $0x1, v0;
	v2 =	vadd.s32 v44, v2  }
0xd4: {  	v48 =	vld [tilespmem:s25+$0x180];
	v47 =	vsel vm14, $0x1, v0;
	vm15 =	vlt.f32 v39, v1;
	v2 =	vadd.s32 v45, v2  }
0xd5: {  	v50 =	vld [tilespmem:s25+$0x190];
	vm4 =	vlt.f32 v41, v1;
	v49 =	vsel vm15, $0x1, v0;
	v2 =	vadd.s32 v47, v2  }
0xd6: {  	v52 =	vld [tilespmem:s25+$0x1A0];
	vm5 =	vlt.f32 v43, v1;
	v51 =	vsel vm4, $0x1, v0;
	v2 =	vadd.s32 v49, v2  }
0xd7: {  	v53 =	vsel vm5, $0x1, v0;
	vm6 =	vlt.f32 v3, v1;
	v3 =	vld [tilespmem:s25+$0x1B0];
	v2 =	vadd.s32 v51, v2  }
0xd8: {  	v55 =	vld [tilespmem:s25+$0x1C0];
	vm7 =	vlt.f32 v46, v1;
	v54 =	vsel vm6, $0x1, v0;
	v2 =	vadd.s32 v53, v2  }
0xd9: {  	v57 =	vld [tilespmem:s25+$0x1D0];
	v56 =	vsel vm7, $0x1, v0;
	vm8 =	vlt.f32 v48, v1;
	v2 =	vadd.s32 v54, v2  }
0xda: {  	v59 =	vld [tilespmem:s25+$0x1E0];
	vm9 =	vlt.f32 v50, v1;
	v58 =	vsel vm8, $0x1, v0;
	v2 =	vadd.s32 v56, v2  }
0xdb: {  	v61 =	vld [tilespmem:s25+$0x1F0];
	v60 =	vsel vm9, $0x1, v0;
	vm10 =	vlt.f32 v52, v1;
	v2 =	vadd.s32 v58, v2  }
0xdc: {  	v62 =	vsel vm10, $0x1, v0;
	vm11 =	vlt.f32 v3, v1;
	v2 =	vadd.s32 v60, v2  }
0xdd: {  	vm12 =	vlt.f32 v55, v1;
	v3 =	vsel vm11, $0x1, v0;
	v2 =	vadd.s32 v62, v2  }
0xde: {  	v4 =	vsel vm12, $0x1, v0;
	vm13 =	vlt.f32 v57, v1;
	v2 =	vadd.s32 v3, v2  }
0xdf: {  	vm14 =	vlt.f32 v59, v1;
	v3 =	vsel vm13, $0x1, v0;
	v2 =	vadd.s32 v4, v2  }
0xe0: {  	v63 =	vsel vm14, $0x1, v0;
	vm15 =	vlt.f32 v61, v1;
	v1 =	vadd.s32 v3, v2  }
0xe1: {  	v2 =	vsel vm15, $0x1, v0;
	v1 =	vadd.s32 v63, v1  }
0xe2: {  	v1 =	vadd.s32 v2, v1  }
0xe3: {  	(v2sf) =	vpush v1, $0x0  }
0xe4: {  	(v2sf) =	vpush v1, $0x1  }
0xe5: {  	(v2sf) =	vpush v1, $0x2  }
0xe6: {  	(v2sf) =	vpush v1, $0x3  }
0xe7: {  	(v2sf) =	vpush v1, $0x4  }
0xe8: {  	(v2sf) =	vpush v1, $0x5  }
0xe9: {  	(v2sf) =	vpush v1, $0x6  }
0xea: {  	(v2sf) =	vpush v1, $0x7  }
0xeb: {  	(v2sf) =	vpush v1, $0x8  }
0xec: {  	(v2sf) =	vpush v1, $0x9  }
0xed: {  	(v2sf) =	vpush v1, $0xA  }
0xee: {  	(v2sf) =	vpush v1, $0xB  }
0xef: {  	(v2sf) =	vpush v1, $0xC  }
0xf0: {  	(v2sf) =	vpush v1, $0xD  }
0xf1: {  	(v2sf) =	vpush v1, $0xE  }
0xf2: {  	s0 =	spop (v2sf);
	(v2sf) =	vpush v1, $0xF  }
0xf3: {  	s1 =	spop (v2sf)  }
0xf4: {  	s3 =	spop (v2sf);
	s0 =	sadd.s32 s1, s0  }
0xf5: {  	s5 =	spop (v2sf);
	s0 =	sadd.s32 s3, s0  }
0xf6: {  	s6 =	spop (v2sf);
	s0 =	sadd.s32 s5, s0  }
0xf7: {  	s7 =	spop (v2sf);
	s0 =	sadd.s32 s6, s0  }
0xf8: {  	s15 =	spop (v2sf);
	s0 =	sadd.s32 s7, s0  }
0xf9: {  	s25 =	spop (v2sf);
	s0 =	sadd.s32 s15, s0  }
0xfa: {  	s26 =	spop (v2sf);
	s0 =	sadd.s32 s25, s0  }
0xfb: {  	s28 =	spop (v2sf);
	s0 =	sadd.s32 s26, s0  }
0xfc: {  	s29 =	spop (v2sf);
	s0 =	sadd.s32 s28, s0  }
0xfd: {  	s30 =	spop (v2sf);
	s0 =	sadd.s32 s29, s0  }
0xfe: {  	s31 =	spop (v2sf);
	s0 =	sadd.s32 s30, s0  }
0xff: {  	s4 =	spop (v2sf);
	s0 =	sadd.s32 s31, s0  }
0x100: {  	s3 =	sld [smem:$0x4];
	s5 =	spop (v2sf);
	s0 =	sadd.s32 s4, s0  }
0x101: {  	s25 =	sld [smem:$0x3];
	s0 =	sadd.s32 s5, s0;
	s6 =	spop (v2sf)  }
0x102: {  	s0 =	sadd.s32 s6, s0  }
0x103: {  	p0 =	slt.s32 s0, $0x100;
	s26 =	smov.u32 s0  }
0x104: {  	s25 =	smov.u32 @p0 s0;
	s26 =	smov.u32 @p0 s3  }
0x105: {  	s7 =	ssub.s32 s26, s25  }
0x106: {  	s1 =	scvt.s32.f32 s7;
	_ =	sdelay $0x1  }
0x107: {  	s15 =	ssub.s32 $0x7EF311C3, s1  }
0x108: {  	s4 =	sld [smem:$0x1];
	s5 =	smul.f32 s15, s1  }
0x109: {  	s6 =	sld [smem:$0x2]  }
0x10a: {  	s5 =	ssub.f32 $2.000000000e+00, s5;
	_ =	sdelay $0x1  }
0x10b: {  	s7 =	smov.u32 s23;
	s3 =	smul.f32 s15, s5  }
0x10c: {  	s4 =	smov.u32 @p0 s23;
	s7 =	smov.u32 @p0 s6  }
0x10d: {  	s5 =	ssub.s32 s7, s4;
	s1 =	smul.f32 s1, s3  }
0x10e: {  	s28 =	sand.u32 $0x1, s5;
	s15 =	sshrl.u32 s5, $0x1  }
0x10f: {  	s6 =	sor.u32 s15, s28;
	s1 =	ssub.f32 $2.000000000e+00, s1  }
0x110: {  	s28 =	ssub.s32 $0x100, s25;
	s6 =	scvt.s32.f32 s6  }
0x111: {  	s28 =	scvt.s32.f32 s28;
	s1 =	smul.f32 s1, s3  }
0x112: {  	s3 =	sadd.f32 s6, s6;
	s6 =	scvt.s32.f32 s5  }
0x113: {  	p0 =	slt.s32 s5, $0x0;
	s1 =	smul.f32 s28, s1  }
0x114: {  	s6 =	smov.u32 @p0 s3  }
0x115: {  	s1 =	smul.f32 s6, s1  }
0x116: {  	s29 =	ssub.s32 $0x100, s0  }
0x117: {  	s3 =	scvt.s32.f32 s29;
	s6 =	ssub.f32 s1, s17  }
0x118: {  	_ = 	snop  }
0x119: {  	s3 =	smul.f32 s3, s21;
	s6 =	scvt.f32.s32 s6  }
0x11a: {  	p0 =	slt.f32 s1, s17;
	s1 =	scvt.f32.s32 s1  }
0x11b: {  	s3 =	sadd.f32 s24, s3;
	s6 =	sxor.u32 $0x80000000, s6  }
0x11c: {  	s6 =	smov.u32 @p0 s1;
	p0 =	slt.u32 s22, $0x7  }
0x11d: {  	p1 =	slt.s32 s3, $0x0;
	s15 =	smov.u32 @p0 s6  }
0x11e: {  	s1 =	sxor.u32 $0xFFFFFFFF, s3;
	s3 =	sor.u32 $0x80000000, s3;
	s6 =	sadd.s32 s4, s15  }
0x11f: {  	s3 =	smov.u32 @p1 s1;
	p1 =	seq.s32 s7, $0xFF800000;
	s1 =	smov.u32 s6  }
0x120: {  	p2 =	seq.s32 s4, $0x0;
	s1 =	smov.u32 @p1 s3  }
0x121: {  	s1 =	smov.u32 @p2 s3  }
0x122: {  	s30 =	sadd.s32 $0x1, s4;
	s31 =	sadd.s32 $0xFFFFFFFF, s7;
	s6 =	smov.u32 @p0 s1  }
0x123: {  	s24 =	smov.u32 s7;
	p1 =	seq.s32 s0, $0x100;
	s0 =	smax.u32 s30, s6  }
0x124: {  	s24 =	smov.u32 @p1 s23;
	s23 =	smin.u32 s31, s0  }
0x125: {  	[smem:$0x0] =	sst s23  }
0x126: {  	[smem:$0x1] =	sst s4  }
.Ltmp5:
0x127: {  	p6 =	slt.u32 s5, $0x2;
	[smem:$0x2] =	sst s7;
	(pc) =	sbr.rel .LBB2_8-.Ltmp5, $4  }
0x128: {  	p0 =	por p1, p6;
	[smem:$0x3] =	sst s25;
	s25 =	simm.s32 $0x1  }
0x129: {  	[smem:$0x4] =	sst s26;
	s25 =	simm.s32 @!p0 $0x0  }
0x12a: {  	[smem:$0x5] =	sst s25  }
0x12b: {  	[smem:$0x6] =	sst s24  }
.LBB2_9:
0x12c: {  	p0 =	sgt.s32 s24, $0xFFFFFFFF;
	s0 =	simm.s32 $0xFFFFFFFF;
	s21 =	simm.s32 $0x0  }
0x12d: {  	s0 =	simm.s32 @!p0 $0x80000000;
	v2 =	vld [tilespmem:s21+$0x0]  }
0x12e: {  	v3 =	vld [tilespmem:s21+$0x10];
	s0 =	sxor.u32 s24, s0  }
0x12f: {  	v4 =	vld [tilespmem:s21+$0x20];
	v1 =	vmov s0  }
0x130: {  	v5 =	vld [tilespmem:s21+$0x30];
	v1 =	vbroadcast v1, $0x0  }
0x131: {  	v6 =	vld [tilespmem:s21+$0x40]  }
0x132: {  	v7 =	vld [tilespmem:s21+$0x50];
	vm0 =	vlt.f32 v2, v1  }
0x133: {  	v8 =	vld [tilespmem:s21+$0x60];
	v2 =	vsel vm0, $0x0, v2;
	vm0 =	vlt.f32 v3, v1  }
0x134: {  	v9 =	vld [tilespmem:s21+$0x70];
	[tilespmem:s21+$0x0] =	vst v2;
	v2 =	vsel vm0, $0x0, v3;
	vm0 =	vlt.f32 v4, v1  }
0x135: {  	v10 =	vld [tilespmem:s21+$0x80];
	[tilespmem:s21+$0x10] =	vst v2;
	v2 =	vsel vm0, $0x0, v4;
	vm0 =	vlt.f32 v5, v1  }
0x136: {  	v3 =	vld [tilespmem:s21+$0x90];
	[tilespmem:s21+$0x20] =	vst v2;
	v2 =	vsel vm0, $0x0, v5;
	vm0 =	vlt.f32 v6, v1  }
0x137: {  	[tilespmem:s21+$0x30] =	vst v2;
	v4 =	vsel vm0, $0x0, v6;
	v2 =	vld [tilespmem:s21+$0xA0];
	vm0 =	vlt.f32 v7, v1  }
0x138: {  	[tilespmem:s21+$0x40] =	vst v4;
	v5 =	vsel vm0, $0x0, v7;
	v4 =	vld [tilespmem:s21+$0xB0];
	vm0 =	vlt.f32 v8, v1  }
0x139: {  	[tilespmem:s21+$0x50] =	vst v5;
	v6 =	vsel vm0, $0x0, v8;
	v5 =	vld [tilespmem:s21+$0xC0];
	vm0 =	vlt.f32 v9, v1  }
0x13a: {  	[tilespmem:s21+$0x60] =	vst v6;
	v7 =	vsel vm0, $0x0, v9;
	v6 =	vld [tilespmem:s21+$0xD0];
	vm0 =	vlt.f32 v10, v1  }
0x13b: {  	s22 =	simm.s32 $0x400;
	[tilespmem:s21+$0x70] =	vst v7;
	v8 =	vsel vm0, $0x0, v10;
	vm0 =	vlt.f32 v3, v1;
	v7 =	vld [tilespmem:s21+$0xE0]  }
.LBB2_10:
0x13c: {  	s0 =	sshra.s32 s22, $0x2;
	p0 =	sne.s32 s22, $0x1FC00;
	[tilespmem:s21+$0x80] =	vst v8;
	v3 =	vsel vm0, $0x0, v3;
	vm0 =	vlt.f32 v2, v1;
	v8 =	vld [tilespmem:s21+$0xF0]  }
0x13d: {  	v9 =	vld [tilespmem:s0+$0x0];
	[tilespmem:s21+$0x90] =	vst v3;
	v2 =	vsel vm0, $0x0, v2;
	vm0 =	vlt.f32 v4, v1  }
0x13e: {  	v3 =	vld [tilespmem:s0+$0x10];
	[tilespmem:s21+$0xA0] =	vst v2;
	v2 =	vsel vm0, $0x0, v4;
	vm0 =	vlt.f32 v5, v1  }
0x13f: {  	v4 =	vld [tilespmem:s0+$0x20];
	[tilespmem:s21+$0xB0] =	vst v2;
	v2 =	vsel vm0, $0x0, v5;
	vm0 =	vlt.f32 v6, v1  }
0x140: {  	v5 =	vld [tilespmem:s0+$0x30];
	[tilespmem:s21+$0xC0] =	vst v2;
	v2 =	vsel vm0, $0x0, v6;
	vm0 =	vlt.f32 v7, v1  }
0x141: {  	v6 =	vld [tilespmem:s0+$0x40];
	[tilespmem:s21+$0xD0] =	vst v2;
	v2 =	vsel vm0, $0x0, v7;
	vm0 =	vlt.f32 v8, v1  }
0x142: {  	vm1 =	vlt.f32 v9, v1;
	v7 =	vld [tilespmem:s0+$0x50];
	[tilespmem:s21+$0xE0] =	vst v2;
	v2 =	vsel vm0, $0x0, v8  }
0x143: {  	v8 =	vsel vm1, $0x0, v9;
	vm0 =	vlt.f32 v3, v1;
	v9 =	vld [tilespmem:s0+$0x60];
	[tilespmem:s21+$0xF0] =	vst v2;
	s21 =	smov.u32 s0  }
0x144: {  	[tilespmem:s21+$0x0] =	vst v8;
	v2 =	vsel vm0, $0x0, v3;
	vm0 =	vlt.f32 v4, v1;
	v8 =	vld [tilespmem:s21+$0x70]  }
0x145: {  	[tilespmem:s21+$0x10] =	vst v2;
	v2 =	vsel vm0, $0x0, v4;
	vm0 =	vlt.f32 v5, v1;
	v10 =	vld [tilespmem:s21+$0x80]  }
0x146: {  	[tilespmem:s21+$0x20] =	vst v2;
	v2 =	vsel vm0, $0x0, v5;
	vm0 =	vlt.f32 v6, v1;
	v3 =	vld [tilespmem:s21+$0x90]  }
.Ltmp6:
0x147: {  	[tilespmem:s21+$0x30] =	vst v2;
	v4 =	vsel vm0, $0x0, v6;
	vm0 =	vlt.f32 v7, v1;
	v2 =	vld [tilespmem:s21+$0xA0];
	(pc) =	sbr.rel @p0 .LBB2_10-.Ltmp6, $4  }
0x148: {  	[tilespmem:s21+$0x40] =	vst v4;
	v5 =	vsel vm0, $0x0, v7;
	vm0 =	vlt.f32 v9, v1;
	v4 =	vld [tilespmem:s21+$0xB0]  }
0x149: {  	[tilespmem:s21+$0x50] =	vst v5;
	v6 =	vsel vm0, $0x0, v9;
	vm0 =	vlt.f32 v8, v1;
	v5 =	vld [tilespmem:s21+$0xC0]  }
0x14a: {  	[tilespmem:s21+$0x60] =	vst v6;
	v7 =	vsel vm0, $0x0, v8;
	vm0 =	vlt.f32 v10, v1;
	v6 =	vld [tilespmem:s21+$0xD0]  }
0x14b: {  	s22 =	sadd.s32 $0x400, s22;
	[tilespmem:s21+$0x70] =	vst v7;
	v8 =	vsel vm0, $0x0, v10;
	vm0 =	vlt.f32 v3, v1;
	v7 =	vld [tilespmem:s21+$0xE0]  }
0x14c: {  	[tilespmem:s21+$0x80] =	vst v8;
	v3 =	vsel vm0, $0x0, v3;
	vm10 =	vlt.f32 v2, v1;
	v8 =	vld [tilespmem:s21+$0xF0]  }
0x14d: {  	[tilespmem:s21+$0x90] =	vst v3;
	v2 =	vsel vm10, $0x0, v2;
	vm11 =	vlt.f32 v4, v1  }
0x14e: {  	[tilespmem:s21+$0xA0] =	vst v2;
	v2 =	vsel vm11, $0x0, v4;
	vm12 =	vlt.f32 v5, v1  }
0x14f: {  	[tilespmem:s21+$0xB0] =	vst v2;
	v2 =	vsel vm12, $0x0, v5;
	vm13 =	vlt.f32 v6, v1  }
0x150: {  	[tilespmem:s21+$0xC0] =	vst v2;
	v2 =	vsel vm13, $0x0, v6;
	vm14 =	vlt.f32 v7, v1  }
0x151: {  	[tilespmem:s21+$0xD0] =	vst v2;
	v2 =	vsel vm14, $0x0, v7;
	vm15 =	vlt.f32 v8, v1  }
0x152: {  	[tilespmem:s21+$0xE0] =	vst v2;
	v1 =	vsel vm15, $0x0, v8  }
0x153: {  	s0 =	rddreg [dreg:$0x6];
	[tilespmem:s21+$0xF0] =	vst v1  }
0x154: {  	[hbm4b:s0+s12] =	stream.strided.scatter [tilespmem:s2], [sflag:$0x1], $0x8000, s13, s12, $0x38;
	[tilespmem:$0x18000] =	vst v63  }
0x155: {  	_ =	swait.ge [sflag:s18], $0x8000  }
0x156: {  	[sflag:s18] =	ssyncset.done $0x0  }
0x157: {  	s31 =	simm.s32 $0x8020;
	[sflag:s18] =	ssyncadd.s32 $0xFFFF8000  }
0x158: {  	v2 =	vld [tilespmem:s31+$0xFFFFFFE0];
	_ =	sdelay $0x1  }
0x159: {  	v3 =	vld [tilespmem:s31+$0xFFFFFFF0];
	_ =	sdelay $0x1  }
0x15a: {  	v1 =	vld [tilespmem:s31+$0x0]  }
0x15b: {  	v4 =	vimm.f32 $0.0e+00;
	v5 =	vand.u32 $0x7FFFFFFF, v2  }
0x15c: {  	v6 =	vadd.f32 v2, v4;
	v2 =	vld [tilespmem:s31+$0x10];
	v4 =	vadd.f32 v5, v4  }
0x15d: {  	s22 =	simm.s32 $0x8060;
	s21 =	simm.s32 $0x0;
	v5 =	vand.u32 $0x7FFFFFFF, v3  }
.LBB2_12:
0x15e: {  	v7 =	vld [tilespmem:s22+$0xFFFFFFE0];
	s21 =	sadd.s32 $0x4, s21;
	v6 =	vadd.f32 v3, v6;
	v4 =	vadd.f32 v5, v4  }
0x15f: {  	p0 =	slt.u32 s21, $0x1FC;
	v5 =	vand.u32 $0x7FFFFFFF, v1  }
0x160: {  	v3 =	vld [tilespmem:s22+$0xFFFFFFF0];
	v6 =	vadd.f32 v1, v6;
	v4 =	vadd.f32 v5, v4  }
.Ltmp7:
0x161: {  	v5 =	vand.u32 $0x7FFFFFFF, v2;
	(pc) =	sbr.rel @p0 .LBB2_12-.Ltmp7, $4  }
0x162: {  	v1 =	vld [tilespmem:s22+$0x0];
	v2 =	vadd.f32 v2, v6;
	v4 =	vadd.f32 v5, v4  }
0x163: {  	v5 =	vand.u32 $0x7FFFFFFF, v7  }
0x164: {  	v6 =	vadd.f32 v7, v2;
	v4 =	vadd.f32 v5, v4;
	v2 =	vld [tilespmem:s22+$0x10]  }
0x165: {  	s22 =	sadd.s32 $0x40, s22;
	v5 =	vand.u32 $0x7FFFFFFF, v3  }
0x166: {  	v3 =	vadd.f32 v3, v6;
	_ =	sdelay $0x1  }
0x167: {  	v3 =	vadd.f32 v1, v3;
	_ =	sdelay $0x1  }
0x168: {  	v3 =	vadd.f32 v2, v3;
	_ =	sdelay $0x1  }
0x169: {  	(v2sf) =	vpush v3, $0x0  }
0x16a: {  	(v2sf) =	vpush v3, $0x1  }
0x16b: {  	(v2sf) =	vpush v3, $0x2  }
0x16c: {  	(v2sf) =	vpush v3, $0x3  }
0x16d: {  	(v2sf) =	vpush v3, $0x4  }
0x16e: {  	(v2sf) =	vpush v3, $0x5  }
0x16f: {  	(v2sf) =	vpush v3, $0x6  }
0x170: {  	(v2sf) =	vpush v3, $0x7  }
0x171: {  	(v2sf) =	vpush v3, $0x8  }
0x172: {  	(v2sf) =	vpush v3, $0x9  }
0x173: {  	v4 =	vadd.f32 v5, v4;
	(v2sf) =	vpush v3, $0xA  }
0x174: {  	v1 =	vand.u32 $0x7FFFFFFF, v1;
	(v2sf) =	vpush v3, $0xB  }
0x175: {  	v1 =	vadd.f32 v1, v4;
	(v2sf) =	vpush v3, $0xC  }
0x176: {  	v2 =	vand.u32 $0x7FFFFFFF, v2;
	(v2sf) =	vpush v3, $0xD  }
0x177: {  	v1 =	vadd.f32 v2, v1;
	(v2sf) =	vpush v3, $0xE  }
0x178: {  	s0 =	spop (v2sf);
	(v2sf) =	vpush v3, $0xF  }
0x179: {  	s1 =	spop (v2sf);
	(v2sf) =	vpush v1, $0x0  }
0x17a: {  	s3 =	spop (v2sf);
	(v2sf) =	vpush v1, $0x1  }
0x17b: {  	s4 =	spop (v2sf)  }
0x17c: {  	(v2sf) =	vpush v1, $0x2;
	s5 =	spop (v2sf)  }
0x17d: {  	s6 =	spop (v2sf)  }
0x17e: {  	(v2sf) =	vpush v1, $0x3;
	s7 =	spop (v2sf)  }
0x17f: {  	s15 =	spop (v2sf)  }
0x180: {  	(v2sf) =	vpush v1, $0x4;
	s21 =	spop (v2sf)  }
0x181: {  	s22 =	spop (v2sf)  }
0x182: {  	(v2sf) =	vpush v1, $0x5;
	s23 =	spop (v2sf)  }
0x183: {  	s24 =	spop (v2sf)  }
0x184: {  	(v2sf) =	vpush v1, $0x6;
	s25 =	spop (v2sf)  }
0x185: {  	s26 =	spop (v2sf)  }
0x186: {  	(v2sf) =	vpush v1, $0x7;
	s28 =	spop (v2sf)  }
0x187: {  	s29 =	spop (v2sf)  }
0x188: {  	(v2sf) =	vpush v1, $0x8;
	s30 =	spop (v2sf)  }
0x189: {  	s31 =	spop (v2sf)  }
0x18a: {  	(v2sf) =	vpush v1, $0x9;
	s30 =	sadd.f32 s31, s30  }
0x18b: {  	s31 =	spop (v2sf)  }
0x18c: {  	(v2sf) =	vpush v1, $0xA;
	s30 =	sadd.f32 s30, s31  }
0x18d: {  	s0 =	sadd.f32 s1, s0;
	s31 =	spop (v2sf)  }
0x18e: {  	(v2sf) =	vpush v1, $0xB;
	s1 =	sadd.f32 s30, s31  }
0x18f: {  	s0 =	sadd.f32 s0, s3;
	s31 =	spop (v2sf)  }
0x190: {  	(v2sf) =	vpush v1, $0xC;
	s1 =	sadd.f32 s1, s31  }
0x191: {  	s0 =	sadd.f32 s0, s4;
	s4 =	spop (v2sf)  }
0x192: {  	(v2sf) =	vpush v1, $0xD;
	s1 =	sadd.f32 s1, s4  }
0x193: {  	s0 =	sadd.f32 s0, s5;
	s5 =	spop (v2sf)  }
0x194: {  	(v2sf) =	vpush v1, $0xE;
	s1 =	sadd.f32 s1, s5  }
0x195: {  	s0 =	sadd.f32 s0, s6;
	s6 =	spop (v2sf)  }
0x196: {  	(v2sf) =	vpush v1, $0xF;
	s1 =	sadd.f32 s1, s6  }
0x197: {  	s0 =	sadd.f32 s0, s7;
	s7 =	spop (v2sf)  }
0x198: {  	s1 =	sadd.f32 s1, s7  }
0x199: {  	s0 =	sadd.f32 s0, s15;
	s15 =	spop (v2sf)  }
0x19a: {  	s1 =	sadd.f32 s1, s15  }
0x19b: {  	s0 =	sadd.f32 s0, s21;
	s21 =	spop (v2sf)  }
0x19c: {  	s1 =	sadd.f32 s1, s21  }
0x19d: {  	s0 =	sadd.f32 s0, s22;
	s22 =	spop (v2sf)  }
0x19e: {  	s1 =	sadd.f32 s1, s22  }
0x19f: {  	s0 =	sadd.f32 s0, s23;
	s23 =	spop (v2sf)  }
0x1a0: {  	s1 =	sadd.f32 s1, s23  }
0x1a1: {  	s0 =	sadd.f32 s0, s24;
	s24 =	spop (v2sf)  }
0x1a2: {  	s1 =	sadd.f32 s1, s24  }
0x1a3: {  	s0 =	sadd.f32 s0, s25;
	s25 =	spop (v2sf)  }
0x1a4: {  	s1 =	sadd.f32 s1, s25  }
0x1a5: {  	s0 =	sadd.f32 s0, s26;
	s30 =	spop (v2sf)  }
0x1a6: {  	s1 =	sadd.f32 s1, s30  }
0x1a7: {  	s0 =	sadd.f32 s0, s28  }
0x1a8: {  	s1 =	smul.f32 $1.220703130e-04, s1  }
0x1a9: {  	s0 =	sadd.f32 s0, s29  }
0x1aa: {  	s1 =	smul.f32 $1.253314140e+00, s1  }
0x1ab: {  	s0 =	smul.f32 $1.220703130e-04, s0  }
0x1ac: {  	s31 =	smul.f32 $-2.417700050e+00, s1;
	_ =	sdelay $0x1  }
0x1ad: {  	s0 =	sadd.f32 s31, s0;
	_ =	sdelay $0x1  }
0x1ae: {  	s3 =	smin.u32 s0, $0xFFFFFFFE  }
0x1af: {  	p0 =	slt.s32 s0, $0x0;
	s0 =	sor.u32 $0x80000000, s0;
	s3 =	sxor.u32 $0xFFFFFFFF, s3  }
0x1b0: {  	s0 =	smov.u32 @p0 s3  }
0x1b1: {  	s22 =	smin.u32 s0, $0xFF7FFFFF  }
0x1b2: {  	s21 =	simm.s32 $0x0;
	[smem:$0x0] =	sst s22  }
0x1b3: {  	s24 =	simm.s32 $0xFF800000;
	[smem:$0x1] =	sst s21  }
.Ltmp8:
0x1b4: {  	[smem:$0x2] =	sst s24;
	(pc) =	sbr.rel .LBB2_14-.Ltmp8, $4  }
0x1b5: {  	[smem:$0x3] =	sst s21  }
0x1b6: {  	[smem:$0x4] =	sst s14  }
0x1b7: {  	[smem:$0x5] =	sst s21  }
0x1b8: {  	s25 =	simm.s32 $0x0;
	s23 =	smul.f32 $1.471000030e-03, s1;
	[smem:$0x6] =	sst s24  }
.LBB2_18:
0x1b9: {  	s21 =	sadd.s32 $0x1, s21  }
0x1ba: {  	p0 =	sne.s32 s21, $0x28  }
.Ltmp9:
0x1bb: {  	_ = 	snop;
	(pc) =	sbr.rel @!p0 .LBB2_19-.Ltmp9, $1  }
0x1bc: {  	_ =	sdelay $0x3  }
.LBB2_14:
0x1bd: {  	p0 =	sne.s32 s25, $0x0  }
.Ltmp10:
0x1be: {  	_ = 	snop;
	(pc) =	sbr.rel @p0 .LBB2_18-.Ltmp10, $2  }
0x1bf: {  	_ =	sdelay $0x2  }
0x1c0: {  	s25 =	simm.s32 $0x1  }
0x1c1: {  	s28 =	simm.s32 $0x0  }
0x1c2: {  	v2 =	vld [tilespmem:s28+$0x8000]  }
0x1c3: {  	p0 =	sgt.s32 s22, $0xFFFFFFFF;
	s0 =	simm.s32 $0xFFFFFFFF;
	v3 =	vld [tilespmem:s28+$0x8010]  }
0x1c4: {  	s0 =	simm.s32 @!p0 $0x80000000;
	v4 =	vld [tilespmem:s28+$0x8020]  }
0x1c5: {  	v5 =	vld [tilespmem:s28+$0x8030];
	s24 =	sxor.u32 s22, s0  }
0x1c6: {  	v6 =	vld [tilespmem:s28+$0x8040];
	v1 =	vmov s24  }
0x1c7: {  	vm0 =	vlt.f32 v2, v1;
	v2 =	vld [tilespmem:s28+$0x8050]  }
0x1c8: {  	v7 =	vimm.s32 $0x0;
	v8 =	vsel vm0, $0x1, v0;
	vm0 =	vlt.f32 v3, v1;
	v3 =	vld [tilespmem:s28+$0x8060]  }
0x1c9: {  	v9 =	vsel vm0, $0x1, v0;
	vm0 =	vlt.f32 v4, v1;
	v4 =	vld [tilespmem:s28+$0x8070];
	v7 =	vadd.s32 v8, v7  }
0x1ca: {  	v8 =	vsel vm0, $0x1, v0;
	vm0 =	vlt.f32 v5, v1;
	v5 =	vld [tilespmem:s28+$0x8080];
	v7 =	vadd.s32 v9, v7  }
0x1cb: {  	v9 =	vsel vm0, $0x1, v0;
	vm0 =	vlt.f32 v6, v1;
	v6 =	vld [tilespmem:s28+$0x8090];
	v7 =	vadd.s32 v8, v7  }
0x1cc: {  	v8 =	vsel vm0, $0x1, v0;
	vm0 =	vlt.f32 v2, v1;
	v2 =	vld [tilespmem:s28+$0x80A0];
	v7 =	vadd.s32 v9, v7  }
0x1cd: {  	v9 =	vsel vm0, $0x1, v0;
	vm0 =	vlt.f32 v3, v1;
	v3 =	vld [tilespmem:s28+$0x80B0];
	v7 =	vadd.s32 v8, v7  }
0x1ce: {  	v8 =	vsel vm0, $0x1, v0;
	vm0 =	vlt.f32 v4, v1;
	v4 =	vld [tilespmem:s28+$0x80C0];
	v7 =	vadd.s32 v9, v7  }
0x1cf: {  	v9 =	vsel vm0, $0x1, v0;
	vm0 =	vlt.f32 v5, v1;
	v5 =	vld [tilespmem:s28+$0x80D0];
	v7 =	vadd.s32 v8, v7  }
0x1d0: {  	v8 =	vsel vm0, $0x1, v0;
	vm0 =	vlt.f32 v6, v1;
	v6 =	vld [tilespmem:s28+$0x80E0];
	v7 =	vadd.s32 v9, v7  }
0x1d1: {  	v9 =	vsel vm0, $0x1, v0;
	vm0 =	vlt.f32 v2, v1;
	v2 =	vld [tilespmem:s28+$0x80F0];
	v7 =	vadd.s32 v8, v7  }
0x1d2: {  	v8 =	vsel vm0, $0x1, v0;
	vm0 =	vlt.f32 v3, v1;
	v3 =	vld [tilespmem:s28+$0x8100];
	v7 =	vadd.s32 v9, v7  }
0x1d3: {  	v9 =	vsel vm0, $0x1, v0;
	vm0 =	vlt.f32 v4, v1;
	v4 =	vld [tilespmem:s28+$0x8110];
	v7 =	vadd.s32 v8, v7  }
0x1d4: {  	v8 =	vsel vm0, $0x1, v0;
	vm0 =	vlt.f32 v5, v1;
	v5 =	vld [tilespmem:s28+$0x8120];
	v7 =	vadd.s32 v9, v7  }
0x1d5: {  	v9 =	vsel vm0, $0x1, v0;
	vm0 =	vlt.f32 v6, v1;
	v6 =	vld [tilespmem:s28+$0x8130];
	v7 =	vadd.s32 v8, v7  }
0x1d6: {  	v8 =	vsel vm0, $0x1, v0;
	vm0 =	vlt.f32 v2, v1;
	v2 =	vld [tilespmem:s28+$0x8140];
	v7 =	vadd.s32 v9, v7  }
0x1d7: {  	v9 =	vsel vm0, $0x1, v0;
	vm0 =	vlt.f32 v3, v1;
	v3 =	vld [tilespmem:s28+$0x8150];
	v7 =	vadd.s32 v8, v7  }
0x1d8: {  	v8 =	vsel vm0, $0x1, v0;
	vm0 =	vlt.f32 v4, v1;
	v4 =	vld [tilespmem:s28+$0x8160];
	v7 =	vadd.s32 v9, v7  }
0x1d9: {  	v9 =	vsel vm0, $0x1, v0;
	vm0 =	vlt.f32 v5, v1;
	v5 =	vld [tilespmem:s28+$0x8170];
	v7 =	vadd.s32 v8, v7  }
0x1da: {  	v8 =	vsel vm0, $0x1, v0;
	vm0 =	vlt.f32 v6, v1;
	v6 =	vld [tilespmem:s28+$0x8180];
	v7 =	vadd.s32 v9, v7  }
0x1db: {  	v10 =	vld [tilespmem:s28+$0x8190];
	v9 =	vsel vm0, $0x1, v0;
	vm0 =	vlt.f32 v2, v1;
	v2 =	vadd.s32 v8, v7  }
0x1dc: {  	v8 =	vld [tilespmem:s28+$0x81A0];
	v7 =	vsel vm0, $0x1, v0;
	vm0 =	vlt.f32 v3, v1;
	v3 =	vadd.s32 v9, v2  }
0x1dd: {  	v2 =	vld [tilespmem:s28+$0x81B0];
	v9 =	vsel vm0, $0x1, v0;
	vm0 =	vlt.f32 v4, v1;
	v4 =	vadd.s32 v7, v3  }
0x1de: {  	v3 =	vld [tilespmem:s28+$0x81C0];
	v7 =	vsel vm0, $0x1, v0;
	vm0 =	vlt.f32 v5, v1;
	v5 =	vadd.s32 v9, v4  }
0x1df: {  	v4 =	vld [tilespmem:s28+$0x81D0];
	v9 =	vsel vm0, $0x1, v0;
	vm0 =	vlt.f32 v6, v1;
	v6 =	vadd.s32 v7, v5  }
0x1e0: {  	v5 =	vld [tilespmem:s28+$0x81E0];
	v11 =	vsel vm0, $0x1, v0;
	vm0 =	vlt.f32 v10, v1;
	v9 =	vadd.s32 v9, v6  }
0x1e1: {  	s25 =	simm.s32 $0x200;
	s26 =	simm.s32 $0x1000;
	v6 =	vld [tilespmem:s28+$0x81F0];
	v7 =	vsel vm0, $0x1, v0;
	vm0 =	vlt.f32 v8, v1;
	v8 =	vadd.s32 v11, v9  }
.LBB2_16:
0x1e2: {  	p0 =	sne.s32 s26, $0x1F800;
	v9 =	vld [tilespmem:s25+$0x8000];
	v10 =	vsel vm0, $0x1, v0;
	vm0 =	vlt.f32 v2, v1;
	v2 =	vadd.s32 v7, v8  }
0x1e3: {  	v7 =	vld [tilespmem:s25+$0x8010];
	v8 =	vsel vm0, $0x1, v0;
	vm0 =	vlt.f32 v3, v1;
	v2 =	vadd.s32 v10, v2  }
0x1e4: {  	v3 =	vld [tilespmem:s25+$0x8020];
	v10 =	vsel vm0, $0x1, v0;
	vm0 =	vlt.f32 v4, v1;
	v2 =	vadd.s32 v8, v2  }
0x1e5: {  	v4 =	vld [tilespmem:s25+$0x8030];
	v8 =	vsel vm0, $0x1, v0;
	vm0 =	vlt.f32 v5, v1;
	v2 =	vadd.s32 v10, v2  }
0x1e6: {  	v5 =	vld [tilespmem:s25+$0x8040];
	v10 =	vsel vm0, $0x1, v0;
	vm0 =	vlt.f32 v6, v1;
	v2 =	vadd.s32 v8, v2  }
0x1e7: {  	vm1 =	vlt.f32 v9, v1;
	v6 =	vld [tilespmem:s25+$0x8050];
	v8 =	vsel vm0, $0x1, v0;
	v2 =	vadd.s32 v10, v2  }
0x1e8: {  	v9 =	vsel vm1, $0x1, v0;
	vm0 =	vlt.f32 v7, v1;
	v7 =	vld [tilespmem:s25+$0x8060];
	v2 =	vadd.s32 v8, v2  }
0x1e9: {  	v8 =	vsel vm0, $0x1, v0;
	vm0 =	vlt.f32 v3, v1;
	v3 =	vld [tilespmem:s25+$0x8070];
	v2 =	vadd.s32 v9, v2  }
0x1ea: {  	v9 =	vsel vm0, $0x1, v0;
	vm0 =	vlt.f32 v4, v1;
	v4 =	vld [tilespmem:s25+$0x8080];
	v2 =	vadd.s32 v8, v2  }
0x1eb: {  	v8 =	vsel vm0, $0x1, v0;
	vm0 =	vlt.f32 v5, v1;
	v5 =	vld [tilespmem:s25+$0x8090];
	v2 =	vadd.s32 v9, v2  }
0x1ec: {  	v9 =	vsel vm0, $0x1, v0;
	vm0 =	vlt.f32 v6, v1;
	v6 =	vld [tilespmem:s25+$0x80A0];
	v2 =	vadd.s32 v8, v2  }
0x1ed: {  	v8 =	vsel vm0, $0x1, v0;
	vm0 =	vlt.f32 v7, v1;
	v7 =	vld [tilespmem:s25+$0x80B0];
	v2 =	vadd.s32 v9, v2  }
0x1ee: {  	v9 =	vsel vm0, $0x1, v0;
	vm0 =	vlt.f32 v3, v1;
	v3 =	vld [tilespmem:s25+$0x80C0];
	v2 =	vadd.s32 v8, v2  }
0x1ef: {  	v8 =	vsel vm0, $0x1, v0;
	vm0 =	vlt.f32 v4, v1;
	v4 =	vld [tilespmem:s25+$0x80D0];
	v2 =	vadd.s32 v9, v2  }
0x1f0: {  	v9 =	vsel vm0, $0x1, v0;
	vm0 =	vlt.f32 v5, v1;
	v5 =	vld [tilespmem:s25+$0x80E0];
	v2 =	vadd.s32 v8, v2  }
0x1f1: {  	v8 =	vsel vm0, $0x1, v0;
	vm0 =	vlt.f32 v6, v1;
	v6 =	vld [tilespmem:s25+$0x80F0];
	v2 =	vadd.s32 v9, v2  }
0x1f2: {  	v9 =	vsel vm0, $0x1, v0;
	vm0 =	vlt.f32 v7, v1;
	v7 =	vld [tilespmem:s25+$0x8100];
	v2 =	vadd.s32 v8, v2  }
0x1f3: {  	v8 =	vsel vm0, $0x1, v0;
	vm0 =	vlt.f32 v3, v1;
	v3 =	vld [tilespmem:s25+$0x8110];
	v2 =	vadd.s32 v9, v2  }
0x1f4: {  	v9 =	vsel vm0, $0x1, v0;
	vm0 =	vlt.f32 v4, v1;
	v4 =	vld [tilespmem:s25+$0x8120];
	v2 =	vadd.s32 v8, v2  }
0x1f5: {  	v8 =	vsel vm0, $0x1, v0;
	vm0 =	vlt.f32 v5, v1;
	v5 =	vld [tilespmem:s25+$0x8130];
	v2 =	vadd.s32 v9, v2  }
0x1f6: {  	v9 =	vsel vm0, $0x1, v0;
	vm0 =	vlt.f32 v6, v1;
	v6 =	vld [tilespmem:s25+$0x8140];
	v2 =	vadd.s32 v8, v2  }
0x1f7: {  	v8 =	vsel vm0, $0x1, v0;
	vm0 =	vlt.f32 v7, v1;
	v7 =	vld [tilespmem:s25+$0x8150];
	v2 =	vadd.s32 v9, v2  }
0x1f8: {  	v9 =	vsel vm0, $0x1, v0;
	vm0 =	vlt.f32 v3, v1;
	v3 =	vld [tilespmem:s25+$0x8160];
	v2 =	vadd.s32 v8, v2  }
0x1f9: {  	v8 =	vsel vm0, $0x1, v0;
	vm0 =	vlt.f32 v4, v1;
	v4 =	vld [tilespmem:s25+$0x8170];
	v2 =	vadd.s32 v9, v2  }
0x1fa: {  	v9 =	vsel vm0, $0x1, v0;
	vm0 =	vlt.f32 v5, v1;
	v5 =	vld [tilespmem:s25+$0x8180];
	v2 =	vadd.s32 v8, v2  }
0x1fb: {  	v8 =	vsel vm0, $0x1, v0;
	vm0 =	vlt.f32 v6, v1;
	v6 =	vld [tilespmem:s25+$0x8190];
	v2 =	vadd.s32 v9, v2  }
0x1fc: {  	v9 =	vsel vm0, $0x1, v0;
	vm0 =	vlt.f32 v7, v1;
	v10 =	vld [tilespmem:s25+$0x81A0];
	v7 =	vadd.s32 v8, v2  }
.Ltmp11:
0x1fd: {  	v8 =	vsel vm0, $0x1, v0;
	vm0 =	vlt.f32 v3, v1;
	v2 =	vld [tilespmem:s25+$0x81B0];
	v7 =	vadd.s32 v9, v7;
	(pc) =	sbr.rel @p0 .LBB2_16-.Ltmp11, $4  }
0x1fe: {  	v9 =	vsel vm0, $0x1, v0;
	vm0 =	vlt.f32 v4, v1;
	v3 =	vld [tilespmem:s25+$0x81C0];
	v7 =	vadd.s32 v8, v7  }
0x1ff: {  	v8 =	vsel vm0, $0x1, v0;
	vm0 =	vlt.f32 v5, v1;
	v4 =	vld [tilespmem:s25+$0x81D0];
	v7 =	vadd.s32 v9, v7  }
0x200: {  	v9 =	vsel vm0, $0x1, v0;
	vm0 =	vlt.f32 v6, v1;
	v5 =	vld [tilespmem:s25+$0x81E0];
	v8 =	vadd.s32 v8, v7  }
0x201: {  	v7 =	vsel vm0, $0x1, v0;
	vm0 =	vlt.f32 v10, v1;
	v6 =	vld [tilespmem:s25+$0x81F0];
	s25 =	sshra.s32 s26, $0x2;
	s26 =	sadd.s32 $0x800, s26;
	v8 =	vadd.s32 v9, v8  }
0x202: {  	v9 =	vld [tilespmem:s25+$0x8000];
	v10 =	vsel vm0, $0x1, v0;
	vm4 =	vlt.f32 v2, v1;
	v2 =	vadd.s32 v7, v8  }
0x203: {  	v59 =	vld [tilespmem:s25+$0x8010];
	v60 =	vsel vm4, $0x1, v0;
	vm5 =	vlt.f32 v3, v1;
	v2 =	vadd.s32 v10, v2  }
0x204: {  	v3 =	vld [tilespmem:s25+$0x8020];
	v61 =	vsel vm5, $0x1, v0;
	vm6 =	vlt.f32 v4, v1;
	v2 =	vadd.s32 v60, v2  }
0x205: {  	v62 =	vld [tilespmem:s25+$0x8030];
	v63 =	vsel vm6, $0x1, v0;
	vm7 =	vlt.f32 v5, v1;
	v2 =	vadd.s32 v61, v2  }
0x206: {  	v12 =	vld [tilespmem:s25+$0x8040];
	v13 =	vsel vm7, $0x1, v0;
	vm8 =	vlt.f32 v6, v1;
	v2 =	vadd.s32 v63, v2  }
0x207: {  	v14 =	vld [tilespmem:s25+$0x8050];
	vm1 =	vlt.f32 v9, v1;
	v15 =	vsel vm8, $0x1, v0;
	v2 =	vadd.s32 v13, v2  }
0x208: {  	v16 =	vld [tilespmem:s25+$0x8060];
	vm9 =	vlt.f32 v59, v1;
	v9 =	vsel vm1, $0x1, v0;
	v2 =	vadd.s32 v15, v2  }
0x209: {  	v17 =	vsel vm9, $0x1, v0;
	vm10 =	vlt.f32 v3, v1;
	v3 =	vld [tilespmem:s25+$0x8070];
	v2 =	vadd.s32 v9, v2  }
0x20a: {  	v19 =	vld [tilespmem:s25+$0x8080];
	vm11 =	vlt.f32 v62, v1;
	v18 =	vsel vm10, $0x1, v0;
	v2 =	vadd.s32 v17, v2  }
0x20b: {  	v21 =	vld [tilespmem:s25+$0x8090];
	vm12 =	vlt.f32 v12, v1;
	v20 =	vsel vm11, $0x1, v0;
	v2 =	vadd.s32 v18, v2  }
0x20c: {  	v23 =	vld [tilespmem:s25+$0x80A0];
	vm13 =	vlt.f32 v14, v1;
	v22 =	vsel vm12, $0x1, v0;
	v2 =	vadd.s32 v20, v2  }
0x20d: {  	v25 =	vld [tilespmem:s25+$0x80B0];
	vm14 =	vlt.f32 v16, v1;
	v24 =	vsel vm13, $0x1, v0;
	v2 =	vadd.s32 v22, v2  }
0x20e: {  	v26 =	vsel vm14, $0x1, v0;
	vm15 =	vlt.f32 v3, v1;
	v3 =	vld [tilespmem:s25+$0x80C0];
	v2 =	vadd.s32 v24, v2  }
0x20f: {  	v28 =	vld [tilespmem:s25+$0x80D0];
	vm4 =	vlt.f32 v19, v1;
	v27 =	vsel vm15, $0x1, v0;
	v2 =	vadd.s32 v26, v2  }
0x210: {  	v30 =	vld [tilespmem:s25+$0x80E0];
	vm5 =	vlt.f32 v21, v1;
	v29 =	vsel vm4, $0x1, v0;
	v2 =	vadd.s32 v27, v2  }
0x211: {  	v32 =	vld [tilespmem:s25+$0x80F0];
	vm6 =	vlt.f32 v23, v1;
	v31 =	vsel vm5, $0x1, v0;
	v2 =	vadd.s32 v29, v2  }
0x212: {  	v34 =	vld [tilespmem:s25+$0x8100];
	vm7 =	vlt.f32 v25, v1;
	v33 =	vsel vm6, $0x1, v0;
	v2 =	vadd.s32 v31, v2  }
0x213: {  	v35 =	vsel vm7, $0x1, v0;
	vm8 =	vlt.f32 v3, v1;
	v3 =	vld [tilespmem:s25+$0x8110];
	v2 =	vadd.s32 v33, v2  }
0x214: {  	v37 =	vld [tilespmem:s25+$0x8120];
	vm9 =	vlt.f32 v28, v1;
	v36 =	vsel vm8, $0x1, v0;
	v2 =	vadd.s32 v35, v2  }
0x215: {  	v39 =	vld [tilespmem:s25+$0x8130];
	v38 =	vsel vm9, $0x1, v0;
	vm10 =	vlt.f32 v30, v1;
	v2 =	vadd.s32 v36, v2  }
0x216: {  	v41 =	vld [tilespmem:s25+$0x8140];
	vm11 =	vlt.f32 v32, v1;
	v40 =	vsel vm10, $0x1, v0;
	v2 =	vadd.s32 v38, v2  }
0x217: {  	v43 =	vld [tilespmem:s25+$0x8150];
	vm12 =	vlt.f32 v34, v1;
	v42 =	vsel vm11, $0x1, v0;
	v2 =	vadd.s32 v40, v2  }
0x218: {  	v44 =	vsel vm12, $0x1, v0;
	vm13 =	vlt.f32 v3, v1;
	v3 =	vld [tilespmem:s25+$0x8160];
	v2 =	vadd.s32 v42, v2  }
0x219: {  	v46 =	vld [tilespmem:s25+$0x8170];
	vm14 =	vlt.f32 v37, v1;
	v45 =	vsel vm13, $0x1, v0;
	v2 =	vadd.s32 v44, v2  }
0x21a: {  	v48 =	vld [tilespmem:s25+$0x8180];
	v47 =	vsel vm14, $0x1, v0;
	vm15 =	vlt.f32 v39, v1;
	v2 =	vadd.s32 v45, v2  }
0x21b: {  	v50 =	vld [tilespmem:s25+$0x8190];
	vm4 =	vlt.f32 v41, v1;
	v49 =	vsel vm15, $0x1, v0;
	v2 =	vadd.s32 v47, v2  }
0x21c: {  	v52 =	vld [tilespmem:s25+$0x81A0];
	vm5 =	vlt.f32 v43, v1;
	v51 =	vsel vm4, $0x1, v0;
	v2 =	vadd.s32 v49, v2  }
0x21d: {  	v53 =	vsel vm5, $0x1, v0;
	vm6 =	vlt.f32 v3, v1;
	v3 =	vld [tilespmem:s25+$0x81B0];
	v2 =	vadd.s32 v51, v2  }
0x21e: {  	v55 =	vld [tilespmem:s25+$0x81C0];
	vm7 =	vlt.f32 v46, v1;
	v54 =	vsel vm6, $0x1, v0;
	v2 =	vadd.s32 v53, v2  }
0x21f: {  	v57 =	vld [tilespmem:s25+$0x81D0];
	v56 =	vsel vm7, $0x1, v0;
	vm8 =	vlt.f32 v48, v1;
	v2 =	vadd.s32 v54, v2  }
0x220: {  	v59 =	vld [tilespmem:s25+$0x81E0];
	vm9 =	vlt.f32 v50, v1;
	v58 =	vsel vm8, $0x1, v0;
	v2 =	vadd.s32 v56, v2  }
0x221: {  	v61 =	vld [tilespmem:s25+$0x81F0];
	v60 =	vsel vm9, $0x1, v0;
	vm10 =	vlt.f32 v52, v1;
	v2 =	vadd.s32 v58, v2  }
0x222: {  	v62 =	vsel vm10, $0x1, v0;
	vm11 =	vlt.f32 v3, v1;
	v2 =	vadd.s32 v60, v2  }
0x223: {  	vm12 =	vlt.f32 v55, v1;
	v3 =	vsel vm11, $0x1, v0;
	v2 =	vadd.s32 v62, v2  }
0x224: {  	v4 =	vsel vm12, $0x1, v0;
	vm13 =	vlt.f32 v57, v1;
	v2 =	vadd.s32 v3, v2  }
0x225: {  	vm14 =	vlt.f32 v59, v1;
	v3 =	vsel vm13, $0x1, v0;
	v2 =	vadd.s32 v4, v2  }
0x226: {  	v63 =	vsel vm14, $0x1, v0;
	vm15 =	vlt.f32 v61, v1;
	v1 =	vadd.s32 v3, v2  }
0x227: {  	v2 =	vsel vm15, $0x1, v0;
	v1 =	vadd.s32 v63, v1  }
0x228: {  	v1 =	vadd.s32 v2, v1  }
0x229: {  	(v2sf) =	vpush v1, $0x0  }
0x22a: {  	(v2sf) =	vpush v1, $0x1  }
0x22b: {  	(v2sf) =	vpush v1, $0x2  }
0x22c: {  	(v2sf) =	vpush v1, $0x3  }
0x22d: {  	(v2sf) =	vpush v1, $0x4  }
0x22e: {  	(v2sf) =	vpush v1, $0x5  }
0x22f: {  	(v2sf) =	vpush v1, $0x6  }
0x230: {  	(v2sf) =	vpush v1, $0x7  }
0x231: {  	(v2sf) =	vpush v1, $0x8  }
0x232: {  	(v2sf) =	vpush v1, $0x9  }
0x233: {  	(v2sf) =	vpush v1, $0xA  }
0x234: {  	(v2sf) =	vpush v1, $0xB  }
0x235: {  	(v2sf) =	vpush v1, $0xC  }
0x236: {  	(v2sf) =	vpush v1, $0xD  }
0x237: {  	(v2sf) =	vpush v1, $0xE  }
0x238: {  	s0 =	spop (v2sf);
	(v2sf) =	vpush v1, $0xF  }
0x239: {  	s1 =	spop (v2sf)  }
0x23a: {  	s3 =	spop (v2sf);
	s0 =	sadd.s32 s1, s0  }
0x23b: {  	s5 =	spop (v2sf);
	s0 =	sadd.s32 s3, s0  }
0x23c: {  	s6 =	spop (v2sf);
	s0 =	sadd.s32 s5, s0  }
0x23d: {  	s7 =	spop (v2sf);
	s0 =	sadd.s32 s6, s0  }
0x23e: {  	s15 =	spop (v2sf);
	s0 =	sadd.s32 s7, s0  }
0x23f: {  	s25 =	spop (v2sf);
	s0 =	sadd.s32 s15, s0  }
0x240: {  	s26 =	spop (v2sf);
	s0 =	sadd.s32 s25, s0  }
0x241: {  	s28 =	spop (v2sf);
	s0 =	sadd.s32 s26, s0  }
0x242: {  	s29 =	spop (v2sf);
	s0 =	sadd.s32 s28, s0  }
0x243: {  	s30 =	spop (v2sf);
	s0 =	sadd.s32 s29, s0  }
0x244: {  	s31 =	spop (v2sf);
	s0 =	sadd.s32 s30, s0  }
0x245: {  	s4 =	spop (v2sf);
	s0 =	sadd.s32 s31, s0  }
0x246: {  	s3 =	sld [smem:$0x4];
	s5 =	spop (v2sf);
	s0 =	sadd.s32 s4, s0  }
0x247: {  	s25 =	sld [smem:$0x3];
	s0 =	sadd.s32 s5, s0;
	s6 =	spop (v2sf)  }
0x248: {  	s0 =	sadd.s32 s6, s0  }
0x249: {  	p0 =	slt.s32 s0, $0x100;
	s26 =	smov.u32 s0  }
0x24a: {  	s25 =	smov.u32 @p0 s0;
	s26 =	smov.u32 @p0 s3  }
0x24b: {  	s7 =	ssub.s32 s26, s25  }
0x24c: {  	s1 =	scvt.s32.f32 s7;
	_ =	sdelay $0x1  }
0x24d: {  	s15 =	ssub.s32 $0x7EF311C3, s1  }
0x24e: {  	s4 =	sld [smem:$0x1];
	s5 =	smul.f32 s15, s1  }
0x24f: {  	s6 =	sld [smem:$0x2]  }
0x250: {  	s5 =	ssub.f32 $2.000000000e+00, s5;
	_ =	sdelay $0x1  }
0x251: {  	s7 =	smov.u32 s22;
	s3 =	smul.f32 s15, s5  }
0x252: {  	s4 =	smov.u32 @p0 s22;
	s7 =	smov.u32 @p0 s6  }
0x253: {  	s5 =	ssub.s32 s7, s4;
	s1 =	smul.f32 s1, s3  }
0x254: {  	s28 =	sand.u32 $0x1, s5;
	s15 =	sshrl.u32 s5, $0x1  }
0x255: {  	s6 =	sor.u32 s15, s28;
	s1 =	ssub.f32 $2.000000000e+00, s1  }
0x256: {  	s28 =	ssub.s32 $0x100, s25;
	s6 =	scvt.s32.f32 s6  }
0x257: {  	s28 =	scvt.s32.f32 s28;
	s1 =	smul.f32 s1, s3  }
0x258: {  	s3 =	sadd.f32 s6, s6;
	s6 =	scvt.s32.f32 s5  }
0x259: {  	p0 =	slt.s32 s5, $0x0;
	s1 =	smul.f32 s28, s1  }
0x25a: {  	s6 =	smov.u32 @p0 s3  }
0x25b: {  	s1 =	smul.f32 s6, s1  }
0x25c: {  	s29 =	ssub.s32 $0x100, s0  }
0x25d: {  	s3 =	scvt.s32.f32 s29;
	s6 =	ssub.f32 s1, s17  }
0x25e: {  	_ = 	snop  }
0x25f: {  	s3 =	smul.f32 s3, s23;
	s6 =	scvt.f32.s32 s6  }
0x260: {  	p0 =	slt.f32 s1, s17;
	s1 =	scvt.f32.s32 s1  }
0x261: {  	s3 =	sadd.f32 s24, s3;
	s6 =	sxor.u32 $0x80000000, s6  }
0x262: {  	s6 =	smov.u32 @p0 s1;
	p0 =	slt.u32 s21, $0x7  }
0x263: {  	p1 =	slt.s32 s3, $0x0;
	s15 =	smov.u32 @p0 s6  }
0x264: {  	s1 =	sxor.u32 $0xFFFFFFFF, s3;
	s3 =	sor.u32 $0x80000000, s3;
	s6 =	sadd.s32 s4, s15  }
0x265: {  	s3 =	smov.u32 @p1 s1;
	p1 =	seq.s32 s7, $0xFF800000;
	s1 =	smov.u32 s6  }
0x266: {  	p2 =	seq.s32 s4, $0x0;
	s1 =	smov.u32 @p1 s3  }
0x267: {  	s1 =	smov.u32 @p2 s3  }
0x268: {  	s30 =	sadd.s32 $0x1, s4;
	s31 =	sadd.s32 $0xFFFFFFFF, s7;
	s6 =	smov.u32 @p0 s1  }
0x269: {  	s24 =	smov.u32 s7;
	p1 =	seq.s32 s0, $0x100;
	s0 =	smax.u32 s30, s6  }
0x26a: {  	s24 =	smov.u32 @p1 s22;
	s22 =	smin.u32 s31, s0  }
0x26b: {  	[smem:$0x0] =	sst s22  }
0x26c: {  	[smem:$0x1] =	sst s4  }
.Ltmp12:
0x26d: {  	p6 =	slt.u32 s5, $0x2;
	[smem:$0x2] =	sst s7;
	(pc) =	sbr.rel .LBB2_18-.Ltmp12, $4  }
0x26e: {  	p0 =	por p1, p6;
	[smem:$0x3] =	sst s25;
	s25 =	simm.s32 $0x1  }
0x26f: {  	[smem:$0x4] =	sst s26;
	s25 =	simm.s32 @!p0 $0x0  }
0x270: {  	[smem:$0x5] =	sst s25  }
0x271: {  	[smem:$0x6] =	sst s24  }
.LBB2_19:
0x272: {  	p0 =	sgt.s32 s24, $0xFFFFFFFF;
	s0 =	simm.s32 $0xFFFFFFFF;
	s21 =	simm.s32 $0x0  }
0x273: {  	s0 =	simm.s32 @!p0 $0x80000000;
	v2 =	vld [tilespmem:s21+$0x8000]  }
0x274: {  	v3 =	vld [tilespmem:s21+$0x8010];
	s0 =	sxor.u32 s24, s0  }
0x275: {  	v4 =	vld [tilespmem:s21+$0x8020];
	v1 =	vmov s0  }
0x276: {  	v5 =	vld [tilespmem:s21+$0x8030];
	v1 =	vbroadcast v1, $0x0  }
0x277: {  	v6 =	vld [tilespmem:s21+$0x8040]  }
0x278: {  	v7 =	vld [tilespmem:s21+$0x8050];
	vm0 =	vlt.f32 v2, v1  }
0x279: {  	v8 =	vld [tilespmem:s21+$0x8060];
	v2 =	vsel vm0, $0x0, v2;
	vm0 =	vlt.f32 v3, v1  }
0x27a: {  	v9 =	vld [tilespmem:s21+$0x8070];
	[tilespmem:s21+$0x8000] =	vst v2;
	v2 =	vsel vm0, $0x0, v3;
	vm0 =	vlt.f32 v4, v1  }
0x27b: {  	v10 =	vld [tilespmem:s21+$0x8080];
	[tilespmem:s21+$0x8010] =	vst v2;
	v2 =	vsel vm0, $0x0, v4;
	vm0 =	vlt.f32 v5, v1  }
0x27c: {  	v3 =	vld [tilespmem:s21+$0x8090];
	[tilespmem:s21+$0x8020] =	vst v2;
	v2 =	vsel vm0, $0x0, v5;
	vm0 =	vlt.f32 v6, v1  }
0x27d: {  	[tilespmem:s21+$0x8030] =	vst v2;
	v4 =	vsel vm0, $0x0, v6;
	v2 =	vld [tilespmem:s21+$0x80A0];
	vm0 =	vlt.f32 v7, v1  }
0x27e: {  	[tilespmem:s21+$0x8040] =	vst v4;
	v5 =	vsel vm0, $0x0, v7;
	v4 =	vld [tilespmem:s21+$0x80B0];
	vm0 =	vlt.f32 v8, v1  }
0x27f: {  	[tilespmem:s21+$0x8050] =	vst v5;
	v6 =	vsel vm0, $0x0, v8;
	v5 =	vld [tilespmem:s21+$0x80C0];
	vm0 =	vlt.f32 v9, v1  }
0x280: {  	[tilespmem:s21+$0x8060] =	vst v6;
	v7 =	vsel vm0, $0x0, v9;
	v6 =	vld [tilespmem:s21+$0x80D0];
	vm0 =	vlt.f32 v10, v1  }
0x281: {  	s22 =	simm.s32 $0x400;
	[tilespmem:s21+$0x8070] =	vst v7;
	v8 =	vsel vm0, $0x0, v10;
	vm0 =	vlt.f32 v3, v1;
	v7 =	vld [tilespmem:s21+$0x80E0]  }
.LBB2_20:
0x282: {  	s0 =	sshra.s32 s22, $0x2;
	p0 =	sne.s32 s22, $0x1FC00;
	[tilespmem:s21+$0x8080] =	vst v8;
	v3 =	vsel vm0, $0x0, v3;
	vm0 =	vlt.f32 v2, v1;
	v8 =	vld [tilespmem:s21+$0x80F0]  }
0x283: {  	v9 =	vld [tilespmem:s0+$0x8000];
	[tilespmem:s21+$0x8090] =	vst v3;
	v2 =	vsel vm0, $0x0, v2;
	vm0 =	vlt.f32 v4, v1  }
0x284: {  	v3 =	vld [tilespmem:s0+$0x8010];
	[tilespmem:s21+$0x80A0] =	vst v2;
	v2 =	vsel vm0, $0x0, v4;
	vm0 =	vlt.f32 v5, v1  }
0x285: {  	v4 =	vld [tilespmem:s0+$0x8020];
	[tilespmem:s21+$0x80B0] =	vst v2;
	v2 =	vsel vm0, $0x0, v5;
	vm0 =	vlt.f32 v6, v1  }
0x286: {  	v5 =	vld [tilespmem:s0+$0x8030];
	[tilespmem:s21+$0x80C0] =	vst v2;
	v2 =	vsel vm0, $0x0, v6;
	vm0 =	vlt.f32 v7, v1  }
0x287: {  	v6 =	vld [tilespmem:s0+$0x8040];
	[tilespmem:s21+$0x80D0] =	vst v2;
	v2 =	vsel vm0, $0x0, v7;
	vm0 =	vlt.f32 v8, v1  }
0x288: {  	vm1 =	vlt.f32 v9, v1;
	v7 =	vld [tilespmem:s0+$0x8050];
	[tilespmem:s21+$0x80E0] =	vst v2;
	v2 =	vsel vm0, $0x0, v8  }
0x289: {  	v8 =	vsel vm1, $0x0, v9;
	vm0 =	vlt.f32 v3, v1;
	v9 =	vld [tilespmem:s0+$0x8060];
	[tilespmem:s21+$0x80F0] =	vst v2;
	s21 =	smov.u32 s0  }
0x28a: {  	[tilespmem:s21+$0x8000] =	vst v8;
	v2 =	vsel vm0, $0x0, v3;
	vm0 =	vlt.f32 v4, v1;
	v8 =	vld [tilespmem:s21+$0x8070]  }
0x28b: {  	[tilespmem:s21+$0x8010] =	vst v2;
	v2 =	vsel vm0, $0x0, v4;
	vm0 =	vlt.f32 v5, v1;
	v10 =	vld [tilespmem:s21+$0x8080]  }
0x28c: {  	[tilespmem:s21+$0x8020] =	vst v2;
	v2 =	vsel vm0, $0x0, v5;
	vm0 =	vlt.f32 v6, v1;
	v3 =	vld [tilespmem:s21+$0x8090]  }
.Ltmp13:
0x28d: {  	[tilespmem:s21+$0x8030] =	vst v2;
	v4 =	vsel vm0, $0x0, v6;
	vm0 =	vlt.f32 v7, v1;
	v2 =	vld [tilespmem:s21+$0x80A0];
	(pc) =	sbr.rel @p0 .LBB2_20-.Ltmp13, $4  }
0x28e: {  	[tilespmem:s21+$0x8040] =	vst v4;
	v5 =	vsel vm0, $0x0, v7;
	vm0 =	vlt.f32 v9, v1;
	v4 =	vld [tilespmem:s21+$0x80B0]  }
0x28f: {  	[tilespmem:s21+$0x8050] =	vst v5;
	v6 =	vsel vm0, $0x0, v9;
	vm0 =	vlt.f32 v8, v1;
	v5 =	vld [tilespmem:s21+$0x80C0]  }
0x290: {  	[tilespmem:s21+$0x8060] =	vst v6;
	v7 =	vsel vm0, $0x0, v8;
	vm0 =	vlt.f32 v10, v1;
	v6 =	vld [tilespmem:s21+$0x80D0]  }
0x291: {  	s22 =	sadd.s32 $0x400, s22;
	[tilespmem:s21+$0x8070] =	vst v7;
	v8 =	vsel vm0, $0x0, v10;
	vm0 =	vlt.f32 v3, v1;
	v7 =	vld [tilespmem:s21+$0x80E0]  }
0x292: {  	[tilespmem:s21+$0x8080] =	vst v8;
	v3 =	vsel vm0, $0x0, v3;
	vm10 =	vlt.f32 v2, v1;
	v8 =	vld [tilespmem:s21+$0x80F0]  }
0x293: {  	[tilespmem:s21+$0x8090] =	vst v3;
	v2 =	vsel vm10, $0x0, v2;
	vm11 =	vlt.f32 v4, v1  }
0x294: {  	[tilespmem:s21+$0x80A0] =	vst v2;
	v2 =	vsel vm11, $0x0, v4;
	vm12 =	vlt.f32 v5, v1  }
0x295: {  	[tilespmem:s21+$0x80B0] =	vst v2;
	v2 =	vsel vm12, $0x0, v5;
	vm13 =	vlt.f32 v6, v1  }
0x296: {  	[tilespmem:s21+$0x80C0] =	vst v2;
	v2 =	vsel vm13, $0x0, v6;
	vm14 =	vlt.f32 v7, v1  }
0x297: {  	[tilespmem:s21+$0x80D0] =	vst v2;
	v2 =	vsel vm14, $0x0, v7;
	vm15 =	vlt.f32 v8, v1  }
0x298: {  	[tilespmem:s21+$0x80E0] =	vst v2;
	v1 =	vsel vm15, $0x0, v8  }
0x299: {  	s0 =	rddreg [dreg:$0x7];
	[tilespmem:s21+$0x80F0] =	vst v1  }
0x29a: {  	[hbm4b:s0+s12] =	stream.strided.scatter [tilespmem:s14], [sflag:$0x2], $0x8000, s13, s12, $0x38;
	[tilespmem:$0x18000] =	vst v63  }
0x29b: {  	_ =	swait.ge [sflag:s16], $0x8000  }
0x29c: {  	[sflag:s16] =	ssyncset.done $0x0  }
0x29d: {  	[sflag:s16] =	ssyncadd.s32 $0xFFFF8000  }
0x29e: {  	[tilespmem:s2], [sflag:$0x1] =	stream.strided.gather [hbm4b:s8+s12], $0x8000, s13, s12, $0x38;
	[tilespmem:$0x18000] =	vst v63  }
0x29f: {  	_ =	swait.ge [sflag:s19], $0x8000  }
0x2a0: {  	[sflag:s19] =	ssyncset.done $0x0  }
0x2a1: {  	s31 =	simm.s32 $0x10020;
	[sflag:s19] =	ssyncadd.s32 $0xFFFF8000  }
0x2a2: {  	v2 =	vld [tilespmem:s31+$0xFFFFFFE0];
	_ =	sdelay $0x1  }
0x2a3: {  	v3 =	vld [tilespmem:s31+$0xFFFFFFF0];
	_ =	sdelay $0x1  }
0x2a4: {  	v1 =	vld [tilespmem:s31+$0x0]  }
0x2a5: {  	v4 =	vimm.f32 $0.0e+00;
	v5 =	vand.u32 $0x7FFFFFFF, v2  }
0x2a6: {  	v6 =	vadd.f32 v2, v4;
	v2 =	vld [tilespmem:s31+$0x10];
	v4 =	vadd.f32 v5, v4  }
0x2a7: {  	s22 =	simm.s32 $0x10060;
	s21 =	simm.s32 $0x0;
	v5 =	vand.u32 $0x7FFFFFFF, v3  }
.LBB2_22:
0x2a8: {  	v7 =	vld [tilespmem:s22+$0xFFFFFFE0];
	s21 =	sadd.s32 $0x4, s21;
	v6 =	vadd.f32 v3, v6;
	v4 =	vadd.f32 v5, v4  }
0x2a9: {  	p0 =	slt.u32 s21, $0x1FC;
	v5 =	vand.u32 $0x7FFFFFFF, v1  }
0x2aa: {  	v3 =	vld [tilespmem:s22+$0xFFFFFFF0];
	v6 =	vadd.f32 v1, v6;
	v4 =	vadd.f32 v5, v4  }
.Ltmp14:
0x2ab: {  	v5 =	vand.u32 $0x7FFFFFFF, v2;
	(pc) =	sbr.rel @p0 .LBB2_22-.Ltmp14, $4  }
0x2ac: {  	v1 =	vld [tilespmem:s22+$0x0];
	v2 =	vadd.f32 v2, v6;
	v4 =	vadd.f32 v5, v4  }
0x2ad: {  	v5 =	vand.u32 $0x7FFFFFFF, v7  }
0x2ae: {  	v6 =	vadd.f32 v7, v2;
	v4 =	vadd.f32 v5, v4;
	v2 =	vld [tilespmem:s22+$0x10]  }
0x2af: {  	s22 =	sadd.s32 $0x40, s22;
	v5 =	vand.u32 $0x7FFFFFFF, v3  }
0x2b0: {  	v3 =	vadd.f32 v3, v6;
	_ =	sdelay $0x1  }
0x2b1: {  	v3 =	vadd.f32 v1, v3;
	_ =	sdelay $0x1  }
0x2b2: {  	v3 =	vadd.f32 v2, v3;
	_ =	sdelay $0x1  }
0x2b3: {  	(v2sf) =	vpush v3, $0x0  }
0x2b4: {  	(v2sf) =	vpush v3, $0x1  }
0x2b5: {  	(v2sf) =	vpush v3, $0x2  }
0x2b6: {  	(v2sf) =	vpush v3, $0x3  }
0x2b7: {  	(v2sf) =	vpush v3, $0x4  }
0x2b8: {  	(v2sf) =	vpush v3, $0x5  }
0x2b9: {  	(v2sf) =	vpush v3, $0x6  }
0x2ba: {  	(v2sf) =	vpush v3, $0x7  }
0x2bb: {  	(v2sf) =	vpush v3, $0x8  }
0x2bc: {  	(v2sf) =	vpush v3, $0x9  }
0x2bd: {  	v4 =	vadd.f32 v5, v4;
	(v2sf) =	vpush v3, $0xA  }
0x2be: {  	v1 =	vand.u32 $0x7FFFFFFF, v1;
	(v2sf) =	vpush v3, $0xB  }
0x2bf: {  	v1 =	vadd.f32 v1, v4;
	(v2sf) =	vpush v3, $0xC  }
0x2c0: {  	v2 =	vand.u32 $0x7FFFFFFF, v2;
	(v2sf) =	vpush v3, $0xD  }
0x2c1: {  	v1 =	vadd.f32 v2, v1;
	(v2sf) =	vpush v3, $0xE  }
0x2c2: {  	s0 =	spop (v2sf);
	(v2sf) =	vpush v3, $0xF  }
0x2c3: {  	s1 =	spop (v2sf);
	(v2sf) =	vpush v1, $0x0  }
0x2c4: {  	s3 =	spop (v2sf);
	(v2sf) =	vpush v1, $0x1  }
0x2c5: {  	s4 =	spop (v2sf)  }
0x2c6: {  	(v2sf) =	vpush v1, $0x2;
	s5 =	spop (v2sf)  }
0x2c7: {  	s6 =	spop (v2sf)  }
0x2c8: {  	(v2sf) =	vpush v1, $0x3;
	s7 =	spop (v2sf)  }
0x2c9: {  	s15 =	spop (v2sf)  }
0x2ca: {  	(v2sf) =	vpush v1, $0x4;
	s21 =	spop (v2sf)  }
0x2cb: {  	s22 =	spop (v2sf)  }
0x2cc: {  	(v2sf) =	vpush v1, $0x5;
	s23 =	spop (v2sf)  }
0x2cd: {  	s24 =	spop (v2sf)  }
0x2ce: {  	(v2sf) =	vpush v1, $0x6;
	s25 =	spop (v2sf)  }
0x2cf: {  	s26 =	spop (v2sf)  }
0x2d0: {  	(v2sf) =	vpush v1, $0x7;
	s28 =	spop (v2sf)  }
0x2d1: {  	s29 =	spop (v2sf)  }
0x2d2: {  	(v2sf) =	vpush v1, $0x8;
	s30 =	spop (v2sf)  }
0x2d3: {  	s31 =	spop (v2sf)  }
0x2d4: {  	(v2sf) =	vpush v1, $0x9;
	s30 =	sadd.f32 s31, s30  }
0x2d5: {  	s31 =	spop (v2sf)  }
0x2d6: {  	(v2sf) =	vpush v1, $0xA;
	s30 =	sadd.f32 s30, s31  }
0x2d7: {  	s0 =	sadd.f32 s1, s0;
	s31 =	spop (v2sf)  }
0x2d8: {  	(v2sf) =	vpush v1, $0xB;
	s1 =	sadd.f32 s30, s31  }
0x2d9: {  	s0 =	sadd.f32 s0, s3;
	s31 =	spop (v2sf)  }
0x2da: {  	(v2sf) =	vpush v1, $0xC;
	s1 =	sadd.f32 s1, s31  }
0x2db: {  	s0 =	sadd.f32 s0, s4;
	s4 =	spop (v2sf)  }
0x2dc: {  	(v2sf) =	vpush v1, $0xD;
	s1 =	sadd.f32 s1, s4  }
0x2dd: {  	s0 =	sadd.f32 s0, s5;
	s5 =	spop (v2sf)  }
0x2de: {  	(v2sf) =	vpush v1, $0xE;
	s1 =	sadd.f32 s1, s5  }
0x2df: {  	s0 =	sadd.f32 s0, s6;
	s6 =	spop (v2sf)  }
0x2e0: {  	(v2sf) =	vpush v1, $0xF;
	s1 =	sadd.f32 s1, s6  }
0x2e1: {  	s0 =	sadd.f32 s0, s7;
	s7 =	spop (v2sf)  }
0x2e2: {  	s1 =	sadd.f32 s1, s7  }
0x2e3: {  	s0 =	sadd.f32 s0, s15;
	s15 =	spop (v2sf)  }
0x2e4: {  	s1 =	sadd.f32 s1, s15  }
0x2e5: {  	s0 =	sadd.f32 s0, s21;
	s21 =	spop (v2sf)  }
0x2e6: {  	s1 =	sadd.f32 s1, s21  }
0x2e7: {  	s0 =	sadd.f32 s0, s22;
	s22 =	spop (v2sf)  }
0x2e8: {  	s1 =	sadd.f32 s1, s22  }
0x2e9: {  	s0 =	sadd.f32 s0, s23;
	s23 =	spop (v2sf)  }
0x2ea: {  	s1 =	sadd.f32 s1, s23  }
0x2eb: {  	s0 =	sadd.f32 s0, s24;
	s24 =	spop (v2sf)  }
0x2ec: {  	s1 =	sadd.f32 s1, s24  }
0x2ed: {  	s0 =	sadd.f32 s0, s25;
	s25 =	spop (v2sf)  }
0x2ee: {  	s1 =	sadd.f32 s1, s25  }
0x2ef: {  	s0 =	sadd.f32 s0, s26;
	s26 =	spop (v2sf)  }
0x2f0: {  	s1 =	sadd.f32 s1, s26  }
0x2f1: {  	s0 =	sadd.f32 s0, s28  }
0x2f2: {  	s1 =	smul.f32 $1.220703130e-04, s1  }
0x2f3: {  	s0 =	sadd.f32 s0, s29  }
0x2f4: {  	s1 =	smul.f32 $1.253314140e+00, s1  }
0x2f5: {  	s0 =	smul.f32 $1.220703130e-04, s0  }
0x2f6: {  	s30 =	smul.f32 $-2.417700050e+00, s1;
	_ =	sdelay $0x1  }
0x2f7: {  	s22 =	simm.s32 $0x0;
	s0 =	sadd.f32 s30, s0  }
.Ltmp15:
0x2f8: {  	[smem:$0x1] =	sst s22;
	s24 =	simm.s32 $0xFF800000;
	(pc) =	sbr.rel .LBB2_24-.Ltmp15, $4  }
0x2f9: {  	[smem:$0x2] =	sst s24;
	s21 =	smul.f32 $1.471000030e-03, s1;
	s31 =	smin.u32 s0, $0xFFFFFFFE  }
0x2fa: {  	p0 =	slt.s32 s0, $0x0;
	s0 =	sor.u32 $0x80000000, s0;
	s1 =	sxor.u32 $0xFFFFFFFF, s31  }
0x2fb: {  	[smem:$0x3] =	sst s22;
	s0 =	smov.u32 @p0 s1  }
0x2fc: {  	s25 =	simm.s32 $0x0;
	[smem:$0x4] =	sst s14;
	s23 =	smin.u32 s0, $0xFF7FFFFF  }
.LBB2_28:
0x2fd: {  	s22 =	sadd.s32 $0x1, s22  }
0x2fe: {  	p0 =	sne.s32 s22, $0x28  }
.Ltmp16:
0x2ff: {  	_ = 	snop;
	(pc) =	sbr.rel @!p0 .LBB2_29-.Ltmp16, $1  }
0x300: {  	_ =	sdelay $0x3  }
.LBB2_24:
0x301: {  	p0 =	sne.s32 s25, $0x0  }
.Ltmp17:
0x302: {  	_ = 	snop;
	(pc) =	sbr.rel @p0 .LBB2_28-.Ltmp17, $2  }
0x303: {  	_ =	sdelay $0x2  }
0x304: {  	s25 =	simm.s32 $0x1  }
0x305: {  	s28 =	simm.s32 $0x0  }
0x306: {  	v2 =	vld [tilespmem:s28+$0x10000]  }
0x307: {  	p0 =	sgt.s32 s23, $0xFFFFFFFF;
	s0 =	simm.s32 $0xFFFFFFFF;
	v3 =	vld [tilespmem:s28+$0x10010]  }
0x308: {  	s0 =	simm.s32 @!p0 $0x80000000;
	v4 =	vld [tilespmem:s28+$0x10020]  }
0x309: {  	v5 =	vld [tilespmem:s28+$0x10030];
	s24 =	sxor.u32 s23, s0  }
0x30a: {  	v6 =	vld [tilespmem:s28+$0x10040];
	v1 =	vmov s24  }
0x30b: {  	vm0 =	vlt.f32 v2, v1;
	v2 =	vld [tilespmem:s28+$0x10050]  }
0x30c: {  	v7 =	vimm.s32 $0x0;
	v8 =	vsel vm0, $0x1, v0;
	vm0 =	vlt.f32 v3, v1;
	v3 =	vld [tilespmem:s28+$0x10060]  }
0x30d: {  	v9 =	vsel vm0, $0x1, v0;
	vm0 =	vlt.f32 v4, v1;
	v4 =	vld [tilespmem:s28+$0x10070];
	v7 =	vadd.s32 v8, v7  }
0x30e: {  	v8 =	vsel vm0, $0x1, v0;
	vm0 =	vlt.f32 v5, v1;
	v5 =	vld [tilespmem:s28+$0x10080];
	v7 =	vadd.s32 v9, v7  }
0x30f: {  	v9 =	vsel vm0, $0x1, v0;
	vm0 =	vlt.f32 v6, v1;
	v6 =	vld [tilespmem:s28+$0x10090];
	v7 =	vadd.s32 v8, v7  }
0x310: {  	v8 =	vsel vm0, $0x1, v0;
	vm0 =	vlt.f32 v2, v1;
	v2 =	vld [tilespmem:s28+$0x100A0];
	v7 =	vadd.s32 v9, v7  }
0x311: {  	v9 =	vsel vm0, $0x1, v0;
	vm0 =	vlt.f32 v3, v1;
	v3 =	vld [tilespmem:s28+$0x100B0];
	v7 =	vadd.s32 v8, v7  }
0x312: {  	v8 =	vsel vm0, $0x1, v0;
	vm0 =	vlt.f32 v4, v1;
	v4 =	vld [tilespmem:s28+$0x100C0];
	v7 =	vadd.s32 v9, v7  }
0x313: {  	v9 =	vsel vm0, $0x1, v0;
	vm0 =	vlt.f32 v5, v1;
	v5 =	vld [tilespmem:s28+$0x100D0];
	v7 =	vadd.s32 v8, v7  }
0x314: {  	v8 =	vsel vm0, $0x1, v0;
	vm0 =	vlt.f32 v6, v1;
	v6 =	vld [tilespmem:s28+$0x100E0];
	v7 =	vadd.s32 v9, v7  }
0x315: {  	v9 =	vsel vm0, $0x1, v0;
	vm0 =	vlt.f32 v2, v1;
	v2 =	vld [tilespmem:s28+$0x100F0];
	v7 =	vadd.s32 v8, v7  }
0x316: {  	v8 =	vsel vm0, $0x1, v0;
	vm0 =	vlt.f32 v3, v1;
	v3 =	vld [tilespmem:s28+$0x10100];
	v7 =	vadd.s32 v9, v7  }
0x317: {  	v9 =	vsel vm0, $0x1, v0;
	vm0 =	vlt.f32 v4, v1;
	v4 =	vld [tilespmem:s28+$0x10110];
	v7 =	vadd.s32 v8, v7  }
0x318: {  	v8 =	vsel vm0, $0x1, v0;
	vm0 =	vlt.f32 v5, v1;
	v5 =	vld [tilespmem:s28+$0x10120];
	v7 =	vadd.s32 v9, v7  }
0x319: {  	v9 =	vsel vm0, $0x1, v0;
	vm0 =	vlt.f32 v6, v1;
	v6 =	vld [tilespmem:s28+$0x10130];
	v7 =	vadd.s32 v8, v7  }
0x31a: {  	v8 =	vsel vm0, $0x1, v0;
	vm0 =	vlt.f32 v2, v1;
	v2 =	vld [tilespmem:s28+$0x10140];
	v7 =	vadd.s32 v9, v7  }
0x31b: {  	v9 =	vsel vm0, $0x1, v0;
	vm0 =	vlt.f32 v3, v1;
	v3 =	vld [tilespmem:s28+$0x10150];
	v7 =	vadd.s32 v8, v7  }
0x31c: {  	v8 =	vsel vm0, $0x1, v0;
	vm0 =	vlt.f32 v4, v1;
	v4 =	vld [tilespmem:s28+$0x10160];
	v7 =	vadd.s32 v9, v7  }
0x31d: {  	v9 =	vsel vm0, $0x1, v0;
	vm0 =	vlt.f32 v5, v1;
	v5 =	vld [tilespmem:s28+$0x10170];
	v7 =	vadd.s32 v8, v7  }
0x31e: {  	v8 =	vsel vm0, $0x1, v0;
	vm0 =	vlt.f32 v6, v1;
	v6 =	vld [tilespmem:s28+$0x10180];
	v7 =	vadd.s32 v9, v7  }
0x31f: {  	v10 =	vld [tilespmem:s28+$0x10190];
	v9 =	vsel vm0, $0x1, v0;
	vm0 =	vlt.f32 v2, v1;
	v2 =	vadd.s32 v8, v7  }
0x320: {  	v8 =	vld [tilespmem:s28+$0x101A0];
	v7 =	vsel vm0, $0x1, v0;
	vm0 =	vlt.f32 v3, v1;
	v3 =	vadd.s32 v9, v2  }
0x321: {  	v2 =	vld [tilespmem:s28+$0x101B0];
	v9 =	vsel vm0, $0x1, v0;
	vm0 =	vlt.f32 v4, v1;
	v4 =	vadd.s32 v7, v3  }
0x322: {  	v3 =	vld [tilespmem:s28+$0x101C0];
	v7 =	vsel vm0, $0x1, v0;
	vm0 =	vlt.f32 v5, v1;
	v5 =	vadd.s32 v9, v4  }
0x323: {  	v4 =	vld [tilespmem:s28+$0x101D0];
	v9 =	vsel vm0, $0x1, v0;
	vm0 =	vlt.f32 v6, v1;
	v6 =	vadd.s32 v7, v5  }
0x324: {  	v5 =	vld [tilespmem:s28+$0x101E0];
	v11 =	vsel vm0, $0x1, v0;
	vm0 =	vlt.f32 v10, v1;
	v9 =	vadd.s32 v9, v6  }
0x325: {  	s25 =	simm.s32 $0x200;
	s26 =	simm.s32 $0x1000;
	v6 =	vld [tilespmem:s28+$0x101F0];
	v7 =	vsel vm0, $0x1, v0;
	vm0 =	vlt.f32 v8, v1;
	v8 =	vadd.s32 v11, v9  }
.LBB2_26:
0x326: {  	p0 =	sne.s32 s26, $0x1F800;
	v9 =	vld [tilespmem:s25+$0x10000];
	v10 =	vsel vm0, $0x1, v0;
	vm0 =	vlt.f32 v2, v1;
	v2 =	vadd.s32 v7, v8  }
0x327: {  	v7 =	vld [tilespmem:s25+$0x10010];
	v8 =	vsel vm0, $0x1, v0;
	vm0 =	vlt.f32 v3, v1;
	v2 =	vadd.s32 v10, v2  }
0x328: {  	v3 =	vld [tilespmem:s25+$0x10020];
	v10 =	vsel vm0, $0x1, v0;
	vm0 =	vlt.f32 v4, v1;
	v2 =	vadd.s32 v8, v2  }
0x329: {  	v4 =	vld [tilespmem:s25+$0x10030];
	v8 =	vsel vm0, $0x1, v0;
	vm0 =	vlt.f32 v5, v1;
	v2 =	vadd.s32 v10, v2  }
0x32a: {  	v5 =	vld [tilespmem:s25+$0x10040];
	v10 =	vsel vm0, $0x1, v0;
	vm0 =	vlt.f32 v6, v1;
	v2 =	vadd.s32 v8, v2  }
0x32b: {  	vm1 =	vlt.f32 v9, v1;
	v6 =	vld [tilespmem:s25+$0x10050];
	v8 =	vsel vm0, $0x1, v0;
	v2 =	vadd.s32 v10, v2  }
0x32c: {  	v9 =	vsel vm1, $0x1, v0;
	vm0 =	vlt.f32 v7, v1;
	v7 =	vld [tilespmem:s25+$0x10060];
	v2 =	vadd.s32 v8, v2  }
0x32d: {  	v8 =	vsel vm0, $0x1, v0;
	vm0 =	vlt.f32 v3, v1;
	v3 =	vld [tilespmem:s25+$0x10070];
	v2 =	vadd.s32 v9, v2  }
0x32e: {  	v9 =	vsel vm0, $0x1, v0;
	vm0 =	vlt.f32 v4, v1;
	v4 =	vld [tilespmem:s25+$0x10080];
	v2 =	vadd.s32 v8, v2  }
0x32f: {  	v8 =	vsel vm0, $0x1, v0;
	vm0 =	vlt.f32 v5, v1;
	v5 =	vld [tilespmem:s25+$0x10090];
	v2 =	vadd.s32 v9, v2  }
0x330: {  	v9 =	vsel vm0, $0x1, v0;
	vm0 =	vlt.f32 v6, v1;
	v6 =	vld [tilespmem:s25+$0x100A0];
	v2 =	vadd.s32 v8, v2  }
0x331: {  	v8 =	vsel vm0, $0x1, v0;
	vm0 =	vlt.f32 v7, v1;
	v7 =	vld [tilespmem:s25+$0x100B0];
	v2 =	vadd.s32 v9, v2  }
0x332: {  	v9 =	vsel vm0, $0x1, v0;
	vm0 =	vlt.f32 v3, v1;
	v3 =	vld [tilespmem:s25+$0x100C0];
	v2 =	vadd.s32 v8, v2  }
0x333: {  	v8 =	vsel vm0, $0x1, v0;
	vm0 =	vlt.f32 v4, v1;
	v4 =	vld [tilespmem:s25+$0x100D0];
	v2 =	vadd.s32 v9, v2  }
0x334: {  	v9 =	vsel vm0, $0x1, v0;
	vm0 =	vlt.f32 v5, v1;
	v5 =	vld [tilespmem:s25+$0x100E0];
	v2 =	vadd.s32 v8, v2  }
0x335: {  	v8 =	vsel vm0, $0x1, v0;
	vm0 =	vlt.f32 v6, v1;
	v6 =	vld [tilespmem:s25+$0x100F0];
	v2 =	vadd.s32 v9, v2  }
0x336: {  	v9 =	vsel vm0, $0x1, v0;
	vm0 =	vlt.f32 v7, v1;
	v7 =	vld [tilespmem:s25+$0x10100];
	v2 =	vadd.s32 v8, v2  }
0x337: {  	v8 =	vsel vm0, $0x1, v0;
	vm0 =	vlt.f32 v3, v1;
	v3 =	vld [tilespmem:s25+$0x10110];
	v2 =	vadd.s32 v9, v2  }
0x338: {  	v9 =	vsel vm0, $0x1, v0;
	vm0 =	vlt.f32 v4, v1;
	v4 =	vld [tilespmem:s25+$0x10120];
	v2 =	vadd.s32 v8, v2  }
0x339: {  	v8 =	vsel vm0, $0x1, v0;
	vm0 =	vlt.f32 v5, v1;
	v5 =	vld [tilespmem:s25+$0x10130];
	v2 =	vadd.s32 v9, v2  }
0x33a: {  	v9 =	vsel vm0, $0x1, v0;
	vm0 =	vlt.f32 v6, v1;
	v6 =	vld [tilespmem:s25+$0x10140];
	v2 =	vadd.s32 v8, v2  }
0x33b: {  	v8 =	vsel vm0, $0x1, v0;
	vm0 =	vlt.f32 v7, v1;
	v7 =	vld [tilespmem:s25+$0x10150];
	v2 =	vadd.s32 v9, v2  }
0x33c: {  	v9 =	vsel vm0, $0x1, v0;
	vm0 =	vlt.f32 v3, v1;
	v3 =	vld [tilespmem:s25+$0x10160];
	v2 =	vadd.s32 v8, v2  }
0x33d: {  	v8 =	vsel vm0, $0x1, v0;
	vm0 =	vlt.f32 v4, v1;
	v4 =	vld [tilespmem:s25+$0x10170];
	v2 =	vadd.s32 v9, v2  }
0x33e: {  	v9 =	vsel vm0, $0x1, v0;
	vm0 =	vlt.f32 v5, v1;
	v5 =	vld [tilespmem:s25+$0x10180];
	v2 =	vadd.s32 v8, v2  }
0x33f: {  	v8 =	vsel vm0, $0x1, v0;
	vm0 =	vlt.f32 v6, v1;
	v6 =	vld [tilespmem:s25+$0x10190];
	v2 =	vadd.s32 v9, v2  }
0x340: {  	v9 =	vsel vm0, $0x1, v0;
	vm0 =	vlt.f32 v7, v1;
	v10 =	vld [tilespmem:s25+$0x101A0];
	v7 =	vadd.s32 v8, v2  }
.Ltmp18:
0x341: {  	v8 =	vsel vm0, $0x1, v0;
	vm0 =	vlt.f32 v3, v1;
	v2 =	vld [tilespmem:s25+$0x101B0];
	v7 =	vadd.s32 v9, v7;
	(pc) =	sbr.rel @p0 .LBB2_26-.Ltmp18, $4  }
0x342: {  	v9 =	vsel vm0, $0x1, v0;
	vm0 =	vlt.f32 v4, v1;
	v3 =	vld [tilespmem:s25+$0x101C0];
	v7 =	vadd.s32 v8, v7  }
0x343: {  	v8 =	vsel vm0, $0x1, v0;
	vm0 =	vlt.f32 v5, v1;
	v4 =	vld [tilespmem:s25+$0x101D0];
	v7 =	vadd.s32 v9, v7  }
0x344: {  	v9 =	vsel vm0, $0x1, v0;
	vm0 =	vlt.f32 v6, v1;
	v5 =	vld [tilespmem:s25+$0x101E0];
	v8 =	vadd.s32 v8, v7  }
0x345: {  	v7 =	vsel vm0, $0x1, v0;
	vm0 =	vlt.f32 v10, v1;
	v6 =	vld [tilespmem:s25+$0x101F0];
	s25 =	sshra.s32 s26, $0x2;
	s26 =	sadd.s32 $0x800, s26;
	v8 =	vadd.s32 v9, v8  }
0x346: {  	v9 =	vld [tilespmem:s25+$0x10000];
	v10 =	vsel vm0, $0x1, v0;
	vm4 =	vlt.f32 v2, v1;
	v2 =	vadd.s32 v7, v8  }
0x347: {  	v59 =	vld [tilespmem:s25+$0x10010];
	v60 =	vsel vm4, $0x1, v0;
	vm5 =	vlt.f32 v3, v1;
	v2 =	vadd.s32 v10, v2  }
0x348: {  	v3 =	vld [tilespmem:s25+$0x10020];
	v61 =	vsel vm5, $0x1, v0;
	vm6 =	vlt.f32 v4, v1;
	v2 =	vadd.s32 v60, v2  }
0x349: {  	v62 =	vld [tilespmem:s25+$0x10030];
	v63 =	vsel vm6, $0x1, v0;
	vm7 =	vlt.f32 v5, v1;
	v2 =	vadd.s32 v61, v2  }
0x34a: {  	v12 =	vld [tilespmem:s25+$0x10040];
	v13 =	vsel vm7, $0x1, v0;
	vm8 =	vlt.f32 v6, v1;
	v2 =	vadd.s32 v63, v2  }
0x34b: {  	v14 =	vld [tilespmem:s25+$0x10050];
	vm1 =	vlt.f32 v9, v1;
	v15 =	vsel vm8, $0x1, v0;
	v2 =	vadd.s32 v13, v2  }
0x34c: {  	v16 =	vld [tilespmem:s25+$0x10060];
	vm9 =	vlt.f32 v59, v1;
	v9 =	vsel vm1, $0x1, v0;
	v2 =	vadd.s32 v15, v2  }
0x34d: {  	v17 =	vsel vm9, $0x1, v0;
	vm10 =	vlt.f32 v3, v1;
	v3 =	vld [tilespmem:s25+$0x10070];
	v2 =	vadd.s32 v9, v2  }
0x34e: {  	v19 =	vld [tilespmem:s25+$0x10080];
	vm11 =	vlt.f32 v62, v1;
	v18 =	vsel vm10, $0x1, v0;
	v2 =	vadd.s32 v17, v2  }
0x34f: {  	v21 =	vld [tilespmem:s25+$0x10090];
	vm12 =	vlt.f32 v12, v1;
	v20 =	vsel vm11, $0x1, v0;
	v2 =	vadd.s32 v18, v2  }
0x350: {  	v23 =	vld [tilespmem:s25+$0x100A0];
	vm13 =	vlt.f32 v14, v1;
	v22 =	vsel vm12, $0x1, v0;
	v2 =	vadd.s32 v20, v2  }
0x351: {  	v25 =	vld [tilespmem:s25+$0x100B0];
	vm14 =	vlt.f32 v16, v1;
	v24 =	vsel vm13, $0x1, v0;
	v2 =	vadd.s32 v22, v2  }
0x352: {  	v26 =	vsel vm14, $0x1, v0;
	vm15 =	vlt.f32 v3, v1;
	v3 =	vld [tilespmem:s25+$0x100C0];
	v2 =	vadd.s32 v24, v2  }
0x353: {  	v28 =	vld [tilespmem:s25+$0x100D0];
	vm4 =	vlt.f32 v19, v1;
	v27 =	vsel vm15, $0x1, v0;
	v2 =	vadd.s32 v26, v2  }
0x354: {  	v30 =	vld [tilespmem:s25+$0x100E0];
	vm5 =	vlt.f32 v21, v1;
	v29 =	vsel vm4, $0x1, v0;
	v2 =	vadd.s32 v27, v2  }
0x355: {  	v32 =	vld [tilespmem:s25+$0x100F0];
	vm6 =	vlt.f32 v23, v1;
	v31 =	vsel vm5, $0x1, v0;
	v2 =	vadd.s32 v29, v2  }
0x356: {  	v34 =	vld [tilespmem:s25+$0x10100];
	vm7 =	vlt.f32 v25, v1;
	v33 =	vsel vm6, $0x1, v0;
	v2 =	vadd.s32 v31, v2  }
0x357: {  	v35 =	vsel vm7, $0x1, v0;
	vm8 =	vlt.f32 v3, v1;
	v3 =	vld [tilespmem:s25+$0x10110];
	v2 =	vadd.s32 v33, v2  }
0x358: {  	v37 =	vld [tilespmem:s25+$0x10120];
	vm9 =	vlt.f32 v28, v1;
	v36 =	vsel vm8, $0x1, v0;
	v2 =	vadd.s32 v35, v2  }
0x359: {  	v39 =	vld [tilespmem:s25+$0x10130];
	v38 =	vsel vm9, $0x1, v0;
	vm10 =	vlt.f32 v30, v1;
	v2 =	vadd.s32 v36, v2  }
0x35a: {  	v41 =	vld [tilespmem:s25+$0x10140];
	vm11 =	vlt.f32 v32, v1;
	v40 =	vsel vm10, $0x1, v0;
	v2 =	vadd.s32 v38, v2  }
0x35b: {  	v43 =	vld [tilespmem:s25+$0x10150];
	vm12 =	vlt.f32 v34, v1;
	v42 =	vsel vm11, $0x1, v0;
	v2 =	vadd.s32 v40, v2  }
0x35c: {  	v44 =	vsel vm12, $0x1, v0;
	vm13 =	vlt.f32 v3, v1;
	v3 =	vld [tilespmem:s25+$0x10160];
	v2 =	vadd.s32 v42, v2  }
0x35d: {  	v46 =	vld [tilespmem:s25+$0x10170];
	vm14 =	vlt.f32 v37, v1;
	v45 =	vsel vm13, $0x1, v0;
	v2 =	vadd.s32 v44, v2  }
0x35e: {  	v48 =	vld [tilespmem:s25+$0x10180];
	v47 =	vsel vm14, $0x1, v0;
	vm15 =	vlt.f32 v39, v1;
	v2 =	vadd.s32 v45, v2  }
0x35f: {  	v50 =	vld [tilespmem:s25+$0x10190];
	vm4 =	vlt.f32 v41, v1;
	v49 =	vsel vm15, $0x1, v0;
	v2 =	vadd.s32 v47, v2  }
0x360: {  	v52 =	vld [tilespmem:s25+$0x101A0];
	vm5 =	vlt.f32 v43, v1;
	v51 =	vsel vm4, $0x1, v0;
	v2 =	vadd.s32 v49, v2  }
0x361: {  	v53 =	vsel vm5, $0x1, v0;
	vm6 =	vlt.f32 v3, v1;
	v3 =	vld [tilespmem:s25+$0x101B0];
	v2 =	vadd.s32 v51, v2  }
0x362: {  	v55 =	vld [tilespmem:s25+$0x101C0];
	vm7 =	vlt.f32 v46, v1;
	v54 =	vsel vm6, $0x1, v0;
	v2 =	vadd.s32 v53, v2  }
0x363: {  	v57 =	vld [tilespmem:s25+$0x101D0];
	v56 =	vsel vm7, $0x1, v0;
	vm8 =	vlt.f32 v48, v1;
	v2 =	vadd.s32 v54, v2  }
0x364: {  	v59 =	vld [tilespmem:s25+$0x101E0];
	vm9 =	vlt.f32 v50, v1;
	v58 =	vsel vm8, $0x1, v0;
	v2 =	vadd.s32 v56, v2  }
0x365: {  	v61 =	vld [tilespmem:s25+$0x101F0];
	v60 =	vsel vm9, $0x1, v0;
	vm10 =	vlt.f32 v52, v1;
	v2 =	vadd.s32 v58, v2  }
0x366: {  	v62 =	vsel vm10, $0x1, v0;
	vm11 =	vlt.f32 v3, v1;
	v2 =	vadd.s32 v60, v2  }
0x367: {  	vm12 =	vlt.f32 v55, v1;
	v3 =	vsel vm11, $0x1, v0;
	v2 =	vadd.s32 v62, v2  }
0x368: {  	v4 =	vsel vm12, $0x1, v0;
	vm13 =	vlt.f32 v57, v1;
	v2 =	vadd.s32 v3, v2  }
0x369: {  	vm14 =	vlt.f32 v59, v1;
	v3 =	vsel vm13, $0x1, v0;
	v2 =	vadd.s32 v4, v2  }
0x36a: {  	v63 =	vsel vm14, $0x1, v0;
	vm15 =	vlt.f32 v61, v1;
	v1 =	vadd.s32 v3, v2  }
0x36b: {  	v2 =	vsel vm15, $0x1, v0;
	v1 =	vadd.s32 v63, v1  }
0x36c: {  	v1 =	vadd.s32 v2, v1  }
0x36d: {  	(v2sf) =	vpush v1, $0x0  }
0x36e: {  	(v2sf) =	vpush v1, $0x1  }
0x36f: {  	(v2sf) =	vpush v1, $0x2  }
0x370: {  	(v2sf) =	vpush v1, $0x3  }
0x371: {  	(v2sf) =	vpush v1, $0x4  }
0x372: {  	(v2sf) =	vpush v1, $0x5  }
0x373: {  	(v2sf) =	vpush v1, $0x6  }
0x374: {  	(v2sf) =	vpush v1, $0x7  }
0x375: {  	(v2sf) =	vpush v1, $0x8  }
0x376: {  	(v2sf) =	vpush v1, $0x9  }
0x377: {  	(v2sf) =	vpush v1, $0xA  }
0x378: {  	(v2sf) =	vpush v1, $0xB  }
0x379: {  	(v2sf) =	vpush v1, $0xC  }
0x37a: {  	(v2sf) =	vpush v1, $0xD  }
0x37b: {  	(v2sf) =	vpush v1, $0xE  }
0x37c: {  	s0 =	spop (v2sf);
	(v2sf) =	vpush v1, $0xF  }
0x37d: {  	s1 =	spop (v2sf)  }
0x37e: {  	s3 =	spop (v2sf);
	s0 =	sadd.s32 s1, s0  }
0x37f: {  	s5 =	spop (v2sf);
	s0 =	sadd.s32 s3, s0  }
0x380: {  	s6 =	spop (v2sf);
	s0 =	sadd.s32 s5, s0  }
0x381: {  	s7 =	spop (v2sf);
	s0 =	sadd.s32 s6, s0  }
0x382: {  	s15 =	spop (v2sf);
	s0 =	sadd.s32 s7, s0  }
0x383: {  	s25 =	spop (v2sf);
	s0 =	sadd.s32 s15, s0  }
0x384: {  	s26 =	spop (v2sf);
	s0 =	sadd.s32 s25, s0  }
0x385: {  	s28 =	spop (v2sf);
	s0 =	sadd.s32 s26, s0  }
0x386: {  	s29 =	spop (v2sf);
	s0 =	sadd.s32 s28, s0  }
0x387: {  	s30 =	spop (v2sf);
	s0 =	sadd.s32 s29, s0  }
0x388: {  	s31 =	spop (v2sf);
	s0 =	sadd.s32 s30, s0  }
0x389: {  	s4 =	spop (v2sf);
	s0 =	sadd.s32 s31, s0  }
0x38a: {  	s3 =	sld [smem:$0x4];
	s5 =	spop (v2sf);
	s0 =	sadd.s32 s4, s0  }
0x38b: {  	s25 =	sld [smem:$0x3];
	s0 =	sadd.s32 s5, s0;
	s6 =	spop (v2sf)  }
0x38c: {  	s0 =	sadd.s32 s6, s0  }
0x38d: {  	p0 =	slt.s32 s0, $0x100;
	s26 =	smov.u32 s0  }
0x38e: {  	s25 =	smov.u32 @p0 s0;
	s26 =	smov.u32 @p0 s3  }
0x38f: {  	s7 =	ssub.s32 s26, s25  }
0x390: {  	s1 =	scvt.s32.f32 s7;
	_ =	sdelay $0x1  }
0x391: {  	s15 =	ssub.s32 $0x7EF311C3, s1  }
0x392: {  	s4 =	sld [smem:$0x1];
	s5 =	smul.f32 s15, s1  }
0x393: {  	s6 =	sld [smem:$0x2]  }
0x394: {  	s5 =	ssub.f32 $2.000000000e+00, s5;
	_ =	sdelay $0x1  }
0x395: {  	s7 =	smov.u32 s23;
	s3 =	smul.f32 s15, s5  }
0x396: {  	s4 =	smov.u32 @p0 s23;
	s7 =	smov.u32 @p0 s6  }
0x397: {  	s5 =	ssub.s32 s7, s4;
	s1 =	smul.f32 s1, s3  }
0x398: {  	s28 =	sand.u32 $0x1, s5;
	s15 =	sshrl.u32 s5, $0x1  }
0x399: {  	s6 =	sor.u32 s15, s28;
	s1 =	ssub.f32 $2.000000000e+00, s1  }
0x39a: {  	s28 =	ssub.s32 $0x100, s25;
	s6 =	scvt.s32.f32 s6  }
0x39b: {  	s28 =	scvt.s32.f32 s28;
	s1 =	smul.f32 s1, s3  }
0x39c: {  	s3 =	sadd.f32 s6, s6;
	s6 =	scvt.s32.f32 s5  }
0x39d: {  	p0 =	slt.s32 s5, $0x0;
	s1 =	smul.f32 s28, s1  }
0x39e: {  	s6 =	smov.u32 @p0 s3  }
0x39f: {  	s1 =	smul.f32 s6, s1  }
0x3a0: {  	s29 =	ssub.s32 $0x100, s0  }
0x3a1: {  	s3 =	scvt.s32.f32 s29;
	s6 =	ssub.f32 s1, s17  }
0x3a2: {  	_ = 	snop  }
0x3a3: {  	s3 =	smul.f32 s3, s21;
	s6 =	scvt.f32.s32 s6  }
0x3a4: {  	p0 =	slt.f32 s1, s17;
	s1 =	scvt.f32.s32 s1  }
0x3a5: {  	s3 =	sadd.f32 s24, s3;
	s6 =	sxor.u32 $0x80000000, s6  }
0x3a6: {  	s6 =	smov.u32 @p0 s1;
	p0 =	slt.u32 s22, $0x7  }
0x3a7: {  	p1 =	slt.s32 s3, $0x0;
	s15 =	smov.u32 @p0 s6  }
0x3a8: {  	s1 =	sxor.u32 $0xFFFFFFFF, s3;
	s3 =	sor.u32 $0x80000000, s3;
	s6 =	sadd.s32 s4, s15  }
0x3a9: {  	s3 =	smov.u32 @p1 s1;
	p1 =	seq.s32 s7, $0xFF800000;
	s1 =	smov.u32 s6  }
0x3aa: {  	p2 =	seq.s32 s4, $0x0;
	s1 =	smov.u32 @p1 s3  }
0x3ab: {  	s1 =	smov.u32 @p2 s3  }
0x3ac: {  	s30 =	sadd.s32 $0x1, s4;
	s31 =	sadd.s32 $0xFFFFFFFF, s7;
	s6 =	smov.u32 @p0 s1  }
0x3ad: {  	s24 =	smov.u32 s7;
	p1 =	seq.s32 s0, $0x100;
	s0 =	smax.u32 s30, s6  }
0x3ae: {  	s24 =	smov.u32 @p1 s23;
	s23 =	smin.u32 s31, s0  }
0x3af: {  	[smem:$0x0] =	sst s23  }
0x3b0: {  	[smem:$0x1] =	sst s4  }
.Ltmp19:
0x3b1: {  	p6 =	slt.u32 s5, $0x2;
	[smem:$0x2] =	sst s7;
	(pc) =	sbr.rel .LBB2_28-.Ltmp19, $4  }
0x3b2: {  	p0 =	por p1, p6;
	[smem:$0x3] =	sst s25;
	s25 =	simm.s32 $0x1  }
0x3b3: {  	[smem:$0x4] =	sst s26;
	s25 =	simm.s32 @!p0 $0x0  }
0x3b4: {  	[smem:$0x5] =	sst s25  }
0x3b5: {  	[smem:$0x6] =	sst s24  }
.LBB2_29:
0x3b6: {  	p0 =	sgt.s32 s24, $0xFFFFFFFF;
	s0 =	simm.s32 $0xFFFFFFFF;
	s21 =	simm.s32 $0x0  }
0x3b7: {  	s0 =	simm.s32 @!p0 $0x80000000;
	v2 =	vld [tilespmem:s21+$0x10000]  }
0x3b8: {  	v3 =	vld [tilespmem:s21+$0x10010];
	s0 =	sxor.u32 s24, s0  }
0x3b9: {  	v4 =	vld [tilespmem:s21+$0x10020];
	v1 =	vmov s0  }
0x3ba: {  	v5 =	vld [tilespmem:s21+$0x10030];
	v1 =	vbroadcast v1, $0x0  }
0x3bb: {  	v6 =	vld [tilespmem:s21+$0x10040]  }
0x3bc: {  	v7 =	vld [tilespmem:s21+$0x10050];
	vm0 =	vlt.f32 v2, v1  }
0x3bd: {  	v8 =	vld [tilespmem:s21+$0x10060];
	v2 =	vsel vm0, $0x0, v2;
	vm0 =	vlt.f32 v3, v1  }
0x3be: {  	v9 =	vld [tilespmem:s21+$0x10070];
	[tilespmem:s21+$0x10000] =	vst v2;
	v2 =	vsel vm0, $0x0, v3;
	vm0 =	vlt.f32 v4, v1  }
0x3bf: {  	v10 =	vld [tilespmem:s21+$0x10080];
	[tilespmem:s21+$0x10010] =	vst v2;
	v2 =	vsel vm0, $0x0, v4;
	vm0 =	vlt.f32 v5, v1  }
0x3c0: {  	v3 =	vld [tilespmem:s21+$0x10090];
	[tilespmem:s21+$0x10020] =	vst v2;
	v2 =	vsel vm0, $0x0, v5;
	vm0 =	vlt.f32 v6, v1  }
0x3c1: {  	[tilespmem:s21+$0x10030] =	vst v2;
	v4 =	vsel vm0, $0x0, v6;
	v2 =	vld [tilespmem:s21+$0x100A0];
	vm0 =	vlt.f32 v7, v1  }
0x3c2: {  	[tilespmem:s21+$0x10040] =	vst v4;
	v5 =	vsel vm0, $0x0, v7;
	v4 =	vld [tilespmem:s21+$0x100B0];
	vm0 =	vlt.f32 v8, v1  }
0x3c3: {  	[tilespmem:s21+$0x10050] =	vst v5;
	v6 =	vsel vm0, $0x0, v8;
	v5 =	vld [tilespmem:s21+$0x100C0];
	vm0 =	vlt.f32 v9, v1  }
0x3c4: {  	[tilespmem:s21+$0x10060] =	vst v6;
	v7 =	vsel vm0, $0x0, v9;
	v6 =	vld [tilespmem:s21+$0x100D0];
	vm0 =	vlt.f32 v10, v1  }
0x3c5: {  	s22 =	simm.s32 $0x400;
	[tilespmem:s21+$0x10070] =	vst v7;
	v8 =	vsel vm0, $0x0, v10;
	vm0 =	vlt.f32 v3, v1;
	v7 =	vld [tilespmem:s21+$0x100E0]  }
.LBB2_30:
0x3c6: {  	s0 =	sshra.s32 s22, $0x2;
	p0 =	sne.s32 s22, $0x1FC00;
	[tilespmem:s21+$0x10080] =	vst v8;
	v3 =	vsel vm0, $0x0, v3;
	vm0 =	vlt.f32 v2, v1;
	v8 =	vld [tilespmem:s21+$0x100F0]  }
0x3c7: {  	v9 =	vld [tilespmem:s0+$0x10000];
	[tilespmem:s21+$0x10090] =	vst v3;
	v2 =	vsel vm0, $0x0, v2;
	vm0 =	vlt.f32 v4, v1  }
0x3c8: {  	v3 =	vld [tilespmem:s0+$0x10010];
	[tilespmem:s21+$0x100A0] =	vst v2;
	v2 =	vsel vm0, $0x0, v4;
	vm0 =	vlt.f32 v5, v1  }
0x3c9: {  	v4 =	vld [tilespmem:s0+$0x10020];
	[tilespmem:s21+$0x100B0] =	vst v2;
	v2 =	vsel vm0, $0x0, v5;
	vm0 =	vlt.f32 v6, v1  }
0x3ca: {  	v5 =	vld [tilespmem:s0+$0x10030];
	[tilespmem:s21+$0x100C0] =	vst v2;
	v2 =	vsel vm0, $0x0, v6;
	vm0 =	vlt.f32 v7, v1  }
0x3cb: {  	v6 =	vld [tilespmem:s0+$0x10040];
	[tilespmem:s21+$0x100D0] =	vst v2;
	v2 =	vsel vm0, $0x0, v7;
	vm0 =	vlt.f32 v8, v1  }
0x3cc: {  	vm1 =	vlt.f32 v9, v1;
	v7 =	vld [tilespmem:s0+$0x10050];
	[tilespmem:s21+$0x100E0] =	vst v2;
	v2 =	vsel vm0, $0x0, v8  }
0x3cd: {  	v8 =	vsel vm1, $0x0, v9;
	vm0 =	vlt.f32 v3, v1;
	v9 =	vld [tilespmem:s0+$0x10060];
	[tilespmem:s21+$0x100F0] =	vst v2;
	s21 =	smov.u32 s0  }
0x3ce: {  	[tilespmem:s21+$0x10000] =	vst v8;
	v2 =	vsel vm0, $0x0, v3;
	vm0 =	vlt.f32 v4, v1;
	v8 =	vld [tilespmem:s21+$0x10070]  }
0x3cf: {  	[tilespmem:s21+$0x10010] =	vst v2;
	v2 =	vsel vm0, $0x0, v4;
	vm0 =	vlt.f32 v5, v1;
	v10 =	vld [tilespmem:s21+$0x10080]  }
0x3d0: {  	[tilespmem:s21+$0x10020] =	vst v2;
	v2 =	vsel vm0, $0x0, v5;
	vm0 =	vlt.f32 v6, v1;
	v3 =	vld [tilespmem:s21+$0x10090]  }
.Ltmp20:
0x3d1: {  	[tilespmem:s21+$0x10030] =	vst v2;
	v4 =	vsel vm0, $0x0, v6;
	vm0 =	vlt.f32 v7, v1;
	v2 =	vld [tilespmem:s21+$0x100A0];
	(pc) =	sbr.rel @p0 .LBB2_30-.Ltmp20, $4  }
0x3d2: {  	[tilespmem:s21+$0x10040] =	vst v4;
	v5 =	vsel vm0, $0x0, v7;
	vm0 =	vlt.f32 v9, v1;
	v4 =	vld [tilespmem:s21+$0x100B0]  }
0x3d3: {  	[tilespmem:s21+$0x10050] =	vst v5;
	v6 =	vsel vm0, $0x0, v9;
	vm0 =	vlt.f32 v8, v1;
	v5 =	vld [tilespmem:s21+$0x100C0]  }
0x3d4: {  	[tilespmem:s21+$0x10060] =	vst v6;
	v7 =	vsel vm0, $0x0, v8;
	vm0 =	vlt.f32 v10, v1;
	v6 =	vld [tilespmem:s21+$0x100D0]  }
0x3d5: {  	s22 =	sadd.s32 $0x400, s22;
	[tilespmem:s21+$0x10070] =	vst v7;
	v8 =	vsel vm0, $0x0, v10;
	vm0 =	vlt.f32 v3, v1;
	v7 =	vld [tilespmem:s21+$0x100E0]  }
0x3d6: {  	[tilespmem:s21+$0x10080] =	vst v8;
	v3 =	vsel vm0, $0x0, v3;
	vm10 =	vlt.f32 v2, v1;
	v8 =	vld [tilespmem:s21+$0x100F0]  }
0x3d7: {  	[tilespmem:s21+$0x10090] =	vst v3;
	v2 =	vsel vm10, $0x0, v2;
	vm11 =	vlt.f32 v4, v1  }
0x3d8: {  	[tilespmem:s21+$0x100A0] =	vst v2;
	v2 =	vsel vm11, $0x0, v4;
	vm12 =	vlt.f32 v5, v1  }
0x3d9: {  	[tilespmem:s21+$0x100B0] =	vst v2;
	v2 =	vsel vm12, $0x0, v5;
	vm13 =	vlt.f32 v6, v1  }
0x3da: {  	[tilespmem:s21+$0x100C0] =	vst v2;
	v2 =	vsel vm13, $0x0, v6;
	vm14 =	vlt.f32 v7, v1  }
0x3db: {  	[tilespmem:s21+$0x100D0] =	vst v2;
	v2 =	vsel vm14, $0x0, v7;
	vm15 =	vlt.f32 v8, v1  }
0x3dc: {  	[tilespmem:s21+$0x100E0] =	vst v2;
	v1 =	vsel vm15, $0x0, v8  }
0x3dd: {  	s0 =	simm.s32 $0x10000;
	[tilespmem:s21+$0x100F0] =	vst v1  }
0x3de: {  	[hbm4b:s9+s12] =	stream.strided.scatter [tilespmem:s0], [sflag:$0x3], $0x8000, s13, s12, $0x38;
	[tilespmem:$0x18000] =	vst v63  }
0x3df: {  	_ =	swait.ge [sflag:s16], $0x8000  }
0x3e0: {  	[sflag:s16] =	ssyncset.done $0x0  }
0x3e1: {  	s31 =	simm.s32 $0x20;
	[sflag:s16] =	ssyncadd.s32 $0xFFFF8000  }
0x3e2: {  	v2 =	vld [tilespmem:s31+$0xFFFFFFE0];
	_ =	sdelay $0x1  }
0x3e3: {  	v3 =	vld [tilespmem:s31+$0xFFFFFFF0];
	_ =	sdelay $0x1  }
0x3e4: {  	v1 =	vld [tilespmem:s31+$0x0]  }
0x3e5: {  	v4 =	vimm.f32 $0.0e+00;
	v5 =	vand.u32 $0x7FFFFFFF, v2  }
0x3e6: {  	v6 =	vadd.f32 v2, v4;
	v2 =	vld [tilespmem:s31+$0x10];
	v4 =	vadd.f32 v5, v4  }
0x3e7: {  	s22 =	simm.s32 $0x60;
	s21 =	simm.s32 $0x0;
	v5 =	vand.u32 $0x7FFFFFFF, v3  }
.LBB2_32:
0x3e8: {  	v7 =	vld [tilespmem:s22+$0xFFFFFFE0];
	s21 =	sadd.s32 $0x4, s21;
	v6 =	vadd.f32 v3, v6;
	v4 =	vadd.f32 v5, v4  }
0x3e9: {  	p0 =	slt.u32 s21, $0x1FC;
	v5 =	vand.u32 $0x7FFFFFFF, v1  }
0x3ea: {  	v3 =	vld [tilespmem:s22+$0xFFFFFFF0];
	v6 =	vadd.f32 v1, v6;
	v4 =	vadd.f32 v5, v4  }
.Ltmp21:
0x3eb: {  	v5 =	vand.u32 $0x7FFFFFFF, v2;
	(pc) =	sbr.rel @p0 .LBB2_32-.Ltmp21, $4  }
0x3ec: {  	v1 =	vld [tilespmem:s22+$0x0];
	v2 =	vadd.f32 v2, v6;
	v4 =	vadd.f32 v5, v4  }
0x3ed: {  	v5 =	vand.u32 $0x7FFFFFFF, v7  }
0x3ee: {  	v6 =	vadd.f32 v7, v2;
	v4 =	vadd.f32 v5, v4;
	v2 =	vld [tilespmem:s22+$0x10]  }
0x3ef: {  	s22 =	sadd.s32 $0x40, s22;
	v5 =	vand.u32 $0x7FFFFFFF, v3  }
0x3f0: {  	v3 =	vadd.f32 v3, v6;
	_ =	sdelay $0x1  }
0x3f1: {  	v3 =	vadd.f32 v1, v3;
	_ =	sdelay $0x1  }
0x3f2: {  	v3 =	vadd.f32 v2, v3;
	_ =	sdelay $0x1  }
0x3f3: {  	(v2sf) =	vpush v3, $0x0  }
0x3f4: {  	(v2sf) =	vpush v3, $0x1  }
0x3f5: {  	(v2sf) =	vpush v3, $0x2  }
0x3f6: {  	(v2sf) =	vpush v3, $0x3  }
0x3f7: {  	(v2sf) =	vpush v3, $0x4  }
0x3f8: {  	(v2sf) =	vpush v3, $0x5  }
0x3f9: {  	(v2sf) =	vpush v3, $0x6  }
0x3fa: {  	(v2sf) =	vpush v3, $0x7  }
0x3fb: {  	(v2sf) =	vpush v3, $0x8  }
0x3fc: {  	(v2sf) =	vpush v3, $0x9  }
0x3fd: {  	v4 =	vadd.f32 v5, v4;
	(v2sf) =	vpush v3, $0xA  }
0x3fe: {  	v1 =	vand.u32 $0x7FFFFFFF, v1;
	(v2sf) =	vpush v3, $0xB  }
0x3ff: {  	v1 =	vadd.f32 v1, v4;
	(v2sf) =	vpush v3, $0xC  }
0x400: {  	v2 =	vand.u32 $0x7FFFFFFF, v2;
	(v2sf) =	vpush v3, $0xD  }
0x401: {  	v1 =	vadd.f32 v2, v1;
	(v2sf) =	vpush v3, $0xE  }
0x402: {  	s0 =	spop (v2sf);
	(v2sf) =	vpush v3, $0xF  }
0x403: {  	s1 =	spop (v2sf);
	(v2sf) =	vpush v1, $0x0  }
0x404: {  	s3 =	spop (v2sf);
	(v2sf) =	vpush v1, $0x1  }
0x405: {  	s4 =	spop (v2sf)  }
0x406: {  	(v2sf) =	vpush v1, $0x2;
	s5 =	spop (v2sf)  }
0x407: {  	s6 =	spop (v2sf)  }
0x408: {  	(v2sf) =	vpush v1, $0x3;
	s7 =	spop (v2sf)  }
0x409: {  	s15 =	spop (v2sf)  }
0x40a: {  	(v2sf) =	vpush v1, $0x4;
	s21 =	spop (v2sf)  }
0x40b: {  	s22 =	spop (v2sf)  }
0x40c: {  	(v2sf) =	vpush v1, $0x5;
	s23 =	spop (v2sf)  }
0x40d: {  	s24 =	spop (v2sf)  }
0x40e: {  	(v2sf) =	vpush v1, $0x6;
	s25 =	spop (v2sf)  }
0x40f: {  	s26 =	spop (v2sf)  }
0x410: {  	(v2sf) =	vpush v1, $0x7;
	s28 =	spop (v2sf)  }
0x411: {  	s29 =	spop (v2sf)  }
0x412: {  	(v2sf) =	vpush v1, $0x8;
	s30 =	spop (v2sf)  }
0x413: {  	s31 =	spop (v2sf)  }
0x414: {  	(v2sf) =	vpush v1, $0x9;
	s30 =	sadd.f32 s31, s30  }
0x415: {  	s31 =	spop (v2sf)  }
0x416: {  	(v2sf) =	vpush v1, $0xA;
	s30 =	sadd.f32 s30, s31  }
0x417: {  	s0 =	sadd.f32 s1, s0;
	s31 =	spop (v2sf)  }
0x418: {  	(v2sf) =	vpush v1, $0xB;
	s1 =	sadd.f32 s30, s31  }
0x419: {  	s0 =	sadd.f32 s0, s3;
	s31 =	spop (v2sf)  }
0x41a: {  	(v2sf) =	vpush v1, $0xC;
	s1 =	sadd.f32 s1, s31  }
0x41b: {  	s0 =	sadd.f32 s0, s4;
	s4 =	spop (v2sf)  }
0x41c: {  	(v2sf) =	vpush v1, $0xD;
	s1 =	sadd.f32 s1, s4  }
0x41d: {  	s0 =	sadd.f32 s0, s5;
	s5 =	spop (v2sf)  }
0x41e: {  	(v2sf) =	vpush v1, $0xE;
	s1 =	sadd.f32 s1, s5  }
0x41f: {  	s0 =	sadd.f32 s0, s6;
	s6 =	spop (v2sf)  }
0x420: {  	(v2sf) =	vpush v1, $0xF;
	s1 =	sadd.f32 s1, s6  }
0x421: {  	s0 =	sadd.f32 s0, s7;
	s7 =	spop (v2sf)  }
0x422: {  	s1 =	sadd.f32 s1, s7  }
0x423: {  	s0 =	sadd.f32 s0, s15;
	s15 =	spop (v2sf)  }
0x424: {  	s1 =	sadd.f32 s1, s15  }
0x425: {  	s0 =	sadd.f32 s0, s21;
	s21 =	spop (v2sf)  }
0x426: {  	s1 =	sadd.f32 s1, s21  }
0x427: {  	s0 =	sadd.f32 s0, s22;
	s22 =	spop (v2sf)  }
0x428: {  	s1 =	sadd.f32 s1, s22  }
0x429: {  	s0 =	sadd.f32 s0, s23;
	s23 =	spop (v2sf)  }
0x42a: {  	s1 =	sadd.f32 s1, s23  }
0x42b: {  	s0 =	sadd.f32 s0, s24;
	s24 =	spop (v2sf)  }
0x42c: {  	s1 =	sadd.f32 s1, s24  }
0x42d: {  	s0 =	sadd.f32 s0, s25;
	s25 =	spop (v2sf)  }
0x42e: {  	s1 =	sadd.f32 s1, s25  }
0x42f: {  	s0 =	sadd.f32 s0, s26;
	s30 =	spop (v2sf)  }
0x430: {  	s1 =	sadd.f32 s1, s30  }
0x431: {  	s0 =	sadd.f32 s0, s28  }
0x432: {  	s1 =	smul.f32 $1.220703130e-04, s1  }
0x433: {  	s0 =	sadd.f32 s0, s29  }
0x434: {  	s1 =	smul.f32 $1.253314140e+00, s1  }
0x435: {  	s0 =	smul.f32 $1.220703130e-04, s0  }
0x436: {  	s31 =	smul.f32 $-2.417700050e+00, s1;
	_ =	sdelay $0x1  }
0x437: {  	s0 =	sadd.f32 s31, s0;
	_ =	sdelay $0x1  }
0x438: {  	s3 =	smin.u32 s0, $0xFFFFFFFE  }
0x439: {  	p0 =	slt.s32 s0, $0x0;
	s0 =	sor.u32 $0x80000000, s0;
	s3 =	sxor.u32 $0xFFFFFFFF, s3  }
0x43a: {  	s0 =	smov.u32 @p0 s3  }
0x43b: {  	s22 =	smin.u32 s0, $0xFF7FFFFF  }
0x43c: {  	s21 =	simm.s32 $0x0;
	[smem:$0x0] =	sst s22  }
0x43d: {  	s24 =	simm.s32 $0xFF800000;
	[smem:$0x1] =	sst s21  }
.Ltmp22:
0x43e: {  	[smem:$0x2] =	sst s24;
	(pc) =	sbr.rel .LBB2_34-.Ltmp22, $4  }
0x43f: {  	[smem:$0x3] =	sst s21  }
0x440: {  	[smem:$0x4] =	sst s14  }
0x441: {  	[smem:$0x5] =	sst s21  }
0x442: {  	s25 =	simm.s32 $0x0;
	s23 =	smul.f32 $1.471000030e-03, s1;
	[smem:$0x6] =	sst s24  }
.LBB2_38:
0x443: {  	s21 =	sadd.s32 $0x1, s21  }
0x444: {  	p0 =	sne.s32 s21, $0x28  }
.Ltmp23:
0x445: {  	_ = 	snop;
	(pc) =	sbr.rel @!p0 .LBB2_39-.Ltmp23, $1  }
0x446: {  	_ =	sdelay $0x3  }
.LBB2_34:
0x447: {  	p0 =	sne.s32 s25, $0x0  }
.Ltmp24:
0x448: {  	_ = 	snop;
	(pc) =	sbr.rel @p0 .LBB2_38-.Ltmp24, $2  }
0x449: {  	_ =	sdelay $0x2  }
0x44a: {  	s25 =	simm.s32 $0x1  }
0x44b: {  	s28 =	simm.s32 $0x0  }
0x44c: {  	v2 =	vld [tilespmem:s28+$0x0]  }
0x44d: {  	p0 =	sgt.s32 s22, $0xFFFFFFFF;
	s0 =	simm.s32 $0xFFFFFFFF;
	v3 =	vld [tilespmem:s28+$0x10]  }
0x44e: {  	s0 =	simm.s32 @!p0 $0x80000000;
	v4 =	vld [tilespmem:s28+$0x20]  }
0x44f: {  	v5 =	vld [tilespmem:s28+$0x30];
	s24 =	sxor.u32 s22, s0  }
0x450: {  	v6 =	vld [tilespmem:s28+$0x40];
	v1 =	vmov s24  }
0x451: {  	vm0 =	vlt.f32 v2, v1;
	v2 =	vld [tilespmem:s28+$0x50]  }
0x452: {  	v7 =	vimm.s32 $0x0;
	v8 =	vsel vm0, $0x1, v0;
	vm0 =	vlt.f32 v3, v1;
	v3 =	vld [tilespmem:s28+$0x60]  }
0x453: {  	v9 =	vsel vm0, $0x1, v0;
	vm0 =	vlt.f32 v4, v1;
	v4 =	vld [tilespmem:s28+$0x70];
	v7 =	vadd.s32 v8, v7  }
0x454: {  	v8 =	vsel vm0, $0x1, v0;
	vm0 =	vlt.f32 v5, v1;
	v5 =	vld [tilespmem:s28+$0x80];
	v7 =	vadd.s32 v9, v7  }
0x455: {  	v9 =	vsel vm0, $0x1, v0;
	vm0 =	vlt.f32 v6, v1;
	v6 =	vld [tilespmem:s28+$0x90];
	v7 =	vadd.s32 v8, v7  }
0x456: {  	v8 =	vsel vm0, $0x1, v0;
	vm0 =	vlt.f32 v2, v1;
	v2 =	vld [tilespmem:s28+$0xA0];
	v7 =	vadd.s32 v9, v7  }
0x457: {  	v9 =	vsel vm0, $0x1, v0;
	vm0 =	vlt.f32 v3, v1;
	v3 =	vld [tilespmem:s28+$0xB0];
	v7 =	vadd.s32 v8, v7  }
0x458: {  	v8 =	vsel vm0, $0x1, v0;
	vm0 =	vlt.f32 v4, v1;
	v4 =	vld [tilespmem:s28+$0xC0];
	v7 =	vadd.s32 v9, v7  }
0x459: {  	v9 =	vsel vm0, $0x1, v0;
	vm0 =	vlt.f32 v5, v1;
	v5 =	vld [tilespmem:s28+$0xD0];
	v7 =	vadd.s32 v8, v7  }
0x45a: {  	v8 =	vsel vm0, $0x1, v0;
	vm0 =	vlt.f32 v6, v1;
	v6 =	vld [tilespmem:s28+$0xE0];
	v7 =	vadd.s32 v9, v7  }
0x45b: {  	v9 =	vsel vm0, $0x1, v0;
	vm0 =	vlt.f32 v2, v1;
	v2 =	vld [tilespmem:s28+$0xF0];
	v7 =	vadd.s32 v8, v7  }
0x45c: {  	v8 =	vsel vm0, $0x1, v0;
	vm0 =	vlt.f32 v3, v1;
	v3 =	vld [tilespmem:s28+$0x100];
	v7 =	vadd.s32 v9, v7  }
0x45d: {  	v9 =	vsel vm0, $0x1, v0;
	vm0 =	vlt.f32 v4, v1;
	v4 =	vld [tilespmem:s28+$0x110];
	v7 =	vadd.s32 v8, v7  }
0x45e: {  	v8 =	vsel vm0, $0x1, v0;
	vm0 =	vlt.f32 v5, v1;
	v5 =	vld [tilespmem:s28+$0x120];
	v7 =	vadd.s32 v9, v7  }
0x45f: {  	v9 =	vsel vm0, $0x1, v0;
	vm0 =	vlt.f32 v6, v1;
	v6 =	vld [tilespmem:s28+$0x130];
	v7 =	vadd.s32 v8, v7  }
0x460: {  	v8 =	vsel vm0, $0x1, v0;
	vm0 =	vlt.f32 v2, v1;
	v2 =	vld [tilespmem:s28+$0x140];
	v7 =	vadd.s32 v9, v7  }
0x461: {  	v9 =	vsel vm0, $0x1, v0;
	vm0 =	vlt.f32 v3, v1;
	v3 =	vld [tilespmem:s28+$0x150];
	v7 =	vadd.s32 v8, v7  }
0x462: {  	v8 =	vsel vm0, $0x1, v0;
	vm0 =	vlt.f32 v4, v1;
	v4 =	vld [tilespmem:s28+$0x160];
	v7 =	vadd.s32 v9, v7  }
0x463: {  	v9 =	vsel vm0, $0x1, v0;
	vm0 =	vlt.f32 v5, v1;
	v5 =	vld [tilespmem:s28+$0x170];
	v7 =	vadd.s32 v8, v7  }
0x464: {  	v8 =	vsel vm0, $0x1, v0;
	vm0 =	vlt.f32 v6, v1;
	v6 =	vld [tilespmem:s28+$0x180];
	v7 =	vadd.s32 v9, v7  }
0x465: {  	v10 =	vld [tilespmem:s28+$0x190];
	v9 =	vsel vm0, $0x1, v0;
	vm0 =	vlt.f32 v2, v1;
	v2 =	vadd.s32 v8, v7  }
0x466: {  	v8 =	vld [tilespmem:s28+$0x1A0];
	v7 =	vsel vm0, $0x1, v0;
	vm0 =	vlt.f32 v3, v1;
	v3 =	vadd.s32 v9, v2  }
0x467: {  	v2 =	vld [tilespmem:s28+$0x1B0];
	v9 =	vsel vm0, $0x1, v0;
	vm0 =	vlt.f32 v4, v1;
	v4 =	vadd.s32 v7, v3  }
0x468: {  	v3 =	vld [tilespmem:s28+$0x1C0];
	v7 =	vsel vm0, $0x1, v0;
	vm0 =	vlt.f32 v5, v1;
	v5 =	vadd.s32 v9, v4  }
0x469: {  	v4 =	vld [tilespmem:s28+$0x1D0];
	v9 =	vsel vm0, $0x1, v0;
	vm0 =	vlt.f32 v6, v1;
	v6 =	vadd.s32 v7, v5  }
0x46a: {  	v5 =	vld [tilespmem:s28+$0x1E0];
	v11 =	vsel vm0, $0x1, v0;
	vm0 =	vlt.f32 v10, v1;
	v9 =	vadd.s32 v9, v6  }
0x46b: {  	s25 =	simm.s32 $0x200;
	s26 =	simm.s32 $0x1000;
	v6 =	vld [tilespmem:s28+$0x1F0];
	v7 =	vsel vm0, $0x1, v0;
	vm0 =	vlt.f32 v8, v1;
	v8 =	vadd.s32 v11, v9  }
.LBB2_36:
0x46c: {  	p0 =	sne.s32 s26, $0x1F800;
	v9 =	vld [tilespmem:s25+$0x0];
	v10 =	vsel vm0, $0x1, v0;
	vm0 =	vlt.f32 v2, v1;
	v2 =	vadd.s32 v7, v8  }
0x46d: {  	v7 =	vld [tilespmem:s25+$0x10];
	v8 =	vsel vm0, $0x1, v0;
	vm0 =	vlt.f32 v3, v1;
	v2 =	vadd.s32 v10, v2  }
0x46e: {  	v3 =	vld [tilespmem:s25+$0x20];
	v10 =	vsel vm0, $0x1, v0;
	vm0 =	vlt.f32 v4, v1;
	v2 =	vadd.s32 v8, v2  }
0x46f: {  	v4 =	vld [tilespmem:s25+$0x30];
	v8 =	vsel vm0, $0x1, v0;
	vm0 =	vlt.f32 v5, v1;
	v2 =	vadd.s32 v10, v2  }
0x470: {  	v5 =	vld [tilespmem:s25+$0x40];
	v10 =	vsel vm0, $0x1, v0;
	vm0 =	vlt.f32 v6, v1;
	v2 =	vadd.s32 v8, v2  }
0x471: {  	vm1 =	vlt.f32 v9, v1;
	v6 =	vld [tilespmem:s25+$0x50];
	v8 =	vsel vm0, $0x1, v0;
	v2 =	vadd.s32 v10, v2  }
0x472: {  	v9 =	vsel vm1, $0x1, v0;
	vm0 =	vlt.f32 v7, v1;
	v7 =	vld [tilespmem:s25+$0x60];
	v2 =	vadd.s32 v8, v2  }
0x473: {  	v8 =	vsel vm0, $0x1, v0;
	vm0 =	vlt.f32 v3, v1;
	v3 =	vld [tilespmem:s25+$0x70];
	v2 =	vadd.s32 v9, v2  }
0x474: {  	v9 =	vsel vm0, $0x1, v0;
	vm0 =	vlt.f32 v4, v1;
	v4 =	vld [tilespmem:s25+$0x80];
	v2 =	vadd.s32 v8, v2  }
0x475: {  	v8 =	vsel vm0, $0x1, v0;
	vm0 =	vlt.f32 v5, v1;
	v5 =	vld [tilespmem:s25+$0x90];
	v2 =	vadd.s32 v9, v2  }
0x476: {  	v9 =	vsel vm0, $0x1, v0;
	vm0 =	vlt.f32 v6, v1;
	v6 =	vld [tilespmem:s25+$0xA0];
	v2 =	vadd.s32 v8, v2  }
0x477: {  	v8 =	vsel vm0, $0x1, v0;
	vm0 =	vlt.f32 v7, v1;
	v7 =	vld [tilespmem:s25+$0xB0];
	v2 =	vadd.s32 v9, v2  }
0x478: {  	v9 =	vsel vm0, $0x1, v0;
	vm0 =	vlt.f32 v3, v1;
	v3 =	vld [tilespmem:s25+$0xC0];
	v2 =	vadd.s32 v8, v2  }
0x479: {  	v8 =	vsel vm0, $0x1, v0;
	vm0 =	vlt.f32 v4, v1;
	v4 =	vld [tilespmem:s25+$0xD0];
	v2 =	vadd.s32 v9, v2  }
0x47a: {  	v9 =	vsel vm0, $0x1, v0;
	vm0 =	vlt.f32 v5, v1;
	v5 =	vld [tilespmem:s25+$0xE0];
	v2 =	vadd.s32 v8, v2  }
0x47b: {  	v8 =	vsel vm0, $0x1, v0;
	vm0 =	vlt.f32 v6, v1;
	v6 =	vld [tilespmem:s25+$0xF0];
	v2 =	vadd.s32 v9, v2  }
0x47c: {  	v9 =	vsel vm0, $0x1, v0;
	vm0 =	vlt.f32 v7, v1;
	v7 =	vld [tilespmem:s25+$0x100];
	v2 =	vadd.s32 v8, v2  }
0x47d: {  	v8 =	vsel vm0, $0x1, v0;
	vm0 =	vlt.f32 v3, v1;
	v3 =	vld [tilespmem:s25+$0x110];
	v2 =	vadd.s32 v9, v2  }
0x47e: {  	v9 =	vsel vm0, $0x1, v0;
	vm0 =	vlt.f32 v4, v1;
	v4 =	vld [tilespmem:s25+$0x120];
	v2 =	vadd.s32 v8, v2  }
0x47f: {  	v8 =	vsel vm0, $0x1, v0;
	vm0 =	vlt.f32 v5, v1;
	v5 =	vld [tilespmem:s25+$0x130];
	v2 =	vadd.s32 v9, v2  }
0x480: {  	v9 =	vsel vm0, $0x1, v0;
	vm0 =	vlt.f32 v6, v1;
	v6 =	vld [tilespmem:s25+$0x140];
	v2 =	vadd.s32 v8, v2  }
0x481: {  	v8 =	vsel vm0, $0x1, v0;
	vm0 =	vlt.f32 v7, v1;
	v7 =	vld [tilespmem:s25+$0x150];
	v2 =	vadd.s32 v9, v2  }
0x482: {  	v9 =	vsel vm0, $0x1, v0;
	vm0 =	vlt.f32 v3, v1;
	v3 =	vld [tilespmem:s25+$0x160];
	v2 =	vadd.s32 v8, v2  }
0x483: {  	v8 =	vsel vm0, $0x1, v0;
	vm0 =	vlt.f32 v4, v1;
	v4 =	vld [tilespmem:s25+$0x170];
	v2 =	vadd.s32 v9, v2  }
0x484: {  	v9 =	vsel vm0, $0x1, v0;
	vm0 =	vlt.f32 v5, v1;
	v5 =	vld [tilespmem:s25+$0x180];
	v2 =	vadd.s32 v8, v2  }
0x485: {  	v8 =	vsel vm0, $0x1, v0;
	vm0 =	vlt.f32 v6, v1;
	v6 =	vld [tilespmem:s25+$0x190];
	v2 =	vadd.s32 v9, v2  }
0x486: {  	v9 =	vsel vm0, $0x1, v0;
	vm0 =	vlt.f32 v7, v1;
	v10 =	vld [tilespmem:s25+$0x1A0];
	v7 =	vadd.s32 v8, v2  }
.Ltmp25:
0x487: {  	v8 =	vsel vm0, $0x1, v0;
	vm0 =	vlt.f32 v3, v1;
	v2 =	vld [tilespmem:s25+$0x1B0];
	v7 =	vadd.s32 v9, v7;
	(pc) =	sbr.rel @p0 .LBB2_36-.Ltmp25, $4  }
0x488: {  	v9 =	vsel vm0, $0x1, v0;
	vm0 =	vlt.f32 v4, v1;
	v3 =	vld [tilespmem:s25+$0x1C0];
	v7 =	vadd.s32 v8, v7  }
0x489: {  	v8 =	vsel vm0, $0x1, v0;
	vm0 =	vlt.f32 v5, v1;
	v4 =	vld [tilespmem:s25+$0x1D0];
	v7 =	vadd.s32 v9, v7  }
0x48a: {  	v9 =	vsel vm0, $0x1, v0;
	vm0 =	vlt.f32 v6, v1;
	v5 =	vld [tilespmem:s25+$0x1E0];
	v8 =	vadd.s32 v8, v7  }
0x48b: {  	v7 =	vsel vm0, $0x1, v0;
	vm0 =	vlt.f32 v10, v1;
	v6 =	vld [tilespmem:s25+$0x1F0];
	s25 =	sshra.s32 s26, $0x2;
	s26 =	sadd.s32 $0x800, s26;
	v8 =	vadd.s32 v9, v8  }
0x48c: {  	v9 =	vld [tilespmem:s25+$0x0];
	v10 =	vsel vm0, $0x1, v0;
	vm4 =	vlt.f32 v2, v1;
	v2 =	vadd.s32 v7, v8  }
0x48d: {  	v59 =	vld [tilespmem:s25+$0x10];
	v60 =	vsel vm4, $0x1, v0;
	vm5 =	vlt.f32 v3, v1;
	v2 =	vadd.s32 v10, v2  }
0x48e: {  	v3 =	vld [tilespmem:s25+$0x20];
	v61 =	vsel vm5, $0x1, v0;
	vm6 =	vlt.f32 v4, v1;
	v2 =	vadd.s32 v60, v2  }
0x48f: {  	v62 =	vld [tilespmem:s25+$0x30];
	v63 =	vsel vm6, $0x1, v0;
	vm7 =	vlt.f32 v5, v1;
	v2 =	vadd.s32 v61, v2  }
0x490: {  	v12 =	vld [tilespmem:s25+$0x40];
	v13 =	vsel vm7, $0x1, v0;
	vm8 =	vlt.f32 v6, v1;
	v2 =	vadd.s32 v63, v2  }
0x491: {  	v14 =	vld [tilespmem:s25+$0x50];
	vm1 =	vlt.f32 v9, v1;
	v15 =	vsel vm8, $0x1, v0;
	v2 =	vadd.s32 v13, v2  }
0x492: {  	v16 =	vld [tilespmem:s25+$0x60];
	vm9 =	vlt.f32 v59, v1;
	v9 =	vsel vm1, $0x1, v0;
	v2 =	vadd.s32 v15, v2  }
0x493: {  	v17 =	vsel vm9, $0x1, v0;
	vm10 =	vlt.f32 v3, v1;
	v3 =	vld [tilespmem:s25+$0x70];
	v2 =	vadd.s32 v9, v2  }
0x494: {  	v19 =	vld [tilespmem:s25+$0x80];
	vm11 =	vlt.f32 v62, v1;
	v18 =	vsel vm10, $0x1, v0;
	v2 =	vadd.s32 v17, v2  }
0x495: {  	v21 =	vld [tilespmem:s25+$0x90];
	vm12 =	vlt.f32 v12, v1;
	v20 =	vsel vm11, $0x1, v0;
	v2 =	vadd.s32 v18, v2  }
0x496: {  	v23 =	vld [tilespmem:s25+$0xA0];
	vm13 =	vlt.f32 v14, v1;
	v22 =	vsel vm12, $0x1, v0;
	v2 =	vadd.s32 v20, v2  }
0x497: {  	v25 =	vld [tilespmem:s25+$0xB0];
	vm14 =	vlt.f32 v16, v1;
	v24 =	vsel vm13, $0x1, v0;
	v2 =	vadd.s32 v22, v2  }
0x498: {  	v26 =	vsel vm14, $0x1, v0;
	vm15 =	vlt.f32 v3, v1;
	v3 =	vld [tilespmem:s25+$0xC0];
	v2 =	vadd.s32 v24, v2  }
0x499: {  	v28 =	vld [tilespmem:s25+$0xD0];
	vm4 =	vlt.f32 v19, v1;
	v27 =	vsel vm15, $0x1, v0;
	v2 =	vadd.s32 v26, v2  }
0x49a: {  	v30 =	vld [tilespmem:s25+$0xE0];
	vm5 =	vlt.f32 v21, v1;
	v29 =	vsel vm4, $0x1, v0;
	v2 =	vadd.s32 v27, v2  }
0x49b: {  	v32 =	vld [tilespmem:s25+$0xF0];
	vm6 =	vlt.f32 v23, v1;
	v31 =	vsel vm5, $0x1, v0;
	v2 =	vadd.s32 v29, v2  }
0x49c: {  	v34 =	vld [tilespmem:s25+$0x100];
	vm7 =	vlt.f32 v25, v1;
	v33 =	vsel vm6, $0x1, v0;
	v2 =	vadd.s32 v31, v2  }
0x49d: {  	v35 =	vsel vm7, $0x1, v0;
	vm8 =	vlt.f32 v3, v1;
	v3 =	vld [tilespmem:s25+$0x110];
	v2 =	vadd.s32 v33, v2  }
0x49e: {  	v37 =	vld [tilespmem:s25+$0x120];
	vm9 =	vlt.f32 v28, v1;
	v36 =	vsel vm8, $0x1, v0;
	v2 =	vadd.s32 v35, v2  }
0x49f: {  	v39 =	vld [tilespmem:s25+$0x130];
	v38 =	vsel vm9, $0x1, v0;
	vm10 =	vlt.f32 v30, v1;
	v2 =	vadd.s32 v36, v2  }
0x4a0: {  	v41 =	vld [tilespmem:s25+$0x140];
	vm11 =	vlt.f32 v32, v1;
	v40 =	vsel vm10, $0x1, v0;
	v2 =	vadd.s32 v38, v2  }
0x4a1: {  	v43 =	vld [tilespmem:s25+$0x150];
	vm12 =	vlt.f32 v34, v1;
	v42 =	vsel vm11, $0x1, v0;
	v2 =	vadd.s32 v40, v2  }
0x4a2: {  	v44 =	vsel vm12, $0x1, v0;
	vm13 =	vlt.f32 v3, v1;
	v3 =	vld [tilespmem:s25+$0x160];
	v2 =	vadd.s32 v42, v2  }
0x4a3: {  	v46 =	vld [tilespmem:s25+$0x170];
	vm14 =	vlt.f32 v37, v1;
	v45 =	vsel vm13, $0x1, v0;
	v2 =	vadd.s32 v44, v2  }
0x4a4: {  	v48 =	vld [tilespmem:s25+$0x180];
	v47 =	vsel vm14, $0x1, v0;
	vm15 =	vlt.f32 v39, v1;
	v2 =	vadd.s32 v45, v2  }
0x4a5: {  	v50 =	vld [tilespmem:s25+$0x190];
	vm4 =	vlt.f32 v41, v1;
	v49 =	vsel vm15, $0x1, v0;
	v2 =	vadd.s32 v47, v2  }
0x4a6: {  	v52 =	vld [tilespmem:s25+$0x1A0];
	vm5 =	vlt.f32 v43, v1;
	v51 =	vsel vm4, $0x1, v0;
	v2 =	vadd.s32 v49, v2  }
0x4a7: {  	v53 =	vsel vm5, $0x1, v0;
	vm6 =	vlt.f32 v3, v1;
	v3 =	vld [tilespmem:s25+$0x1B0];
	v2 =	vadd.s32 v51, v2  }
0x4a8: {  	v55 =	vld [tilespmem:s25+$0x1C0];
	vm7 =	vlt.f32 v46, v1;
	v54 =	vsel vm6, $0x1, v0;
	v2 =	vadd.s32 v53, v2  }
0x4a9: {  	v57 =	vld [tilespmem:s25+$0x1D0];
	v56 =	vsel vm7, $0x1, v0;
	vm8 =	vlt.f32 v48, v1;
	v2 =	vadd.s32 v54, v2  }
0x4aa: {  	v59 =	vld [tilespmem:s25+$0x1E0];
	vm9 =	vlt.f32 v50, v1;
	v58 =	vsel vm8, $0x1, v0;
	v2 =	vadd.s32 v56, v2  }
0x4ab: {  	v61 =	vld [tilespmem:s25+$0x1F0];
	v60 =	vsel vm9, $0x1, v0;
	vm10 =	vlt.f32 v52, v1;
	v2 =	vadd.s32 v58, v2  }
0x4ac: {  	v62 =	vsel vm10, $0x1, v0;
	vm11 =	vlt.f32 v3, v1;
	v2 =	vadd.s32 v60, v2  }
0x4ad: {  	vm12 =	vlt.f32 v55, v1;
	v3 =	vsel vm11, $0x1, v0;
	v2 =	vadd.s32 v62, v2  }
0x4ae: {  	v4 =	vsel vm12, $0x1, v0;
	vm13 =	vlt.f32 v57, v1;
	v2 =	vadd.s32 v3, v2  }
0x4af: {  	vm14 =	vlt.f32 v59, v1;
	v3 =	vsel vm13, $0x1, v0;
	v2 =	vadd.s32 v4, v2  }
0x4b0: {  	v63 =	vsel vm14, $0x1, v0;
	vm15 =	vlt.f32 v61, v1;
	v1 =	vadd.s32 v3, v2  }
0x4b1: {  	v2 =	vsel vm15, $0x1, v0;
	v1 =	vadd.s32 v63, v1  }
0x4b2: {  	v1 =	vadd.s32 v2, v1  }
0x4b3: {  	(v2sf) =	vpush v1, $0x0  }
0x4b4: {  	(v2sf) =	vpush v1, $0x1  }
0x4b5: {  	(v2sf) =	vpush v1, $0x2  }
0x4b6: {  	(v2sf) =	vpush v1, $0x3  }
0x4b7: {  	(v2sf) =	vpush v1, $0x4  }
0x4b8: {  	(v2sf) =	vpush v1, $0x5  }
0x4b9: {  	(v2sf) =	vpush v1, $0x6  }
0x4ba: {  	(v2sf) =	vpush v1, $0x7  }
0x4bb: {  	(v2sf) =	vpush v1, $0x8  }
0x4bc: {  	(v2sf) =	vpush v1, $0x9  }
0x4bd: {  	(v2sf) =	vpush v1, $0xA  }
0x4be: {  	(v2sf) =	vpush v1, $0xB  }
0x4bf: {  	(v2sf) =	vpush v1, $0xC  }
0x4c0: {  	(v2sf) =	vpush v1, $0xD  }
0x4c1: {  	(v2sf) =	vpush v1, $0xE  }
0x4c2: {  	s0 =	spop (v2sf);
	(v2sf) =	vpush v1, $0xF  }
0x4c3: {  	s1 =	spop (v2sf)  }
0x4c4: {  	s3 =	spop (v2sf);
	s0 =	sadd.s32 s1, s0  }
0x4c5: {  	s5 =	spop (v2sf);
	s0 =	sadd.s32 s3, s0  }
0x4c6: {  	s6 =	spop (v2sf);
	s0 =	sadd.s32 s5, s0  }
0x4c7: {  	s7 =	spop (v2sf);
	s0 =	sadd.s32 s6, s0  }
0x4c8: {  	s15 =	spop (v2sf);
	s0 =	sadd.s32 s7, s0  }
0x4c9: {  	s25 =	spop (v2sf);
	s0 =	sadd.s32 s15, s0  }
0x4ca: {  	s26 =	spop (v2sf);
	s0 =	sadd.s32 s25, s0  }
0x4cb: {  	s28 =	spop (v2sf);
	s0 =	sadd.s32 s26, s0  }
0x4cc: {  	s29 =	spop (v2sf);
	s0 =	sadd.s32 s28, s0  }
0x4cd: {  	s30 =	spop (v2sf);
	s0 =	sadd.s32 s29, s0  }
0x4ce: {  	s31 =	spop (v2sf);
	s0 =	sadd.s32 s30, s0  }
0x4cf: {  	s4 =	spop (v2sf);
	s0 =	sadd.s32 s31, s0  }
0x4d0: {  	s3 =	sld [smem:$0x4];
	s5 =	spop (v2sf);
	s0 =	sadd.s32 s4, s0  }
0x4d1: {  	s25 =	sld [smem:$0x3];
	s0 =	sadd.s32 s5, s0;
	s6 =	spop (v2sf)  }
0x4d2: {  	s0 =	sadd.s32 s6, s0  }
0x4d3: {  	p0 =	slt.s32 s0, $0x100;
	s26 =	smov.u32 s0  }
0x4d4: {  	s25 =	smov.u32 @p0 s0;
	s26 =	smov.u32 @p0 s3  }
0x4d5: {  	s7 =	ssub.s32 s26, s25  }
0x4d6: {  	s1 =	scvt.s32.f32 s7;
	_ =	sdelay $0x1  }
0x4d7: {  	s15 =	ssub.s32 $0x7EF311C3, s1  }
0x4d8: {  	s4 =	sld [smem:$0x1];
	s5 =	smul.f32 s15, s1  }
0x4d9: {  	s6 =	sld [smem:$0x2]  }
0x4da: {  	s5 =	ssub.f32 $2.000000000e+00, s5;
	_ =	sdelay $0x1  }
0x4db: {  	s7 =	smov.u32 s22;
	s3 =	smul.f32 s15, s5  }
0x4dc: {  	s4 =	smov.u32 @p0 s22;
	s7 =	smov.u32 @p0 s6  }
0x4dd: {  	s5 =	ssub.s32 s7, s4;
	s1 =	smul.f32 s1, s3  }
0x4de: {  	s28 =	sand.u32 $0x1, s5;
	s15 =	sshrl.u32 s5, $0x1  }
0x4df: {  	s6 =	sor.u32 s15, s28;
	s1 =	ssub.f32 $2.000000000e+00, s1  }
0x4e0: {  	s28 =	ssub.s32 $0x100, s25;
	s6 =	scvt.s32.f32 s6  }
0x4e1: {  	s28 =	scvt.s32.f32 s28;
	s1 =	smul.f32 s1, s3  }
0x4e2: {  	s3 =	sadd.f32 s6, s6;
	s6 =	scvt.s32.f32 s5  }
0x4e3: {  	p0 =	slt.s32 s5, $0x0;
	s1 =	smul.f32 s28, s1  }
0x4e4: {  	s6 =	smov.u32 @p0 s3  }
0x4e5: {  	s1 =	smul.f32 s6, s1  }
0x4e6: {  	s29 =	ssub.s32 $0x100, s0  }
0x4e7: {  	s3 =	scvt.s32.f32 s29;
	s6 =	ssub.f32 s1, s17  }
0x4e8: {  	_ = 	snop  }
0x4e9: {  	s3 =	smul.f32 s3, s23;
	s6 =	scvt.f32.s32 s6  }
0x4ea: {  	p0 =	slt.f32 s1, s17;
	s1 =	scvt.f32.s32 s1  }
0x4eb: {  	s3 =	sadd.f32 s24, s3;
	s6 =	sxor.u32 $0x80000000, s6  }
0x4ec: {  	s6 =	smov.u32 @p0 s1;
	p0 =	slt.u32 s21, $0x7  }
0x4ed: {  	p1 =	slt.s32 s3, $0x0;
	s15 =	smov.u32 @p0 s6  }
0x4ee: {  	s1 =	sxor.u32 $0xFFFFFFFF, s3;
	s3 =	sor.u32 $0x80000000, s3;
	s6 =	sadd.s32 s4, s15  }
0x4ef: {  	s3 =	smov.u32 @p1 s1;
	p1 =	seq.s32 s7, $0xFF800000;
	s1 =	smov.u32 s6  }
0x4f0: {  	p2 =	seq.s32 s4, $0x0;
	s1 =	smov.u32 @p1 s3  }
0x4f1: {  	s1 =	smov.u32 @p2 s3  }
0x4f2: {  	s30 =	sadd.s32 $0x1, s4;
	s31 =	sadd.s32 $0xFFFFFFFF, s7;
	s6 =	smov.u32 @p0 s1  }
0x4f3: {  	s24 =	smov.u32 s7;
	p1 =	seq.s32 s0, $0x100;
	s0 =	smax.u32 s30, s6  }
0x4f4: {  	s24 =	smov.u32 @p1 s22;
	s22 =	smin.u32 s31, s0  }
0x4f5: {  	[smem:$0x0] =	sst s22  }
0x4f6: {  	[smem:$0x1] =	sst s4  }
.Ltmp26:
0x4f7: {  	p6 =	slt.u32 s5, $0x2;
	[smem:$0x2] =	sst s7;
	(pc) =	sbr.rel .LBB2_38-.Ltmp26, $4  }
0x4f8: {  	p0 =	por p1, p6;
	[smem:$0x3] =	sst s25;
	s25 =	simm.s32 $0x1  }
0x4f9: {  	[smem:$0x4] =	sst s26;
	s25 =	simm.s32 @!p0 $0x0  }
0x4fa: {  	[smem:$0x5] =	sst s25  }
0x4fb: {  	[smem:$0x6] =	sst s24  }
.LBB2_39:
0x4fc: {  	p0 =	sgt.s32 s24, $0xFFFFFFFF;
	s0 =	simm.s32 $0xFFFFFFFF;
	s21 =	simm.s32 $0x0  }
0x4fd: {  	s0 =	simm.s32 @!p0 $0x80000000;
	v2 =	vld [tilespmem:s21+$0x0]  }
0x4fe: {  	v3 =	vld [tilespmem:s21+$0x10];
	s0 =	sxor.u32 s24, s0  }
0x4ff: {  	v4 =	vld [tilespmem:s21+$0x20];
	v1 =	vmov s0  }
0x500: {  	v5 =	vld [tilespmem:s21+$0x30];
	v1 =	vbroadcast v1, $0x0  }
0x501: {  	v6 =	vld [tilespmem:s21+$0x40]  }
0x502: {  	v7 =	vld [tilespmem:s21+$0x50];
	vm0 =	vlt.f32 v2, v1  }
0x503: {  	v8 =	vld [tilespmem:s21+$0x60];
	v2 =	vsel vm0, $0x0, v2;
	vm0 =	vlt.f32 v3, v1  }
0x504: {  	v9 =	vld [tilespmem:s21+$0x70];
	[tilespmem:s21+$0x0] =	vst v2;
	v2 =	vsel vm0, $0x0, v3;
	vm0 =	vlt.f32 v4, v1  }
0x505: {  	v10 =	vld [tilespmem:s21+$0x80];
	[tilespmem:s21+$0x10] =	vst v2;
	v2 =	vsel vm0, $0x0, v4;
	vm0 =	vlt.f32 v5, v1  }
0x506: {  	v3 =	vld [tilespmem:s21+$0x90];
	[tilespmem:s21+$0x20] =	vst v2;
	v2 =	vsel vm0, $0x0, v5;
	vm0 =	vlt.f32 v6, v1  }
0x507: {  	[tilespmem:s21+$0x30] =	vst v2;
	v4 =	vsel vm0, $0x0, v6;
	v2 =	vld [tilespmem:s21+$0xA0];
	vm0 =	vlt.f32 v7, v1  }
0x508: {  	[tilespmem:s21+$0x40] =	vst v4;
	v5 =	vsel vm0, $0x0, v7;
	v4 =	vld [tilespmem:s21+$0xB0];
	vm0 =	vlt.f32 v8, v1  }
0x509: {  	[tilespmem:s21+$0x50] =	vst v5;
	v6 =	vsel vm0, $0x0, v8;
	v5 =	vld [tilespmem:s21+$0xC0];
	vm0 =	vlt.f32 v9, v1  }
0x50a: {  	[tilespmem:s21+$0x60] =	vst v6;
	v7 =	vsel vm0, $0x0, v9;
	v6 =	vld [tilespmem:s21+$0xD0];
	vm0 =	vlt.f32 v10, v1  }
0x50b: {  	s22 =	simm.s32 $0x400;
	[tilespmem:s21+$0x70] =	vst v7;
	v8 =	vsel vm0, $0x0, v10;
	vm0 =	vlt.f32 v3, v1;
	v7 =	vld [tilespmem:s21+$0xE0]  }
.LBB2_40:
0x50c: {  	s0 =	sshra.s32 s22, $0x2;
	p0 =	sne.s32 s22, $0x1FC00;
	[tilespmem:s21+$0x80] =	vst v8;
	v3 =	vsel vm0, $0x0, v3;
	vm0 =	vlt.f32 v2, v1;
	v8 =	vld [tilespmem:s21+$0xF0]  }
0x50d: {  	v9 =	vld [tilespmem:s0+$0x0];
	[tilespmem:s21+$0x90] =	vst v3;
	v2 =	vsel vm0, $0x0, v2;
	vm0 =	vlt.f32 v4, v1  }
0x50e: {  	v3 =	vld [tilespmem:s0+$0x10];
	[tilespmem:s21+$0xA0] =	vst v2;
	v2 =	vsel vm0, $0x0, v4;
	vm0 =	vlt.f32 v5, v1  }
0x50f: {  	v4 =	vld [tilespmem:s0+$0x20];
	[tilespmem:s21+$0xB0] =	vst v2;
	v2 =	vsel vm0, $0x0, v5;
	vm0 =	vlt.f32 v6, v1  }
0x510: {  	v5 =	vld [tilespmem:s0+$0x30];
	[tilespmem:s21+$0xC0] =	vst v2;
	v2 =	vsel vm0, $0x0, v6;
	vm0 =	vlt.f32 v7, v1  }
0x511: {  	v6 =	vld [tilespmem:s0+$0x40];
	[tilespmem:s21+$0xD0] =	vst v2;
	v2 =	vsel vm0, $0x0, v7;
	vm0 =	vlt.f32 v8, v1  }
0x512: {  	vm1 =	vlt.f32 v9, v1;
	v7 =	vld [tilespmem:s0+$0x50];
	[tilespmem:s21+$0xE0] =	vst v2;
	v2 =	vsel vm0, $0x0, v8  }
0x513: {  	v8 =	vsel vm1, $0x0, v9;
	vm0 =	vlt.f32 v3, v1;
	v9 =	vld [tilespmem:s0+$0x60];
	[tilespmem:s21+$0xF0] =	vst v2;
	s21 =	smov.u32 s0  }
0x514: {  	[tilespmem:s21+$0x0] =	vst v8;
	v2 =	vsel vm0, $0x0, v3;
	vm0 =	vlt.f32 v4, v1;
	v8 =	vld [tilespmem:s21+$0x70]  }
0x515: {  	[tilespmem:s21+$0x10] =	vst v2;
	v2 =	vsel vm0, $0x0, v4;
	vm0 =	vlt.f32 v5, v1;
	v10 =	vld [tilespmem:s21+$0x80]  }
0x516: {  	[tilespmem:s21+$0x20] =	vst v2;
	v2 =	vsel vm0, $0x0, v5;
	vm0 =	vlt.f32 v6, v1;
	v3 =	vld [tilespmem:s21+$0x90]  }
.Ltmp27:
0x517: {  	[tilespmem:s21+$0x30] =	vst v2;
	v4 =	vsel vm0, $0x0, v6;
	vm0 =	vlt.f32 v7, v1;
	v2 =	vld [tilespmem:s21+$0xA0];
	(pc) =	sbr.rel @p0 .LBB2_40-.Ltmp27, $4  }
0x518: {  	[tilespmem:s21+$0x40] =	vst v4;
	v5 =	vsel vm0, $0x0, v7;
	vm0 =	vlt.f32 v9, v1;
	v4 =	vld [tilespmem:s21+$0xB0]  }
0x519: {  	[tilespmem:s21+$0x50] =	vst v5;
	v6 =	vsel vm0, $0x0, v9;
	vm0 =	vlt.f32 v8, v1;
	v5 =	vld [tilespmem:s21+$0xC0]  }
0x51a: {  	[tilespmem:s21+$0x60] =	vst v6;
	v7 =	vsel vm0, $0x0, v8;
	vm0 =	vlt.f32 v10, v1;
	v6 =	vld [tilespmem:s21+$0xD0]  }
0x51b: {  	s22 =	sadd.s32 $0x400, s22;
	[tilespmem:s21+$0x70] =	vst v7;
	v8 =	vsel vm0, $0x0, v10;
	vm0 =	vlt.f32 v3, v1;
	v7 =	vld [tilespmem:s21+$0xE0]  }
0x51c: {  	[tilespmem:s21+$0x80] =	vst v8;
	v3 =	vsel vm0, $0x0, v3;
	vm10 =	vlt.f32 v2, v1;
	v63 =	vld [tilespmem:s21+$0xF0]  }
0x51d: {  	[tilespmem:s21+$0x90] =	vst v3;
	v2 =	vsel vm10, $0x0, v2;
	vm11 =	vlt.f32 v4, v1  }
0x51e: {  	[tilespmem:s21+$0xA0] =	vst v2;
	v2 =	vsel vm11, $0x0, v4;
	vm12 =	vlt.f32 v5, v1  }
0x51f: {  	[tilespmem:s21+$0xB0] =	vst v2;
	v2 =	vsel vm12, $0x0, v5;
	vm13 =	vlt.f32 v6, v1  }
0x520: {  	[tilespmem:s21+$0xC0] =	vst v2;
	v2 =	vsel vm13, $0x0, v6;
	vm14 =	vlt.f32 v7, v1  }
0x521: {  	[tilespmem:s21+$0xD0] =	vst v2;
	v2 =	vsel vm14, $0x0, v7;
	vm15 =	vlt.f32 v63, v1  }
0x522: {  	[tilespmem:s21+$0xE0] =	vst v2;
	v1 =	vsel vm15, $0x0, v63  }
0x523: {  	[tilespmem:s21+$0xF0] =	vst v1  }
0x524: {  	[hbm4b:s10+s12] =	stream.strided.scatter [tilespmem:s2], [sflag:$0x1], $0x8000, s13, s12, $0x38;
	[tilespmem:$0x18000] =	vst v63  }
0x525: {  	_ =	swait.ge [sflag:s18], $0x8000  }
0x526: {  	[sflag:s18] =	ssyncset.done $0x0  }
0x527: {  	s20 =	sadd.s32 $0x1, s20;
	[sflag:s18] =	ssyncadd.s32 $0xFFFF8000  }
0x528: {  	p0 =	sne.s32 s20, s11;
	_ =	swait.ge [sflag:s19], $0x8000  }
.Ltmp28:
0x529: {  	[sflag:s19] =	ssyncset.done $0x0;
	(pc) =	sbr.rel @p0 .LBB2_1-.Ltmp28, $4  }
0x52a: {  	[sflag:s19] =	ssyncadd.s32 $0xFFFF8000  }
0x52b: {  	_ =	swait.ge [sflag:s16], $0x8000  }
0x52c: {  	[sflag:s16] =	ssyncset.done $0x0  }
0x52d: {  	[sflag:s16] =	ssyncadd.s32 $0xFFFF8000  }
0x52e: {  	_ =	sfence.sel $0x180000  }
0x52f: {  	[bflag:$0x0] =	sbarrier.arrive $0xFFFF  }
0x530: {  	_ =	strace $0x90000047  }
0x531: {  	s0 =	stileid.u32;
	[bflag:$0x2] =	sbarrier.arrive $0xFFFF  }
0x532: {  	p0 =	sne.s32 s0, $0x0;
	s0 =	rddreg [dreg:$0x2]  }
0x533: {  	s0 =	sadd.s32 @!p0 $0x100000, s0  }
0x534: {  	[sflag:s0] =	ssyncadd.tile.s32 @!p0 $0x1;
	_ =	shalt  }
.Lfunc_end2:
_tile_overlayer_lowered:
.L_overlay_start_2:
0x535: {  	(tag) =	ssettag $0x2  }
0x536: {  	s0 =	rddreg [dreg:$0x0];
	s2 =	stileid.u32  }
0x537: {  	s1 =	rddreg [dreg:$0x1];
	p0 =	sne.s32 s2, $0x0  }
0x538: {  	s3 =	rddreg [dreg:$0x2];
	[bflag:$0x3] =	sbarrier.arrive $0xFFFF;
	s2 =	simm.s32 @!p0 $0x1C04  }
0x539: {  	[timem:s3], [sflag:s2] =	dma.local @!p0 [hbm:s0], s1  }
0x53a: {  	s0 =	simm.s32 @!p0 $0x4  }
0x53b: {  	_ =	swait.ge @!p0 [sflag:s0], s1  }
0x53c: {  	s1 =	ssub.s32 @!p0 $0x0, s1;
	[sflag:s0] =	ssyncset.done @!p0 $0x0  }
0x53d: {  	[sflag:s0] =	ssyncadd.s32 @!p0 s1  }
0x53e: {  	[bflag:$0x3] =	sbarrier.arrive $0xFFFF  }
0x53f: {  	_ =	shalt  }

</sc_bundles>
